<compile_context>
chip_gen: v7x
topology: tpu7x:2x2x1
jax: 0.10.2.dev20260603
libtpu: 0.0.44.dev20260713+nightly
codegen_flags: <defaults>
</compile_context>

<pallas_src>
import functools

import jax
import jax.numpy as jnp
from jax import lax
from jax.experimental import pallas as pl
from jax.experimental.pallas import tpu as pltpu
from jax.experimental.pallas import tpu_sc as plsc

N = 10000
E = 320000
G = 64
D = 128

NW = 32
CH = 128
CPW = 80
EPW = CPW * CH
E_PAD = NW * EPW
GRP = 8
N_ACC = 10240
RPS = N_ACC // 16
BN_EPS = 1e-5


_KCH = RPS // CH


@functools.cache
def _make_sc_degree():
    mesh = plsc.VectorSubcoreMesh(core_axis_name="core",
                                  subcore_axis_name="subcore")
    return functools.partial(
        pl.kernel,
        out_type=jax.ShapeDtypeStruct((2, N_ACC, 16), jnp.float32),
        mesh=mesh,
        scratch_types=[
            pltpu.VMEM((CPW, CH), jnp.int32),
            pltpu.VMEM((_KCH, CH), jnp.int32),
            pltpu.VMEM((CH, 16), jnp.float32),
            pltpu.VMEM((CH, 16), jnp.float32),
            pltpu.VMEM_SHARED((N_ACC, 16), jnp.float32),
        ],
    )(_sc_degree_body)


def _sc_degree_body(dst_hbm, eye_hbm, degp_hbm, didx, eyev, ones_v, zbuf, acc):
    core = lax.axis_index("core")
    sub = lax.axis_index("subcore")
    wid = core * 16 + sub

    @pl.loop(0, CH)
    def _(r):
        ones_v[r, pl.ds(0, 16)] = jnp.ones((16,), jnp.float32)
        zbuf[r, pl.ds(0, 16)] = jnp.zeros((16,), jnp.float32)

    pltpu.sync_copy(dst_hbm.at[wid], didx)
    pltpu.sync_copy(eye_hbm.at[sub], eyev)

    @pl.loop(0, _KCH)
    def _(k):
        pltpu.sync_copy(zbuf, acc.at[eyev.at[k]])

    plsc.subcore_barrier()

    @pl.loop(0, CPW)
    def _(c):
        pltpu.sync_copy(ones_v, acc.at[didx.at[c]], add=True)

    plsc.subcore_barrier()

    @pl.loop(0, _KCH)
    def _(k):
        pltpu.sync_copy(acc.at[eyev.at[k]], zbuf)
        pltpu.sync_copy(zbuf, degp_hbm.at[core, pl.ds(sub * RPS + k * CH, CH)])


@functools.cache
def _make_sc_scatter():
    mesh = plsc.VectorSubcoreMesh(core_axis_name="core",
                                  subcore_axis_name="subcore")
    return functools.partial(
        pl.kernel,
        out_type=jax.ShapeDtypeStruct((2, N_ACC, D), jnp.float32),
        mesh=mesh,
        scratch_types=[
            pltpu.VMEM((GRP, CH), jnp.int32),
            pltpu.VMEM((GRP, CH), jnp.int32),
            pltpu.VMEM((_KCH, CH), jnp.int32),
            pltpu.VMEM((CH, D), jnp.float32),
            pltpu.VMEM((CH, D), jnp.float32),
            pltpu.VMEM_SHARED((N_ACC, D), jnp.float32),
            pltpu.SemaphoreType.DMA,
            pltpu.SemaphoreType.DMA,
            pltpu.SemaphoreType.DMA,
        ],
    )(_sc_scatter_body)


def _sc_scatter_body(hs_hbm, src_hbm, dst_hbm, eye_hbm, out_hbm,
                     sbuf, dbuf, eyev, rows_a, rows_b, acc,
                     gsem, sem_a, sem_b):
    core = lax.axis_index("core")
    sub = lax.axis_index("subcore")
    wid = core * 16 + sub

    pltpu.sync_copy(eye_hbm.at[sub], eyev)

    @pl.loop(0, CH)
    def _(r):
        for j in range(D // 16):
            rows_a[r, pl.ds(j * 16, 16)] = jnp.zeros((16,), jnp.float32)

    @pl.loop(0, _KCH)
    def _(k):
        pltpu.sync_copy(rows_a, acc.at[eyev.at[k]])

    plsc.subcore_barrier()

    @pl.loop(0, CPW // GRP)
    def _(g):
        pltpu.sync_copy(src_hbm.at[wid, pl.ds(g * GRP, GRP)], sbuf)
        pltpu.sync_copy(dst_hbm.at[wid, pl.ds(g * GRP, GRP)], dbuf)
        for c in range(GRP):
            ga = pltpu.make_async_copy(hs_hbm.at[sbuf.at[c]], rows_a, gsem)
            ga.start()
            ga.wait()

            @pl.loop(0, CH)
            def _(r):
                for j in range(D // 16):
                    rows_b[r, pl.ds(j * 16, 16)] = rows_a[r, pl.ds(j * 16, 16)]

            s = pltpu.make_async_copy(rows_b, acc.at[dbuf.at[c]], sem_a)
            s.start(add=True)
            s.wait()

    plsc.subcore_barrier()

    @pl.loop(0, _KCH)
    def _(k):
        pltpu.sync_copy(acc.at[eyev.at[k]], rows_a)
        pltpu.sync_copy(rows_a,
                        out_hbm.at[core, pl.ds(sub * RPS + k * CH, CH)])



_RB = 1000
_NBLK = N // _RB


def _tc_matmul0(x, w):
    def body(x_ref, w_ref, o_ref):
        o_ref[...] = jnp.dot(x_ref[...], w_ref[...],
                             preferred_element_type=jnp.float32)

    return pl.pallas_call(
        body,
        grid=(_NBLK,),
        in_specs=[
            pl.BlockSpec((_RB, D), lambda i: (i, 0)),
            pl.BlockSpec((D, D), lambda i: (0, 0)),
        ],
        out_specs=pl.BlockSpec((_RB, D), lambda i: (i, 0)),
        out_shape=jax.ShapeDtypeStruct((N, D), jnp.float32),
    )(x, w)


def _tc_prescale(degp, y0):
    def body(degp_ref, y0_ref, dinv_ref, dinv2_ref, hs_ref):
        dd = degp_ref[0] + degp_ref[1]
        deg = jnp.sum(dd, axis=1, keepdims=True) + 1.0
        dinv = lax.rsqrt(deg)
        dinv_ref[...] = dinv
        dinv2_ref[...] = dinv * dinv
        hs_ref[...] = y0_ref[...] * dinv

    return pl.pallas_call(
        body,
        grid=(_NBLK,),
        in_specs=[
            pl.BlockSpec((2, _RB, 16), lambda i: (0, i, 0)),
            pl.BlockSpec((_RB, D), lambda i: (i, 0)),
        ],
        out_specs=[
            pl.BlockSpec((_RB, 1), lambda i: (i, 0)),
            pl.BlockSpec((_RB, 1), lambda i: (i, 0)),
            pl.BlockSpec((_RB, D), lambda i: (i, 0)),
        ],
        out_shape=[
            jax.ShapeDtypeStruct((N, 1), jnp.float32),
            jax.ShapeDtypeStruct((N, 1), jnp.float32),
            jax.ShapeDtypeStruct((N, D), jnp.float32),
        ],
    )(degp, y0)


def _tc_act_stats(mp, y, dinv, dinv2, b):
    def body(mp_ref, y_ref, dinv_ref, dinv2_ref, b_ref, a_ref, s1_ref, s2_ref):
        i = pl.program_id(0)
        m = dinv_ref[...] * (mp_ref[0] + mp_ref[1]) \
            + dinv2_ref[...] * y_ref[...] + b_ref[...]
        a = jnp.maximum(m, 0.0)
        a_ref[...] = a

        @pl.when(i == 0)
        def _():
            s1_ref[...] = jnp.zeros_like(s1_ref)
            s2_ref[...] = jnp.zeros_like(s2_ref)

        s1_ref[...] += jnp.sum(a, axis=0, keepdims=True)
        s2_ref[...] += jnp.sum(a * a, axis=0, keepdims=True)

    return pl.pallas_call(
        body,
        grid=(_NBLK,),
        in_specs=[
            pl.BlockSpec((2, _RB, D), lambda i: (0, i, 0)),
            pl.BlockSpec((_RB, D), lambda i: (i, 0)),
            pl.BlockSpec((_RB, 1), lambda i: (i, 0)),
            pl.BlockSpec((_RB, 1), lambda i: (i, 0)),
            pl.BlockSpec((1, D), lambda i: (0, 0)),
        ],
        out_specs=[
            pl.BlockSpec((_RB, D), lambda i: (i, 0)),
            pl.BlockSpec((1, D), lambda i: (0, 0)),
            pl.BlockSpec((1, D), lambda i: (0, 0)),
        ],
        out_shape=[
            jax.ShapeDtypeStruct((N, D), jnp.float32),
            jax.ShapeDtypeStruct((1, D), jnp.float32),
            jax.ShapeDtypeStruct((1, D), jnp.float32),
        ],
    )(mp, y, dinv, dinv2, b)


def _tc_bn_matmul(a, s1, s2, g, be, w, dinv):
    def body(a_ref, s1_ref, s2_ref, g_ref, be_ref, w_ref, dinv_ref,
             y_ref, hs_ref):
        mean = s1_ref[...] * (1.0 / N)
        var = s2_ref[...] * (1.0 / N) - mean * mean
        sc = g_ref[...] * lax.rsqrt(var + BN_EPS)
        h = (a_ref[...] - mean) * sc + be_ref[...]
        y = jnp.dot(h, w_ref[...], preferred_element_type=jnp.float32)
        y_ref[...] = y
        hs_ref[...] = y * dinv_ref[...]

    return pl.pallas_call(
        body,
        grid=(_NBLK,),
        in_specs=[
            pl.BlockSpec((_RB, D), lambda i: (i, 0)),
            pl.BlockSpec((1, D), lambda i: (0, 0)),
            pl.BlockSpec((1, D), lambda i: (0, 0)),
            pl.BlockSpec((1, D), lambda i: (0, 0)),
            pl.BlockSpec((1, D), lambda i: (0, 0)),
            pl.BlockSpec((D, D), lambda i: (0, 0)),
            pl.BlockSpec((_RB, 1), lambda i: (i, 0)),
        ],
        out_specs=[
            pl.BlockSpec((_RB, D), lambda i: (i, 0)),
            pl.BlockSpec((_RB, D), lambda i: (i, 0)),
        ],
        out_shape=[
            jax.ShapeDtypeStruct((N, D), jnp.float32),
            jax.ShapeDtypeStruct((N, D), jnp.float32),
        ],
    )(a, s1, s2, g, be, w, dinv)


def _tc_act_pool(mp, y, dinv, dinv2, b, batch2):
    def body(mp_ref, y_ref, dinv_ref, dinv2_ref, b_ref, bt_ref,
             p_ref, cnt_ref, s1_ref, s2_ref):
        i = pl.program_id(0)
        m = dinv_ref[...] * (mp_ref[0] + mp_ref[1]) \
            + dinv2_ref[...] * y_ref[...] + b_ref[...]
        a = jnp.maximum(m, 0.0)

        @pl.when(i == 0)
        def _():
            p_ref[...] = jnp.zeros_like(p_ref)
            cnt_ref[...] = jnp.zeros_like(cnt_ref)
            s1_ref[...] = jnp.zeros_like(s1_ref)
            s2_ref[...] = jnp.zeros_like(s2_ref)

        s1_ref[...] += jnp.sum(a, axis=0, keepdims=True)
        s2_ref[...] += jnp.sum(a * a, axis=0, keepdims=True)

        gid = lax.broadcasted_iota(jnp.int32, (_RB, G), 1)
        oh = jnp.where(bt_ref[...] == gid, 1.0, 0.0)
        dn = (((0,), (0,)), ((), ()))
        p_ref[...] += lax.dot_general(oh, a, dn,
                                      preferred_element_type=jnp.float32)
        ones = jnp.ones((_RB, 1), jnp.float32)
        cnt_ref[...] += lax.dot_general(oh, ones, dn,
                                        preferred_element_type=jnp.float32)

    return pl.pallas_call(
        body,
        grid=(_NBLK,),
        in_specs=[
            pl.BlockSpec((2, _RB, D), lambda i: (0, i, 0)),
            pl.BlockSpec((_RB, D), lambda i: (i, 0)),
            pl.BlockSpec((_RB, 1), lambda i: (i, 0)),
            pl.BlockSpec((_RB, 1), lambda i: (i, 0)),
            pl.BlockSpec((1, D), lambda i: (0, 0)),
            pl.BlockSpec((_RB, 1), lambda i: (i, 0)),
        ],
        out_specs=[
            pl.BlockSpec((G, D), lambda i: (0, 0)),
            pl.BlockSpec((G, 1), lambda i: (0, 0)),
            pl.BlockSpec((1, D), lambda i: (0, 0)),
            pl.BlockSpec((1, D), lambda i: (0, 0)),
        ],
        out_shape=[
            jax.ShapeDtypeStruct((G, D), jnp.float32),
            jax.ShapeDtypeStruct((G, 1), jnp.float32),
            jax.ShapeDtypeStruct((1, D), jnp.float32),
            jax.ShapeDtypeStruct((1, D), jnp.float32),
        ],
    )(mp, y, dinv, dinv2, b, batch2)


def _tc_head(p_raw, cnt, s1, s2, g1, be1, wh0, bh0, gh0, beh0,
             wh1, bh1, gh1, beh1, wf, bf):
    def body(p_ref, cnt_ref, s1_ref, s2_ref, g1_ref, be1_ref,
             wh0_ref, bh0_ref, gh0_ref, beh0_ref,
             wh1_ref, bh1_ref, gh1_ref, beh1_ref, wf_ref, bf_ref, o_ref):
        mean = s1_ref[...] * (1.0 / N)
        var = s2_ref[...] * (1.0 / N) - mean * mean
        sc = g1_ref[...] * lax.rsqrt(var + BN_EPS)
        p = sc * p_ref[...] + cnt_ref[...] * (be1_ref[...] - sc * mean)

        def mlp_block(q, w, b, gg, bb):
            q = jnp.maximum(jnp.dot(q, w, preferred_element_type=jnp.float32)
                            + b, 0.0)
            m = jnp.mean(q, axis=0, keepdims=True)
            v = jnp.mean(jnp.square(q - m), axis=0, keepdims=True)
            return (q - m) * lax.rsqrt(v + BN_EPS) * gg + bb

        q = mlp_block(p, wh0_ref[...], bh0_ref[...], gh0_ref[...],
                      beh0_ref[...])
        q = mlp_block(q, wh1_ref[...], bh1_ref[...], gh1_ref[...],
                      beh1_ref[...])
        o_ref[...] = jnp.dot(q, wf_ref[...],
                             preferred_element_type=jnp.float32) + bf_ref[...]

    full = lambda s: pl.BlockSpec(s, lambda: tuple(0 for _ in s))
    return pl.pallas_call(
        body,
        in_specs=[
            full((G, D)), full((G, 1)), full((1, D)), full((1, D)),
            full((1, D)), full((1, D)),
            full((D, D)), full((1, D)), full((1, D)), full((1, D)),
            full((D, D)), full((1, D)), full((1, D)), full((1, D)),
            full((D, 1)), full((1, 1)),
        ],
        out_specs=full((G, 1)),
        out_shape=jax.ShapeDtypeStruct((G, 1), jnp.float32),
    )(p_raw, cnt, s1, s2, g1, be1, wh0, bh0, gh0, beh0,
      wh1, bh1, gh1, beh1, wf, bf)



def kernel(x, edge_index, batch, W0, b0, g0, be0, W1, b1, g1, be1,
           Wh0, bh0, gh0, beh0, Wh1, bh1, gh1, beh1, Wf, bf):
    f32 = jnp.float32
    pad = E_PAD - E
    src3 = jnp.concatenate(
        [edge_index[0], jnp.zeros((pad,), jnp.int32)]).reshape(NW, CPW, CH)
    dst3 = jnp.concatenate(
        [edge_index[1], jnp.full((pad,), N, jnp.int32)]).reshape(NW, CPW, CH)
    batch2 = batch.reshape(N, 1)
    eye3 = jnp.arange(N_ACC, dtype=jnp.int32).reshape(16, _KCH, CH)

    row = lambda v: v.reshape(1, -1).astype(f32)

    sc_degree = _make_sc_degree()
    sc_scatter = _make_sc_scatter()

    degp = sc_degree(dst3, eye3)
    y0 = _tc_matmul0(x, W0)
    dinv, dinv2, hs0 = _tc_prescale(degp, y0)

    m0p = sc_scatter(hs0, src3, dst3, eye3)
    a0, s1a, s2a = _tc_act_stats(m0p, y0, dinv, dinv2, row(b0))
    y1, hs1 = _tc_bn_matmul(a0, s1a, s2a, row(g0), row(be0), W1, dinv)

    m1p = sc_scatter(hs1, src3, dst3, eye3)
    P, cnt, s1b, s2b = _tc_act_pool(m1p, y1, dinv, dinv2, row(b1), batch2)

    return _tc_head(P, cnt, s1b, s2b, row(g1), row(be1),
                    Wh0, row(bh0), row(gh0), row(beh0),
                    Wh1, row(bh1), row(gh1), row(beh1),
                    Wf, bf.reshape(1, 1))

# --- scband reference (transcript-rebuilt; emitter-appended) ---
"""Pipeline reference for scband-gcn-80891414052990 (READ-ONLY COPY).

The authoritative reference and input builder live on the scoring server;
editing this copy changes nothing except your own understanding.
"""

import jax, jax.numpy as jnp
import numpy as np

N = 10000
E = 320000
G = 64
D = 128


def _batch_norm(x, gamma, beta, eps=1e-5):
    mean = jnp.mean(x, axis=0, keepdims=True)
    var = jnp.var(x, axis=0, keepdims=True)
    return (x - mean) / jnp.sqrt(var + eps) * gamma + beta


def _gcn_conv(x, edge_index, W, b):
    n = x.shape[0]
    loop = jnp.arange(n, dtype=edge_index.dtype)
    src = jnp.concatenate([edge_index[0], loop])
    dst = jnp.concatenate([edge_index[1], loop])
    ones = jnp.ones(src.shape[0], dtype=x.dtype)
    deg = jax.ops.segment_sum(ones, dst, num_segments=n)
    dinv = jax.lax.rsqrt(deg)  # deg >= 1 due to self loops
    norm = dinv[src] * dinv[dst]
    h = x @ W
    msgs = h[src] * norm[:, None]
    out = jax.ops.segment_sum(msgs, dst, num_segments=n)
    return out + b


def setup_inputs(seed: int = 0):
    key = jax.random.key(seed)
    ks = jax.random.split(key, 12)
    s = 1.0 / np.sqrt(D)
    inp = {
        "x": jax.random.normal(ks[0], (N, D), dtype=jnp.float32),
        "edge_index": jax.random.randint(ks[1], (2, E), 0, N, dtype=jnp.int32),
        "batch": jnp.sort(jax.random.randint(ks[2], (N,), 0, G, dtype=jnp.int32)),
        "W0": jax.random.normal(ks[3], (D, D), dtype=jnp.float32) * s,
        "b0": jnp.zeros((D,), dtype=jnp.float32),
        "g0": jnp.ones((D,), dtype=jnp.float32),
        "be0": jnp.zeros((D,), dtype=jnp.float32),
        "W1": jax.random.normal(ks[4], (D, D), dtype=jnp.float32) * s,
        "b1": jnp.zeros((D,), dtype=jnp.float32),
        "g1": jnp.ones((D,), dtype=jnp.float32),
        "be1": jnp.zeros((D,), dtype=jnp.float32),
        "Wh0": jax.random.normal(ks[5], (D, D), dtype=jnp.float32) * s,
        "bh0": jnp.zeros((D,), dtype=jnp.float32),
        "gh0": jnp.ones((D,), dtype=jnp.float32),
        "beh0": jnp.zeros((D,), dtype=jnp.float32),
        "Wh1": jax.random.normal(ks[6], (D, D), dtype=jnp.float32) * s,
        "bh1": jnp.zeros((D,), dtype=jnp.float32),
        "gh1": jnp.ones((D,), dtype=jnp.float32),
        "beh1": jnp.zeros((D,), dtype=jnp.float32),
        "Wf": jax.random.normal(ks[7], (D, 1), dtype=jnp.float32) * s,
        "bf": jnp.zeros((1,), dtype=jnp.float32),
    }
    return inp


def reference(x, edge_index, batch, W0, b0, g0, be0, W1, b1, g1, be1,
              Wh0, bh0, gh0, beh0, Wh1, bh1, gh1, beh1, Wf, bf):
    # conv block 1: GCNConv -> ReLU -> BatchNorm (matches F.relu(conv(x)) then bn)
    h = jax.nn.relu(_gcn_conv(x, edge_index, W0, b0))
    h = _batch_norm(h, g0, be0)
    # conv block 2
    h = jax.nn.relu(_gcn_conv(h, edge_index, W1, b1))
    h = _batch_norm(h, g1, be1)
    # global_add_pool over graph ids
    p = jax.ops.segment_sum(h, batch, num_segments=G)
    # hidden MLP blocks: Linear -> ReLU -> BatchNorm
    p = jax.nn.relu(p @ Wh0 + bh0)
    p = _batch_norm(p, gh0, beh0)
    p = jax.nn.relu(p @ Wh1 + bh1)
    p = _batch_norm(p, gh1, beh1)
    # final Linear (no activation)
    return p @ Wf + bf

if __name__ == "__main__":
    import jax
    _d = setup_inputs()
    print(jax.jit(kernel)(*tuple(_d.values())))

</pallas_src>

<mosaic_0001>
#map = affine_map<(d0, d1) -> (0, 0)>
#map1 = affine_map<(d0, d1) -> (0, 0, 0)>
module attributes {stable_mosaic.version = 14 : i64} {
  func.func @_sc_scatter_body(%arg0: i32, %arg1: i32, %arg2: memref<10000x128xf32, #tpu.memory_space<hbm>>, %arg3: memref<32x80x128xi32, #tpu.memory_space<hbm>>, %arg4: memref<32x80x128xi32, #tpu.memory_space<hbm>>, %arg5: memref<16x5x128xi32, #tpu.memory_space<hbm>>, %arg6: memref<2x10240x128xf32, #tpu.memory_space<hbm>>, %arg7: memref<8x128xi32, #tpu.memory_space<vmem>>, %arg8: memref<8x128xi32, #tpu.memory_space<vmem>>, %arg9: memref<5x128xi32, #tpu.memory_space<vmem>>, %arg10: memref<128x128xf32, #tpu.memory_space<vmem>>, %arg11: memref<128x128xf32, #tpu.memory_space<vmem>>, %arg12: memref<10240x128xf32, #tpu.memory_space<vmem_shared>>, %arg13: memref<!tpu.dma_semaphore, #tpu.memory_space<semaphore_mem>>, %arg14: memref<!tpu.dma_semaphore, #tpu.memory_space<semaphore_mem>>, %arg15: memref<!tpu.dma_semaphore, #tpu.memory_space<semaphore_mem>>) attributes {dimension_semantics = [#tpu.dimension_semantics<core_parallel>, #tpu.dimension_semantics<subcore_parallel>], iteration_bounds = array<i64: 2, 16>, scalar_prefetch = 0 : i64, scratch_operands = 9 : i64, tpu.core_type = #tpu.core_type<sc_vector_subcore>, window_params = [{transform_indices = #map}, {transform_indices = #map1}, {transform_indices = #map1}, {transform_indices = #map1}, {transform_indices = #map1}]} {
    %mul3A = arith.constant 16 : i32
    %mul3A_0 = arith.muli %arg0, %mul3A : i32
    %add3A = arith.addi %mul3A_0, %arg1 : i32
    "tpu.region"() ({
      %run_scoped3A = tpu.sem_alloc : memref<!tpu.dma_semaphore, #tpu.memory_space<semaphore_mem>>
      %dma_start3A = arith.constant 0 : i32
      %dma_start3A_21 = arith.constant 0 : i32
      %dma_start3A_22 = tpu.memref_slice %arg5[%arg1, %dma_start3A, %dma_start3A_21] : memref<16x5x128xi32, #tpu.memory_space<hbm>> -> memref<1x5x128xi32, #tpu.memory_space<hbm>>
      %dma_start3A_23 = tpu.memref_squeeze %dma_start3A_22 : memref<1x5x128xi32, #tpu.memory_space<hbm>> -> memref<5x128xi32, #tpu.memory_space<hbm>>
      %dma_start3A_24 = arith.constant 0 : i32
      %dma_start3A_25 = arith.constant 0 : i32
      %dma_start3A_26 = tpu.memref_slice %arg5[%arg1, %dma_start3A_24, %dma_start3A_25] : memref<16x5x128xi32, #tpu.memory_space<hbm>> -> memref<1x5x128xi32, #tpu.memory_space<hbm>>
      %dma_start3A_27 = tpu.memref_squeeze %dma_start3A_26 : memref<1x5x128xi32, #tpu.memory_space<hbm>> -> memref<5x128xi32, #tpu.memory_space<hbm>>
      tpu.enqueue_dma source(%dma_start3A_27 : memref<5x128xi32, #tpu.memory_space<hbm>>) target(%arg9 : memref<5x128xi32, #tpu.memory_space<vmem>>) target_semaphore(%run_scoped3A : memref<!tpu.dma_semaphore, #tpu.memory_space<semaphore_mem>>)
      %dma_wait3A = arith.constant 0 : i32
      %dma_wait3A_28 = arith.constant 0 : i32
      %dma_wait3A_29 = tpu.memref_slice %arg5[%arg1, %dma_wait3A, %dma_wait3A_28] : memref<16x5x128xi32, #tpu.memory_space<hbm>> -> memref<1x5x128xi32, #tpu.memory_space<hbm>>
      %dma_wait3A_30 = tpu.memref_squeeze %dma_wait3A_29 : memref<1x5x128xi32, #tpu.memory_space<hbm>> -> memref<5x128xi32, #tpu.memory_space<hbm>>
      %dma_wait3A_31 = arith.constant 0 : i32
      %dma_wait3A_32 = arith.constant 0 : i32
      %dma_wait3A_33 = tpu.memref_slice %arg5[%arg1, %dma_wait3A_31, %dma_wait3A_32] : memref<16x5x128xi32, #tpu.memory_space<hbm>> -> memref<1x5x128xi32, #tpu.memory_space<hbm>>
      %dma_wait3A_34 = tpu.memref_squeeze %dma_wait3A_33 : memref<1x5x128xi32, #tpu.memory_space<hbm>> -> memref<5x128xi32, #tpu.memory_space<hbm>>
      tpu.wait_dma2 semaphore(%run_scoped3A : memref<!tpu.dma_semaphore, #tpu.memory_space<semaphore_mem>>) src(%dma_wait3A_34 : memref<5x128xi32, #tpu.memory_space<hbm>>) dst(%arg9 : memref<5x128xi32, #tpu.memory_space<vmem>>)
      tpu.yield
    }) : () -> ()
    %scan3A = arith.constant 0 : i32
    %scan3A_1 = arith.constant 128 : i32
    %scan3A_2 = arith.addi %scan3A, %scan3A_1 : i32
    %scan3A_3 = arith.constant 1 : i32
    scf.for %scan3A_21 = %scan3A to %scan3A_2 step %scan3A_3  : i32 {
      %mul3A_22 = arith.constant 1 : i32
      %mul3A_23 = arith.muli %scan3A_21, %mul3A_22 : i32
      %add3A_24 = arith.constant 0 : i32
      %add3A_25 = arith.addi %add3A_24, %mul3A_23 : i32
      %broadcast_in_dim3A = arith.constant 0.000000e+00 : f32
      %broadcast_in_dim3A_26 = vector.broadcast %broadcast_in_dim3A : f32 to vector<16xf32>
      %swap3A = arith.index_cast %add3A_25 : i32 to index
      %swap3A_27 = arith.constant 0 : index
      %swap3A_28 = tpu.vector_load %arg10[%swap3A, %swap3A_27] {strides = array<i32>} : memref<128x128xf32, #tpu.memory_space<vmem>>, vector<1x16xf32>,
      %swap3A_29 = vector.shape_cast %swap3A_28 : vector<1x16xf32> to vector<16xf32>
      %swap3A_30 = vector.shape_cast %broadcast_in_dim3A_26 : vector<16xf32> to vector<1x16xf32>
      tpu.vector_store %arg10[%swap3A, %swap3A_27], %swap3A_30 {strides = array<i32>} : memref<128x128xf32, #tpu.memory_space<vmem>>, vector<1x16xf32>,
      %broadcast_in_dim3A_31 = arith.constant 0.000000e+00 : f32
      %broadcast_in_dim3A_32 = vector.broadcast %broadcast_in_dim3A_31 : f32 to vector<16xf32>
      %swap3A_33 = arith.index_cast %add3A_25 : i32 to index
      %swap3A_34 = arith.constant 16 : index
      %swap3A_35 = tpu.vector_load %arg10[%swap3A_33, %swap3A_34] {strides = array<i32>} : memref<128x128xf32, #tpu.memory_space<vmem>>, vector<1x16xf32>,
      %swap3A_36 = vector.shape_cast %swap3A_35 : vector<1x16xf32> to vector<16xf32>
      %swap3A_37 = vector.shape_cast %broadcast_in_dim3A_32 : vector<16xf32> to vector<1x16xf32>
      tpu.vector_store %arg10[%swap3A_33, %swap3A_34], %swap3A_37 {strides = array<i32>} : memref<128x128xf32, #tpu.memory_space<vmem>>, vector<1x16xf32>,
      %broadcast_in_dim3A_38 = arith.constant 0.000000e+00 : f32
      %broadcast_in_dim3A_39 = vector.broadcast %broadcast_in_dim3A_38 : f32 to vector<16xf32>
      %swap3A_40 = arith.index_cast %add3A_25 : i32 to index
      %swap3A_41 = arith.constant 32 : index
      %swap3A_42 = tpu.vector_load %arg10[%swap3A_40, %swap3A_41] {strides = array<i32>} : memref<128x128xf32, #tpu.memory_space<vmem>>, vector<1x16xf32>,
      %swap3A_43 = vector.shape_cast %swap3A_42 : vector<1x16xf32> to vector<16xf32>
      %swap3A_44 = vector.shape_cast %broadcast_in_dim3A_39 : vector<16xf32> to vector<1x16xf32>
      tpu.vector_store %arg10[%swap3A_40, %swap3A_41], %swap3A_44 {strides = array<i32>} : memref<128x128xf32, #tpu.memory_space<vmem>>, vector<1x16xf32>,
      %broadcast_in_dim3A_45 = arith.constant 0.000000e+00 : f32
      %broadcast_in_dim3A_46 = vector.broadcast %broadcast_in_dim3A_45 : f32 to vector<16xf32>
      %swap3A_47 = arith.index_cast %add3A_25 : i32 to index
      %swap3A_48 = arith.constant 48 : index
      %swap3A_49 = tpu.vector_load %arg10[%swap3A_47, %swap3A_48] {strides = array<i32>} : memref<128x128xf32, #tpu.memory_space<vmem>>, vector<1x16xf32>,
      %swap3A_50 = vector.shape_cast %swap3A_49 : vector<1x16xf32> to vector<16xf32>
      %swap3A_51 = vector.shape_cast %broadcast_in_dim3A_46 : vector<16xf32> to vector<1x16xf32>
      tpu.vector_store %arg10[%swap3A_47, %swap3A_48], %swap3A_51 {strides = array<i32>} : memref<128x128xf32, #tpu.memory_space<vmem>>, vector<1x16xf32>,
      %broadcast_in_dim3A_52 = arith.constant 0.000000e+00 : f32
      %broadcast_in_dim3A_53 = vector.broadcast %broadcast_in_dim3A_52 : f32 to vector<16xf32>
      %swap3A_54 = arith.index_cast %add3A_25 : i32 to index
      %swap3A_55 = arith.constant 64 : index
      %swap3A_56 = tpu.vector_load %arg10[%swap3A_54, %swap3A_55] {strides = array<i32>} : memref<128x128xf32, #tpu.memory_space<vmem>>, vector<1x16xf32>,
      %swap3A_57 = vector.shape_cast %swap3A_56 : vector<1x16xf32> to vector<16xf32>
      %swap3A_58 = vector.shape_cast %broadcast_in_dim3A_53 : vector<16xf32> to vector<1x16xf32>
      tpu.vector_store %arg10[%swap3A_54, %swap3A_55], %swap3A_58 {strides = array<i32>} : memref<128x128xf32, #tpu.memory_space<vmem>>, vector<1x16xf32>,
      %broadcast_in_dim3A_59 = arith.constant 0.000000e+00 : f32
      %broadcast_in_dim3A_60 = vector.broadcast %broadcast_in_dim3A_59 : f32 to vector<16xf32>
      %swap3A_61 = arith.index_cast %add3A_25 : i32 to index
      %swap3A_62 = arith.constant 80 : index
      %swap3A_63 = tpu.vector_load %arg10[%swap3A_61, %swap3A_62] {strides = array<i32>} : memref<128x128xf32, #tpu.memory_space<vmem>>, vector<1x16xf32>,
      %swap3A_64 = vector.shape_cast %swap3A_63 : vector<1x16xf32> to vector<16xf32>
      %swap3A_65 = vector.shape_cast %broadcast_in_dim3A_60 : vector<16xf32> to vector<1x16xf32>
      tpu.vector_store %arg10[%swap3A_61, %swap3A_62], %swap3A_65 {strides = array<i32>} : memref<128x128xf32, #tpu.memory_space<vmem>>, vector<1x16xf32>,
      %broadcast_in_dim3A_66 = arith.constant 0.000000e+00 : f32
      %broadcast_in_dim3A_67 = vector.broadcast %broadcast_in_dim3A_66 : f32 to vector<16xf32>
      %swap3A_68 = arith.index_cast %add3A_25 : i32 to index
      %swap3A_69 = arith.constant 96 : index
      %swap3A_70 = tpu.vector_load %arg10[%swap3A_68, %swap3A_69] {strides = array<i32>} : memref<128x128xf32, #tpu.memory_space<vmem>>, vector<1x16xf32>,
      %swap3A_71 = vector.shape_cast %swap3A_70 : vector<1x16xf32> to vector<16xf32>
      %swap3A_72 = vector.shape_cast %broadcast_in_dim3A_67 : vector<16xf32> to vector<1x16xf32>
      tpu.vector_store %arg10[%swap3A_68, %swap3A_69], %swap3A_72 {strides = array<i32>} : memref<128x128xf32, #tpu.memory_space<vmem>>, vector<1x16xf32>,
      %broadcast_in_dim3A_73 = arith.constant 0.000000e+00 : f32
      %broadcast_in_dim3A_74 = vector.broadcast %broadcast_in_dim3A_73 : f32 to vector<16xf32>
      %swap3A_75 = arith.index_cast %add3A_25 : i32 to index
      %swap3A_76 = arith.constant 112 : index
      %swap3A_77 = tpu.vector_load %arg10[%swap3A_75, %swap3A_76] {strides = array<i32>} : memref<128x128xf32, #tpu.memory_space<vmem>>, vector<1x16xf32>,
      %swap3A_78 = vector.shape_cast %swap3A_77 : vector<1x16xf32> to vector<16xf32>
      %swap3A_79 = vector.shape_cast %broadcast_in_dim3A_74 : vector<16xf32> to vector<1x16xf32>
      tpu.vector_store %arg10[%swap3A_75, %swap3A_76], %swap3A_79 {strides = array<i32>} : memref<128x128xf32, #tpu.memory_space<vmem>>, vector<1x16xf32>,
    }
    %scan3A_4 = arith.constant 128 : i32
    %scan3A_5 = arith.constant 0 : i32
    %scan3A_6 = arith.constant 5 : i32
    %scan3A_7 = arith.addi %scan3A_5, %scan3A_6 : i32
    %scan3A_8 = arith.constant 1 : i32
    scf.for %scan3A_21 = %scan3A_5 to %scan3A_7 step %scan3A_8  : i32 {
      %mul3A_22 = arith.constant 1 : i32
      %mul3A_23 = arith.muli %scan3A_21, %mul3A_22 : i32
      %add3A_24 = arith.constant 0 : i32
      %add3A_25 = arith.addi %add3A_24, %mul3A_23 : i32
      "tpu.region"() ({
        %run_scoped3A = tpu.sem_alloc : memref<!tpu.dma_semaphore, #tpu.memory_space<semaphore_mem>>
        %dma_start3A = arith.constant 0 : i32
        %dma_start3A_26 = tpu.memref_slice %arg9[%add3A_25, %dma_start3A] : memref<5x128xi32, #tpu.memory_space<vmem>> -> memref<1x128xi32, #tpu.memory_space<vmem>>
        %dma_start3A_27 = tpu.memref_squeeze %dma_start3A_26 : memref<1x128xi32, #tpu.memory_space<vmem>> -> memref<128xi32, #tpu.memory_space<vmem>>
        %dma_start3A_28 = arith.constant 0 : i32
        %dma_start3A_29 = arith.constant 0 : i32
        %dma_start3A_30 = tpu.memref_slice %arg12[%dma_start3A_28, %dma_start3A_29] : memref<10240x128xf32, #tpu.memory_space<vmem_shared>> -> memref<10240x128xf32, #tpu.memory_space<vmem_shared>>
        tpu.enqueue_indirect_dma source(%arg10 : memref<128x128xf32, #tpu.memory_space<vmem>>) target(%dma_start3A_30 : memref<10240x128xf32, #tpu.memory_space<vmem_shared>>) offsets(%dma_start3A_27 : memref<128xi32, #tpu.memory_space<vmem>>) semaphore(%run_scoped3A : memref<!tpu.dma_semaphore, #tpu.memory_space<semaphore_mem>>)
        %dma_wait3A = arith.constant 0 : i32
        %dma_wait3A_31 = tpu.memref_slice %arg9[%add3A_25, %dma_wait3A] : memref<5x128xi32, #tpu.memory_space<vmem>> -> memref<1x128xi32, #tpu.memory_space<vmem>>
        %dma_wait3A_32 = tpu.memref_squeeze %dma_wait3A_31 : memref<1x128xi32, #tpu.memory_space<vmem>> -> memref<128xi32, #tpu.memory_space<vmem>>
        %dma_wait3A_33 = arith.constant 0 : i32
        %dma_wait3A_34 = arith.constant 0 : i32
        %dma_wait3A_35 = tpu.memref_slice %arg12[%dma_wait3A_33, %dma_wait3A_34] : memref<10240x128xf32, #tpu.memory_space<vmem_shared>> -> memref<10240x128xf32, #tpu.memory_space<vmem_shared>>
        tpu.wait_indirect_dma semaphore(%run_scoped3A : memref<!tpu.dma_semaphore, #tpu.memory_space<semaphore_mem>>) src(%arg10 : memref<128x128xf32, #tpu.memory_space<vmem>>) dst(%dma_wait3A_35 : memref<10240x128xf32, #tpu.memory_space<vmem_shared>>)
        tpu.yield
      }) : () -> ()
    }
    %scan3A_9 = arith.constant 5 : i32
    %barrier3A = arith.constant 0 : index
    tpu.barrier barrier_id(%barrier3A)
    %scan3A_10 = arith.constant 0 : i32
    %scan3A_11 = arith.constant 10 : i32
    %scan3A_12 = arith.addi %scan3A_10, %scan3A_11 : i32
    %scan3A_13 = arith.constant 1 : i32
    scf.for %scan3A_21 = %scan3A_10 to %scan3A_12 step %scan3A_13  : i32 {
      %mul3A_22 = arith.constant 1 : i32
      %mul3A_23 = arith.muli %scan3A_21, %mul3A_22 : i32
      %add3A_24 = arith.constant 0 : i32
      %add3A_25 = arith.addi %add3A_24, %mul3A_23 : i32
      %mul3A_26 = arith.constant 8 : i32
      %mul3A_27 = arith.muli %add3A_25, %mul3A_26 : i32
      "tpu.region"() ({
        %run_scoped3A = tpu.sem_alloc : memref<!tpu.dma_semaphore, #tpu.memory_space<semaphore_mem>>
        %dma_start3A_292 = arith.constant 0 : i32
        %dma_start3A_293 = tpu.memref_slice %arg3[%add3A, %mul3A_27, %dma_start3A_292] : memref<32x80x128xi32, #tpu.memory_space<hbm>> -> memref<1x8x128xi32, #tpu.memory_space<hbm>>
        %dma_start3A_294 = tpu.memref_squeeze %dma_start3A_293 : memref<1x8x128xi32, #tpu.memory_space<hbm>> -> memref<8x128xi32, #tpu.memory_space<hbm>>
        %dma_start3A_295 = arith.constant 0 : i32
        %dma_start3A_296 = tpu.memref_slice %arg3[%add3A, %mul3A_27, %dma_start3A_295] : memref<32x80x128xi32, #tpu.memory_space<hbm>> -> memref<1x8x128xi32, #tpu.memory_space<hbm>>
        %dma_start3A_297 = tpu.memref_squeeze %dma_start3A_296 : memref<1x8x128xi32, #tpu.memory_space<hbm>> -> memref<8x128xi32, #tpu.memory_space<hbm>>
        tpu.enqueue_dma source(%dma_start3A_297 : memref<8x128xi32, #tpu.memory_space<hbm>>) target(%arg7 : memref<8x128xi32, #tpu.memory_space<vmem>>) target_semaphore(%run_scoped3A : memref<!tpu.dma_semaphore, #tpu.memory_space<semaphore_mem>>)
        %dma_wait3A_298 = arith.constant 0 : i32
        %dma_wait3A_299 = tpu.memref_slice %arg3[%add3A, %mul3A_27, %dma_wait3A_298] : memref<32x80x128xi32, #tpu.memory_space<hbm>> -> memref<1x8x128xi32, #tpu.memory_space<hbm>>
        %dma_wait3A_300 = tpu.memref_squeeze %dma_wait3A_299 : memref<1x8x128xi32, #tpu.memory_space<hbm>> -> memref<8x128xi32, #tpu.memory_space<hbm>>
        %dma_wait3A_301 = arith.constant 0 : i32
        %dma_wait3A_302 = tpu.memref_slice %arg3[%add3A, %mul3A_27, %dma_wait3A_301] : memref<32x80x128xi32, #tpu.memory_space<hbm>> -> memref<1x8x128xi32, #tpu.memory_space<hbm>>
        %dma_wait3A_303 = tpu.memref_squeeze %dma_wait3A_302 : memref<1x8x128xi32, #tpu.memory_space<hbm>> -> memref<8x128xi32, #tpu.memory_space<hbm>>
        tpu.wait_dma2 semaphore(%run_scoped3A : memref<!tpu.dma_semaphore, #tpu.memory_space<semaphore_mem>>) src(%dma_wait3A_303 : memref<8x128xi32, #tpu.memory_space<hbm>>) dst(%arg7 : memref<8x128xi32, #tpu.memory_space<vmem>>)
        tpu.yield
      }) : () -> ()
      %mul3A_28 = arith.constant 8 : i32
      %mul3A_29 = arith.muli %add3A_25, %mul3A_28 : i32
      "tpu.region"() ({
        %run_scoped3A = tpu.sem_alloc : memref<!tpu.dma_semaphore, #tpu.memory_space<semaphore_mem>>
        %dma_start3A_292 = arith.constant 0 : i32
        %dma_start3A_293 = tpu.memref_slice %arg4[%add3A, %mul3A_29, %dma_start3A_292] : memref<32x80x128xi32, #tpu.memory_space<hbm>> -> memref<1x8x128xi32, #tpu.memory_space<hbm>>
        %dma_start3A_294 = tpu.memref_squeeze %dma_start3A_293 : memref<1x8x128xi32, #tpu.memory_space<hbm>> -> memref<8x128xi32, #tpu.memory_space<hbm>>
        %dma_start3A_295 = arith.constant 0 : i32
        %dma_start3A_296 = tpu.memref_slice %arg4[%add3A, %mul3A_29, %dma_start3A_295] : memref<32x80x128xi32, #tpu.memory_space<hbm>> -> memref<1x8x128xi32, #tpu.memory_space<hbm>>
        %dma_start3A_297 = tpu.memref_squeeze %dma_start3A_296 : memref<1x8x128xi32, #tpu.memory_space<hbm>> -> memref<8x128xi32, #tpu.memory_space<hbm>>
        tpu.enqueue_dma source(%dma_start3A_297 : memref<8x128xi32, #tpu.memory_space<hbm>>) target(%arg8 : memref<8x128xi32, #tpu.memory_space<vmem>>) target_semaphore(%run_scoped3A : memref<!tpu.dma_semaphore, #tpu.memory_space<semaphore_mem>>)
        %dma_wait3A_298 = arith.constant 0 : i32
        %dma_wait3A_299 = tpu.memref_slice %arg4[%add3A, %mul3A_29, %dma_wait3A_298] : memref<32x80x128xi32, #tpu.memory_space<hbm>> -> memref<1x8x128xi32, #tpu.memory_space<hbm>>
        %dma_wait3A_300 = tpu.memref_squeeze %dma_wait3A_299 : memref<1x8x128xi32, #tpu.memory_space<hbm>> -> memref<8x128xi32, #tpu.memory_space<hbm>>
        %dma_wait3A_301 = arith.constant 0 : i32
        %dma_wait3A_302 = tpu.memref_slice %arg4[%add3A, %mul3A_29, %dma_wait3A_301] : memref<32x80x128xi32, #tpu.memory_space<hbm>> -> memref<1x8x128xi32, #tpu.memory_space<hbm>>
        %dma_wait3A_303 = tpu.memref_squeeze %dma_wait3A_302 : memref<1x8x128xi32, #tpu.memory_space<hbm>> -> memref<8x128xi32, #tpu.memory_space<hbm>>
        tpu.wait_dma2 semaphore(%run_scoped3A : memref<!tpu.dma_semaphore, #tpu.memory_space<semaphore_mem>>) src(%dma_wait3A_303 : memref<8x128xi32, #tpu.memory_space<hbm>>) dst(%arg8 : memref<8x128xi32, #tpu.memory_space<vmem>>)
        tpu.yield
      }) : () -> ()
      %dma_start3A = arith.constant 0 : i32
      %dma_start3A_30 = arith.constant 0 : i32
      %dma_start3A_31 = tpu.memref_slice %arg7[%dma_start3A, %dma_start3A_30] : memref<8x128xi32, #tpu.memory_space<vmem>> -> memref<1x128xi32, #tpu.memory_space<vmem>>
      %dma_start3A_32 = tpu.memref_squeeze %dma_start3A_31 : memref<1x128xi32, #tpu.memory_space<vmem>> -> memref<128xi32, #tpu.memory_space<vmem>>
      %dma_start3A_33 = arith.constant 0 : i32
      %dma_start3A_34 = arith.constant 0 : i32
      %dma_start3A_35 = tpu.memref_slice %arg2[%dma_start3A_33, %dma_start3A_34] : memref<10000x128xf32, #tpu.memory_space<hbm>> -> memref<10000x128xf32, #tpu.memory_space<hbm>>
      tpu.enqueue_indirect_dma source(%dma_start3A_35 : memref<10000x128xf32, #tpu.memory_space<hbm>>) target(%arg10 : memref<128x128xf32, #tpu.memory_space<vmem>>) offsets(%dma_start3A_32 : memref<128xi32, #tpu.memory_space<vmem>>) semaphore(%arg13 : memref<!tpu.dma_semaphore, #tpu.memory_space<semaphore_mem>>)
      %dma_wait3A = arith.constant 0 : i32
      %dma_wait3A_36 = arith.constant 0 : i32
      %dma_wait3A_37 = tpu.memref_slice %arg7[%dma_wait3A, %dma_wait3A_36] : memref<8x128xi32, #tpu.memory_space<vmem>> -> memref<1x128xi32, #tpu.memory_space<vmem>>
      %dma_wait3A_38 = tpu.memref_squeeze %dma_wait3A_37 : memref<1x128xi32, #tpu.memory_space<vmem>> -> memref<128xi32, #tpu.memory_space<vmem>>
      %dma_wait3A_39 = arith.constant 0 : i32
      %dma_wait3A_40 = arith.constant 0 : i32
      %dma_wait3A_41 = tpu.memref_slice %arg2[%dma_wait3A_39, %dma_wait3A_40] : memref<10000x128xf32, #tpu.memory_space<hbm>> -> memref<10000x128xf32, #tpu.memory_space<hbm>>
      tpu.wait_indirect_dma semaphore(%arg13 : memref<!tpu.dma_semaphore, #tpu.memory_space<semaphore_mem>>) src(%dma_wait3A_41 : memref<10000x128xf32, #tpu.memory_space<hbm>>) dst(%arg10 : memref<128x128xf32, #tpu.memory_space<vmem>>)
      %scan3A_42 = arith.constant 0 : i32
      %scan3A_43 = arith.constant 128 : i32
      %scan3A_44 = arith.addi %scan3A_42, %scan3A_43 : i32
      %scan3A_45 = arith.constant 1 : i32
      scf.for %scan3A_292 = %scan3A_42 to %scan3A_44 step %scan3A_45  : i32 {
        %mul3A_293 = arith.constant 1 : i32
        %mul3A_294 = arith.muli %scan3A_292, %mul3A_293 : i32
        %add3A_295 = arith.constant 0 : i32
        %add3A_296 = arith.addi %add3A_295, %mul3A_294 : i32
        %get3A = arith.index_cast %add3A_296 : i32 to index
        %get3A_297 = arith.constant 0 : index
        %get3A_298 = tpu.vector_load %arg10[%get3A, %get3A_297] {strides = array<i32>} : memref<128x128xf32, #tpu.memory_space<vmem>>, vector<1x16xf32>,
        %get3A_299 = vector.shape_cast %get3A_298 : vector<1x16xf32> to vector<16xf32>
        %swap3A = arith.index_cast %add3A_296 : i32 to index
        %swap3A_300 = arith.constant 0 : index
        %swap3A_301 = tpu.vector_load %arg11[%swap3A, %swap3A_300] {strides = array<i32>} : memref<128x128xf32, #tpu.memory_space<vmem>>, vector<1x16xf32>,
        %swap3A_302 = vector.shape_cast %swap3A_301 : vector<1x16xf32> to vector<16xf32>
        %swap3A_303 = vector.shape_cast %get3A_299 : vector<16xf32> to vector<1x16xf32>
        tpu.vector_store %arg11[%swap3A, %swap3A_300], %swap3A_303 {strides = array<i32>} : memref<128x128xf32, #tpu.memory_space<vmem>>, vector<1x16xf32>,
        %get3A_304 = arith.index_cast %add3A_296 : i32 to index
        %get3A_305 = arith.constant 16 : index
        %get3A_306 = tpu.vector_load %arg10[%get3A_304, %get3A_305] {strides = array<i32>} : memref<128x128xf32, #tpu.memory_space<vmem>>, vector<1x16xf32>,
        %get3A_307 = vector.shape_cast %get3A_306 : vector<1x16xf32> to vector<16xf32>
        %swap3A_308 = arith.index_cast %add3A_296 : i32 to index
        %swap3A_309 = arith.constant 16 : index
        %swap3A_310 = tpu.vector_load %arg11[%swap3A_308, %swap3A_309] {strides = array<i32>} : memref<128x128xf32, #tpu.memory_space<vmem>>, vector<1x16xf32>,
        %swap3A_311 = vector.shape_cast %swap3A_310 : vector<1x16xf32> to vector<16xf32>
        %swap3A_312 = vector.shape_cast %get3A_307 : vector<16xf32> to vector<1x16xf32>
        tpu.vector_store %arg11[%swap3A_308, %swap3A_309], %swap3A_312 {strides = array<i32>} : memref<128x128xf32, #tpu.memory_space<vmem>>, vector<1x16xf32>,
        %get3A_313 = arith.index_cast %add3A_296 : i32 to index
        %get3A_314 = arith.constant 32 : index
        %get3A_315 = tpu.vector_load %arg10[%get3A_313, %get3A_314] {strides = array<i32>} : memref<128x128xf32, #tpu.memory_space<vmem>>, vector<1x16xf32>,
        %get3A_316 = vector.shape_cast %get3A_315 : vector<1x16xf32> to vector<16xf32>
        %swap3A_317 = arith.index_cast %add3A_296 : i32 to index
        %swap3A_318 = arith.constant 32 : index
        %swap3A_319 = tpu.vector_load %arg11[%swap3A_317, %swap3A_318] {strides = array<i32>} : memref<128x128xf32, #tpu.memory_space<vmem>>, vector<1x16xf32>,
        %swap3A_320 = vector.shape_cast %swap3A_319 : vector<1x16xf32> to vector<16xf32>
        %swap3A_321 = vector.shape_cast %get3A_316 : vector<16xf32> to vector<1x16xf32>
        tpu.vector_store %arg11[%swap3A_317, %swap3A_318], %swap3A_321 {strides = array<i32>} : memref<128x128xf32, #tpu.memory_space<vmem>>, vector<1x16xf32>,
        %get3A_322 = arith.index_cast %add3A_296 : i32 to index
        %get3A_323 = arith.constant 48 : index
        %get3A_324 = tpu.vector_load %arg10[%get3A_322, %get3A_323] {strides = array<i32>} : memref<128x128xf32, #tpu.memory_space<vmem>>, vector<1x16xf32>,
        %get3A_325 = vector.shape_cast %get3A_324 : vector<1x16xf32> to vector<16xf32>
        %swap3A_326 = arith.index_cast %add3A_296 : i32 to index
        %swap3A_327 = arith.constant 48 : index
        %swap3A_328 = tpu.vector_load %arg11[%swap3A_326, %swap3A_327] {strides = array<i32>} : memref<128x128xf32, #tpu.memory_space<vmem>>, vector<1x16xf32>,
        %swap3A_329 = vector.shape_cast %swap3A_328 : vector<1x16xf32> to vector<16xf32>
        %swap3A_330 = vector.shape_cast %get3A_325 : vector<16xf32> to vector<1x16xf32>
        tpu.vector_store %arg11[%swap3A_326, %swap3A_327], %swap3A_330 {strides = array<i32>} : memref<128x128xf32, #tpu.memory_space<vmem>>, vector<1x16xf32>,
        %get3A_331 = arith.index_cast %add3A_296 : i32 to index
        %get3A_332 = arith.constant 64 : index
        %get3A_333 = tpu.vector_load %arg10[%get3A_331, %get3A_332] {strides = array<i32>} : memref<128x128xf32, #tpu.memory_space<vmem>>, vector<1x16xf32>,
        %get3A_334 = vector.shape_cast %get3A_333 : vector<1x16xf32> to vector<16xf32>
        %swap3A_335 = arith.index_cast %add3A_296 : i32 to index
        %swap3A_336 = arith.constant 64 : index
        %swap3A_337 = tpu.vector_load %arg11[%swap3A_335, %swap3A_336] {strides = array<i32>} : memref<128x128xf32, #tpu.memory_space<vmem>>, vector<1x16xf32>,
        %swap3A_338 = vector.shape_cast %swap3A_337 : vector<1x16xf32> to vector<16xf32>
        %swap3A_339 = vector.shape_cast %get3A_334 : vector<16xf32> to vector<1x16xf32>
        tpu.vector_store %arg11[%swap3A_335, %swap3A_336], %swap3A_339 {strides = array<i32>} : memref<128x128xf32, #tpu.memory_space<vmem>>, vector<1x16xf32>,
        %get3A_340 = arith.index_cast %add3A_296 : i32 to index
        %get3A_341 = arith.constant 80 : index
        %get3A_342 = tpu.vector_load %arg10[%get3A_340, %get3A_341] {strides = array<i32>} : memref<128x128xf32, #tpu.memory_space<vmem>>, vector<1x16xf32>,
        %get3A_343 = vector.shape_cast %get3A_342 : vector<1x16xf32> to vector<16xf32>
        %swap3A_344 = arith.index_cast %add3A_296 : i32 to index
        %swap3A_345 = arith.constant 80 : index
        %swap3A_346 = tpu.vector_load %arg11[%swap3A_344, %swap3A_345] {strides = array<i32>} : memref<128x128xf32, #tpu.memory_space<vmem>>, vector<1x16xf32>,
        %swap3A_347 = vector.shape_cast %swap3A_346 : vector<1x16xf32> to vector<16xf32>
        %swap3A_348 = vector.shape_cast %get3A_343 : vector<16xf32> to vector<1x16xf32>
        tpu.vector_store %arg11[%swap3A_344, %swap3A_345], %swap3A_348 {strides = array<i32>} : memref<128x128xf32, #tpu.memory_space<vmem>>, vector<1x16xf32>,
        %get3A_349 = arith.index_cast %add3A_296 : i32 to index
        %get3A_350 = arith.constant 96 : index
        %get3A_351 = tpu.vector_load %arg10[%get3A_349, %get3A_350] {strides = array<i32>} : memref<128x128xf32, #tpu.memory_space<vmem>>, vector<1x16xf32>,
        %get3A_352 = vector.shape_cast %get3A_351 : vector<1x16xf32> to vector<16xf32>
        %swap3A_353 = arith.index_cast %add3A_296 : i32 to index
        %swap3A_354 = arith.constant 96 : index
        %swap3A_355 = tpu.vector_load %arg11[%swap3A_353, %swap3A_354] {strides = array<i32>} : memref<128x128xf32, #tpu.memory_space<vmem>>, vector<1x16xf32>,
        %swap3A_356 = vector.shape_cast %swap3A_355 : vector<1x16xf32> to vector<16xf32>
        %swap3A_357 = vector.shape_cast %get3A_352 : vector<16xf32> to vector<1x16xf32>
        tpu.vector_store %arg11[%swap3A_353, %swap3A_354], %swap3A_357 {strides = array<i32>} : memref<128x128xf32, #tpu.memory_space<vmem>>, vector<1x16xf32>,
        %get3A_358 = arith.index_cast %add3A_296 : i32 to index
        %get3A_359 = arith.constant 112 : index
        %get3A_360 = tpu.vector_load %arg10[%get3A_358, %get3A_359] {strides = array<i32>} : memref<128x128xf32, #tpu.memory_space<vmem>>, vector<1x16xf32>,
        %get3A_361 = vector.shape_cast %get3A_360 : vector<1x16xf32> to vector<16xf32>
        %swap3A_362 = arith.index_cast %add3A_296 : i32 to index
        %swap3A_363 = arith.constant 112 : index
        %swap3A_364 = tpu.vector_load %arg11[%swap3A_362, %swap3A_363] {strides = array<i32>} : memref<128x128xf32, #tpu.memory_space<vmem>>, vector<1x16xf32>,
        %swap3A_365 = vector.shape_cast %swap3A_364 : vector<1x16xf32> to vector<16xf32>
        %swap3A_366 = vector.shape_cast %get3A_361 : vector<16xf32> to vector<1x16xf32>
        tpu.vector_store %arg11[%swap3A_362, %swap3A_363], %swap3A_366 {strides = array<i32>} : memref<128x128xf32, #tpu.memory_space<vmem>>, vector<1x16xf32>,
      }
      %scan3A_46 = arith.constant 128 : i32
      %dma_start3A_47 = arith.constant 0 : i32
      %dma_start3A_48 = arith.constant 0 : i32
      %dma_start3A_49 = tpu.memref_slice %arg8[%dma_start3A_47, %dma_start3A_48] : memref<8x128xi32, #tpu.memory_space<vmem>> -> memref<1x128xi32, #tpu.memory_space<vmem>>
      %dma_start3A_50 = tpu.memref_squeeze %dma_start3A_49 : memref<1x128xi32, #tpu.memory_space<vmem>> -> memref<128xi32, #tpu.memory_space<vmem>>
      %dma_start3A_51 = arith.constant 0 : i32
      %dma_start3A_52 = arith.constant 0 : i32
      %dma_start3A_53 = tpu.memref_slice %arg12[%dma_start3A_51, %dma_start3A_52] : memref<10240x128xf32, #tpu.memory_space<vmem_shared>> -> memref<10240x128xf32, #tpu.memory_space<vmem_shared>>
      tpu.enqueue_indirect_dma source(%arg11 : memref<128x128xf32, #tpu.memory_space<vmem>>) target(%dma_start3A_53 : memref<10240x128xf32, #tpu.memory_space<vmem_shared>>) offsets(%dma_start3A_50 : memref<128xi32, #tpu.memory_space<vmem>>) semaphore(%arg14 : memref<!tpu.dma_semaphore, #tpu.memory_space<semaphore_mem>>) {add = true}
      %dma_wait3A_54 = arith.constant 0 : i32
      %dma_wait3A_55 = arith.constant 0 : i32
      %dma_wait3A_56 = tpu.memref_slice %arg8[%dma_wait3A_54, %dma_wait3A_55] : memref<8x128xi32, #tpu.memory_space<vmem>> -> memref<1x128xi32, #tpu.memory_space<vmem>>
      %dma_wait3A_57 = tpu.memref_squeeze %dma_wait3A_56 : memref<1x128xi32, #tpu.memory_space<vmem>> -> memref<128xi32, #tpu.memory_space<vmem>>
      %dma_wait3A_58 = arith.constant 0 : i32
      %dma_wait3A_59 = arith.constant 0 : i32
      %dma_wait3A_60 = tpu.memref_slice %arg12[%dma_wait3A_58, %dma_wait3A_59] : memref<10240x128xf32, #tpu.memory_space<vmem_shared>> -> memref<10240x128xf32, #tpu.memory_space<vmem_shared>>
      tpu.wait_indirect_dma semaphore(%arg14 : memref<!tpu.dma_semaphore, #tpu.memory_space<semaphore_mem>>) src(%arg11 : memref<128x128xf32, #tpu.memory_space<vmem>>) dst(%dma_wait3A_60 : memref<10240x128xf32, #tpu.memory_space<vmem_shared>>)
      %dma_start3A_61 = arith.constant 1 : i32
      %dma_start3A_62 = arith.constant 0 : i32
      %dma_start3A_63 = tpu.memref_slice %arg7[%dma_start3A_61, %dma_start3A_62] : memref<8x128xi32, #tpu.memory_space<vmem>> -> memref<1x128xi32, #tpu.memory_space<vmem>>
      %dma_start3A_64 = tpu.memref_squeeze %dma_start3A_63 : memref<1x128xi32, #tpu.memory_space<vmem>> -> memref<128xi32, #tpu.memory_space<vmem>>
      %dma_start3A_65 = arith.constant 0 : i32
      %dma_start3A_66 = arith.constant 0 : i32
      %dma_start3A_67 = tpu.memref_slice %arg2[%dma_start3A_65, %dma_start3A_66] : memref<10000x128xf32, #tpu.memory_space<hbm>> -> memref<10000x128xf32, #tpu.memory_space<hbm>>
      tpu.enqueue_indirect_dma source(%dma_start3A_67 : memref<10000x128xf32, #tpu.memory_space<hbm>>) target(%arg10 : memref<128x128xf32, #tpu.memory_space<vmem>>) offsets(%dma_start3A_64 : memref<128xi32, #tpu.memory_space<vmem>>) semaphore(%arg13 : memref<!tpu.dma_semaphore, #tpu.memory_space<semaphore_mem>>)
      %dma_wait3A_68 = arith.constant 1 : i32
      %dma_wait3A_69 = arith.constant 0 : i32
      %dma_wait3A_70 = tpu.memref_slice %arg7[%dma_wait3A_68, %dma_wait3A_69] : memref<8x128xi32, #tpu.memory_space<vmem>> -> memref<1x128xi32, #tpu.memory_space<vmem>>
      %dma_wait3A_71 = tpu.memref_squeeze %dma_wait3A_70 : memref<1x128xi32, #tpu.memory_space<vmem>> -> memref<128xi32, #tpu.memory_space<vmem>>
      %dma_wait3A_72 = arith.constant 0 : i32
      %dma_wait3A_73 = arith.constant 0 : i32
      %dma_wait3A_74 = tpu.memref_slice %arg2[%dma_wait3A_72, %dma_wait3A_73] : memref<10000x128xf32, #tpu.memory_space<hbm>> -> memref<10000x128xf32, #tpu.memory_space<hbm>>
      tpu.wait_indirect_dma semaphore(%arg13 : memref<!tpu.dma_semaphore, #tpu.memory_space<semaphore_mem>>) src(%dma_wait3A_74 : memref<10000x128xf32, #tpu.memory_space<hbm>>) dst(%arg10 : memref<128x128xf32, #tpu.memory_space<vmem>>)
      %scan3A_75 = arith.constant 0 : i32
      %scan3A_76 = arith.constant 128 : i32
      %scan3A_77 = arith.addi %scan3A_75, %scan3A_76 : i32
      %scan3A_78 = arith.constant 1 : i32
      scf.for %scan3A_292 = %scan3A_75 to %scan3A_77 step %scan3A_78  : i32 {
        %mul3A_293 = arith.constant 1 : i32
        %mul3A_294 = arith.muli %scan3A_292, %mul3A_293 : i32
        %add3A_295 = arith.constant 0 : i32
        %add3A_296 = arith.addi %add3A_295, %mul3A_294 : i32
        %get3A = arith.index_cast %add3A_296 : i32 to index
        %get3A_297 = arith.constant 0 : index
        %get3A_298 = tpu.vector_load %arg10[%get3A, %get3A_297] {strides = array<i32>} : memref<128x128xf32, #tpu.memory_space<vmem>>, vector<1x16xf32>,
        %get3A_299 = vector.shape_cast %get3A_298 : vector<1x16xf32> to vector<16xf32>
        %swap3A = arith.index_cast %add3A_296 : i32 to index
        %swap3A_300 = arith.constant 0 : index
        %swap3A_301 = tpu.vector_load %arg11[%swap3A, %swap3A_300] {strides = array<i32>} : memref<128x128xf32, #tpu.memory_space<vmem>>, vector<1x16xf32>,
        %swap3A_302 = vector.shape_cast %swap3A_301 : vector<1x16xf32> to vector<16xf32>
        %swap3A_303 = vector.shape_cast %get3A_299 : vector<16xf32> to vector<1x16xf32>
        tpu.vector_store %arg11[%swap3A, %swap3A_300], %swap3A_303 {strides = array<i32>} : memref<128x128xf32, #tpu.memory_space<vmem>>, vector<1x16xf32>,
        %get3A_304 = arith.index_cast %add3A_296 : i32 to index
        %get3A_305 = arith.constant 16 : index
        %get3A_306 = tpu.vector_load %arg10[%get3A_304, %get3A_305] {strides = array<i32>} : memref<128x128xf32, #tpu.memory_space<vmem>>, vector<1x16xf32>,
        %get3A_307 = vector.shape_cast %get3A_306 : vector<1x16xf32> to vector<16xf32>
        %swap3A_308 = arith.index_cast %add3A_296 : i32 to index
        %swap3A_309 = arith.constant 16 : index
        %swap3A_310 = tpu.vector_load %arg11[%swap3A_308, %swap3A_309] {strides = array<i32>} : memref<128x128xf32, #tpu.memory_space<vmem>>, vector<1x16xf32>,
        %swap3A_311 = vector.shape_cast %swap3A_310 : vector<1x16xf32> to vector<16xf32>
        %swap3A_312 = vector.shape_cast %get3A_307 : vector<16xf32> to vector<1x16xf32>
        tpu.vector_store %arg11[%swap3A_308, %swap3A_309], %swap3A_312 {strides = array<i32>} : memref<128x128xf32, #tpu.memory_space<vmem>>, vector<1x16xf32>,
        %get3A_313 = arith.index_cast %add3A_296 : i32 to index
        %get3A_314 = arith.constant 32 : index
        %get3A_315 = tpu.vector_load %arg10[%get3A_313, %get3A_314] {strides = array<i32>} : memref<128x128xf32, #tpu.memory_space<vmem>>, vector<1x16xf32>,
        %get3A_316 = vector.shape_cast %get3A_315 : vector<1x16xf32> to vector<16xf32>
        %swap3A_317 = arith.index_cast %add3A_296 : i32 to index
        %swap3A_318 = arith.constant 32 : index
        %swap3A_319 = tpu.vector_load %arg11[%swap3A_317, %swap3A_318] {strides = array<i32>} : memref<128x128xf32, #tpu.memory_space<vmem>>, vector<1x16xf32>,
        %swap3A_320 = vector.shape_cast %swap3A_319 : vector<1x16xf32> to vector<16xf32>
        %swap3A_321 = vector.shape_cast %get3A_316 : vector<16xf32> to vector<1x16xf32>
        tpu.vector_store %arg11[%swap3A_317, %swap3A_318], %swap3A_321 {strides = array<i32>} : memref<128x128xf32, #tpu.memory_space<vmem>>, vector<1x16xf32>,
        %get3A_322 = arith.index_cast %add3A_296 : i32 to index
        %get3A_323 = arith.constant 48 : index
        %get3A_324 = tpu.vector_load %arg10[%get3A_322, %get3A_323] {strides = array<i32>} : memref<128x128xf32, #tpu.memory_space<vmem>>, vector<1x16xf32>,
        %get3A_325 = vector.shape_cast %get3A_324 : vector<1x16xf32> to vector<16xf32>
        %swap3A_326 = arith.index_cast %add3A_296 : i32 to index
        %swap3A_327 = arith.constant 48 : index
        %swap3A_328 = tpu.vector_load %arg11[%swap3A_326, %swap3A_327] {strides = array<i32>} : memref<128x128xf32, #tpu.memory_space<vmem>>, vector<1x16xf32>,
        %swap3A_329 = vector.shape_cast %swap3A_328 : vector<1x16xf32> to vector<16xf32>
        %swap3A_330 = vector.shape_cast %get3A_325 : vector<16xf32> to vector<1x16xf32>
        tpu.vector_store %arg11[%swap3A_326, %swap3A_327], %swap3A_330 {strides = array<i32>} : memref<128x128xf32, #tpu.memory_space<vmem>>, vector<1x16xf32>,
        %get3A_331 = arith.index_cast %add3A_296 : i32 to index
        %get3A_332 = arith.constant 64 : index
        %get3A_333 = tpu.vector_load %arg10[%get3A_331, %get3A_332] {strides = array<i32>} : memref<128x128xf32, #tpu.memory_space<vmem>>, vector<1x16xf32>,
        %get3A_334 = vector.shape_cast %get3A_333 : vector<1x16xf32> to vector<16xf32>
        %swap3A_335 = arith.index_cast %add3A_296 : i32 to index
        %swap3A_336 = arith.constant 64 : index
        %swap3A_337 = tpu.vector_load %arg11[%swap3A_335, %swap3A_336] {strides = array<i32>} : memref<128x128xf32, #tpu.memory_space<vmem>>, vector<1x16xf32>,
        %swap3A_338 = vector.shape_cast %swap3A_337 : vector<1x16xf32> to vector<16xf32>
        %swap3A_339 = vector.shape_cast %get3A_334 : vector<16xf32> to vector<1x16xf32>
        tpu.vector_store %arg11[%swap3A_335, %swap3A_336], %swap3A_339 {strides = array<i32>} : memref<128x128xf32, #tpu.memory_space<vmem>>, vector<1x16xf32>,
        %get3A_340 = arith.index_cast %add3A_296 : i32 to index
        %get3A_341 = arith.constant 80 : index
        %get3A_342 = tpu.vector_load %arg10[%get3A_340, %get3A_341] {strides = array<i32>} : memref<128x128xf32, #tpu.memory_space<vmem>>, vector<1x16xf32>,
        %get3A_343 = vector.shape_cast %get3A_342 : vector<1x16xf32> to vector<16xf32>
        %swap3A_344 = arith.index_cast %add3A_296 : i32 to index
        %swap3A_345 = arith.constant 80 : index
        %swap3A_346 = tpu.vector_load %arg11[%swap3A_344, %swap3A_345] {strides = array<i32>} : memref<128x128xf32, #tpu.memory_space<vmem>>, vector<1x16xf32>,
        %swap3A_347 = vector.shape_cast %swap3A_346 : vector<1x16xf32> to vector<16xf32>
        %swap3A_348 = vector.shape_cast %get3A_343 : vector<16xf32> to vector<1x16xf32>
        tpu.vector_store %arg11[%swap3A_344, %swap3A_345], %swap3A_348 {strides = array<i32>} : memref<128x128xf32, #tpu.memory_space<vmem>>, vector<1x16xf32>,
        %get3A_349 = arith.index_cast %add3A_296 : i32 to index
        %get3A_350 = arith.constant 96 : index
        %get3A_351 = tpu.vector_load %arg10[%get3A_349, %get3A_350] {strides = array<i32>} : memref<128x128xf32, #tpu.memory_space<vmem>>, vector<1x16xf32>,
        %get3A_352 = vector.shape_cast %get3A_351 : vector<1x16xf32> to vector<16xf32>
        %swap3A_353 = arith.index_cast %add3A_296 : i32 to index
        %swap3A_354 = arith.constant 96 : index
        %swap3A_355 = tpu.vector_load %arg11[%swap3A_353, %swap3A_354] {strides = array<i32>} : memref<128x128xf32, #tpu.memory_space<vmem>>, vector<1x16xf32>,
        %swap3A_356 = vector.shape_cast %swap3A_355 : vector<1x16xf32> to vector<16xf32>
        %swap3A_357 = vector.shape_cast %get3A_352 : vector<16xf32> to vector<1x16xf32>
        tpu.vector_store %arg11[%swap3A_353, %swap3A_354], %swap3A_357 {strides = array<i32>} : memref<128x128xf32, #tpu.memory_space<vmem>>, vector<1x16xf32>,
        %get3A_358 = arith.index_cast %add3A_296 : i32 to index
        %get3A_359 = arith.constant 112 : index
        %get3A_360 = tpu.vector_load %arg10[%get3A_358, %get3A_359] {strides = array<i32>} : memref<128x128xf32, #tpu.memory_space<vmem>>, vector<1x16xf32>,
        %get3A_361 = vector.shape_cast %get3A_360 : vector<1x16xf32> to vector<16xf32>
        %swap3A_362 = arith.index_cast %add3A_296 : i32 to index
        %swap3A_363 = arith.constant 112 : index
        %swap3A_364 = tpu.vector_load %arg11[%swap3A_362, %swap3A_363] {strides = array<i32>} : memref<128x128xf32, #tpu.memory_space<vmem>>, vector<1x16xf32>,
        %swap3A_365 = vector.shape_cast %swap3A_364 : vector<1x16xf32> to vector<16xf32>
        %swap3A_366 = vector.shape_cast %get3A_361 : vector<16xf32> to vector<1x16xf32>
        tpu.vector_store %arg11[%swap3A_362, %swap3A_363], %swap3A_366 {strides = array<i32>} : memref<128x128xf32, #tpu.memory_space<vmem>>, vector<1x16xf32>,
      }
      %scan3A_79 = arith.constant 128 : i32
      %dma_start3A_80 = arith.constant 1 : i32
      %dma_start3A_81 = arith.constant 0 : i32
      %dma_start3A_82 = tpu.memref_slice %arg8[%dma_start3A_80, %dma_start3A_81] : memref<8x128xi32, #tpu.memory_space<vmem>> -> memref<1x128xi32, #tpu.memory_space<vmem>>
      %dma_start3A_83 = tpu.memref_squeeze %dma_start3A_82 : memref<1x128xi32, #tpu.memory_space<vmem>> -> memref<128xi32, #tpu.memory_space<vmem>>
      %dma_start3A_84 = arith.constant 0 : i32
      %dma_start3A_85 = arith.constant 0 : i32
      %dma_start3A_86 = tpu.memref_slice %arg12[%dma_start3A_84, %dma_start3A_85] : memref<10240x128xf32, #tpu.memory_space<vmem_shared>> -> memref<10240x128xf32, #tpu.memory_space<vmem_shared>>
      tpu.enqueue_indirect_dma source(%arg11 : memref<128x128xf32, #tpu.memory_space<vmem>>) target(%dma_start3A_86 : memref<10240x128xf32, #tpu.memory_space<vmem_shared>>) offsets(%dma_start3A_83 : memref<128xi32, #tpu.memory_space<vmem>>) semaphore(%arg14 : memref<!tpu.dma_semaphore, #tpu.memory_space<semaphore_mem>>) {add = true}
      %dma_wait3A_87 = arith.constant 1 : i32
      %dma_wait3A_88 = arith.constant 0 : i32
      %dma_wait3A_89 = tpu.memref_slice %arg8[%dma_wait3A_87, %dma_wait3A_88] : memref<8x128xi32, #tpu.memory_space<vmem>> -> memref<1x128xi32, #tpu.memory_space<vmem>>
      %dma_wait3A_90 = tpu.memref_squeeze %dma_wait3A_89 : memref<1x128xi32, #tpu.memory_space<vmem>> -> memref<128xi32, #tpu.memory_space<vmem>>
      %dma_wait3A_91 = arith.constant 0 : i32
      %dma_wait3A_92 = arith.constant 0 : i32
      %dma_wait3A_93 = tpu.memref_slice %arg12[%dma_wait3A_91, %dma_wait3A_92] : memref<10240x128xf32, #tpu.memory_space<vmem_shared>> -> memref<10240x128xf32, #tpu.memory_space<vmem_shared>>
      tpu.wait_indirect_dma semaphore(%arg14 : memref<!tpu.dma_semaphore, #tpu.memory_space<semaphore_mem>>) src(%arg11 : memref<128x128xf32, #tpu.memory_space<vmem>>) dst(%dma_wait3A_93 : memref<10240x128xf32, #tpu.memory_space<vmem_shared>>)
      %dma_start3A_94 = arith.constant 2 : i32
      %dma_start3A_95 = arith.constant 0 : i32
      %dma_start3A_96 = tpu.memref_slice %arg7[%dma_start3A_94, %dma_start3A_95] : memref<8x128xi32, #tpu.memory_space<vmem>> -> memref<1x128xi32, #tpu.memory_space<vmem>>
      %dma_start3A_97 = tpu.memref_squeeze %dma_start3A_96 : memref<1x128xi32, #tpu.memory_space<vmem>> -> memref<128xi32, #tpu.memory_space<vmem>>
      %dma_start3A_98 = arith.constant 0 : i32
      %dma_start3A_99 = arith.constant 0 : i32
      %dma_start3A_100 = tpu.memref_slice %arg2[%dma_start3A_98, %dma_start3A_99] : memref<10000x128xf32, #tpu.memory_space<hbm>> -> memref<10000x128xf32, #tpu.memory_space<hbm>>
      tpu.enqueue_indirect_dma source(%dma_start3A_100 : memref<10000x128xf32, #tpu.memory_space<hbm>>) target(%arg10 : memref<128x128xf32, #tpu.memory_space<vmem>>) offsets(%dma_start3A_97 : memref<128xi32, #tpu.memory_space<vmem>>) semaphore(%arg13 : memref<!tpu.dma_semaphore, #tpu.memory_space<semaphore_mem>>)
      %dma_wait3A_101 = arith.constant 2 : i32
      %dma_wait3A_102 = arith.constant 0 : i32
      %dma_wait3A_103 = tpu.memref_slice %arg7[%dma_wait3A_101, %dma_wait3A_102] : memref<8x128xi32, #tpu.memory_space<vmem>> -> memref<1x128xi32, #tpu.memory_space<vmem>>
      %dma_wait3A_104 = tpu.memref_squeeze %dma_wait3A_103 : memref<1x128xi32, #tpu.memory_space<vmem>> -> memref<128xi32, #tpu.memory_space<vmem>>
      %dma_wait3A_105 = arith.constant 0 : i32
      %dma_wait3A_106 = arith.constant 0 : i32
      %dma_wait3A_107 = tpu.memref_slice %arg2[%dma_wait3A_105, %dma_wait3A_106] : memref<10000x128xf32, #tpu.memory_space<hbm>> -> memref<10000x128xf32, #tpu.memory_space<hbm>>
      tpu.wait_indirect_dma semaphore(%arg13 : memref<!tpu.dma_semaphore, #tpu.memory_space<semaphore_mem>>) src(%dma_wait3A_107 : memref<10000x128xf32, #tpu.memory_space<hbm>>) dst(%arg10 : memref<128x128xf32, #tpu.memory_space<vmem>>)
      %scan3A_108 = arith.constant 0 : i32
      %scan3A_109 = arith.constant 128 : i32
      %scan3A_110 = arith.addi %scan3A_108, %scan3A_109 : i32
      %scan3A_111 = arith.constant 1 : i32
      scf.for %scan3A_292 = %scan3A_108 to %scan3A_110 step %scan3A_111  : i32 {
        %mul3A_293 = arith.constant 1 : i32
        %mul3A_294 = arith.muli %scan3A_292, %mul3A_293 : i32
        %add3A_295 = arith.constant 0 : i32
        %add3A_296 = arith.addi %add3A_295, %mul3A_294 : i32
        %get3A = arith.index_cast %add3A_296 : i32 to index
        %get3A_297 = arith.constant 0 : index
        %get3A_298 = tpu.vector_load %arg10[%get3A, %get3A_297] {strides = array<i32>} : memref<128x128xf32, #tpu.memory_space<vmem>>, vector<1x16xf32>,
        %get3A_299 = vector.shape_cast %get3A_298 : vector<1x16xf32> to vector<16xf32>
        %swap3A = arith.index_cast %add3A_296 : i32 to index
        %swap3A_300 = arith.constant 0 : index
        %swap3A_301 = tpu.vector_load %arg11[%swap3A, %swap3A_300] {strides = array<i32>} : memref<128x128xf32, #tpu.memory_space<vmem>>, vector<1x16xf32>,
        %swap3A_302 = vector.shape_cast %swap3A_301 : vector<1x16xf32> to vector<16xf32>
        %swap3A_303 = vector.shape_cast %get3A_299 : vector<16xf32> to vector<1x16xf32>
        tpu.vector_store %arg11[%swap3A, %swap3A_300], %swap3A_303 {strides = array<i32>} : memref<128x128xf32, #tpu.memory_space<vmem>>, vector<1x16xf32>,
        %get3A_304 = arith.index_cast %add3A_296 : i32 to index
        %get3A_305 = arith.constant 16 : index
        %get3A_306 = tpu.vector_load %arg10[%get3A_304, %get3A_305] {strides = array<i32>} : memref<128x128xf32, #tpu.memory_space<vmem>>, vector<1x16xf32>,
        %get3A_307 = vector.shape_cast %get3A_306 : vector<1x16xf32> to vector<16xf32>
        %swap3A_308 = arith.index_cast %add3A_296 : i32 to index
        %swap3A_309 = arith.constant 16 : index
        %swap3A_310 = tpu.vector_load %arg11[%swap3A_308, %swap3A_309] {strides = array<i32>} : memref<128x128xf32, #tpu.memory_space<vmem>>, vector<1x16xf32>,
        %swap3A_311 = vector.shape_cast %swap3A_310 : vector<1x16xf32> to vector<16xf32>
        %swap3A_312 = vector.shape_cast %get3A_307 : vector<16xf32> to vector<1x16xf32>
        tpu.vector_store %arg11[%swap3A_308, %swap3A_309], %swap3A_312 {strides = array<i32>} : memref<128x128xf32, #tpu.memory_space<vmem>>, vector<1x16xf32>,
        %get3A_313 = arith.index_cast %add3A_296 : i32 to index
        %get3A_314 = arith.constant 32 : index
        %get3A_315 = tpu.vector_load %arg10[%get3A_313, %get3A_314] {strides = array<i32>} : memref<128x128xf32, #tpu.memory_space<vmem>>, vector<1x16xf32>,
        %get3A_316 = vector.shape_cast %get3A_315 : vector<1x16xf32> to vector<16xf32>
        %swap3A_317 = arith.index_cast %add3A_296 : i32 to index
        %swap3A_318 = arith.constant 32 : index
        %swap3A_319 = tpu.vector_load %arg11[%swap3A_317, %swap3A_318] {strides = array<i32>} : memref<128x128xf32, #tpu.memory_space<vmem>>, vector<1x16xf32>,
        %swap3A_320 = vector.shape_cast %swap3A_319 : vector<1x16xf32> to vector<16xf32>
        %swap3A_321 = vector.shape_cast %get3A_316 : vector<16xf32> to vector<1x16xf32>
        tpu.vector_store %arg11[%swap3A_317, %swap3A_318], %swap3A_321 {strides = array<i32>} : memref<128x128xf32, #tpu.memory_space<vmem>>, vector<1x16xf32>,
        %get3A_322 = arith.index_cast %add3A_296 : i32 to index
        %get3A_323 = arith.constant 48 : index
        %get3A_324 = tpu.vector_load %arg10[%get3A_322, %get3A_323] {strides = array<i32>} : memref<128x128xf32, #tpu.memory_space<vmem>>, vector<1x16xf32>,
        %get3A_325 = vector.shape_cast %get3A_324 : vector<1x16xf32> to vector<16xf32>
        %swap3A_326 = arith.index_cast %add3A_296 : i32 to index
        %swap3A_327 = arith.constant 48 : index
        %swap3A_328 = tpu.vector_load %arg11[%swap3A_326, %swap3A_327] {strides = array<i32>} : memref<128x128xf32, #tpu.memory_space<vmem>>, vector<1x16xf32>,
        %swap3A_329 = vector.shape_cast %swap3A_328 : vector<1x16xf32> to vector<16xf32>
        %swap3A_330 = vector.shape_cast %get3A_325 : vector<16xf32> to vector<1x16xf32>
        tpu.vector_store %arg11[%swap3A_326, %swap3A_327], %swap3A_330 {strides = array<i32>} : memref<128x128xf32, #tpu.memory_space<vmem>>, vector<1x16xf32>,
        %get3A_331 = arith.index_cast %add3A_296 : i32 to index
        %get3A_332 = arith.constant 64 : index
        %get3A_333 = tpu.vector_load %arg10[%get3A_331, %get3A_332] {strides = array<i32>} : memref<128x128xf32, #tpu.memory_space<vmem>>, vector<1x16xf32>,
        %get3A_334 = vector.shape_cast %get3A_333 : vector<1x16xf32> to vector<16xf32>
        %swap3A_335 = arith.index_cast %add3A_296 : i32 to index
        %swap3A_336 = arith.constant 64 : index
        %swap3A_337 = tpu.vector_load %arg11[%swap3A_335, %swap3A_336] {strides = array<i32>} : memref<128x128xf32, #tpu.memory_space<vmem>>, vector<1x16xf32>,
        %swap3A_338 = vector.shape_cast %swap3A_337 : vector<1x16xf32> to vector<16xf32>
        %swap3A_339 = vector.shape_cast %get3A_334 : vector<16xf32> to vector<1x16xf32>
        tpu.vector_store %arg11[%swap3A_335, %swap3A_336], %swap3A_339 {strides = array<i32>} : memref<128x128xf32, #tpu.memory_space<vmem>>, vector<1x16xf32>,
        %get3A_340 = arith.index_cast %add3A_296 : i32 to index
        %get3A_341 = arith.constant 80 : index
        %get3A_342 = tpu.vector_load %arg10[%get3A_340, %get3A_341] {strides = array<i32>} : memref<128x128xf32, #tpu.memory_space<vmem>>, vector<1x16xf32>,
        %get3A_343 = vector.shape_cast %get3A_342 : vector<1x16xf32> to vector<16xf32>
        %swap3A_344 = arith.index_cast %add3A_296 : i32 to index
        %swap3A_345 = arith.constant 80 : index
        %swap3A_346 = tpu.vector_load %arg11[%swap3A_344, %swap3A_345] {strides = array<i32>} : memref<128x128xf32, #tpu.memory_space<vmem>>, vector<1x16xf32>,
        %swap3A_347 = vector.shape_cast %swap3A_346 : vector<1x16xf32> to vector<16xf32>
        %swap3A_348 = vector.shape_cast %get3A_343 : vector<16xf32> to vector<1x16xf32>
        tpu.vector_store %arg11[%swap3A_344, %swap3A_345], %swap3A_348 {strides = array<i32>} : memref<128x128xf32, #tpu.memory_space<vmem>>, vector<1x16xf32>,
        %get3A_349 = arith.index_cast %add3A_296 : i32 to index
        %get3A_350 = arith.constant 96 : index
        %get3A_351 = tpu.vector_load %arg10[%get3A_349, %get3A_350] {strides = array<i32>} : memref<128x128xf32, #tpu.memory_space<vmem>>, vector<1x16xf32>,
        %get3A_352 = vector.shape_cast %get3A_351 : vector<1x16xf32> to vector<16xf32>
        %swap3A_353 = arith.index_cast %add3A_296 : i32 to index
        %swap3A_354 = arith.constant 96 : index
        %swap3A_355 = tpu.vector_load %arg11[%swap3A_353, %swap3A_354] {strides = array<i32>} : memref<128x128xf32, #tpu.memory_space<vmem>>, vector<1x16xf32>,
        %swap3A_356 = vector.shape_cast %swap3A_355 : vector<1x16xf32> to vector<16xf32>
        %swap3A_357 = vector.shape_cast %get3A_352 : vector<16xf32> to vector<1x16xf32>
        tpu.vector_store %arg11[%swap3A_353, %swap3A_354], %swap3A_357 {strides = array<i32>} : memref<128x128xf32, #tpu.memory_space<vmem>>, vector<1x16xf32>,
        %get3A_358 = arith.index_cast %add3A_296 : i32 to index
        %get3A_359 = arith.constant 112 : index
        %get3A_360 = tpu.vector_load %arg10[%get3A_358, %get3A_359] {strides = array<i32>} : memref<128x128xf32, #tpu.memory_space<vmem>>, vector<1x16xf32>,
        %get3A_361 = vector.shape_cast %get3A_360 : vector<1x16xf32> to vector<16xf32>
        %swap3A_362 = arith.index_cast %add3A_296 : i32 to index
        %swap3A_363 = arith.constant 112 : index
        %swap3A_364 = tpu.vector_load %arg11[%swap3A_362, %swap3A_363] {strides = array<i32>} : memref<128x128xf32, #tpu.memory_space<vmem>>, vector<1x16xf32>,
        %swap3A_365 = vector.shape_cast %swap3A_364 : vector<1x16xf32> to vector<16xf32>
        %swap3A_366 = vector.shape_cast %get3A_361 : vector<16xf32> to vector<1x16xf32>
        tpu.vector_store %arg11[%swap3A_362, %swap3A_363], %swap3A_366 {strides = array<i32>} : memref<128x128xf32, #tpu.memory_space<vmem>>, vector<1x16xf32>,
      }
      %scan3A_112 = arith.constant 128 : i32
      %dma_start3A_113 = arith.constant 2 : i32
      %dma_start3A_114 = arith.constant 0 : i32
      %dma_start3A_115 = tpu.memref_slice %arg8[%dma_start3A_113, %dma_start3A_114] : memref<8x128xi32, #tpu.memory_space<vmem>> -> memref<1x128xi32, #tpu.memory_space<vmem>>
      %dma_start3A_116 = tpu.memref_squeeze %dma_start3A_115 : memref<1x128xi32, #tpu.memory_space<vmem>> -> memref<128xi32, #tpu.memory_space<vmem>>
      %dma_start3A_117 = arith.constant 0 : i32
      %dma_start3A_118 = arith.constant 0 : i32
      %dma_start3A_119 = tpu.memref_slice %arg12[%dma_start3A_117, %dma_start3A_118] : memref<10240x128xf32, #tpu.memory_space<vmem_shared>> -> memref<10240x128xf32, #tpu.memory_space<vmem_shared>>
      tpu.enqueue_indirect_dma source(%arg11 : memref<128x128xf32, #tpu.memory_space<vmem>>) target(%dma_start3A_119 : memref<10240x128xf32, #tpu.memory_space<vmem_shared>>) offsets(%dma_start3A_116 : memref<128xi32, #tpu.memory_space<vmem>>) semaphore(%arg14 : memref<!tpu.dma_semaphore, #tpu.memory_space<semaphore_mem>>) {add = true}
      %dma_wait3A_120 = arith.constant 2 : i32
      %dma_wait3A_121 = arith.constant 0 : i32
      %dma_wait3A_122 = tpu.memref_slice %arg8[%dma_wait3A_120, %dma_wait3A_121] : memref<8x128xi32, #tpu.memory_space<vmem>> -> memref<1x128xi32, #tpu.memory_space<vmem>>
      %dma_wait3A_123 = tpu.memref_squeeze %dma_wait3A_122 : memref<1x128xi32, #tpu.memory_space<vmem>> -> memref<128xi32, #tpu.memory_space<vmem>>
      %dma_wait3A_124 = arith.constant 0 : i32
      %dma_wait3A_125 = arith.constant 0 : i32
      %dma_wait3A_126 = tpu.memref_slice %arg12[%dma_wait3A_124, %dma_wait3A_125] : memref<10240x128xf32, #tpu.memory_space<vmem_shared>> -> memref<10240x128xf32, #tpu.memory_space<vmem_shared>>
      tpu.wait_indirect_dma semaphore(%arg14 : memref<!tpu.dma_semaphore, #tpu.memory_space<semaphore_mem>>) src(%arg11 : memref<128x128xf32, #tpu.memory_space<vmem>>) dst(%dma_wait3A_126 : memref<10240x128xf32, #tpu.memory_space<vmem_shared>>)
      %dma_start3A_127 = arith.constant 3 : i32
      %dma_start3A_128 = arith.constant 0 : i32
      %dma_start3A_129 = tpu.memref_slice %arg7[%dma_start3A_127, %dma_start3A_128] : memref<8x128xi32, #tpu.memory_space<vmem>> -> memref<1x128xi32, #tpu.memory_space<vmem>>
      %dma_start3A_130 = tpu.memref_squeeze %dma_start3A_129 : memref<1x128xi32, #tpu.memory_space<vmem>> -> memref<128xi32, #tpu.memory_space<vmem>>
      %dma_start3A_131 = arith.constant 0 : i32
      %dma_start3A_132 = arith.constant 0 : i32
      %dma_start3A_133 = tpu.memref_slice %arg2[%dma_start3A_131, %dma_start3A_132] : memref<10000x128xf32, #tpu.memory_space<hbm>> -> memref<10000x128xf32, #tpu.memory_space<hbm>>
      tpu.enqueue_indirect_dma source(%dma_start3A_133 : memref<10000x128xf32, #tpu.memory_space<hbm>>) target(%arg10 : memref<128x128xf32, #tpu.memory_space<vmem>>) offsets(%dma_start3A_130 : memref<128xi32, #tpu.memory_space<vmem>>) semaphore(%arg13 : memref<!tpu.dma_semaphore, #tpu.memory_space<semaphore_mem>>)
      %dma_wait3A_134 = arith.constant 3 : i32
      %dma_wait3A_135 = arith.constant 0 : i32
      %dma_wait3A_136 = tpu.memref_slice %arg7[%dma_wait3A_134, %dma_wait3A_135] : memref<8x128xi32, #tpu.memory_space<vmem>> -> memref<1x128xi32, #tpu.memory_space<vmem>>
      %dma_wait3A_137 = tpu.memref_squeeze %dma_wait3A_136 : memref<1x128xi32, #tpu.memory_space<vmem>> -> memref<128xi32, #tpu.memory_space<vmem>>
      %dma_wait3A_138 = arith.constant 0 : i32
      %dma_wait3A_139 = arith.constant 0 : i32
      %dma_wait3A_140 = tpu.memref_slice %arg2[%dma_wait3A_138, %dma_wait3A_139] : memref<10000x128xf32, #tpu.memory_space<hbm>> -> memref<10000x128xf32, #tpu.memory_space<hbm>>
      tpu.wait_indirect_dma semaphore(%arg13 : memref<!tpu.dma_semaphore, #tpu.memory_space<semaphore_mem>>) src(%dma_wait3A_140 : memref<10000x128xf32, #tpu.memory_space<hbm>>) dst(%arg10 : memref<128x128xf32, #tpu.memory_space<vmem>>)
      %scan3A_141 = arith.constant 0 : i32
      %scan3A_142 = arith.constant 128 : i32
      %scan3A_143 = arith.addi %scan3A_141, %scan3A_142 : i32
      %scan3A_144 = arith.constant 1 : i32
      scf.for %scan3A_292 = %scan3A_141 to %scan3A_143 step %scan3A_144  : i32 {
        %mul3A_293 = arith.constant 1 : i32
        %mul3A_294 = arith.muli %scan3A_292, %mul3A_293 : i32
        %add3A_295 = arith.constant 0 : i32
        %add3A_296 = arith.addi %add3A_295, %mul3A_294 : i32
        %get3A = arith.index_cast %add3A_296 : i32 to index
        %get3A_297 = arith.constant 0 : index
        %get3A_298 = tpu.vector_load %arg10[%get3A, %get3A_297] {strides = array<i32>} : memref<128x128xf32, #tpu.memory_space<vmem>>, vector<1x16xf32>,
        %get3A_299 = vector.shape_cast %get3A_298 : vector<1x16xf32> to vector<16xf32>
        %swap3A = arith.index_cast %add3A_296 : i32 to index
        %swap3A_300 = arith.constant 0 : index
        %swap3A_301 = tpu.vector_load %arg11[%swap3A, %swap3A_300] {strides = array<i32>} : memref<128x128xf32, #tpu.memory_space<vmem>>, vector<1x16xf32>,
        %swap3A_302 = vector.shape_cast %swap3A_301 : vector<1x16xf32> to vector<16xf32>
        %swap3A_303 = vector.shape_cast %get3A_299 : vector<16xf32> to vector<1x16xf32>
        tpu.vector_store %arg11[%swap3A, %swap3A_300], %swap3A_303 {strides = array<i32>} : memref<128x128xf32, #tpu.memory_space<vmem>>, vector<1x16xf32>,
        %get3A_304 = arith.index_cast %add3A_296 : i32 to index
        %get3A_305 = arith.constant 16 : index
        %get3A_306 = tpu.vector_load %arg10[%get3A_304, %get3A_305] {strides = array<i32>} : memref<128x128xf32, #tpu.memory_space<vmem>>, vector<1x16xf32>,
        %get3A_307 = vector.shape_cast %get3A_306 : vector<1x16xf32> to vector<16xf32>
        %swap3A_308 = arith.index_cast %add3A_296 : i32 to index
        %swap3A_309 = arith.constant 16 : index
        %swap3A_310 = tpu.vector_load %arg11[%swap3A_308, %swap3A_309] {strides = array<i32>} : memref<128x128xf32, #tpu.memory_space<vmem>>, vector<1x16xf32>,
        %swap3A_311 = vector.shape_cast %swap3A_310 : vector<1x16xf32> to vector<16xf32>
        %swap3A_312 = vector.shape_cast %get3A_307 : vector<16xf32> to vector<1x16xf32>
        tpu.vector_store %arg11[%swap3A_308, %swap3A_309], %swap3A_312 {strides = array<i32>} : memref<128x128xf32, #tpu.memory_space<vmem>>, vector<1x16xf32>,
        %get3A_313 = arith.index_cast %add3A_296 : i32 to index
        %get3A_314 = arith.constant 32 : index
        %get3A_315 = tpu.vector_load %arg10[%get3A_313, %get3A_314] {strides = array<i32>} : memref<128x128xf32, #tpu.memory_space<vmem>>, vector<1x16xf32>,
        %get3A_316 = vector.shape_cast %get3A_315 : vector<1x16xf32> to vector<16xf32>
        %swap3A_317 = arith.index_cast %add3A_296 : i32 to index
        %swap3A_318 = arith.constant 32 : index
        %swap3A_319 = tpu.vector_load %arg11[%swap3A_317, %swap3A_318] {strides = array<i32>} : memref<128x128xf32, #tpu.memory_space<vmem>>, vector<1x16xf32>,
        %swap3A_320 = vector.shape_cast %swap3A_319 : vector<1x16xf32> to vector<16xf32>
        %swap3A_321 = vector.shape_cast %get3A_316 : vector<16xf32> to vector<1x16xf32>
        tpu.vector_store %arg11[%swap3A_317, %swap3A_318], %swap3A_321 {strides = array<i32>} : memref<128x128xf32, #tpu.memory_space<vmem>>, vector<1x16xf32>,
        %get3A_322 = arith.index_cast %add3A_296 : i32 to index
        %get3A_323 = arith.constant 48 : index
        %get3A_324 = tpu.vector_load %arg10[%get3A_322, %get3A_323] {strides = array<i32>} : memref<128x128xf32, #tpu.memory_space<vmem>>, vector<1x16xf32>,
        %get3A_325 = vector.shape_cast %get3A_324 : vector<1x16xf32> to vector<16xf32>
        %swap3A_326 = arith.index_cast %add3A_296 : i32 to index
        %swap3A_327 = arith.constant 48 : index
        %swap3A_328 = tpu.vector_load %arg11[%swap3A_326, %swap3A_327] {strides = array<i32>} : memref<128x128xf32, #tpu.memory_space<vmem>>, vector<1x16xf32>,
        %swap3A_329 = vector.shape_cast %swap3A_328 : vector<1x16xf32> to vector<16xf32>
        %swap3A_330 = vector.shape_cast %get3A_325 : vector<16xf32> to vector<1x16xf32>
        tpu.vector_store %arg11[%swap3A_326, %swap3A_327], %swap3A_330 {strides = array<i32>} : memref<128x128xf32, #tpu.memory_space<vmem>>, vector<1x16xf32>,
        %get3A_331 = arith.index_cast %add3A_296 : i32 to index
        %get3A_332 = arith.constant 64 : index
        %get3A_333 = tpu.vector_load %arg10[%get3A_331, %get3A_332] {strides = array<i32>} : memref<128x128xf32, #tpu.memory_space<vmem>>, vector<1x16xf32>,
        %get3A_334 = vector.shape_cast %get3A_333 : vector<1x16xf32> to vector<16xf32>
        %swap3A_335 = arith.index_cast %add3A_296 : i32 to index
        %swap3A_336 = arith.constant 64 : index
        %swap3A_337 = tpu.vector_load %arg11[%swap3A_335, %swap3A_336] {strides = array<i32>} : memref<128x128xf32, #tpu.memory_space<vmem>>, vector<1x16xf32>,
        %swap3A_338 = vector.shape_cast %swap3A_337 : vector<1x16xf32> to vector<16xf32>
        %swap3A_339 = vector.shape_cast %get3A_334 : vector<16xf32> to vector<1x16xf32>
        tpu.vector_store %arg11[%swap3A_335, %swap3A_336], %swap3A_339 {strides = array<i32>} : memref<128x128xf32, #tpu.memory_space<vmem>>, vector<1x16xf32>,
        %get3A_340 = arith.index_cast %add3A_296 : i32 to index
        %get3A_341 = arith.constant 80 : index
        %get3A_342 = tpu.vector_load %arg10[%get3A_340, %get3A_341] {strides = array<i32>} : memref<128x128xf32, #tpu.memory_space<vmem>>, vector<1x16xf32>,
        %get3A_343 = vector.shape_cast %get3A_342 : vector<1x16xf32> to vector<16xf32>
        %swap3A_344 = arith.index_cast %add3A_296 : i32 to index
        %swap3A_345 = arith.constant 80 : index
        %swap3A_346 = tpu.vector_load %arg11[%swap3A_344, %swap3A_345] {strides = array<i32>} : memref<128x128xf32, #tpu.memory_space<vmem>>, vector<1x16xf32>,
        %swap3A_347 = vector.shape_cast %swap3A_346 : vector<1x16xf32> to vector<16xf32>
        %swap3A_348 = vector.shape_cast %get3A_343 : vector<16xf32> to vector<1x16xf32>
        tpu.vector_store %arg11[%swap3A_344, %swap3A_345], %swap3A_348 {strides = array<i32>} : memref<128x128xf32, #tpu.memory_space<vmem>>, vector<1x16xf32>,
        %get3A_349 = arith.index_cast %add3A_296 : i32 to index
        %get3A_350 = arith.constant 96 : index
        %get3A_351 = tpu.vector_load %arg10[%get3A_349, %get3A_350] {strides = array<i32>} : memref<128x128xf32, #tpu.memory_space<vmem>>, vector<1x16xf32>,
        %get3A_352 = vector.shape_cast %get3A_351 : vector<1x16xf32> to vector<16xf32>
        %swap3A_353 = arith.index_cast %add3A_296 : i32 to index
        %swap3A_354 = arith.constant 96 : index
        %swap3A_355 = tpu.vector_load %arg11[%swap3A_353, %swap3A_354] {strides = array<i32>} : memref<128x128xf32, #tpu.memory_space<vmem>>, vector<1x16xf32>,
        %swap3A_356 = vector.shape_cast %swap3A_355 : vector<1x16xf32> to vector<16xf32>
        %swap3A_357 = vector.shape_cast %get3A_352 : vector<16xf32> to vector<1x16xf32>
        tpu.vector_store %arg11[%swap3A_353, %swap3A_354], %swap3A_357 {strides = array<i32>} : memref<128x128xf32, #tpu.memory_space<vmem>>, vector<1x16xf32>,
        %get3A_358 = arith.index_cast %add3A_296 : i32 to index
        %get3A_359 = arith.constant 112 : index
        %get3A_360 = tpu.vector_load %arg10[%get3A_358, %get3A_359] {strides = array<i32>} : memref<128x128xf32, #tpu.memory_space<vmem>>, vector<1x16xf32>,
        %get3A_361 = vector.shape_cast %get3A_360 : vector<1x16xf32> to vector<16xf32>
        %swap3A_362 = arith.index_cast %add3A_296 : i32 to index
        %swap3A_363 = arith.constant 112 : index
        %swap3A_364 = tpu.vector_load %arg11[%swap3A_362, %swap3A_363] {strides = array<i32>} : memref<128x128xf32, #tpu.memory_space<vmem>>, vector<1x16xf32>,
        %swap3A_365 = vector.shape_cast %swap3A_364 : vector<1x16xf32> to vector<16xf32>
        %swap3A_366 = vector.shape_cast %get3A_361 : vector<16xf32> to vector<1x16xf32>
        tpu.vector_store %arg11[%swap3A_362, %swap3A_363], %swap3A_366 {strides = array<i32>} : memref<128x128xf32, #tpu.memory_space<vmem>>, vector<1x16xf32>,
      }
      %scan3A_145 = arith.constant 128 : i32
      %dma_start3A_146 = arith.constant 3 : i32
      %dma_start3A_147 = arith.constant 0 : i32
      %dma_start3A_148 = tpu.memref_slice %arg8[%dma_start3A_146, %dma_start3A_147] : memref<8x128xi32, #tpu.memory_space<vmem>> -> memref<1x128xi32, #tpu.memory_space<vmem>>
      %dma_start3A_149 = tpu.memref_squeeze %dma_start3A_148 : memref<1x128xi32, #tpu.memory_space<vmem>> -> memref<128xi32, #tpu.memory_space<vmem>>
      %dma_start3A_150 = arith.constant 0 : i32
      %dma_start3A_151 = arith.constant 0 : i32
      %dma_start3A_152 = tpu.memref_slice %arg12[%dma_start3A_150, %dma_start3A_151] : memref<10240x128xf32, #tpu.memory_space<vmem_shared>> -> memref<10240x128xf32, #tpu.memory_space<vmem_shared>>
      tpu.enqueue_indirect_dma source(%arg11 : memref<128x128xf32, #tpu.memory_space<vmem>>) target(%dma_start3A_152 : memref<10240x128xf32, #tpu.memory_space<vmem_shared>>) offsets(%dma_start3A_149 : memref<128xi32, #tpu.memory_space<vmem>>) semaphore(%arg14 : memref<!tpu.dma_semaphore, #tpu.memory_space<semaphore_mem>>) {add = true}
      %dma_wait3A_153 = arith.constant 3 : i32
      %dma_wait3A_154 = arith.constant 0 : i32
      %dma_wait3A_155 = tpu.memref_slice %arg8[%dma_wait3A_153, %dma_wait3A_154] : memref<8x128xi32, #tpu.memory_space<vmem>> -> memref<1x128xi32, #tpu.memory_space<vmem>>
      %dma_wait3A_156 = tpu.memref_squeeze %dma_wait3A_155 : memref<1x128xi32, #tpu.memory_space<vmem>> -> memref<128xi32, #tpu.memory_space<vmem>>
      %dma_wait3A_157 = arith.constant 0 : i32
      %dma_wait3A_158 = arith.constant 0 : i32
      %dma_wait3A_159 = tpu.memref_slice %arg12[%dma_wait3A_157, %dma_wait3A_158] : memref<10240x128xf32, #tpu.memory_space<vmem_shared>> -> memref<10240x128xf32, #tpu.memory_space<vmem_shared>>
      tpu.wait_indirect_dma semaphore(%arg14 : memref<!tpu.dma_semaphore, #tpu.memory_space<semaphore_mem>>) src(%arg11 : memref<128x128xf32, #tpu.memory_space<vmem>>) dst(%dma_wait3A_159 : memref<10240x128xf32, #tpu.memory_space<vmem_shared>>)
      %dma_start3A_160 = arith.constant 4 : i32
      %dma_start3A_161 = arith.constant 0 : i32
      %dma_start3A_162 = tpu.memref_slice %arg7[%dma_start3A_160, %dma_start3A_161] : memref<8x128xi32, #tpu.memory_space<vmem>> -> memref<1x128xi32, #tpu.memory_space<vmem>>
      %dma_start3A_163 = tpu.memref_squeeze %dma_start3A_162 : memref<1x128xi32, #tpu.memory_space<vmem>> -> memref<128xi32, #tpu.memory_space<vmem>>
      %dma_start3A_164 = arith.constant 0 : i32
      %dma_start3A_165 = arith.constant 0 : i32
      %dma_start3A_166 = tpu.memref_slice %arg2[%dma_start3A_164, %dma_start3A_165] : memref<10000x128xf32, #tpu.memory_space<hbm>> -> memref<10000x128xf32, #tpu.memory_space<hbm>>
      tpu.enqueue_indirect_dma source(%dma_start3A_166 : memref<10000x128xf32, #tpu.memory_space<hbm>>) target(%arg10 : memref<128x128xf32, #tpu.memory_space<vmem>>) offsets(%dma_start3A_163 : memref<128xi32, #tpu.memory_space<vmem>>) semaphore(%arg13 : memref<!tpu.dma_semaphore, #tpu.memory_space<semaphore_mem>>)
      %dma_wait3A_167 = arith.constant 4 : i32
      %dma_wait3A_168 = arith.constant 0 : i32
      %dma_wait3A_169 = tpu.memref_slice %arg7[%dma_wait3A_167, %dma_wait3A_168] : memref<8x128xi32, #tpu.memory_space<vmem>> -> memref<1x128xi32, #tpu.memory_space<vmem>>
      %dma_wait3A_170 = tpu.memref_squeeze %dma_wait3A_169 : memref<1x128xi32, #tpu.memory_space<vmem>> -> memref<128xi32, #tpu.memory_space<vmem>>
      %dma_wait3A_171 = arith.constant 0 : i32
      %dma_wait3A_172 = arith.constant 0 : i32
      %dma_wait3A_173 = tpu.memref_slice %arg2[%dma_wait3A_171, %dma_wait3A_172] : memref<10000x128xf32, #tpu.memory_space<hbm>> -> memref<10000x128xf32, #tpu.memory_space<hbm>>
      tpu.wait_indirect_dma semaphore(%arg13 : memref<!tpu.dma_semaphore, #tpu.memory_space<semaphore_mem>>) src(%dma_wait3A_173 : memref<10000x128xf32, #tpu.memory_space<hbm>>) dst(%arg10 : memref<128x128xf32, #tpu.memory_space<vmem>>)
      %scan3A_174 = arith.constant 0 : i32
      %scan3A_175 = arith.constant 128 : i32
      %scan3A_176 = arith.addi %scan3A_174, %scan3A_175 : i32
      %scan3A_177 = arith.constant 1 : i32
      scf.for %scan3A_292 = %scan3A_174 to %scan3A_176 step %scan3A_177  : i32 {
        %mul3A_293 = arith.constant 1 : i32
        %mul3A_294 = arith.muli %scan3A_292, %mul3A_293 : i32
        %add3A_295 = arith.constant 0 : i32
        %add3A_296 = arith.addi %add3A_295, %mul3A_294 : i32
        %get3A = arith.index_cast %add3A_296 : i32 to index
        %get3A_297 = arith.constant 0 : index
        %get3A_298 = tpu.vector_load %arg10[%get3A, %get3A_297] {strides = array<i32>} : memref<128x128xf32, #tpu.memory_space<vmem>>, vector<1x16xf32>,
        %get3A_299 = vector.shape_cast %get3A_298 : vector<1x16xf32> to vector<16xf32>
        %swap3A = arith.index_cast %add3A_296 : i32 to index
        %swap3A_300 = arith.constant 0 : index
        %swap3A_301 = tpu.vector_load %arg11[%swap3A, %swap3A_300] {strides = array<i32>} : memref<128x128xf32, #tpu.memory_space<vmem>>, vector<1x16xf32>,
        %swap3A_302 = vector.shape_cast %swap3A_301 : vector<1x16xf32> to vector<16xf32>
        %swap3A_303 = vector.shape_cast %get3A_299 : vector<16xf32> to vector<1x16xf32>
        tpu.vector_store %arg11[%swap3A, %swap3A_300], %swap3A_303 {strides = array<i32>} : memref<128x128xf32, #tpu.memory_space<vmem>>, vector<1x16xf32>,
        %get3A_304 = arith.index_cast %add3A_296 : i32 to index
        %get3A_305 = arith.constant 16 : index
        %get3A_306 = tpu.vector_load %arg10[%get3A_304, %get3A_305] {strides = array<i32>} : memref<128x128xf32, #tpu.memory_space<vmem>>, vector<1x16xf32>,
        %get3A_307 = vector.shape_cast %get3A_306 : vector<1x16xf32> to vector<16xf32>
        %swap3A_308 = arith.index_cast %add3A_296 : i32 to index
        %swap3A_309 = arith.constant 16 : index
        %swap3A_310 = tpu.vector_load %arg11[%swap3A_308, %swap3A_309] {strides = array<i32>} : memref<128x128xf32, #tpu.memory_space<vmem>>, vector<1x16xf32>,
        %swap3A_311 = vector.shape_cast %swap3A_310 : vector<1x16xf32> to vector<16xf32>
        %swap3A_312 = vector.shape_cast %get3A_307 : vector<16xf32> to vector<1x16xf32>
        tpu.vector_store %arg11[%swap3A_308, %swap3A_309], %swap3A_312 {strides = array<i32>} : memref<128x128xf32, #tpu.memory_space<vmem>>, vector<1x16xf32>,
        %get3A_313 = arith.index_cast %add3A_296 : i32 to index
        %get3A_314 = arith.constant 32 : index
        %get3A_315 = tpu.vector_load %arg10[%get3A_313, %get3A_314] {strides = array<i32>} : memref<128x128xf32, #tpu.memory_space<vmem>>, vector<1x16xf32>,
        %get3A_316 = vector.shape_cast %get3A_315 : vector<1x16xf32> to vector<16xf32>
        %swap3A_317 = arith.index_cast %add3A_296 : i32 to index
        %swap3A_318 = arith.constant 32 : index
        %swap3A_319 = tpu.vector_load %arg11[%swap3A_317, %swap3A_318] {strides = array<i32>} : memref<128x128xf32, #tpu.memory_space<vmem>>, vector<1x16xf32>,
        %swap3A_320 = vector.shape_cast %swap3A_319 : vector<1x16xf32> to vector<16xf32>
        %swap3A_321 = vector.shape_cast %get3A_316 : vector<16xf32> to vector<1x16xf32>
        tpu.vector_store %arg11[%swap3A_317, %swap3A_318], %swap3A_321 {strides = array<i32>} : memref<128x128xf32, #tpu.memory_space<vmem>>, vector<1x16xf32>,
        %get3A_322 = arith.index_cast %add3A_296 : i32 to index
        %get3A_323 = arith.constant 48 : index
        %get3A_324 = tpu.vector_load %arg10[%get3A_322, %get3A_323] {strides = array<i32>} : memref<128x128xf32, #tpu.memory_space<vmem>>, vector<1x16xf32>,
        %get3A_325 = vector.shape_cast %get3A_324 : vector<1x16xf32> to vector<16xf32>
        %swap3A_326 = arith.index_cast %add3A_296 : i32 to index
        %swap3A_327 = arith.constant 48 : index
        %swap3A_328 = tpu.vector_load %arg11[%swap3A_326, %swap3A_327] {strides = array<i32>} : memref<128x128xf32, #tpu.memory_space<vmem>>, vector<1x16xf32>,
        %swap3A_329 = vector.shape_cast %swap3A_328 : vector<1x16xf32> to vector<16xf32>
        %swap3A_330 = vector.shape_cast %get3A_325 : vector<16xf32> to vector<1x16xf32>
        tpu.vector_store %arg11[%swap3A_326, %swap3A_327], %swap3A_330 {strides = array<i32>} : memref<128x128xf32, #tpu.memory_space<vmem>>, vector<1x16xf32>,
        %get3A_331 = arith.index_cast %add3A_296 : i32 to index
        %get3A_332 = arith.constant 64 : index
        %get3A_333 = tpu.vector_load %arg10[%get3A_331, %get3A_332] {strides = array<i32>} : memref<128x128xf32, #tpu.memory_space<vmem>>, vector<1x16xf32>,
        %get3A_334 = vector.shape_cast %get3A_333 : vector<1x16xf32> to vector<16xf32>
        %swap3A_335 = arith.index_cast %add3A_296 : i32 to index
        %swap3A_336 = arith.constant 64 : index
        %swap3A_337 = tpu.vector_load %arg11[%swap3A_335, %swap3A_336] {strides = array<i32>} : memref<128x128xf32, #tpu.memory_space<vmem>>, vector<1x16xf32>,
        %swap3A_338 = vector.shape_cast %swap3A_337 : vector<1x16xf32> to vector<16xf32>
        %swap3A_339 = vector.shape_cast %get3A_334 : vector<16xf32> to vector<1x16xf32>
        tpu.vector_store %arg11[%swap3A_335, %swap3A_336], %swap3A_339 {strides = array<i32>} : memref<128x128xf32, #tpu.memory_space<vmem>>, vector<1x16xf32>,
        %get3A_340 = arith.index_cast %add3A_296 : i32 to index
        %get3A_341 = arith.constant 80 : index
        %get3A_342 = tpu.vector_load %arg10[%get3A_340, %get3A_341] {strides = array<i32>} : memref<128x128xf32, #tpu.memory_space<vmem>>, vector<1x16xf32>,
        %get3A_343 = vector.shape_cast %get3A_342 : vector<1x16xf32> to vector<16xf32>
        %swap3A_344 = arith.index_cast %add3A_296 : i32 to index
        %swap3A_345 = arith.constant 80 : index
        %swap3A_346 = tpu.vector_load %arg11[%swap3A_344, %swap3A_345] {strides = array<i32>} : memref<128x128xf32, #tpu.memory_space<vmem>>, vector<1x16xf32>,
        %swap3A_347 = vector.shape_cast %swap3A_346 : vector<1x16xf32> to vector<16xf32>
        %swap3A_348 = vector.shape_cast %get3A_343 : vector<16xf32> to vector<1x16xf32>
        tpu.vector_store %arg11[%swap3A_344, %swap3A_345], %swap3A_348 {strides = array<i32>} : memref<128x128xf32, #tpu.memory_space<vmem>>, vector<1x16xf32>,
        %get3A_349 = arith.index_cast %add3A_296 : i32 to index
        %get3A_350 = arith.constant 96 : index
        %get3A_351 = tpu.vector_load %arg10[%get3A_349, %get3A_350] {strides = array<i32>} : memref<128x128xf32, #tpu.memory_space<vmem>>, vector<1x16xf32>,
        %get3A_352 = vector.shape_cast %get3A_351 : vector<1x16xf32> to vector<16xf32>
        %swap3A_353 = arith.index_cast %add3A_296 : i32 to index
        %swap3A_354 = arith.constant 96 : index
        %swap3A_355 = tpu.vector_load %arg11[%swap3A_353, %swap3A_354] {strides = array<i32>} : memref<128x128xf32, #tpu.memory_space<vmem>>, vector<1x16xf32>,
        %swap3A_356 = vector.shape_cast %swap3A_355 : vector<1x16xf32> to vector<16xf32>
        %swap3A_357 = vector.shape_cast %get3A_352 : vector<16xf32> to vector<1x16xf32>
        tpu.vector_store %arg11[%swap3A_353, %swap3A_354], %swap3A_357 {strides = array<i32>} : memref<128x128xf32, #tpu.memory_space<vmem>>, vector<1x16xf32>,
        %get3A_358 = arith.index_cast %add3A_296 : i32 to index
        %get3A_359 = arith.constant 112 : index
        %get3A_360 = tpu.vector_load %arg10[%get3A_358, %get3A_359] {strides = array<i32>} : memref<128x128xf32, #tpu.memory_space<vmem>>, vector<1x16xf32>,
        %get3A_361 = vector.shape_cast %get3A_360 : vector<1x16xf32> to vector<16xf32>
        %swap3A_362 = arith.index_cast %add3A_296 : i32 to index
        %swap3A_363 = arith.constant 112 : index
        %swap3A_364 = tpu.vector_load %arg11[%swap3A_362, %swap3A_363] {strides = array<i32>} : memref<128x128xf32, #tpu.memory_space<vmem>>, vector<1x16xf32>,
        %swap3A_365 = vector.shape_cast %swap3A_364 : vector<1x16xf32> to vector<16xf32>
        %swap3A_366 = vector.shape_cast %get3A_361 : vector<16xf32> to vector<1x16xf32>
        tpu.vector_store %arg11[%swap3A_362, %swap3A_363], %swap3A_366 {strides = array<i32>} : memref<128x128xf32, #tpu.memory_space<vmem>>, vector<1x16xf32>,
      }
      %scan3A_178 = arith.constant 128 : i32
      %dma_start3A_179 = arith.constant 4 : i32
      %dma_start3A_180 = arith.constant 0 : i32
      %dma_start3A_181 = tpu.memref_slice %arg8[%dma_start3A_179, %dma_start3A_180] : memref<8x128xi32, #tpu.memory_space<vmem>> -> memref<1x128xi32, #tpu.memory_space<vmem>>
      %dma_start3A_182 = tpu.memref_squeeze %dma_start3A_181 : memref<1x128xi32, #tpu.memory_space<vmem>> -> memref<128xi32, #tpu.memory_space<vmem>>
      %dma_start3A_183 = arith.constant 0 : i32
      %dma_start3A_184 = arith.constant 0 : i32
      %dma_start3A_185 = tpu.memref_slice %arg12[%dma_start3A_183, %dma_start3A_184] : memref<10240x128xf32, #tpu.memory_space<vmem_shared>> -> memref<10240x128xf32, #tpu.memory_space<vmem_shared>>
      tpu.enqueue_indirect_dma source(%arg11 : memref<128x128xf32, #tpu.memory_space<vmem>>) target(%dma_start3A_185 : memref<10240x128xf32, #tpu.memory_space<vmem_shared>>) offsets(%dma_start3A_182 : memref<128xi32, #tpu.memory_space<vmem>>) semaphore(%arg14 : memref<!tpu.dma_semaphore, #tpu.memory_space<semaphore_mem>>) {add = true}
      %dma_wait3A_186 = arith.constant 4 : i32
      %dma_wait3A_187 = arith.constant 0 : i32
      %dma_wait3A_188 = tpu.memref_slice %arg8[%dma_wait3A_186, %dma_wait3A_187] : memref<8x128xi32, #tpu.memory_space<vmem>> -> memref<1x128xi32, #tpu.memory_space<vmem>>
      %dma_wait3A_189 = tpu.memref_squeeze %dma_wait3A_188 : memref<1x128xi32, #tpu.memory_space<vmem>> -> memref<128xi32, #tpu.memory_space<vmem>>
      %dma_wait3A_190 = arith.constant 0 : i32
      %dma_wait3A_191 = arith.constant 0 : i32
      %dma_wait3A_192 = tpu.memref_slice %arg12[%dma_wait3A_190, %dma_wait3A_191] : memref<10240x128xf32, #tpu.memory_space<vmem_shared>> -> memref<10240x128xf32, #tpu.memory_space<vmem_shared>>
      tpu.wait_indirect_dma semaphore(%arg14 : memref<!tpu.dma_semaphore, #tpu.memory_space<semaphore_mem>>) src(%arg11 : memref<128x128xf32, #tpu.memory_space<vmem>>) dst(%dma_wait3A_192 : memref<10240x128xf32, #tpu.memory_space<vmem_shared>>)
      %dma_start3A_193 = arith.constant 5 : i32
      %dma_start3A_194 = arith.constant 0 : i32
      %dma_start3A_195 = tpu.memref_slice %arg7[%dma_start3A_193, %dma_start3A_194] : memref<8x128xi32, #tpu.memory_space<vmem>> -> memref<1x128xi32, #tpu.memory_space<vmem>>
      %dma_start3A_196 = tpu.memref_squeeze %dma_start3A_195 : memref<1x128xi32, #tpu.memory_space<vmem>> -> memref<128xi32, #tpu.memory_space<vmem>>
      %dma_start3A_197 = arith.constant 0 : i32
      %dma_start3A_198 = arith.constant 0 : i32
      %dma_start3A_199 = tpu.memref_slice %arg2[%dma_start3A_197, %dma_start3A_198] : memref<10000x128xf32, #tpu.memory_space<hbm>> -> memref<10000x128xf32, #tpu.memory_space<hbm>>
      tpu.enqueue_indirect_dma source(%dma_start3A_199 : memref<10000x128xf32, #tpu.memory_space<hbm>>) target(%arg10 : memref<128x128xf32, #tpu.memory_space<vmem>>) offsets(%dma_start3A_196 : memref<128xi32, #tpu.memory_space<vmem>>) semaphore(%arg13 : memref<!tpu.dma_semaphore, #tpu.memory_space<semaphore_mem>>)
      %dma_wait3A_200 = arith.constant 5 : i32
      %dma_wait3A_201 = arith.constant 0 : i32
      %dma_wait3A_202 = tpu.memref_slice %arg7[%dma_wait3A_200, %dma_wait3A_201] : memref<8x128xi32, #tpu.memory_space<vmem>> -> memref<1x128xi32, #tpu.memory_space<vmem>>
      %dma_wait3A_203 = tpu.memref_squeeze %dma_wait3A_202 : memref<1x128xi32, #tpu.memory_space<vmem>> -> memref<128xi32, #tpu.memory_space<vmem>>
      %dma_wait3A_204 = arith.constant 0 : i32
      %dma_wait3A_205 = arith.constant 0 : i32
      %dma_wait3A_206 = tpu.memref_slice %arg2[%dma_wait3A_204, %dma_wait3A_205] : memref<10000x128xf32, #tpu.memory_space<hbm>> -> memref<10000x128xf32, #tpu.memory_space<hbm>>
      tpu.wait_indirect_dma semaphore(%arg13 : memref<!tpu.dma_semaphore, #tpu.memory_space<semaphore_mem>>) src(%dma_wait3A_206 : memref<10000x128xf32, #tpu.memory_space<hbm>>) dst(%arg10 : memref<128x128xf32, #tpu.memory_space<vmem>>)
      %scan3A_207 = arith.constant 0 : i32
      %scan3A_208 = arith.constant 128 : i32
      %scan3A_209 = arith.addi %scan3A_207, %scan3A_208 : i32
      %scan3A_210 = arith.constant 1 : i32
      scf.for %scan3A_292 = %scan3A_207 to %scan3A_209 step %scan3A_210  : i32 {
        %mul3A_293 = arith.constant 1 : i32
        %mul3A_294 = arith.muli %scan3A_292, %mul3A_293 : i32
        %add3A_295 = arith.constant 0 : i32
        %add3A_296 = arith.addi %add3A_295, %mul3A_294 : i32
        %get3A = arith.index_cast %add3A_296 : i32 to index
        %get3A_297 = arith.constant 0 : index
        %get3A_298 = tpu.vector_load %arg10[%get3A, %get3A_297] {strides = array<i32>} : memref<128x128xf32, #tpu.memory_space<vmem>>, vector<1x16xf32>,
        %get3A_299 = vector.shape_cast %get3A_298 : vector<1x16xf32> to vector<16xf32>
        %swap3A = arith.index_cast %add3A_296 : i32 to index
        %swap3A_300 = arith.constant 0 : index
        %swap3A_301 = tpu.vector_load %arg11[%swap3A, %swap3A_300] {strides = array<i32>} : memref<128x128xf32, #tpu.memory_space<vmem>>, vector<1x16xf32>,
        %swap3A_302 = vector.shape_cast %swap3A_301 : vector<1x16xf32> to vector<16xf32>
        %swap3A_303 = vector.shape_cast %get3A_299 : vector<16xf32> to vector<1x16xf32>
        tpu.vector_store %arg11[%swap3A, %swap3A_300], %swap3A_303 {strides = array<i32>} : memref<128x128xf32, #tpu.memory_space<vmem>>, vector<1x16xf32>,
        %get3A_304 = arith.index_cast %add3A_296 : i32 to index
        %get3A_305 = arith.constant 16 : index
        %get3A_306 = tpu.vector_load %arg10[%get3A_304, %get3A_305] {strides = array<i32>} : memref<128x128xf32, #tpu.memory_space<vmem>>, vector<1x16xf32>,
        %get3A_307 = vector.shape_cast %get3A_306 : vector<1x16xf32> to vector<16xf32>
        %swap3A_308 = arith.index_cast %add3A_296 : i32 to index
        %swap3A_309 = arith.constant 16 : index
        %swap3A_310 = tpu.vector_load %arg11[%swap3A_308, %swap3A_309] {strides = array<i32>} : memref<128x128xf32, #tpu.memory_space<vmem>>, vector<1x16xf32>,
        %swap3A_311 = vector.shape_cast %swap3A_310 : vector<1x16xf32> to vector<16xf32>
        %swap3A_312 = vector.shape_cast %get3A_307 : vector<16xf32> to vector<1x16xf32>
        tpu.vector_store %arg11[%swap3A_308, %swap3A_309], %swap3A_312 {strides = array<i32>} : memref<128x128xf32, #tpu.memory_space<vmem>>, vector<1x16xf32>,
        %get3A_313 = arith.index_cast %add3A_296 : i32 to index
        %get3A_314 = arith.constant 32 : index
        %get3A_315 = tpu.vector_load %arg10[%get3A_313, %get3A_314] {strides = array<i32>} : memref<128x128xf32, #tpu.memory_space<vmem>>, vector<1x16xf32>,
        %get3A_316 = vector.shape_cast %get3A_315 : vector<1x16xf32> to vector<16xf32>
        %swap3A_317 = arith.index_cast %add3A_296 : i32 to index
        %swap3A_318 = arith.constant 32 : index
        %swap3A_319 = tpu.vector_load %arg11[%swap3A_317, %swap3A_318] {strides = array<i32>} : memref<128x128xf32, #tpu.memory_space<vmem>>, vector<1x16xf32>,
        %swap3A_320 = vector.shape_cast %swap3A_319 : vector<1x16xf32> to vector<16xf32>
        %swap3A_321 = vector.shape_cast %get3A_316 : vector<16xf32> to vector<1x16xf32>
        tpu.vector_store %arg11[%swap3A_317, %swap3A_318], %swap3A_321 {strides = array<i32>} : memref<128x128xf32, #tpu.memory_space<vmem>>, vector<1x16xf32>,
        %get3A_322 = arith.index_cast %add3A_296 : i32 to index
        %get3A_323 = arith.constant 48 : index
        %get3A_324 = tpu.vector_load %arg10[%get3A_322, %get3A_323] {strides = array<i32>} : memref<128x128xf32, #tpu.memory_space<vmem>>, vector<1x16xf32>,
        %get3A_325 = vector.shape_cast %get3A_324 : vector<1x16xf32> to vector<16xf32>
        %swap3A_326 = arith.index_cast %add3A_296 : i32 to index
        %swap3A_327 = arith.constant 48 : index
        %swap3A_328 = tpu.vector_load %arg11[%swap3A_326, %swap3A_327] {strides = array<i32>} : memref<128x128xf32, #tpu.memory_space<vmem>>, vector<1x16xf32>,
        %swap3A_329 = vector.shape_cast %swap3A_328 : vector<1x16xf32> to vector<16xf32>
        %swap3A_330 = vector.shape_cast %get3A_325 : vector<16xf32> to vector<1x16xf32>
        tpu.vector_store %arg11[%swap3A_326, %swap3A_327], %swap3A_330 {strides = array<i32>} : memref<128x128xf32, #tpu.memory_space<vmem>>, vector<1x16xf32>,
        %get3A_331 = arith.index_cast %add3A_296 : i32 to index
        %get3A_332 = arith.constant 64 : index
        %get3A_333 = tpu.vector_load %arg10[%get3A_331, %get3A_332] {strides = array<i32>} : memref<128x128xf32, #tpu.memory_space<vmem>>, vector<1x16xf32>,
        %get3A_334 = vector.shape_cast %get3A_333 : vector<1x16xf32> to vector<16xf32>
        %swap3A_335 = arith.index_cast %add3A_296 : i32 to index
        %swap3A_336 = arith.constant 64 : index
        %swap3A_337 = tpu.vector_load %arg11[%swap3A_335, %swap3A_336] {strides = array<i32>} : memref<128x128xf32, #tpu.memory_space<vmem>>, vector<1x16xf32>,
        %swap3A_338 = vector.shape_cast %swap3A_337 : vector<1x16xf32> to vector<16xf32>
        %swap3A_339 = vector.shape_cast %get3A_334 : vector<16xf32> to vector<1x16xf32>
        tpu.vector_store %arg11[%swap3A_335, %swap3A_336], %swap3A_339 {strides = array<i32>} : memref<128x128xf32, #tpu.memory_space<vmem>>, vector<1x16xf32>,
        %get3A_340 = arith.index_cast %add3A_296 : i32 to index
        %get3A_341 = arith.constant 80 : index
        %get3A_342 = tpu.vector_load %arg10[%get3A_340, %get3A_341] {strides = array<i32>} : memref<128x128xf32, #tpu.memory_space<vmem>>, vector<1x16xf32>,
        %get3A_343 = vector.shape_cast %get3A_342 : vector<1x16xf32> to vector<16xf32>
        %swap3A_344 = arith.index_cast %add3A_296 : i32 to index
        %swap3A_345 = arith.constant 80 : index
        %swap3A_346 = tpu.vector_load %arg11[%swap3A_344, %swap3A_345] {strides = array<i32>} : memref<128x128xf32, #tpu.memory_space<vmem>>, vector<1x16xf32>,
        %swap3A_347 = vector.shape_cast %swap3A_346 : vector<1x16xf32> to vector<16xf32>
        %swap3A_348 = vector.shape_cast %get3A_343 : vector<16xf32> to vector<1x16xf32>
        tpu.vector_store %arg11[%swap3A_344, %swap3A_345], %swap3A_348 {strides = array<i32>} : memref<128x128xf32, #tpu.memory_space<vmem>>, vector<1x16xf32>,
        %get3A_349 = arith.index_cast %add3A_296 : i32 to index
        %get3A_350 = arith.constant 96 : index
        %get3A_351 = tpu.vector_load %arg10[%get3A_349, %get3A_350] {strides = array<i32>} : memref<128x128xf32, #tpu.memory_space<vmem>>, vector<1x16xf32>,
        %get3A_352 = vector.shape_cast %get3A_351 : vector<1x16xf32> to vector<16xf32>
        %swap3A_353 = arith.index_cast %add3A_296 : i32 to index
        %swap3A_354 = arith.constant 96 : index
        %swap3A_355 = tpu.vector_load %arg11[%swap3A_353, %swap3A_354] {strides = array<i32>} : memref<128x128xf32, #tpu.memory_space<vmem>>, vector<1x16xf32>,
        %swap3A_356 = vector.shape_cast %swap3A_355 : vector<1x16xf32> to vector<16xf32>
        %swap3A_357 = vector.shape_cast %get3A_352 : vector<16xf32> to vector<1x16xf32>
        tpu.vector_store %arg11[%swap3A_353, %swap3A_354], %swap3A_357 {strides = array<i32>} : memref<128x128xf32, #tpu.memory_space<vmem>>, vector<1x16xf32>,
        %get3A_358 = arith.index_cast %add3A_296 : i32 to index
        %get3A_359 = arith.constant 112 : index
        %get3A_360 = tpu.vector_load %arg10[%get3A_358, %get3A_359] {strides = array<i32>} : memref<128x128xf32, #tpu.memory_space<vmem>>, vector<1x16xf32>,
        %get3A_361 = vector.shape_cast %get3A_360 : vector<1x16xf32> to vector<16xf32>
        %swap3A_362 = arith.index_cast %add3A_296 : i32 to index
        %swap3A_363 = arith.constant 112 : index
        %swap3A_364 = tpu.vector_load %arg11[%swap3A_362, %swap3A_363] {strides = array<i32>} : memref<128x128xf32, #tpu.memory_space<vmem>>, vector<1x16xf32>,
        %swap3A_365 = vector.shape_cast %swap3A_364 : vector<1x16xf32> to vector<16xf32>
        %swap3A_366 = vector.shape_cast %get3A_361 : vector<16xf32> to vector<1x16xf32>
        tpu.vector_store %arg11[%swap3A_362, %swap3A_363], %swap3A_366 {strides = array<i32>} : memref<128x128xf32, #tpu.memory_space<vmem>>, vector<1x16xf32>,
      }
      %scan3A_211 = arith.constant 128 : i32
      %dma_start3A_212 = arith.constant 5 : i32
      %dma_start3A_213 = arith.constant 0 : i32
      %dma_start3A_214 = tpu.memref_slice %arg8[%dma_start3A_212, %dma_start3A_213] : memref<8x128xi32, #tpu.memory_space<vmem>> -> memref<1x128xi32, #tpu.memory_space<vmem>>
      %dma_start3A_215 = tpu.memref_squeeze %dma_start3A_214 : memref<1x128xi32, #tpu.memory_space<vmem>> -> memref<128xi32, #tpu.memory_space<vmem>>
      %dma_start3A_216 = arith.constant 0 : i32
      %dma_start3A_217 = arith.constant 0 : i32
      %dma_start3A_218 = tpu.memref_slice %arg12[%dma_start3A_216, %dma_start3A_217] : memref<10240x128xf32, #tpu.memory_space<vmem_shared>> -> memref<10240x128xf32, #tpu.memory_space<vmem_shared>>
      tpu.enqueue_indirect_dma source(%arg11 : memref<128x128xf32, #tpu.memory_space<vmem>>) target(%dma_start3A_218 : memref<10240x128xf32, #tpu.memory_space<vmem_shared>>) offsets(%dma_start3A_215 : memref<128xi32, #tpu.memory_space<vmem>>) semaphore(%arg14 : memref<!tpu.dma_semaphore, #tpu.memory_space<semaphore_mem>>) {add = true}
      %dma_wait3A_219 = arith.constant 5 : i32
      %dma_wait3A_220 = arith.constant 0 : i32
      %dma_wait3A_221 = tpu.memref_slice %arg8[%dma_wait3A_219, %dma_wait3A_220] : memref<8x128xi32, #tpu.memory_space<vmem>> -> memref<1x128xi32, #tpu.memory_space<vmem>>
      %dma_wait3A_222 = tpu.memref_squeeze %dma_wait3A_221 : memref<1x128xi32, #tpu.memory_space<vmem>> -> memref<128xi32, #tpu.memory_space<vmem>>
      %dma_wait3A_223 = arith.constant 0 : i32
      %dma_wait3A_224 = arith.constant 0 : i32
      %dma_wait3A_225 = tpu.memref_slice %arg12[%dma_wait3A_223, %dma_wait3A_224] : memref<10240x128xf32, #tpu.memory_space<vmem_shared>> -> memref<10240x128xf32, #tpu.memory_space<vmem_shared>>
      tpu.wait_indirect_dma semaphore(%arg14 : memref<!tpu.dma_semaphore, #tpu.memory_space<semaphore_mem>>) src(%arg11 : memref<128x128xf32, #tpu.memory_space<vmem>>) dst(%dma_wait3A_225 : memref<10240x128xf32, #tpu.memory_space<vmem_shared>>)
      %dma_start3A_226 = arith.constant 6 : i32
      %dma_start3A_227 = arith.constant 0 : i32
      %dma_start3A_228 = tpu.memref_slice %arg7[%dma_start3A_226, %dma_start3A_227] : memref<8x128xi32, #tpu.memory_space<vmem>> -> memref<1x128xi32, #tpu.memory_space<vmem>>
      %dma_start3A_229 = tpu.memref_squeeze %dma_start3A_228 : memref<1x128xi32, #tpu.memory_space<vmem>> -> memref<128xi32, #tpu.memory_space<vmem>>
      %dma_start3A_230 = arith.constant 0 : i32
      %dma_start3A_231 = arith.constant 0 : i32
      %dma_start3A_232 = tpu.memref_slice %arg2[%dma_start3A_230, %dma_start3A_231] : memref<10000x128xf32, #tpu.memory_space<hbm>> -> memref<10000x128xf32, #tpu.memory_space<hbm>>
      tpu.enqueue_indirect_dma source(%dma_start3A_232 : memref<10000x128xf32, #tpu.memory_space<hbm>>) target(%arg10 : memref<128x128xf32, #tpu.memory_space<vmem>>) offsets(%dma_start3A_229 : memref<128xi32, #tpu.memory_space<vmem>>) semaphore(%arg13 : memref<!tpu.dma_semaphore, #tpu.memory_space<semaphore_mem>>)
      %dma_wait3A_233 = arith.constant 6 : i32
      %dma_wait3A_234 = arith.constant 0 : i32
      %dma_wait3A_235 = tpu.memref_slice %arg7[%dma_wait3A_233, %dma_wait3A_234] : memref<8x128xi32, #tpu.memory_space<vmem>> -> memref<1x128xi32, #tpu.memory_space<vmem>>
      %dma_wait3A_236 = tpu.memref_squeeze %dma_wait3A_235 : memref<1x128xi32, #tpu.memory_space<vmem>> -> memref<128xi32, #tpu.memory_space<vmem>>
      %dma_wait3A_237 = arith.constant 0 : i32
      %dma_wait3A_238 = arith.constant 0 : i32
      %dma_wait3A_239 = tpu.memref_slice %arg2[%dma_wait3A_237, %dma_wait3A_238] : memref<10000x128xf32, #tpu.memory_space<hbm>> -> memref<10000x128xf32, #tpu.memory_space<hbm>>
      tpu.wait_indirect_dma semaphore(%arg13 : memref<!tpu.dma_semaphore, #tpu.memory_space<semaphore_mem>>) src(%dma_wait3A_239 : memref<10000x128xf32, #tpu.memory_space<hbm>>) dst(%arg10 : memref<128x128xf32, #tpu.memory_space<vmem>>)
      %scan3A_240 = arith.constant 0 : i32
      %scan3A_241 = arith.constant 128 : i32
      %scan3A_242 = arith.addi %scan3A_240, %scan3A_241 : i32
      %scan3A_243 = arith.constant 1 : i32
      scf.for %scan3A_292 = %scan3A_240 to %scan3A_242 step %scan3A_243  : i32 {
        %mul3A_293 = arith.constant 1 : i32
        %mul3A_294 = arith.muli %scan3A_292, %mul3A_293 : i32
        %add3A_295 = arith.constant 0 : i32
        %add3A_296 = arith.addi %add3A_295, %mul3A_294 : i32
        %get3A = arith.index_cast %add3A_296 : i32 to index
        %get3A_297 = arith.constant 0 : index
        %get3A_298 = tpu.vector_load %arg10[%get3A, %get3A_297] {strides = array<i32>} : memref<128x128xf32, #tpu.memory_space<vmem>>, vector<1x16xf32>,
        %get3A_299 = vector.shape_cast %get3A_298 : vector<1x16xf32> to vector<16xf32>
        %swap3A = arith.index_cast %add3A_296 : i32 to index
        %swap3A_300 = arith.constant 0 : index
        %swap3A_301 = tpu.vector_load %arg11[%swap3A, %swap3A_300] {strides = array<i32>} : memref<128x128xf32, #tpu.memory_space<vmem>>, vector<1x16xf32>,
        %swap3A_302 = vector.shape_cast %swap3A_301 : vector<1x16xf32> to vector<16xf32>
        %swap3A_303 = vector.shape_cast %get3A_299 : vector<16xf32> to vector<1x16xf32>
        tpu.vector_store %arg11[%swap3A, %swap3A_300], %swap3A_303 {strides = array<i32>} : memref<128x128xf32, #tpu.memory_space<vmem>>, vector<1x16xf32>,
        %get3A_304 = arith.index_cast %add3A_296 : i32 to index
        %get3A_305 = arith.constant 16 : index
        %get3A_306 = tpu.vector_load %arg10[%get3A_304, %get3A_305] {strides = array<i32>} : memref<128x128xf32, #tpu.memory_space<vmem>>, vector<1x16xf32>,
        %get3A_307 = vector.shape_cast %get3A_306 : vector<1x16xf32> to vector<16xf32>
        %swap3A_308 = arith.index_cast %add3A_296 : i32 to index
        %swap3A_309 = arith.constant 16 : index
        %swap3A_310 = tpu.vector_load %arg11[%swap3A_308, %swap3A_309] {strides = array<i32>} : memref<128x128xf32, #tpu.memory_space<vmem>>, vector<1x16xf32>,
        %swap3A_311 = vector.shape_cast %swap3A_310 : vector<1x16xf32> to vector<16xf32>
        %swap3A_312 = vector.shape_cast %get3A_307 : vector<16xf32> to vector<1x16xf32>
        tpu.vector_store %arg11[%swap3A_308, %swap3A_309], %swap3A_312 {strides = array<i32>} : memref<128x128xf32, #tpu.memory_space<vmem>>, vector<1x16xf32>,
        %get3A_313 = arith.index_cast %add3A_296 : i32 to index
        %get3A_314 = arith.constant 32 : index
        %get3A_315 = tpu.vector_load %arg10[%get3A_313, %get3A_314] {strides = array<i32>} : memref<128x128xf32, #tpu.memory_space<vmem>>, vector<1x16xf32>,
        %get3A_316 = vector.shape_cast %get3A_315 : vector<1x16xf32> to vector<16xf32>
        %swap3A_317 = arith.index_cast %add3A_296 : i32 to index
        %swap3A_318 = arith.constant 32 : index
        %swap3A_319 = tpu.vector_load %arg11[%swap3A_317, %swap3A_318] {strides = array<i32>} : memref<128x128xf32, #tpu.memory_space<vmem>>, vector<1x16xf32>,
        %swap3A_320 = vector.shape_cast %swap3A_319 : vector<1x16xf32> to vector<16xf32>
        %swap3A_321 = vector.shape_cast %get3A_316 : vector<16xf32> to vector<1x16xf32>
        tpu.vector_store %arg11[%swap3A_317, %swap3A_318], %swap3A_321 {strides = array<i32>} : memref<128x128xf32, #tpu.memory_space<vmem>>, vector<1x16xf32>,
        %get3A_322 = arith.index_cast %add3A_296 : i32 to index
        %get3A_323 = arith.constant 48 : index
        %get3A_324 = tpu.vector_load %arg10[%get3A_322, %get3A_323] {strides = array<i32>} : memref<128x128xf32, #tpu.memory_space<vmem>>, vector<1x16xf32>,
        %get3A_325 = vector.shape_cast %get3A_324 : vector<1x16xf32> to vector<16xf32>
        %swap3A_326 = arith.index_cast %add3A_296 : i32 to index
        %swap3A_327 = arith.constant 48 : index
        %swap3A_328 = tpu.vector_load %arg11[%swap3A_326, %swap3A_327] {strides = array<i32>} : memref<128x128xf32, #tpu.memory_space<vmem>>, vector<1x16xf32>,
        %swap3A_329 = vector.shape_cast %swap3A_328 : vector<1x16xf32> to vector<16xf32>
        %swap3A_330 = vector.shape_cast %get3A_325 : vector<16xf32> to vector<1x16xf32>
        tpu.vector_store %arg11[%swap3A_326, %swap3A_327], %swap3A_330 {strides = array<i32>} : memref<128x128xf32, #tpu.memory_space<vmem>>, vector<1x16xf32>,
        %get3A_331 = arith.index_cast %add3A_296 : i32 to index
        %get3A_332 = arith.constant 64 : index
        %get3A_333 = tpu.vector_load %arg10[%get3A_331, %get3A_332] {strides = array<i32>} : memref<128x128xf32, #tpu.memory_space<vmem>>, vector<1x16xf32>,
        %get3A_334 = vector.shape_cast %get3A_333 : vector<1x16xf32> to vector<16xf32>
        %swap3A_335 = arith.index_cast %add3A_296 : i32 to index
        %swap3A_336 = arith.constant 64 : index
        %swap3A_337 = tpu.vector_load %arg11[%swap3A_335, %swap3A_336] {strides = array<i32>} : memref<128x128xf32, #tpu.memory_space<vmem>>, vector<1x16xf32>,
        %swap3A_338 = vector.shape_cast %swap3A_337 : vector<1x16xf32> to vector<16xf32>
        %swap3A_339 = vector.shape_cast %get3A_334 : vector<16xf32> to vector<1x16xf32>
        tpu.vector_store %arg11[%swap3A_335, %swap3A_336], %swap3A_339 {strides = array<i32>} : memref<128x128xf32, #tpu.memory_space<vmem>>, vector<1x16xf32>,
        %get3A_340 = arith.index_cast %add3A_296 : i32 to index
        %get3A_341 = arith.constant 80 : index
        %get3A_342 = tpu.vector_load %arg10[%get3A_340, %get3A_341] {strides = array<i32>} : memref<128x128xf32, #tpu.memory_space<vmem>>, vector<1x16xf32>,
        %get3A_343 = vector.shape_cast %get3A_342 : vector<1x16xf32> to vector<16xf32>
        %swap3A_344 = arith.index_cast %add3A_296 : i32 to index
        %swap3A_345 = arith.constant 80 : index
        %swap3A_346 = tpu.vector_load %arg11[%swap3A_344, %swap3A_345] {strides = array<i32>} : memref<128x128xf32, #tpu.memory_space<vmem>>, vector<1x16xf32>,
        %swap3A_347 = vector.shape_cast %swap3A_346 : vector<1x16xf32> to vector<16xf32>
        %swap3A_348 = vector.shape_cast %get3A_343 : vector<16xf32> to vector<1x16xf32>
        tpu.vector_store %arg11[%swap3A_344, %swap3A_345], %swap3A_348 {strides = array<i32>} : memref<128x128xf32, #tpu.memory_space<vmem>>, vector<1x16xf32>,
        %get3A_349 = arith.index_cast %add3A_296 : i32 to index
        %get3A_350 = arith.constant 96 : index
        %get3A_351 = tpu.vector_load %arg10[%get3A_349, %get3A_350] {strides = array<i32>} : memref<128x128xf32, #tpu.memory_space<vmem>>, vector<1x16xf32>,
        %get3A_352 = vector.shape_cast %get3A_351 : vector<1x16xf32> to vector<16xf32>
        %swap3A_353 = arith.index_cast %add3A_296 : i32 to index
        %swap3A_354 = arith.constant 96 : index
        %swap3A_355 = tpu.vector_load %arg11[%swap3A_353, %swap3A_354] {strides = array<i32>} : memref<128x128xf32, #tpu.memory_space<vmem>>, vector<1x16xf32>,
        %swap3A_356 = vector.shape_cast %swap3A_355 : vector<1x16xf32> to vector<16xf32>
        %swap3A_357 = vector.shape_cast %get3A_352 : vector<16xf32> to vector<1x16xf32>
        tpu.vector_store %arg11[%swap3A_353, %swap3A_354], %swap3A_357 {strides = array<i32>} : memref<128x128xf32, #tpu.memory_space<vmem>>, vector<1x16xf32>,
        %get3A_358 = arith.index_cast %add3A_296 : i32 to index
        %get3A_359 = arith.constant 112 : index
        %get3A_360 = tpu.vector_load %arg10[%get3A_358, %get3A_359] {strides = array<i32>} : memref<128x128xf32, #tpu.memory_space<vmem>>, vector<1x16xf32>,
        %get3A_361 = vector.shape_cast %get3A_360 : vector<1x16xf32> to vector<16xf32>
        %swap3A_362 = arith.index_cast %add3A_296 : i32 to index
        %swap3A_363 = arith.constant 112 : index
        %swap3A_364 = tpu.vector_load %arg11[%swap3A_362, %swap3A_363] {strides = array<i32>} : memref<128x128xf32, #tpu.memory_space<vmem>>, vector<1x16xf32>,
        %swap3A_365 = vector.shape_cast %swap3A_364 : vector<1x16xf32> to vector<16xf32>
        %swap3A_366 = vector.shape_cast %get3A_361 : vector<16xf32> to vector<1x16xf32>
        tpu.vector_store %arg11[%swap3A_362, %swap3A_363], %swap3A_366 {strides = array<i32>} : memref<128x128xf32, #tpu.memory_space<vmem>>, vector<1x16xf32>,
      }
      %scan3A_244 = arith.constant 128 : i32
      %dma_start3A_245 = arith.constant 6 : i32
      %dma_start3A_246 = arith.constant 0 : i32
      %dma_start3A_247 = tpu.memref_slice %arg8[%dma_start3A_245, %dma_start3A_246] : memref<8x128xi32, #tpu.memory_space<vmem>> -> memref<1x128xi32, #tpu.memory_space<vmem>>
      %dma_start3A_248 = tpu.memref_squeeze %dma_start3A_247 : memref<1x128xi32, #tpu.memory_space<vmem>> -> memref<128xi32, #tpu.memory_space<vmem>>
      %dma_start3A_249 = arith.constant 0 : i32
      %dma_start3A_250 = arith.constant 0 : i32
      %dma_start3A_251 = tpu.memref_slice %arg12[%dma_start3A_249, %dma_start3A_250] : memref<10240x128xf32, #tpu.memory_space<vmem_shared>> -> memref<10240x128xf32, #tpu.memory_space<vmem_shared>>
      tpu.enqueue_indirect_dma source(%arg11 : memref<128x128xf32, #tpu.memory_space<vmem>>) target(%dma_start3A_251 : memref<10240x128xf32, #tpu.memory_space<vmem_shared>>) offsets(%dma_start3A_248 : memref<128xi32, #tpu.memory_space<vmem>>) semaphore(%arg14 : memref<!tpu.dma_semaphore, #tpu.memory_space<semaphore_mem>>) {add = true}
      %dma_wait3A_252 = arith.constant 6 : i32
      %dma_wait3A_253 = arith.constant 0 : i32
      %dma_wait3A_254 = tpu.memref_slice %arg8[%dma_wait3A_252, %dma_wait3A_253] : memref<8x128xi32, #tpu.memory_space<vmem>> -> memref<1x128xi32, #tpu.memory_space<vmem>>
      %dma_wait3A_255 = tpu.memref_squeeze %dma_wait3A_254 : memref<1x128xi32, #tpu.memory_space<vmem>> -> memref<128xi32, #tpu.memory_space<vmem>>
      %dma_wait3A_256 = arith.constant 0 : i32
      %dma_wait3A_257 = arith.constant 0 : i32
      %dma_wait3A_258 = tpu.memref_slice %arg12[%dma_wait3A_256, %dma_wait3A_257] : memref<10240x128xf32, #tpu.memory_space<vmem_shared>> -> memref<10240x128xf32, #tpu.memory_space<vmem_shared>>
      tpu.wait_indirect_dma semaphore(%arg14 : memref<!tpu.dma_semaphore, #tpu.memory_space<semaphore_mem>>) src(%arg11 : memref<128x128xf32, #tpu.memory_space<vmem>>) dst(%dma_wait3A_258 : memref<10240x128xf32, #tpu.memory_space<vmem_shared>>)
      %dma_start3A_259 = arith.constant 7 : i32
      %dma_start3A_260 = arith.constant 0 : i32
      %dma_start3A_261 = tpu.memref_slice %arg7[%dma_start3A_259, %dma_start3A_260] : memref<8x128xi32, #tpu.memory_space<vmem>> -> memref<1x128xi32, #tpu.memory_space<vmem>>
      %dma_start3A_262 = tpu.memref_squeeze %dma_start3A_261 : memref<1x128xi32, #tpu.memory_space<vmem>> -> memref<128xi32, #tpu.memory_space<vmem>>
      %dma_start3A_263 = arith.constant 0 : i32
      %dma_start3A_264 = arith.constant 0 : i32
      %dma_start3A_265 = tpu.memref_slice %arg2[%dma_start3A_263, %dma_start3A_264] : memref<10000x128xf32, #tpu.memory_space<hbm>> -> memref<10000x128xf32, #tpu.memory_space<hbm>>
      tpu.enqueue_indirect_dma source(%dma_start3A_265 : memref<10000x128xf32, #tpu.memory_space<hbm>>) target(%arg10 : memref<128x128xf32, #tpu.memory_space<vmem>>) offsets(%dma_start3A_262 : memref<128xi32, #tpu.memory_space<vmem>>) semaphore(%arg13 : memref<!tpu.dma_semaphore, #tpu.memory_space<semaphore_mem>>)
      %dma_wait3A_266 = arith.constant 7 : i32
      %dma_wait3A_267 = arith.constant 0 : i32
      %dma_wait3A_268 = tpu.memref_slice %arg7[%dma_wait3A_266, %dma_wait3A_267] : memref<8x128xi32, #tpu.memory_space<vmem>> -> memref<1x128xi32, #tpu.memory_space<vmem>>
      %dma_wait3A_269 = tpu.memref_squeeze %dma_wait3A_268 : memref<1x128xi32, #tpu.memory_space<vmem>> -> memref<128xi32, #tpu.memory_space<vmem>>
      %dma_wait3A_270 = arith.constant 0 : i32
      %dma_wait3A_271 = arith.constant 0 : i32
      %dma_wait3A_272 = tpu.memref_slice %arg2[%dma_wait3A_270, %dma_wait3A_271] : memref<10000x128xf32, #tpu.memory_space<hbm>> -> memref<10000x128xf32, #tpu.memory_space<hbm>>
      tpu.wait_indirect_dma semaphore(%arg13 : memref<!tpu.dma_semaphore, #tpu.memory_space<semaphore_mem>>) src(%dma_wait3A_272 : memref<10000x128xf32, #tpu.memory_space<hbm>>) dst(%arg10 : memref<128x128xf32, #tpu.memory_space<vmem>>)
      %scan3A_273 = arith.constant 0 : i32
      %scan3A_274 = arith.constant 128 : i32
      %scan3A_275 = arith.addi %scan3A_273, %scan3A_274 : i32
      %scan3A_276 = arith.constant 1 : i32
      scf.for %scan3A_292 = %scan3A_273 to %scan3A_275 step %scan3A_276  : i32 {
        %mul3A_293 = arith.constant 1 : i32
        %mul3A_294 = arith.muli %scan3A_292, %mul3A_293 : i32
        %add3A_295 = arith.constant 0 : i32
        %add3A_296 = arith.addi %add3A_295, %mul3A_294 : i32
        %get3A = arith.index_cast %add3A_296 : i32 to index
        %get3A_297 = arith.constant 0 : index
        %get3A_298 = tpu.vector_load %arg10[%get3A, %get3A_297] {strides = array<i32>} : memref<128x128xf32, #tpu.memory_space<vmem>>, vector<1x16xf32>,
        %get3A_299 = vector.shape_cast %get3A_298 : vector<1x16xf32> to vector<16xf32>
        %swap3A = arith.index_cast %add3A_296 : i32 to index
        %swap3A_300 = arith.constant 0 : index
        %swap3A_301 = tpu.vector_load %arg11[%swap3A, %swap3A_300] {strides = array<i32>} : memref<128x128xf32, #tpu.memory_space<vmem>>, vector<1x16xf32>,
        %swap3A_302 = vector.shape_cast %swap3A_301 : vector<1x16xf32> to vector<16xf32>
        %swap3A_303 = vector.shape_cast %get3A_299 : vector<16xf32> to vector<1x16xf32>
        tpu.vector_store %arg11[%swap3A, %swap3A_300], %swap3A_303 {strides = array<i32>} : memref<128x128xf32, #tpu.memory_space<vmem>>, vector<1x16xf32>,
        %get3A_304 = arith.index_cast %add3A_296 : i32 to index
        %get3A_305 = arith.constant 16 : index
        %get3A_306 = tpu.vector_load %arg10[%get3A_304, %get3A_305] {strides = array<i32>} : memref<128x128xf32, #tpu.memory_space<vmem>>, vector<1x16xf32>,
        %get3A_307 = vector.shape_cast %get3A_306 : vector<1x16xf32> to vector<16xf32>
        %swap3A_308 = arith.index_cast %add3A_296 : i32 to index
        %swap3A_309 = arith.constant 16 : index
        %swap3A_310 = tpu.vector_load %arg11[%swap3A_308, %swap3A_309] {strides = array<i32>} : memref<128x128xf32, #tpu.memory_space<vmem>>, vector<1x16xf32>,
        %swap3A_311 = vector.shape_cast %swap3A_310 : vector<1x16xf32> to vector<16xf32>
        %swap3A_312 = vector.shape_cast %get3A_307 : vector<16xf32> to vector<1x16xf32>
        tpu.vector_store %arg11[%swap3A_308, %swap3A_309], %swap3A_312 {strides = array<i32>} : memref<128x128xf32, #tpu.memory_space<vmem>>, vector<1x16xf32>,
        %get3A_313 = arith.index_cast %add3A_296 : i32 to index
        %get3A_314 = arith.constant 32 : index
        %get3A_315 = tpu.vector_load %arg10[%get3A_313, %get3A_314] {strides = array<i32>} : memref<128x128xf32, #tpu.memory_space<vmem>>, vector<1x16xf32>,
        %get3A_316 = vector.shape_cast %get3A_315 : vector<1x16xf32> to vector<16xf32>
        %swap3A_317 = arith.index_cast %add3A_296 : i32 to index
        %swap3A_318 = arith.constant 32 : index
        %swap3A_319 = tpu.vector_load %arg11[%swap3A_317, %swap3A_318] {strides = array<i32>} : memref<128x128xf32, #tpu.memory_space<vmem>>, vector<1x16xf32>,
        %swap3A_320 = vector.shape_cast %swap3A_319 : vector<1x16xf32> to vector<16xf32>
        %swap3A_321 = vector.shape_cast %get3A_316 : vector<16xf32> to vector<1x16xf32>
        tpu.vector_store %arg11[%swap3A_317, %swap3A_318], %swap3A_321 {strides = array<i32>} : memref<128x128xf32, #tpu.memory_space<vmem>>, vector<1x16xf32>,
        %get3A_322 = arith.index_cast %add3A_296 : i32 to index
        %get3A_323 = arith.constant 48 : index
        %get3A_324 = tpu.vector_load %arg10[%get3A_322, %get3A_323] {strides = array<i32>} : memref<128x128xf32, #tpu.memory_space<vmem>>, vector<1x16xf32>,
        %get3A_325 = vector.shape_cast %get3A_324 : vector<1x16xf32> to vector<16xf32>
        %swap3A_326 = arith.index_cast %add3A_296 : i32 to index
        %swap3A_327 = arith.constant 48 : index
        %swap3A_328 = tpu.vector_load %arg11[%swap3A_326, %swap3A_327] {strides = array<i32>} : memref<128x128xf32, #tpu.memory_space<vmem>>, vector<1x16xf32>,
        %swap3A_329 = vector.shape_cast %swap3A_328 : vector<1x16xf32> to vector<16xf32>
        %swap3A_330 = vector.shape_cast %get3A_325 : vector<16xf32> to vector<1x16xf32>
        tpu.vector_store %arg11[%swap3A_326, %swap3A_327], %swap3A_330 {strides = array<i32>} : memref<128x128xf32, #tpu.memory_space<vmem>>, vector<1x16xf32>,
        %get3A_331 = arith.index_cast %add3A_296 : i32 to index
        %get3A_332 = arith.constant 64 : index
        %get3A_333 = tpu.vector_load %arg10[%get3A_331, %get3A_332] {strides = array<i32>} : memref<128x128xf32, #tpu.memory_space<vmem>>, vector<1x16xf32>,
        %get3A_334 = vector.shape_cast %get3A_333 : vector<1x16xf32> to vector<16xf32>
        %swap3A_335 = arith.index_cast %add3A_296 : i32 to index
        %swap3A_336 = arith.constant 64 : index
        %swap3A_337 = tpu.vector_load %arg11[%swap3A_335, %swap3A_336] {strides = array<i32>} : memref<128x128xf32, #tpu.memory_space<vmem>>, vector<1x16xf32>,
        %swap3A_338 = vector.shape_cast %swap3A_337 : vector<1x16xf32> to vector<16xf32>
        %swap3A_339 = vector.shape_cast %get3A_334 : vector<16xf32> to vector<1x16xf32>
        tpu.vector_store %arg11[%swap3A_335, %swap3A_336], %swap3A_339 {strides = array<i32>} : memref<128x128xf32, #tpu.memory_space<vmem>>, vector<1x16xf32>,
        %get3A_340 = arith.index_cast %add3A_296 : i32 to index
        %get3A_341 = arith.constant 80 : index
        %get3A_342 = tpu.vector_load %arg10[%get3A_340, %get3A_341] {strides = array<i32>} : memref<128x128xf32, #tpu.memory_space<vmem>>, vector<1x16xf32>,
        %get3A_343 = vector.shape_cast %get3A_342 : vector<1x16xf32> to vector<16xf32>
        %swap3A_344 = arith.index_cast %add3A_296 : i32 to index
        %swap3A_345 = arith.constant 80 : index
        %swap3A_346 = tpu.vector_load %arg11[%swap3A_344, %swap3A_345] {strides = array<i32>} : memref<128x128xf32, #tpu.memory_space<vmem>>, vector<1x16xf32>,
        %swap3A_347 = vector.shape_cast %swap3A_346 : vector<1x16xf32> to vector<16xf32>
        %swap3A_348 = vector.shape_cast %get3A_343 : vector<16xf32> to vector<1x16xf32>
        tpu.vector_store %arg11[%swap3A_344, %swap3A_345], %swap3A_348 {strides = array<i32>} : memref<128x128xf32, #tpu.memory_space<vmem>>, vector<1x16xf32>,
        %get3A_349 = arith.index_cast %add3A_296 : i32 to index
        %get3A_350 = arith.constant 96 : index
        %get3A_351 = tpu.vector_load %arg10[%get3A_349, %get3A_350] {strides = array<i32>} : memref<128x128xf32, #tpu.memory_space<vmem>>, vector<1x16xf32>,
        %get3A_352 = vector.shape_cast %get3A_351 : vector<1x16xf32> to vector<16xf32>
        %swap3A_353 = arith.index_cast %add3A_296 : i32 to index
        %swap3A_354 = arith.constant 96 : index
        %swap3A_355 = tpu.vector_load %arg11[%swap3A_353, %swap3A_354] {strides = array<i32>} : memref<128x128xf32, #tpu.memory_space<vmem>>, vector<1x16xf32>,
        %swap3A_356 = vector.shape_cast %swap3A_355 : vector<1x16xf32> to vector<16xf32>
        %swap3A_357 = vector.shape_cast %get3A_352 : vector<16xf32> to vector<1x16xf32>
        tpu.vector_store %arg11[%swap3A_353, %swap3A_354], %swap3A_357 {strides = array<i32>} : memref<128x128xf32, #tpu.memory_space<vmem>>, vector<1x16xf32>,
        %get3A_358 = arith.index_cast %add3A_296 : i32 to index
        %get3A_359 = arith.constant 112 : index
        %get3A_360 = tpu.vector_load %arg10[%get3A_358, %get3A_359] {strides = array<i32>} : memref<128x128xf32, #tpu.memory_space<vmem>>, vector<1x16xf32>,
        %get3A_361 = vector.shape_cast %get3A_360 : vector<1x16xf32> to vector<16xf32>
        %swap3A_362 = arith.index_cast %add3A_296 : i32 to index
        %swap3A_363 = arith.constant 112 : index
        %swap3A_364 = tpu.vector_load %arg11[%swap3A_362, %swap3A_363] {strides = array<i32>} : memref<128x128xf32, #tpu.memory_space<vmem>>, vector<1x16xf32>,
        %swap3A_365 = vector.shape_cast %swap3A_364 : vector<1x16xf32> to vector<16xf32>
        %swap3A_366 = vector.shape_cast %get3A_361 : vector<16xf32> to vector<1x16xf32>
        tpu.vector_store %arg11[%swap3A_362, %swap3A_363], %swap3A_366 {strides = array<i32>} : memref<128x128xf32, #tpu.memory_space<vmem>>, vector<1x16xf32>,
      }
      %scan3A_277 = arith.constant 128 : i32
      %dma_start3A_278 = arith.constant 7 : i32
      %dma_start3A_279 = arith.constant 0 : i32
      %dma_start3A_280 = tpu.memref_slice %arg8[%dma_start3A_278, %dma_start3A_279] : memref<8x128xi32, #tpu.memory_space<vmem>> -> memref<1x128xi32, #tpu.memory_space<vmem>>
      %dma_start3A_281 = tpu.memref_squeeze %dma_start3A_280 : memref<1x128xi32, #tpu.memory_space<vmem>> -> memref<128xi32, #tpu.memory_space<vmem>>
      %dma_start3A_282 = arith.constant 0 : i32
      %dma_start3A_283 = arith.constant 0 : i32
      %dma_start3A_284 = tpu.memref_slice %arg12[%dma_start3A_282, %dma_start3A_283] : memref<10240x128xf32, #tpu.memory_space<vmem_shared>> -> memref<10240x128xf32, #tpu.memory_space<vmem_shared>>
      tpu.enqueue_indirect_dma source(%arg11 : memref<128x128xf32, #tpu.memory_space<vmem>>) target(%dma_start3A_284 : memref<10240x128xf32, #tpu.memory_space<vmem_shared>>) offsets(%dma_start3A_281 : memref<128xi32, #tpu.memory_space<vmem>>) semaphore(%arg14 : memref<!tpu.dma_semaphore, #tpu.memory_space<semaphore_mem>>) {add = true}
      %dma_wait3A_285 = arith.constant 7 : i32
      %dma_wait3A_286 = arith.constant 0 : i32
      %dma_wait3A_287 = tpu.memref_slice %arg8[%dma_wait3A_285, %dma_wait3A_286] : memref<8x128xi32, #tpu.memory_space<vmem>> -> memref<1x128xi32, #tpu.memory_space<vmem>>
      %dma_wait3A_288 = tpu.memref_squeeze %dma_wait3A_287 : memref<1x128xi32, #tpu.memory_space<vmem>> -> memref<128xi32, #tpu.memory_space<vmem>>
      %dma_wait3A_289 = arith.constant 0 : i32
      %dma_wait3A_290 = arith.constant 0 : i32
      %dma_wait3A_291 = tpu.memref_slice %arg12[%dma_wait3A_289, %dma_wait3A_290] : memref<10240x128xf32, #tpu.memory_space<vmem_shared>> -> memref<10240x128xf32, #tpu.memory_space<vmem_shared>>
      tpu.wait_indirect_dma semaphore(%arg14 : memref<!tpu.dma_semaphore, #tpu.memory_space<semaphore_mem>>) src(%arg11 : memref<128x128xf32, #tpu.memory_space<vmem>>) dst(%dma_wait3A_291 : memref<10240x128xf32, #tpu.memory_space<vmem_shared>>)
    }
    %scan3A_14 = arith.constant 10 : i32
    %barrier3A_15 = arith.constant 0 : index
    tpu.barrier barrier_id(%barrier3A_15)
    %scan3A_16 = arith.constant 0 : i32
    %scan3A_17 = arith.constant 5 : i32
    %scan3A_18 = arith.addi %scan3A_16, %scan3A_17 : i32
    %scan3A_19 = arith.constant 1 : i32
    scf.for %scan3A_21 = %scan3A_16 to %scan3A_18 step %scan3A_19  : i32 {
      %mul3A_22 = arith.constant 1 : i32
      %mul3A_23 = arith.muli %scan3A_21, %mul3A_22 : i32
      %add3A_24 = arith.constant 0 : i32
      %add3A_25 = arith.addi %add3A_24, %mul3A_23 : i32
      "tpu.region"() ({
        %run_scoped3A = tpu.sem_alloc : memref<!tpu.dma_semaphore, #tpu.memory_space<semaphore_mem>>
        %dma_start3A = arith.constant 0 : i32
        %dma_start3A_31 = tpu.memref_slice %arg9[%add3A_25, %dma_start3A] : memref<5x128xi32, #tpu.memory_space<vmem>> -> memref<1x128xi32, #tpu.memory_space<vmem>>
        %dma_start3A_32 = tpu.memref_squeeze %dma_start3A_31 : memref<1x128xi32, #tpu.memory_space<vmem>> -> memref<128xi32, #tpu.memory_space<vmem>>
        %dma_start3A_33 = arith.constant 0 : i32
        %dma_start3A_34 = arith.constant 0 : i32
        %dma_start3A_35 = tpu.memref_slice %arg12[%dma_start3A_33, %dma_start3A_34] : memref<10240x128xf32, #tpu.memory_space<vmem_shared>> -> memref<10240x128xf32, #tpu.memory_space<vmem_shared>>
        tpu.enqueue_indirect_dma source(%dma_start3A_35 : memref<10240x128xf32, #tpu.memory_space<vmem_shared>>) target(%arg10 : memref<128x128xf32, #tpu.memory_space<vmem>>) offsets(%dma_start3A_32 : memref<128xi32, #tpu.memory_space<vmem>>) semaphore(%run_scoped3A : memref<!tpu.dma_semaphore, #tpu.memory_space<semaphore_mem>>)
        %dma_wait3A = arith.constant 0 : i32
        %dma_wait3A_36 = tpu.memref_slice %arg9[%add3A_25, %dma_wait3A] : memref<5x128xi32, #tpu.memory_space<vmem>> -> memref<1x128xi32, #tpu.memory_space<vmem>>
        %dma_wait3A_37 = tpu.memref_squeeze %dma_wait3A_36 : memref<1x128xi32, #tpu.memory_space<vmem>> -> memref<128xi32, #tpu.memory_space<vmem>>
        %dma_wait3A_38 = arith.constant 0 : i32
        %dma_wait3A_39 = arith.constant 0 : i32
        %dma_wait3A_40 = tpu.memref_slice %arg12[%dma_wait3A_38, %dma_wait3A_39] : memref<10240x128xf32, #tpu.memory_space<vmem_shared>> -> memref<10240x128xf32, #tpu.memory_space<vmem_shared>>
        tpu.wait_indirect_dma semaphore(%run_scoped3A : memref<!tpu.dma_semaphore, #tpu.memory_space<semaphore_mem>>) src(%dma_wait3A_40 : memref<10240x128xf32, #tpu.memory_space<vmem_shared>>) dst(%arg10 : memref<128x128xf32, #tpu.memory_space<vmem>>)
        tpu.yield
      }) : () -> ()
      %mul3A_26 = arith.constant 640 : i32
      %mul3A_27 = arith.muli %arg1, %mul3A_26 : i32
      %mul3A_28 = arith.constant 128 : i32
      %mul3A_29 = arith.muli %add3A_25, %mul3A_28 : i32
      %add3A_30 = arith.addi %mul3A_27, %mul3A_29 : i32
      "tpu.region"() ({
        %run_scoped3A = tpu.sem_alloc : memref<!tpu.dma_semaphore, #tpu.memory_space<semaphore_mem>>
        %dma_start3A = arith.constant 0 : i32
        %dma_start3A_31 = tpu.memref_slice %arg6[%arg0, %add3A_30, %dma_start3A] : memref<2x10240x128xf32, #tpu.memory_space<hbm>> -> memref<1x128x128xf32, #tpu.memory_space<hbm>>
        %dma_start3A_32 = tpu.memref_squeeze %dma_start3A_31 : memref<1x128x128xf32, #tpu.memory_space<hbm>> -> memref<128x128xf32, #tpu.memory_space<hbm>>
        %dma_start3A_33 = arith.constant 0 : i32
        %dma_start3A_34 = tpu.memref_slice %arg6[%arg0, %add3A_30, %dma_start3A_33] : memref<2x10240x128xf32, #tpu.memory_space<hbm>> -> memref<1x128x128xf32, #tpu.memory_space<hbm>>
        %dma_start3A_35 = tpu.memref_squeeze %dma_start3A_34 : memref<1x128x128xf32, #tpu.memory_space<hbm>> -> memref<128x128xf32, #tpu.memory_space<hbm>>
        tpu.enqueue_dma source(%arg10 : memref<128x128xf32, #tpu.memory_space<vmem>>) target(%dma_start3A_35 : memref<128x128xf32, #tpu.memory_space<hbm>>) target_semaphore(%run_scoped3A : memref<!tpu.dma_semaphore, #tpu.memory_space<semaphore_mem>>)
        %dma_wait3A = arith.constant 0 : i32
        %dma_wait3A_36 = tpu.memref_slice %arg6[%arg0, %add3A_30, %dma_wait3A] : memref<2x10240x128xf32, #tpu.memory_space<hbm>> -> memref<1x128x128xf32, #tpu.memory_space<hbm>>
        %dma_wait3A_37 = tpu.memref_squeeze %dma_wait3A_36 : memref<1x128x128xf32, #tpu.memory_space<hbm>> -> memref<128x128xf32, #tpu.memory_space<hbm>>
        %dma_wait3A_38 = arith.constant 0 : i32
        %dma_wait3A_39 = tpu.memref_slice %arg6[%arg0, %add3A_30, %dma_wait3A_38] : memref<2x10240x128xf32, #tpu.memory_space<hbm>> -> memref<1x128x128xf32, #tpu.memory_space<hbm>>
        %dma_wait3A_40 = tpu.memref_squeeze %dma_wait3A_39 : memref<1x128x128xf32, #tpu.memory_space<hbm>> -> memref<128x128xf32, #tpu.memory_space<hbm>>
        tpu.wait_dma2 semaphore(%run_scoped3A : memref<!tpu.dma_semaphore, #tpu.memory_space<semaphore_mem>>) src(%arg10 : memref<128x128xf32, #tpu.memory_space<vmem>>) dst(%dma_wait3A_40 : memref<128x128xf32, #tpu.memory_space<hbm>>)
        tpu.yield
      }) : () -> ()
    }
    %scan3A_20 = arith.constant 5 : i32
    return
  }
}

#map = affine_map<(d0, d1) -> (0, 0, 0)>
module attributes {stable_mosaic.version = 14 : i64} {
  func.func @_sc_degree_body(%arg0: i32, %arg1: i32, %arg2: memref<32x80x128xi32, #tpu.memory_space<hbm>>, %arg3: memref<16x5x128xi32, #tpu.memory_space<hbm>>, %arg4: memref<2x10240x16xf32, #tpu.memory_space<hbm>>, %arg5: memref<80x128xi32, #tpu.memory_space<vmem>>, %arg6: memref<5x128xi32, #tpu.memory_space<vmem>>, %arg7: memref<128x16xf32, #tpu.memory_space<vmem>>, %arg8: memref<128x16xf32, #tpu.memory_space<vmem>>, %arg9: memref<10240x16xf32, #tpu.memory_space<vmem_shared>>) attributes {dimension_semantics = [#tpu.dimension_semantics<core_parallel>, #tpu.dimension_semantics<subcore_parallel>], iteration_bounds = array<i64: 2, 16>, scalar_prefetch = 0 : i64, scratch_operands = 5 : i64, tpu.core_type = #tpu.core_type<sc_vector_subcore>, window_params = [{transform_indices = #map}, {transform_indices = #map}, {transform_indices = #map}]} {
    %mul3A = arith.constant 16 : i32
    %mul3A_0 = arith.muli %arg0, %mul3A : i32
    %add3A = arith.addi %mul3A_0, %arg1 : i32
    %scan3A = arith.constant 0 : i32
    %scan3A_1 = arith.constant 128 : i32
    %scan3A_2 = arith.addi %scan3A, %scan3A_1 : i32
    %scan3A_3 = arith.constant 1 : i32
    scf.for %scan3A_21 = %scan3A to %scan3A_2 step %scan3A_3  : i32 {
      %mul3A_22 = arith.constant 1 : i32
      %mul3A_23 = arith.muli %scan3A_21, %mul3A_22 : i32
      %add3A_24 = arith.constant 0 : i32
      %add3A_25 = arith.addi %add3A_24, %mul3A_23 : i32
      %broadcast_in_dim3A = arith.constant 1.000000e+00 : f32
      %broadcast_in_dim3A_26 = vector.broadcast %broadcast_in_dim3A : f32 to vector<16xf32>
      %swap3A = arith.index_cast %add3A_25 : i32 to index
      %swap3A_27 = arith.constant 0 : index
      %swap3A_28 = tpu.vector_load %arg7[%swap3A, %swap3A_27] {strides = array<i32>} : memref<128x16xf32, #tpu.memory_space<vmem>>, vector<1x16xf32>,
      %swap3A_29 = vector.shape_cast %swap3A_28 : vector<1x16xf32> to vector<16xf32>
      %swap3A_30 = vector.shape_cast %broadcast_in_dim3A_26 : vector<16xf32> to vector<1x16xf32>
      tpu.vector_store %arg7[%swap3A, %swap3A_27], %swap3A_30 {strides = array<i32>} : memref<128x16xf32, #tpu.memory_space<vmem>>, vector<1x16xf32>,
      %broadcast_in_dim3A_31 = arith.constant 0.000000e+00 : f32
      %broadcast_in_dim3A_32 = vector.broadcast %broadcast_in_dim3A_31 : f32 to vector<16xf32>
      %swap3A_33 = arith.index_cast %add3A_25 : i32 to index
      %swap3A_34 = arith.constant 0 : index
      %swap3A_35 = tpu.vector_load %arg8[%swap3A_33, %swap3A_34] {strides = array<i32>} : memref<128x16xf32, #tpu.memory_space<vmem>>, vector<1x16xf32>,
      %swap3A_36 = vector.shape_cast %swap3A_35 : vector<1x16xf32> to vector<16xf32>
      %swap3A_37 = vector.shape_cast %broadcast_in_dim3A_32 : vector<16xf32> to vector<1x16xf32>
      tpu.vector_store %arg8[%swap3A_33, %swap3A_34], %swap3A_37 {strides = array<i32>} : memref<128x16xf32, #tpu.memory_space<vmem>>, vector<1x16xf32>,
    }
    %scan3A_4 = arith.constant 128 : i32
    "tpu.region"() ({
      %run_scoped3A = tpu.sem_alloc : memref<!tpu.dma_semaphore, #tpu.memory_space<semaphore_mem>>
      %dma_start3A = arith.constant 0 : i32
      %dma_start3A_21 = arith.constant 0 : i32
      %dma_start3A_22 = tpu.memref_slice %arg2[%add3A, %dma_start3A, %dma_start3A_21] : memref<32x80x128xi32, #tpu.memory_space<hbm>> -> memref<1x80x128xi32, #tpu.memory_space<hbm>>
      %dma_start3A_23 = tpu.memref_squeeze %dma_start3A_22 : memref<1x80x128xi32, #tpu.memory_space<hbm>> -> memref<80x128xi32, #tpu.memory_space<hbm>>
      %dma_start3A_24 = arith.constant 0 : i32
      %dma_start3A_25 = arith.constant 0 : i32
      %dma_start3A_26 = tpu.memref_slice %arg2[%add3A, %dma_start3A_24, %dma_start3A_25] : memref<32x80x128xi32, #tpu.memory_space<hbm>> -> memref<1x80x128xi32, #tpu.memory_space<hbm>>
      %dma_start3A_27 = tpu.memref_squeeze %dma_start3A_26 : memref<1x80x128xi32, #tpu.memory_space<hbm>> -> memref<80x128xi32, #tpu.memory_space<hbm>>
      tpu.enqueue_dma source(%dma_start3A_27 : memref<80x128xi32, #tpu.memory_space<hbm>>) target(%arg5 : memref<80x128xi32, #tpu.memory_space<vmem>>) target_semaphore(%run_scoped3A : memref<!tpu.dma_semaphore, #tpu.memory_space<semaphore_mem>>)
      %dma_wait3A = arith.constant 0 : i32
      %dma_wait3A_28 = arith.constant 0 : i32
      %dma_wait3A_29 = tpu.memref_slice %arg2[%add3A, %dma_wait3A, %dma_wait3A_28] : memref<32x80x128xi32, #tpu.memory_space<hbm>> -> memref<1x80x128xi32, #tpu.memory_space<hbm>>
      %dma_wait3A_30 = tpu.memref_squeeze %dma_wait3A_29 : memref<1x80x128xi32, #tpu.memory_space<hbm>> -> memref<80x128xi32, #tpu.memory_space<hbm>>
      %dma_wait3A_31 = arith.constant 0 : i32
      %dma_wait3A_32 = arith.constant 0 : i32
      %dma_wait3A_33 = tpu.memref_slice %arg2[%add3A, %dma_wait3A_31, %dma_wait3A_32] : memref<32x80x128xi32, #tpu.memory_space<hbm>> -> memref<1x80x128xi32, #tpu.memory_space<hbm>>
      %dma_wait3A_34 = tpu.memref_squeeze %dma_wait3A_33 : memref<1x80x128xi32, #tpu.memory_space<hbm>> -> memref<80x128xi32, #tpu.memory_space<hbm>>
      tpu.wait_dma2 semaphore(%run_scoped3A : memref<!tpu.dma_semaphore, #tpu.memory_space<semaphore_mem>>) src(%dma_wait3A_34 : memref<80x128xi32, #tpu.memory_space<hbm>>) dst(%arg5 : memref<80x128xi32, #tpu.memory_space<vmem>>)
      tpu.yield
    }) : () -> ()
    "tpu.region"() ({
      %run_scoped3A = tpu.sem_alloc : memref<!tpu.dma_semaphore, #tpu.memory_space<semaphore_mem>>
      %dma_start3A = arith.constant 0 : i32
      %dma_start3A_21 = arith.constant 0 : i32
      %dma_start3A_22 = tpu.memref_slice %arg3[%arg1, %dma_start3A, %dma_start3A_21] : memref<16x5x128xi32, #tpu.memory_space<hbm>> -> memref<1x5x128xi32, #tpu.memory_space<hbm>>
      %dma_start3A_23 = tpu.memref_squeeze %dma_start3A_22 : memref<1x5x128xi32, #tpu.memory_space<hbm>> -> memref<5x128xi32, #tpu.memory_space<hbm>>
      %dma_start3A_24 = arith.constant 0 : i32
      %dma_start3A_25 = arith.constant 0 : i32
      %dma_start3A_26 = tpu.memref_slice %arg3[%arg1, %dma_start3A_24, %dma_start3A_25] : memref<16x5x128xi32, #tpu.memory_space<hbm>> -> memref<1x5x128xi32, #tpu.memory_space<hbm>>
      %dma_start3A_27 = tpu.memref_squeeze %dma_start3A_26 : memref<1x5x128xi32, #tpu.memory_space<hbm>> -> memref<5x128xi32, #tpu.memory_space<hbm>>
      tpu.enqueue_dma source(%dma_start3A_27 : memref<5x128xi32, #tpu.memory_space<hbm>>) target(%arg6 : memref<5x128xi32, #tpu.memory_space<vmem>>) target_semaphore(%run_scoped3A : memref<!tpu.dma_semaphore, #tpu.memory_space<semaphore_mem>>)
      %dma_wait3A = arith.constant 0 : i32
      %dma_wait3A_28 = arith.constant 0 : i32
      %dma_wait3A_29 = tpu.memref_slice %arg3[%arg1, %dma_wait3A, %dma_wait3A_28] : memref<16x5x128xi32, #tpu.memory_space<hbm>> -> memref<1x5x128xi32, #tpu.memory_space<hbm>>
      %dma_wait3A_30 = tpu.memref_squeeze %dma_wait3A_29 : memref<1x5x128xi32, #tpu.memory_space<hbm>> -> memref<5x128xi32, #tpu.memory_space<hbm>>
      %dma_wait3A_31 = arith.constant 0 : i32
      %dma_wait3A_32 = arith.constant 0 : i32
      %dma_wait3A_33 = tpu.memref_slice %arg3[%arg1, %dma_wait3A_31, %dma_wait3A_32] : memref<16x5x128xi32, #tpu.memory_space<hbm>> -> memref<1x5x128xi32, #tpu.memory_space<hbm>>
      %dma_wait3A_34 = tpu.memref_squeeze %dma_wait3A_33 : memref<1x5x128xi32, #tpu.memory_space<hbm>> -> memref<5x128xi32, #tpu.memory_space<hbm>>
      tpu.wait_dma2 semaphore(%run_scoped3A : memref<!tpu.dma_semaphore, #tpu.memory_space<semaphore_mem>>) src(%dma_wait3A_34 : memref<5x128xi32, #tpu.memory_space<hbm>>) dst(%arg6 : memref<5x128xi32, #tpu.memory_space<vmem>>)
      tpu.yield
    }) : () -> ()
    %scan3A_5 = arith.constant 0 : i32
    %scan3A_6 = arith.constant 5 : i32
    %scan3A_7 = arith.addi %scan3A_5, %scan3A_6 : i32
    %scan3A_8 = arith.constant 1 : i32
    scf.for %scan3A_21 = %scan3A_5 to %scan3A_7 step %scan3A_8  : i32 {
      %mul3A_22 = arith.constant 1 : i32
      %mul3A_23 = arith.muli %scan3A_21, %mul3A_22 : i32
      %add3A_24 = arith.constant 0 : i32
      %add3A_25 = arith.addi %add3A_24, %mul3A_23 : i32
      "tpu.region"() ({
        %run_scoped3A = tpu.sem_alloc : memref<!tpu.dma_semaphore, #tpu.memory_space<semaphore_mem>>
        %dma_start3A = arith.constant 0 : i32
        %dma_start3A_26 = tpu.memref_slice %arg6[%add3A_25, %dma_start3A] : memref<5x128xi32, #tpu.memory_space<vmem>> -> memref<1x128xi32, #tpu.memory_space<vmem>>
        %dma_start3A_27 = tpu.memref_squeeze %dma_start3A_26 : memref<1x128xi32, #tpu.memory_space<vmem>> -> memref<128xi32, #tpu.memory_space<vmem>>
        %dma_start3A_28 = arith.constant 0 : i32
        %dma_start3A_29 = arith.constant 0 : i32
        %dma_start3A_30 = tpu.memref_slice %arg9[%dma_start3A_28, %dma_start3A_29] : memref<10240x16xf32, #tpu.memory_space<vmem_shared>> -> memref<10240x16xf32, #tpu.memory_space<vmem_shared>>
        tpu.enqueue_indirect_dma source(%arg8 : memref<128x16xf32, #tpu.memory_space<vmem>>) target(%dma_start3A_30 : memref<10240x16xf32, #tpu.memory_space<vmem_shared>>) offsets(%dma_start3A_27 : memref<128xi32, #tpu.memory_space<vmem>>) semaphore(%run_scoped3A : memref<!tpu.dma_semaphore, #tpu.memory_space<semaphore_mem>>)
        %dma_wait3A = arith.constant 0 : i32
        %dma_wait3A_31 = tpu.memref_slice %arg6[%add3A_25, %dma_wait3A] : memref<5x128xi32, #tpu.memory_space<vmem>> -> memref<1x128xi32, #tpu.memory_space<vmem>>
        %dma_wait3A_32 = tpu.memref_squeeze %dma_wait3A_31 : memref<1x128xi32, #tpu.memory_space<vmem>> -> memref<128xi32, #tpu.memory_space<vmem>>
        %dma_wait3A_33 = arith.constant 0 : i32
        %dma_wait3A_34 = arith.constant 0 : i32
        %dma_wait3A_35 = tpu.memref_slice %arg9[%dma_wait3A_33, %dma_wait3A_34] : memref<10240x16xf32, #tpu.memory_space<vmem_shared>> -> memref<10240x16xf32, #tpu.memory_space<vmem_shared>>
        tpu.wait_indirect_dma semaphore(%run_scoped3A : memref<!tpu.dma_semaphore, #tpu.memory_space<semaphore_mem>>) src(%arg8 : memref<128x16xf32, #tpu.memory_space<vmem>>) dst(%dma_wait3A_35 : memref<10240x16xf32, #tpu.memory_space<vmem_shared>>)
        tpu.yield
      }) : () -> ()
    }
    %scan3A_9 = arith.constant 5 : i32
    %barrier3A = arith.constant 0 : index
    tpu.barrier barrier_id(%barrier3A)
    %scan3A_10 = arith.constant 0 : i32
    %scan3A_11 = arith.constant 80 : i32
    %scan3A_12 = arith.addi %scan3A_10, %scan3A_11 : i32
    %scan3A_13 = arith.constant 1 : i32
    scf.for %scan3A_21 = %scan3A_10 to %scan3A_12 step %scan3A_13  : i32 {
      %mul3A_22 = arith.constant 1 : i32
      %mul3A_23 = arith.muli %scan3A_21, %mul3A_22 : i32
      %add3A_24 = arith.constant 0 : i32
      %add3A_25 = arith.addi %add3A_24, %mul3A_23 : i32
      "tpu.region"() ({
        %run_scoped3A = tpu.sem_alloc : memref<!tpu.dma_semaphore, #tpu.memory_space<semaphore_mem>>
        %dma_start3A = arith.constant 0 : i32
        %dma_start3A_26 = tpu.memref_slice %arg5[%add3A_25, %dma_start3A] : memref<80x128xi32, #tpu.memory_space<vmem>> -> memref<1x128xi32, #tpu.memory_space<vmem>>
        %dma_start3A_27 = tpu.memref_squeeze %dma_start3A_26 : memref<1x128xi32, #tpu.memory_space<vmem>> -> memref<128xi32, #tpu.memory_space<vmem>>
        %dma_start3A_28 = arith.constant 0 : i32
        %dma_start3A_29 = arith.constant 0 : i32
        %dma_start3A_30 = tpu.memref_slice %arg9[%dma_start3A_28, %dma_start3A_29] : memref<10240x16xf32, #tpu.memory_space<vmem_shared>> -> memref<10240x16xf32, #tpu.memory_space<vmem_shared>>
        tpu.enqueue_indirect_dma source(%arg7 : memref<128x16xf32, #tpu.memory_space<vmem>>) target(%dma_start3A_30 : memref<10240x16xf32, #tpu.memory_space<vmem_shared>>) offsets(%dma_start3A_27 : memref<128xi32, #tpu.memory_space<vmem>>) semaphore(%run_scoped3A : memref<!tpu.dma_semaphore, #tpu.memory_space<semaphore_mem>>) {add = true}
        %dma_wait3A = arith.constant 0 : i32
        %dma_wait3A_31 = tpu.memref_slice %arg5[%add3A_25, %dma_wait3A] : memref<80x128xi32, #tpu.memory_space<vmem>> -> memref<1x128xi32, #tpu.memory_space<vmem>>
        %dma_wait3A_32 = tpu.memref_squeeze %dma_wait3A_31 : memref<1x128xi32, #tpu.memory_space<vmem>> -> memref<128xi32, #tpu.memory_space<vmem>>
        %dma_wait3A_33 = arith.constant 0 : i32
        %dma_wait3A_34 = arith.constant 0 : i32
        %dma_wait3A_35 = tpu.memref_slice %arg9[%dma_wait3A_33, %dma_wait3A_34] : memref<10240x16xf32, #tpu.memory_space<vmem_shared>> -> memref<10240x16xf32, #tpu.memory_space<vmem_shared>>
        tpu.wait_indirect_dma semaphore(%run_scoped3A : memref<!tpu.dma_semaphore, #tpu.memory_space<semaphore_mem>>) src(%arg7 : memref<128x16xf32, #tpu.memory_space<vmem>>) dst(%dma_wait3A_35 : memref<10240x16xf32, #tpu.memory_space<vmem_shared>>)
        tpu.yield
      }) : () -> ()
    }
    %scan3A_14 = arith.constant 80 : i32
    %barrier3A_15 = arith.constant 0 : index
    tpu.barrier barrier_id(%barrier3A_15)
    %scan3A_16 = arith.constant 0 : i32
    %scan3A_17 = arith.constant 5 : i32
    %scan3A_18 = arith.addi %scan3A_16, %scan3A_17 : i32
    %scan3A_19 = arith.constant 1 : i32
    scf.for %scan3A_21 = %scan3A_16 to %scan3A_18 step %scan3A_19  : i32 {
      %mul3A_22 = arith.constant 1 : i32
      %mul3A_23 = arith.muli %scan3A_21, %mul3A_22 : i32
      %add3A_24 = arith.constant 0 : i32
      %add3A_25 = arith.addi %add3A_24, %mul3A_23 : i32
      "tpu.region"() ({
        %run_scoped3A = tpu.sem_alloc : memref<!tpu.dma_semaphore, #tpu.memory_space<semaphore_mem>>
        %dma_start3A = arith.constant 0 : i32
        %dma_start3A_31 = tpu.memref_slice %arg6[%add3A_25, %dma_start3A] : memref<5x128xi32, #tpu.memory_space<vmem>> -> memref<1x128xi32, #tpu.memory_space<vmem>>
        %dma_start3A_32 = tpu.memref_squeeze %dma_start3A_31 : memref<1x128xi32, #tpu.memory_space<vmem>> -> memref<128xi32, #tpu.memory_space<vmem>>
        %dma_start3A_33 = arith.constant 0 : i32
        %dma_start3A_34 = arith.constant 0 : i32
        %dma_start3A_35 = tpu.memref_slice %arg9[%dma_start3A_33, %dma_start3A_34] : memref<10240x16xf32, #tpu.memory_space<vmem_shared>> -> memref<10240x16xf32, #tpu.memory_space<vmem_shared>>
        tpu.enqueue_indirect_dma source(%dma_start3A_35 : memref<10240x16xf32, #tpu.memory_space<vmem_shared>>) target(%arg8 : memref<128x16xf32, #tpu.memory_space<vmem>>) offsets(%dma_start3A_32 : memref<128xi32, #tpu.memory_space<vmem>>) semaphore(%run_scoped3A : memref<!tpu.dma_semaphore, #tpu.memory_space<semaphore_mem>>)
        %dma_wait3A = arith.constant 0 : i32
        %dma_wait3A_36 = tpu.memref_slice %arg6[%add3A_25, %dma_wait3A] : memref<5x128xi32, #tpu.memory_space<vmem>> -> memref<1x128xi32, #tpu.memory_space<vmem>>
        %dma_wait3A_37 = tpu.memref_squeeze %dma_wait3A_36 : memref<1x128xi32, #tpu.memory_space<vmem>> -> memref<128xi32, #tpu.memory_space<vmem>>
        %dma_wait3A_38 = arith.constant 0 : i32
        %dma_wait3A_39 = arith.constant 0 : i32
        %dma_wait3A_40 = tpu.memref_slice %arg9[%dma_wait3A_38, %dma_wait3A_39] : memref<10240x16xf32, #tpu.memory_space<vmem_shared>> -> memref<10240x16xf32, #tpu.memory_space<vmem_shared>>
        tpu.wait_indirect_dma semaphore(%run_scoped3A : memref<!tpu.dma_semaphore, #tpu.memory_space<semaphore_mem>>) src(%dma_wait3A_40 : memref<10240x16xf32, #tpu.memory_space<vmem_shared>>) dst(%arg8 : memref<128x16xf32, #tpu.memory_space<vmem>>)
        tpu.yield
      }) : () -> ()
      %mul3A_26 = arith.constant 640 : i32
      %mul3A_27 = arith.muli %arg1, %mul3A_26 : i32
      %mul3A_28 = arith.constant 128 : i32
      %mul3A_29 = arith.muli %add3A_25, %mul3A_28 : i32
      %add3A_30 = arith.addi %mul3A_27, %mul3A_29 : i32
      "tpu.region"() ({
        %run_scoped3A = tpu.sem_alloc : memref<!tpu.dma_semaphore, #tpu.memory_space<semaphore_mem>>
        %dma_start3A = arith.constant 0 : i32
        %dma_start3A_31 = tpu.memref_slice %arg4[%arg0, %add3A_30, %dma_start3A] : memref<2x10240x16xf32, #tpu.memory_space<hbm>> -> memref<1x128x16xf32, #tpu.memory_space<hbm>>
        %dma_start3A_32 = tpu.memref_squeeze %dma_start3A_31 : memref<1x128x16xf32, #tpu.memory_space<hbm>> -> memref<128x16xf32, #tpu.memory_space<hbm>>
        %dma_start3A_33 = arith.constant 0 : i32
        %dma_start3A_34 = tpu.memref_slice %arg4[%arg0, %add3A_30, %dma_start3A_33] : memref<2x10240x16xf32, #tpu.memory_space<hbm>> -> memref<1x128x16xf32, #tpu.memory_space<hbm>>
        %dma_start3A_35 = tpu.memref_squeeze %dma_start3A_34 : memref<1x128x16xf32, #tpu.memory_space<hbm>> -> memref<128x16xf32, #tpu.memory_space<hbm>>
        tpu.enqueue_dma source(%arg8 : memref<128x16xf32, #tpu.memory_space<vmem>>) target(%dma_start3A_35 : memref<128x16xf32, #tpu.memory_space<hbm>>) target_semaphore(%run_scoped3A : memref<!tpu.dma_semaphore, #tpu.memory_space<semaphore_mem>>)
        %dma_wait3A = arith.constant 0 : i32
        %dma_wait3A_36 = tpu.memref_slice %arg4[%arg0, %add3A_30, %dma_wait3A] : memref<2x10240x16xf32, #tpu.memory_space<hbm>> -> memref<1x128x16xf32, #tpu.memory_space<hbm>>
        %dma_wait3A_37 = tpu.memref_squeeze %dma_wait3A_36 : memref<1x128x16xf32, #tpu.memory_space<hbm>> -> memref<128x16xf32, #tpu.memory_space<hbm>>
        %dma_wait3A_38 = arith.constant 0 : i32
        %dma_wait3A_39 = tpu.memref_slice %arg4[%arg0, %add3A_30, %dma_wait3A_38] : memref<2x10240x16xf32, #tpu.memory_space<hbm>> -> memref<1x128x16xf32, #tpu.memory_space<hbm>>
        %dma_wait3A_40 = tpu.memref_squeeze %dma_wait3A_39 : memref<1x128x16xf32, #tpu.memory_space<hbm>> -> memref<128x16xf32, #tpu.memory_space<hbm>>
        tpu.wait_dma2 semaphore(%run_scoped3A : memref<!tpu.dma_semaphore, #tpu.memory_space<semaphore_mem>>) src(%arg8 : memref<128x16xf32, #tpu.memory_space<vmem>>) dst(%dma_wait3A_40 : memref<128x16xf32, #tpu.memory_space<hbm>>)
        tpu.yield
      }) : () -> ()
    }
    %scan3A_20 = arith.constant 5 : i32
    return
  }
}

#map = affine_map<(d0, d1) -> (0, 0)>
#map1 = affine_map<(d0, d1) -> (0, 0, 0)>
module attributes {stable_mosaic.version = 14 : i64} {
  func.func @_sc_scatter_body(%arg0: i32, %arg1: i32, %arg2: memref<10000x128xf32, #tpu.memory_space<hbm>>, %arg3: memref<32x80x128xi32, #tpu.memory_space<hbm>>, %arg4: memref<32x80x128xi32, #tpu.memory_space<hbm>>, %arg5: memref<16x5x128xi32, #tpu.memory_space<hbm>>, %arg6: memref<2x10240x128xf32, #tpu.memory_space<hbm>>, %arg7: memref<8x128xi32, #tpu.memory_space<vmem>>, %arg8: memref<8x128xi32, #tpu.memory_space<vmem>>, %arg9: memref<5x128xi32, #tpu.memory_space<vmem>>, %arg10: memref<128x128xf32, #tpu.memory_space<vmem>>, %arg11: memref<128x128xf32, #tpu.memory_space<vmem>>, %arg12: memref<10240x128xf32, #tpu.memory_space<vmem_shared>>, %arg13: memref<!tpu.dma_semaphore, #tpu.memory_space<semaphore_mem>>, %arg14: memref<!tpu.dma_semaphore, #tpu.memory_space<semaphore_mem>>, %arg15: memref<!tpu.dma_semaphore, #tpu.memory_space<semaphore_mem>>) attributes {dimension_semantics = [#tpu.dimension_semantics<core_parallel>, #tpu.dimension_semantics<subcore_parallel>], iteration_bounds = array<i64: 2, 16>, scalar_prefetch = 0 : i64, scratch_operands = 9 : i64, tpu.core_type = #tpu.core_type<sc_vector_subcore>, window_params = [{transform_indices = #map}, {transform_indices = #map1}, {transform_indices = #map1}, {transform_indices = #map1}, {transform_indices = #map1}]} {
    %mul3A = arith.constant 16 : i32
    %mul3A_0 = arith.muli %arg0, %mul3A : i32
    %add3A = arith.addi %mul3A_0, %arg1 : i32
    "tpu.region"() ({
      %run_scoped3A = tpu.sem_alloc : memref<!tpu.dma_semaphore, #tpu.memory_space<semaphore_mem>>
      %dma_start3A = arith.constant 0 : i32
      %dma_start3A_21 = arith.constant 0 : i32
      %dma_start3A_22 = tpu.memref_slice %arg5[%arg1, %dma_start3A, %dma_start3A_21] : memref<16x5x128xi32, #tpu.memory_space<hbm>> -> memref<1x5x128xi32, #tpu.memory_space<hbm>>
      %dma_start3A_23 = tpu.memref_squeeze %dma_start3A_22 : memref<1x5x128xi32, #tpu.memory_space<hbm>> -> memref<5x128xi32, #tpu.memory_space<hbm>>
      %dma_start3A_24 = arith.constant 0 : i32
      %dma_start3A_25 = arith.constant 0 : i32
      %dma_start3A_26 = tpu.memref_slice %arg5[%arg1, %dma_start3A_24, %dma_start3A_25] : memref<16x5x128xi32, #tpu.memory_space<hbm>> -> memref<1x5x128xi32, #tpu.memory_space<hbm>>
      %dma_start3A_27 = tpu.memref_squeeze %dma_start3A_26 : memref<1x5x128xi32, #tpu.memory_space<hbm>> -> memref<5x128xi32, #tpu.memory_space<hbm>>
      tpu.enqueue_dma source(%dma_start3A_27 : memref<5x128xi32, #tpu.memory_space<hbm>>) target(%arg9 : memref<5x128xi32, #tpu.memory_space<vmem>>) target_semaphore(%run_scoped3A : memref<!tpu.dma_semaphore, #tpu.memory_space<semaphore_mem>>)
      %dma_wait3A = arith.constant 0 : i32
      %dma_wait3A_28 = arith.constant 0 : i32
      %dma_wait3A_29 = tpu.memref_slice %arg5[%arg1, %dma_wait3A, %dma_wait3A_28] : memref<16x5x128xi32, #tpu.memory_space<hbm>> -> memref<1x5x128xi32, #tpu.memory_space<hbm>>
      %dma_wait3A_30 = tpu.memref_squeeze %dma_wait3A_29 : memref<1x5x128xi32, #tpu.memory_space<hbm>> -> memref<5x128xi32, #tpu.memory_space<hbm>>
      %dma_wait3A_31 = arith.constant 0 : i32
      %dma_wait3A_32 = arith.constant 0 : i32
      %dma_wait3A_33 = tpu.memref_slice %arg5[%arg1, %dma_wait3A_31, %dma_wait3A_32] : memref<16x5x128xi32, #tpu.memory_space<hbm>> -> memref<1x5x128xi32, #tpu.memory_space<hbm>>
      %dma_wait3A_34 = tpu.memref_squeeze %dma_wait3A_33 : memref<1x5x128xi32, #tpu.memory_space<hbm>> -> memref<5x128xi32, #tpu.memory_space<hbm>>
      tpu.wait_dma2 semaphore(%run_scoped3A : memref<!tpu.dma_semaphore, #tpu.memory_space<semaphore_mem>>) src(%dma_wait3A_34 : memref<5x128xi32, #tpu.memory_space<hbm>>) dst(%arg9 : memref<5x128xi32, #tpu.memory_space<vmem>>)
      tpu.yield
    }) : () -> ()
    %scan3A = arith.constant 0 : i32
    %scan3A_1 = arith.constant 128 : i32
    %scan3A_2 = arith.addi %scan3A, %scan3A_1 : i32
    %scan3A_3 = arith.constant 1 : i32
    scf.for %scan3A_21 = %scan3A to %scan3A_2 step %scan3A_3  : i32 {
      %mul3A_22 = arith.constant 1 : i32
      %mul3A_23 = arith.muli %scan3A_21, %mul3A_22 : i32
      %add3A_24 = arith.constant 0 : i32
      %add3A_25 = arith.addi %add3A_24, %mul3A_23 : i32
      %broadcast_in_dim3A = arith.constant 0.000000e+00 : f32
      %broadcast_in_dim3A_26 = vector.broadcast %broadcast_in_dim3A : f32 to vector<16xf32>
      %swap3A = arith.index_cast %add3A_25 : i32 to index
      %swap3A_27 = arith.constant 0 : index
      %swap3A_28 = tpu.vector_load %arg10[%swap3A, %swap3A_27] {strides = array<i32>} : memref<128x128xf32, #tpu.memory_space<vmem>>, vector<1x16xf32>,
      %swap3A_29 = vector.shape_cast %swap3A_28 : vector<1x16xf32> to vector<16xf32>
      %swap3A_30 = vector.shape_cast %broadcast_in_dim3A_26 : vector<16xf32> to vector<1x16xf32>
      tpu.vector_store %arg10[%swap3A, %swap3A_27], %swap3A_30 {strides = array<i32>} : memref<128x128xf32, #tpu.memory_space<vmem>>, vector<1x16xf32>,
      %broadcast_in_dim3A_31 = arith.constant 0.000000e+00 : f32
      %broadcast_in_dim3A_32 = vector.broadcast %broadcast_in_dim3A_31 : f32 to vector<16xf32>
      %swap3A_33 = arith.index_cast %add3A_25 : i32 to index
      %swap3A_34 = arith.constant 16 : index
      %swap3A_35 = tpu.vector_load %arg10[%swap3A_33, %swap3A_34] {strides = array<i32>} : memref<128x128xf32, #tpu.memory_space<vmem>>, vector<1x16xf32>,
      %swap3A_36 = vector.shape_cast %swap3A_35 : vector<1x16xf32> to vector<16xf32>
      %swap3A_37 = vector.shape_cast %broadcast_in_dim3A_32 : vector<16xf32> to vector<1x16xf32>
      tpu.vector_store %arg10[%swap3A_33, %swap3A_34], %swap3A_37 {strides = array<i32>} : memref<128x128xf32, #tpu.memory_space<vmem>>, vector<1x16xf32>,
      %broadcast_in_dim3A_38 = arith.constant 0.000000e+00 : f32
      %broadcast_in_dim3A_39 = vector.broadcast %broadcast_in_dim3A_38 : f32 to vector<16xf32>
      %swap3A_40 = arith.index_cast %add3A_25 : i32 to index
      %swap3A_41 = arith.constant 32 : index
      %swap3A_42 = tpu.vector_load %arg10[%swap3A_40, %swap3A_41] {strides = array<i32>} : memref<128x128xf32, #tpu.memory_space<vmem>>, vector<1x16xf32>,
      %swap3A_43 = vector.shape_cast %swap3A_42 : vector<1x16xf32> to vector<16xf32>
      %swap3A_44 = vector.shape_cast %broadcast_in_dim3A_39 : vector<16xf32> to vector<1x16xf32>
      tpu.vector_store %arg10[%swap3A_40, %swap3A_41], %swap3A_44 {strides = array<i32>} : memref<128x128xf32, #tpu.memory_space<vmem>>, vector<1x16xf32>,
      %broadcast_in_dim3A_45 = arith.constant 0.000000e+00 : f32
      %broadcast_in_dim3A_46 = vector.broadcast %broadcast_in_dim3A_45 : f32 to vector<16xf32>
      %swap3A_47 = arith.index_cast %add3A_25 : i32 to index
      %swap3A_48 = arith.constant 48 : index
      %swap3A_49 = tpu.vector_load %arg10[%swap3A_47, %swap3A_48] {strides = array<i32>} : memref<128x128xf32, #tpu.memory_space<vmem>>, vector<1x16xf32>,
      %swap3A_50 = vector.shape_cast %swap3A_49 : vector<1x16xf32> to vector<16xf32>
      %swap3A_51 = vector.shape_cast %broadcast_in_dim3A_46 : vector<16xf32> to vector<1x16xf32>
      tpu.vector_store %arg10[%swap3A_47, %swap3A_48], %swap3A_51 {strides = array<i32>} : memref<128x128xf32, #tpu.memory_space<vmem>>, vector<1x16xf32>,
      %broadcast_in_dim3A_52 = arith.constant 0.000000e+00 : f32
      %broadcast_in_dim3A_53 = vector.broadcast %broadcast_in_dim3A_52 : f32 to vector<16xf32>
      %swap3A_54 = arith.index_cast %add3A_25 : i32 to index
      %swap3A_55 = arith.constant 64 : index
      %swap3A_56 = tpu.vector_load %arg10[%swap3A_54, %swap3A_55] {strides = array<i32>} : memref<128x128xf32, #tpu.memory_space<vmem>>, vector<1x16xf32>,
      %swap3A_57 = vector.shape_cast %swap3A_56 : vector<1x16xf32> to vector<16xf32>
      %swap3A_58 = vector.shape_cast %broadcast_in_dim3A_53 : vector<16xf32> to vector<1x16xf32>
      tpu.vector_store %arg10[%swap3A_54, %swap3A_55], %swap3A_58 {strides = array<i32>} : memref<128x128xf32, #tpu.memory_space<vmem>>, vector<1x16xf32>,
      %broadcast_in_dim3A_59 = arith.constant 0.000000e+00 : f32
      %broadcast_in_dim3A_60 = vector.broadcast %broadcast_in_dim3A_59 : f32 to vector<16xf32>
      %swap3A_61 = arith.index_cast %add3A_25 : i32 to index
      %swap3A_62 = arith.constant 80 : index
      %swap3A_63 = tpu.vector_load %arg10[%swap3A_61, %swap3A_62] {strides = array<i32>} : memref<128x128xf32, #tpu.memory_space<vmem>>, vector<1x16xf32>,
      %swap3A_64 = vector.shape_cast %swap3A_63 : vector<1x16xf32> to vector<16xf32>
      %swap3A_65 = vector.shape_cast %broadcast_in_dim3A_60 : vector<16xf32> to vector<1x16xf32>
      tpu.vector_store %arg10[%swap3A_61, %swap3A_62], %swap3A_65 {strides = array<i32>} : memref<128x128xf32, #tpu.memory_space<vmem>>, vector<1x16xf32>,
      %broadcast_in_dim3A_66 = arith.constant 0.000000e+00 : f32
      %broadcast_in_dim3A_67 = vector.broadcast %broadcast_in_dim3A_66 : f32 to vector<16xf32>
      %swap3A_68 = arith.index_cast %add3A_25 : i32 to index
      %swap3A_69 = arith.constant 96 : index
      %swap3A_70 = tpu.vector_load %arg10[%swap3A_68, %swap3A_69] {strides = array<i32>} : memref<128x128xf32, #tpu.memory_space<vmem>>, vector<1x16xf32>,
      %swap3A_71 = vector.shape_cast %swap3A_70 : vector<1x16xf32> to vector<16xf32>
      %swap3A_72 = vector.shape_cast %broadcast_in_dim3A_67 : vector<16xf32> to vector<1x16xf32>
      tpu.vector_store %arg10[%swap3A_68, %swap3A_69], %swap3A_72 {strides = array<i32>} : memref<128x128xf32, #tpu.memory_space<vmem>>, vector<1x16xf32>,
      %broadcast_in_dim3A_73 = arith.constant 0.000000e+00 : f32
      %broadcast_in_dim3A_74 = vector.broadcast %broadcast_in_dim3A_73 : f32 to vector<16xf32>
      %swap3A_75 = arith.index_cast %add3A_25 : i32 to index
      %swap3A_76 = arith.constant 112 : index
      %swap3A_77 = tpu.vector_load %arg10[%swap3A_75, %swap3A_76] {strides = array<i32>} : memref<128x128xf32, #tpu.memory_space<vmem>>, vector<1x16xf32>,
      %swap3A_78 = vector.shape_cast %swap3A_77 : vector<1x16xf32> to vector<16xf32>
      %swap3A_79 = vector.shape_cast %broadcast_in_dim3A_74 : vector<16xf32> to vector<1x16xf32>
      tpu.vector_store %arg10[%swap3A_75, %swap3A_76], %swap3A_79 {strides = array<i32>} : memref<128x128xf32, #tpu.memory_space<vmem>>, vector<1x16xf32>,
    }
    %scan3A_4 = arith.constant 128 : i32
    %scan3A_5 = arith.constant 0 : i32
    %scan3A_6 = arith.constant 5 : i32
    %scan3A_7 = arith.addi %scan3A_5, %scan3A_6 : i32
    %scan3A_8 = arith.constant 1 : i32
    scf.for %scan3A_21 = %scan3A_5 to %scan3A_7 step %scan3A_8  : i32 {
      %mul3A_22 = arith.constant 1 : i32
      %mul3A_23 = arith.muli %scan3A_21, %mul3A_22 : i32
      %add3A_24 = arith.constant 0 : i32
      %add3A_25 = arith.addi %add3A_24, %mul3A_23 : i32
      "tpu.region"() ({
        %run_scoped3A = tpu.sem_alloc : memref<!tpu.dma_semaphore, #tpu.memory_space<semaphore_mem>>
        %dma_start3A = arith.constant 0 : i32
        %dma_start3A_26 = tpu.memref_slice %arg9[%add3A_25, %dma_start3A] : memref<5x128xi32, #tpu.memory_space<vmem>> -> memref<1x128xi32, #tpu.memory_space<vmem>>
        %dma_start3A_27 = tpu.memref_squeeze %dma_start3A_26 : memref<1x128xi32, #tpu.memory_space<vmem>> -> memref<128xi32, #tpu.memory_space<vmem>>
        %dma_start3A_28 = arith.constant 0 : i32
        %dma_start3A_29 = arith.constant 0 : i32
        %dma_start3A_30 = tpu.memref_slice %arg12[%dma_start3A_28, %dma_start3A_29] : memref<10240x128xf32, #tpu.memory_space<vmem_shared>> -> memref<10240x128xf32, #tpu.memory_space<vmem_shared>>
        tpu.enqueue_indirect_dma source(%arg10 : memref<128x128xf32, #tpu.memory_space<vmem>>) target(%dma_start3A_30 : memref<10240x128xf32, #tpu.memory_space<vmem_shared>>) offsets(%dma_start3A_27 : memref<128xi32, #tpu.memory_space<vmem>>) semaphore(%run_scoped3A : memref<!tpu.dma_semaphore, #tpu.memory_space<semaphore_mem>>)
        %dma_wait3A = arith.constant 0 : i32
        %dma_wait3A_31 = tpu.memref_slice %arg9[%add3A_25, %dma_wait3A] : memref<5x128xi32, #tpu.memory_space<vmem>> -> memref<1x128xi32, #tpu.memory_space<vmem>>
        %dma_wait3A_32 = tpu.memref_squeeze %dma_wait3A_31 : memref<1x128xi32, #tpu.memory_space<vmem>> -> memref<128xi32, #tpu.memory_space<vmem>>
        %dma_wait3A_33 = arith.constant 0 : i32
        %dma_wait3A_34 = arith.constant 0 : i32
        %dma_wait3A_35 = tpu.memref_slice %arg12[%dma_wait3A_33, %dma_wait3A_34] : memref<10240x128xf32, #tpu.memory_space<vmem_shared>> -> memref<10240x128xf32, #tpu.memory_space<vmem_shared>>
        tpu.wait_indirect_dma semaphore(%run_scoped3A : memref<!tpu.dma_semaphore, #tpu.memory_space<semaphore_mem>>) src(%arg10 : memref<128x128xf32, #tpu.memory_space<vmem>>) dst(%dma_wait3A_35 : memref<10240x128xf32, #tpu.memory_space<vmem_shared>>)
        tpu.yield
      }) : () -> ()
    }
    %scan3A_9 = arith.constant 5 : i32
    %barrier3A = arith.constant 0 : index
    tpu.barrier barrier_id(%barrier3A)
    %scan3A_10 = arith.constant 0 : i32
    %scan3A_11 = arith.constant 10 : i32
    %scan3A_12 = arith.addi %scan3A_10, %scan3A_11 : i32
    %scan3A_13 = arith.constant 1 : i32
    scf.for %scan3A_21 = %scan3A_10 to %scan3A_12 step %scan3A_13  : i32 {
      %mul3A_22 = arith.constant 1 : i32
      %mul3A_23 = arith.muli %scan3A_21, %mul3A_22 : i32
      %add3A_24 = arith.constant 0 : i32
      %add3A_25 = arith.addi %add3A_24, %mul3A_23 : i32
      %mul3A_26 = arith.constant 8 : i32
      %mul3A_27 = arith.muli %add3A_25, %mul3A_26 : i32
      "tpu.region"() ({
        %run_scoped3A = tpu.sem_alloc : memref<!tpu.dma_semaphore, #tpu.memory_space<semaphore_mem>>
        %dma_start3A_292 = arith.constant 0 : i32
        %dma_start3A_293 = tpu.memref_slice %arg3[%add3A, %mul3A_27, %dma_start3A_292] : memref<32x80x128xi32, #tpu.memory_space<hbm>> -> memref<1x8x128xi32, #tpu.memory_space<hbm>>
        %dma_start3A_294 = tpu.memref_squeeze %dma_start3A_293 : memref<1x8x128xi32, #tpu.memory_space<hbm>> -> memref<8x128xi32, #tpu.memory_space<hbm>>
        %dma_start3A_295 = arith.constant 0 : i32
        %dma_start3A_296 = tpu.memref_slice %arg3[%add3A, %mul3A_27, %dma_start3A_295] : memref<32x80x128xi32, #tpu.memory_space<hbm>> -> memref<1x8x128xi32, #tpu.memory_space<hbm>>
        %dma_start3A_297 = tpu.memref_squeeze %dma_start3A_296 : memref<1x8x128xi32, #tpu.memory_space<hbm>> -> memref<8x128xi32, #tpu.memory_space<hbm>>
        tpu.enqueue_dma source(%dma_start3A_297 : memref<8x128xi32, #tpu.memory_space<hbm>>) target(%arg7 : memref<8x128xi32, #tpu.memory_space<vmem>>) target_semaphore(%run_scoped3A : memref<!tpu.dma_semaphore, #tpu.memory_space<semaphore_mem>>)
        %dma_wait3A_298 = arith.constant 0 : i32
        %dma_wait3A_299 = tpu.memref_slice %arg3[%add3A, %mul3A_27, %dma_wait3A_298] : memref<32x80x128xi32, #tpu.memory_space<hbm>> -> memref<1x8x128xi32, #tpu.memory_space<hbm>>
        %dma_wait3A_300 = tpu.memref_squeeze %dma_wait3A_299 : memref<1x8x128xi32, #tpu.memory_space<hbm>> -> memref<8x128xi32, #tpu.memory_space<hbm>>
        %dma_wait3A_301 = arith.constant 0 : i32
        %dma_wait3A_302 = tpu.memref_slice %arg3[%add3A, %mul3A_27, %dma_wait3A_301] : memref<32x80x128xi32, #tpu.memory_space<hbm>> -> memref<1x8x128xi32, #tpu.memory_space<hbm>>
        %dma_wait3A_303 = tpu.memref_squeeze %dma_wait3A_302 : memref<1x8x128xi32, #tpu.memory_space<hbm>> -> memref<8x128xi32, #tpu.memory_space<hbm>>
        tpu.wait_dma2 semaphore(%run_scoped3A : memref<!tpu.dma_semaphore, #tpu.memory_space<semaphore_mem>>) src(%dma_wait3A_303 : memref<8x128xi32, #tpu.memory_space<hbm>>) dst(%arg7 : memref<8x128xi32, #tpu.memory_space<vmem>>)
        tpu.yield
      }) : () -> ()
      %mul3A_28 = arith.constant 8 : i32
      %mul3A_29 = arith.muli %add3A_25, %mul3A_28 : i32
      "tpu.region"() ({
        %run_scoped3A = tpu.sem_alloc : memref<!tpu.dma_semaphore, #tpu.memory_space<semaphore_mem>>
        %dma_start3A_292 = arith.constant 0 : i32
        %dma_start3A_293 = tpu.memref_slice %arg4[%add3A, %mul3A_29, %dma_start3A_292] : memref<32x80x128xi32, #tpu.memory_space<hbm>> -> memref<1x8x128xi32, #tpu.memory_space<hbm>>
        %dma_start3A_294 = tpu.memref_squeeze %dma_start3A_293 : memref<1x8x128xi32, #tpu.memory_space<hbm>> -> memref<8x128xi32, #tpu.memory_space<hbm>>
        %dma_start3A_295 = arith.constant 0 : i32
        %dma_start3A_296 = tpu.memref_slice %arg4[%add3A, %mul3A_29, %dma_start3A_295] : memref<32x80x128xi32, #tpu.memory_space<hbm>> -> memref<1x8x128xi32, #tpu.memory_space<hbm>>
        %dma_start3A_297 = tpu.memref_squeeze %dma_start3A_296 : memref<1x8x128xi32, #tpu.memory_space<hbm>> -> memref<8x128xi32, #tpu.memory_space<hbm>>
        tpu.enqueue_dma source(%dma_start3A_297 : memref<8x128xi32, #tpu.memory_space<hbm>>) target(%arg8 : memref<8x128xi32, #tpu.memory_space<vmem>>) target_semaphore(%run_scoped3A : memref<!tpu.dma_semaphore, #tpu.memory_space<semaphore_mem>>)
        %dma_wait3A_298 = arith.constant 0 : i32
        %dma_wait3A_299 = tpu.memref_slice %arg4[%add3A, %mul3A_29, %dma_wait3A_298] : memref<32x80x128xi32, #tpu.memory_space<hbm>> -> memref<1x8x128xi32, #tpu.memory_space<hbm>>
        %dma_wait3A_300 = tpu.memref_squeeze %dma_wait3A_299 : memref<1x8x128xi32, #tpu.memory_space<hbm>> -> memref<8x128xi32, #tpu.memory_space<hbm>>
        %dma_wait3A_301 = arith.constant 0 : i32
        %dma_wait3A_302 = tpu.memref_slice %arg4[%add3A, %mul3A_29, %dma_wait3A_301] : memref<32x80x128xi32, #tpu.memory_space<hbm>> -> memref<1x8x128xi32, #tpu.memory_space<hbm>>
        %dma_wait3A_303 = tpu.memref_squeeze %dma_wait3A_302 : memref<1x8x128xi32, #tpu.memory_space<hbm>> -> memref<8x128xi32, #tpu.memory_space<hbm>>
        tpu.wait_dma2 semaphore(%run_scoped3A : memref<!tpu.dma_semaphore, #tpu.memory_space<semaphore_mem>>) src(%dma_wait3A_303 : memref<8x128xi32, #tpu.memory_space<hbm>>) dst(%arg8 : memref<8x128xi32, #tpu.memory_space<vmem>>)
        tpu.yield
      }) : () -> ()
      %dma_start3A = arith.constant 0 : i32
      %dma_start3A_30 = arith.constant 0 : i32
      %dma_start3A_31 = tpu.memref_slice %arg7[%dma_start3A, %dma_start3A_30] : memref<8x128xi32, #tpu.memory_space<vmem>> -> memref<1x128xi32, #tpu.memory_space<vmem>>
      %dma_start3A_32 = tpu.memref_squeeze %dma_start3A_31 : memref<1x128xi32, #tpu.memory_space<vmem>> -> memref<128xi32, #tpu.memory_space<vmem>>
      %dma_start3A_33 = arith.constant 0 : i32
      %dma_start3A_34 = arith.constant 0 : i32
      %dma_start3A_35 = tpu.memref_slice %arg2[%dma_start3A_33, %dma_start3A_34] : memref<10000x128xf32, #tpu.memory_space<hbm>> -> memref<10000x128xf32, #tpu.memory_space<hbm>>
      tpu.enqueue_indirect_dma source(%dma_start3A_35 : memref<10000x128xf32, #tpu.memory_space<hbm>>) target(%arg10 : memref<128x128xf32, #tpu.memory_space<vmem>>) offsets(%dma_start3A_32 : memref<128xi32, #tpu.memory_space<vmem>>) semaphore(%arg13 : memref<!tpu.dma_semaphore, #tpu.memory_space<semaphore_mem>>)
      %dma_wait3A = arith.constant 0 : i32
      %dma_wait3A_36 = arith.constant 0 : i32
      %dma_wait3A_37 = tpu.memref_slice %arg7[%dma_wait3A, %dma_wait3A_36] : memref<8x128xi32, #tpu.memory_space<vmem>> -> memref<1x128xi32, #tpu.memory_space<vmem>>
      %dma_wait3A_38 = tpu.memref_squeeze %dma_wait3A_37 : memref<1x128xi32, #tpu.memory_space<vmem>> -> memref<128xi32, #tpu.memory_space<vmem>>
      %dma_wait3A_39 = arith.constant 0 : i32
      %dma_wait3A_40 = arith.constant 0 : i32
      %dma_wait3A_41 = tpu.memref_slice %arg2[%dma_wait3A_39, %dma_wait3A_40] : memref<10000x128xf32, #tpu.memory_space<hbm>> -> memref<10000x128xf32, #tpu.memory_space<hbm>>
      tpu.wait_indirect_dma semaphore(%arg13 : memref<!tpu.dma_semaphore, #tpu.memory_space<semaphore_mem>>) src(%dma_wait3A_41 : memref<10000x128xf32, #tpu.memory_space<hbm>>) dst(%arg10 : memref<128x128xf32, #tpu.memory_space<vmem>>)
      %scan3A_42 = arith.constant 0 : i32
      %scan3A_43 = arith.constant 128 : i32
      %scan3A_44 = arith.addi %scan3A_42, %scan3A_43 : i32
      %scan3A_45 = arith.constant 1 : i32
      scf.for %scan3A_292 = %scan3A_42 to %scan3A_44 step %scan3A_45  : i32 {
        %mul3A_293 = arith.constant 1 : i32
        %mul3A_294 = arith.muli %scan3A_292, %mul3A_293 : i32
        %add3A_295 = arith.constant 0 : i32
        %add3A_296 = arith.addi %add3A_295, %mul3A_294 : i32
        %get3A = arith.index_cast %add3A_296 : i32 to index
        %get3A_297 = arith.constant 0 : index
        %get3A_298 = tpu.vector_load %arg10[%get3A, %get3A_297] {strides = array<i32>} : memref<128x128xf32, #tpu.memory_space<vmem>>, vector<1x16xf32>,
        %get3A_299 = vector.shape_cast %get3A_298 : vector<1x16xf32> to vector<16xf32>
        %swap3A = arith.index_cast %add3A_296 : i32 to index
        %swap3A_300 = arith.constant 0 : index
        %swap3A_301 = tpu.vector_load %arg11[%swap3A, %swap3A_300] {strides = array<i32>} : memref<128x128xf32, #tpu.memory_space<vmem>>, vector<1x16xf32>,
        %swap3A_302 = vector.shape_cast %swap3A_301 : vector<1x16xf32> to vector<16xf32>
        %swap3A_303 = vector.shape_cast %get3A_299 : vector<16xf32> to vector<1x16xf32>
        tpu.vector_store %arg11[%swap3A, %swap3A_300], %swap3A_303 {strides = array<i32>} : memref<128x128xf32, #tpu.memory_space<vmem>>, vector<1x16xf32>,
        %get3A_304 = arith.index_cast %add3A_296 : i32 to index
        %get3A_305 = arith.constant 16 : index
        %get3A_306 = tpu.vector_load %arg10[%get3A_304, %get3A_305] {strides = array<i32>} : memref<128x128xf32, #tpu.memory_space<vmem>>, vector<1x16xf32>,
        %get3A_307 = vector.shape_cast %get3A_306 : vector<1x16xf32> to vector<16xf32>
        %swap3A_308 = arith.index_cast %add3A_296 : i32 to index
        %swap3A_309 = arith.constant 16 : index
        %swap3A_310 = tpu.vector_load %arg11[%swap3A_308, %swap3A_309] {strides = array<i32>} : memref<128x128xf32, #tpu.memory_space<vmem>>, vector<1x16xf32>,
        %swap3A_311 = vector.shape_cast %swap3A_310 : vector<1x16xf32> to vector<16xf32>
        %swap3A_312 = vector.shape_cast %get3A_307 : vector<16xf32> to vector<1x16xf32>
        tpu.vector_store %arg11[%swap3A_308, %swap3A_309], %swap3A_312 {strides = array<i32>} : memref<128x128xf32, #tpu.memory_space<vmem>>, vector<1x16xf32>,
        %get3A_313 = arith.index_cast %add3A_296 : i32 to index
        %get3A_314 = arith.constant 32 : index
        %get3A_315 = tpu.vector_load %arg10[%get3A_313, %get3A_314] {strides = array<i32>} : memref<128x128xf32, #tpu.memory_space<vmem>>, vector<1x16xf32>,
        %get3A_316 = vector.shape_cast %get3A_315 : vector<1x16xf32> to vector<16xf32>
        %swap3A_317 = arith.index_cast %add3A_296 : i32 to index
        %swap3A_318 = arith.constant 32 : index
        %swap3A_319 = tpu.vector_load %arg11[%swap3A_317, %swap3A_318] {strides = array<i32>} : memref<128x128xf32, #tpu.memory_space<vmem>>, vector<1x16xf32>,
        %swap3A_320 = vector.shape_cast %swap3A_319 : vector<1x16xf32> to vector<16xf32>
        %swap3A_321 = vector.shape_cast %get3A_316 : vector<16xf32> to vector<1x16xf32>
        tpu.vector_store %arg11[%swap3A_317, %swap3A_318], %swap3A_321 {strides = array<i32>} : memref<128x128xf32, #tpu.memory_space<vmem>>, vector<1x16xf32>,
        %get3A_322 = arith.index_cast %add3A_296 : i32 to index
        %get3A_323 = arith.constant 48 : index
        %get3A_324 = tpu.vector_load %arg10[%get3A_322, %get3A_323] {strides = array<i32>} : memref<128x128xf32, #tpu.memory_space<vmem>>, vector<1x16xf32>,
        %get3A_325 = vector.shape_cast %get3A_324 : vector<1x16xf32> to vector<16xf32>
        %swap3A_326 = arith.index_cast %add3A_296 : i32 to index
        %swap3A_327 = arith.constant 48 : index
        %swap3A_328 = tpu.vector_load %arg11[%swap3A_326, %swap3A_327] {strides = array<i32>} : memref<128x128xf32, #tpu.memory_space<vmem>>, vector<1x16xf32>,
        %swap3A_329 = vector.shape_cast %swap3A_328 : vector<1x16xf32> to vector<16xf32>
        %swap3A_330 = vector.shape_cast %get3A_325 : vector<16xf32> to vector<1x16xf32>
        tpu.vector_store %arg11[%swap3A_326, %swap3A_327], %swap3A_330 {strides = array<i32>} : memref<128x128xf32, #tpu.memory_space<vmem>>, vector<1x16xf32>,
        %get3A_331 = arith.index_cast %add3A_296 : i32 to index
        %get3A_332 = arith.constant 64 : index
        %get3A_333 = tpu.vector_load %arg10[%get3A_331, %get3A_332] {strides = array<i32>} : memref<128x128xf32, #tpu.memory_space<vmem>>, vector<1x16xf32>,
        %get3A_334 = vector.shape_cast %get3A_333 : vector<1x16xf32> to vector<16xf32>
        %swap3A_335 = arith.index_cast %add3A_296 : i32 to index
        %swap3A_336 = arith.constant 64 : index
        %swap3A_337 = tpu.vector_load %arg11[%swap3A_335, %swap3A_336] {strides = array<i32>} : memref<128x128xf32, #tpu.memory_space<vmem>>, vector<1x16xf32>,
        %swap3A_338 = vector.shape_cast %swap3A_337 : vector<1x16xf32> to vector<16xf32>
        %swap3A_339 = vector.shape_cast %get3A_334 : vector<16xf32> to vector<1x16xf32>
        tpu.vector_store %arg11[%swap3A_335, %swap3A_336], %swap3A_339 {strides = array<i32>} : memref<128x128xf32, #tpu.memory_space<vmem>>, vector<1x16xf32>,
        %get3A_340 = arith.index_cast %add3A_296 : i32 to index
        %get3A_341 = arith.constant 80 : index
        %get3A_342 = tpu.vector_load %arg10[%get3A_340, %get3A_341] {strides = array<i32>} : memref<128x128xf32, #tpu.memory_space<vmem>>, vector<1x16xf32>,
        %get3A_343 = vector.shape_cast %get3A_342 : vector<1x16xf32> to vector<16xf32>
        %swap3A_344 = arith.index_cast %add3A_296 : i32 to index
        %swap3A_345 = arith.constant 80 : index
        %swap3A_346 = tpu.vector_load %arg11[%swap3A_344, %swap3A_345] {strides = array<i32>} : memref<128x128xf32, #tpu.memory_space<vmem>>, vector<1x16xf32>,
        %swap3A_347 = vector.shape_cast %swap3A_346 : vector<1x16xf32> to vector<16xf32>
        %swap3A_348 = vector.shape_cast %get3A_343 : vector<16xf32> to vector<1x16xf32>
        tpu.vector_store %arg11[%swap3A_344, %swap3A_345], %swap3A_348 {strides = array<i32>} : memref<128x128xf32, #tpu.memory_space<vmem>>, vector<1x16xf32>,
        %get3A_349 = arith.index_cast %add3A_296 : i32 to index
        %get3A_350 = arith.constant 96 : index
        %get3A_351 = tpu.vector_load %arg10[%get3A_349, %get3A_350] {strides = array<i32>} : memref<128x128xf32, #tpu.memory_space<vmem>>, vector<1x16xf32>,
        %get3A_352 = vector.shape_cast %get3A_351 : vector<1x16xf32> to vector<16xf32>
        %swap3A_353 = arith.index_cast %add3A_296 : i32 to index
        %swap3A_354 = arith.constant 96 : index
        %swap3A_355 = tpu.vector_load %arg11[%swap3A_353, %swap3A_354] {strides = array<i32>} : memref<128x128xf32, #tpu.memory_space<vmem>>, vector<1x16xf32>,
        %swap3A_356 = vector.shape_cast %swap3A_355 : vector<1x16xf32> to vector<16xf32>
        %swap3A_357 = vector.shape_cast %get3A_352 : vector<16xf32> to vector<1x16xf32>
        tpu.vector_store %arg11[%swap3A_353, %swap3A_354], %swap3A_357 {strides = array<i32>} : memref<128x128xf32, #tpu.memory_space<vmem>>, vector<1x16xf32>,
        %get3A_358 = arith.index_cast %add3A_296 : i32 to index
        %get3A_359 = arith.constant 112 : index
        %get3A_360 = tpu.vector_load %arg10[%get3A_358, %get3A_359] {strides = array<i32>} : memref<128x128xf32, #tpu.memory_space<vmem>>, vector<1x16xf32>,
        %get3A_361 = vector.shape_cast %get3A_360 : vector<1x16xf32> to vector<16xf32>
        %swap3A_362 = arith.index_cast %add3A_296 : i32 to index
        %swap3A_363 = arith.constant 112 : index
        %swap3A_364 = tpu.vector_load %arg11[%swap3A_362, %swap3A_363] {strides = array<i32>} : memref<128x128xf32, #tpu.memory_space<vmem>>, vector<1x16xf32>,
        %swap3A_365 = vector.shape_cast %swap3A_364 : vector<1x16xf32> to vector<16xf32>
        %swap3A_366 = vector.shape_cast %get3A_361 : vector<16xf32> to vector<1x16xf32>
        tpu.vector_store %arg11[%swap3A_362, %swap3A_363], %swap3A_366 {strides = array<i32>} : memref<128x128xf32, #tpu.memory_space<vmem>>, vector<1x16xf32>,
      }
      %scan3A_46 = arith.constant 128 : i32
      %dma_start3A_47 = arith.constant 0 : i32
      %dma_start3A_48 = arith.constant 0 : i32
      %dma_start3A_49 = tpu.memref_slice %arg8[%dma_start3A_47, %dma_start3A_48] : memref<8x128xi32, #tpu.memory_space<vmem>> -> memref<1x128xi32, #tpu.memory_space<vmem>>
      %dma_start3A_50 = tpu.memref_squeeze %dma_start3A_49 : memref<1x128xi32, #tpu.memory_space<vmem>> -> memref<128xi32, #tpu.memory_space<vmem>>
      %dma_start3A_51 = arith.constant 0 : i32
      %dma_start3A_52 = arith.constant 0 : i32
      %dma_start3A_53 = tpu.memref_slice %arg12[%dma_start3A_51, %dma_start3A_52] : memref<10240x128xf32, #tpu.memory_space<vmem_shared>> -> memref<10240x128xf32, #tpu.memory_space<vmem_shared>>
      tpu.enqueue_indirect_dma source(%arg11 : memref<128x128xf32, #tpu.memory_space<vmem>>) target(%dma_start3A_53 : memref<10240x128xf32, #tpu.memory_space<vmem_shared>>) offsets(%dma_start3A_50 : memref<128xi32, #tpu.memory_space<vmem>>) semaphore(%arg14 : memref<!tpu.dma_semaphore, #tpu.memory_space<semaphore_mem>>) {add = true}
      %dma_wait3A_54 = arith.constant 0 : i32
      %dma_wait3A_55 = arith.constant 0 : i32
      %dma_wait3A_56 = tpu.memref_slice %arg8[%dma_wait3A_54, %dma_wait3A_55] : memref<8x128xi32, #tpu.memory_space<vmem>> -> memref<1x128xi32, #tpu.memory_space<vmem>>
      %dma_wait3A_57 = tpu.memref_squeeze %dma_wait3A_56 : memref<1x128xi32, #tpu.memory_space<vmem>> -> memref<128xi32, #tpu.memory_space<vmem>>
      %dma_wait3A_58 = arith.constant 0 : i32
      %dma_wait3A_59 = arith.constant 0 : i32
      %dma_wait3A_60 = tpu.memref_slice %arg12[%dma_wait3A_58, %dma_wait3A_59] : memref<10240x128xf32, #tpu.memory_space<vmem_shared>> -> memref<10240x128xf32, #tpu.memory_space<vmem_shared>>
      tpu.wait_indirect_dma semaphore(%arg14 : memref<!tpu.dma_semaphore, #tpu.memory_space<semaphore_mem>>) src(%arg11 : memref<128x128xf32, #tpu.memory_space<vmem>>) dst(%dma_wait3A_60 : memref<10240x128xf32, #tpu.memory_space<vmem_shared>>)
      %dma_start3A_61 = arith.constant 1 : i32
      %dma_start3A_62 = arith.constant 0 : i32
      %dma_start3A_63 = tpu.memref_slice %arg7[%dma_start3A_61, %dma_start3A_62] : memref<8x128xi32, #tpu.memory_space<vmem>> -> memref<1x128xi32, #tpu.memory_space<vmem>>
      %dma_start3A_64 = tpu.memref_squeeze %dma_start3A_63 : memref<1x128xi32, #tpu.memory_space<vmem>> -> memref<128xi32, #tpu.memory_space<vmem>>
      %dma_start3A_65 = arith.constant 0 : i32
      %dma_start3A_66 = arith.constant 0 : i32
      %dma_start3A_67 = tpu.memref_slice %arg2[%dma_start3A_65, %dma_start3A_66] : memref<10000x128xf32, #tpu.memory_space<hbm>> -> memref<10000x128xf32, #tpu.memory_space<hbm>>
      tpu.enqueue_indirect_dma source(%dma_start3A_67 : memref<10000x128xf32, #tpu.memory_space<hbm>>) target(%arg10 : memref<128x128xf32, #tpu.memory_space<vmem>>) offsets(%dma_start3A_64 : memref<128xi32, #tpu.memory_space<vmem>>) semaphore(%arg13 : memref<!tpu.dma_semaphore, #tpu.memory_space<semaphore_mem>>)
      %dma_wait3A_68 = arith.constant 1 : i32
      %dma_wait3A_69 = arith.constant 0 : i32
      %dma_wait3A_70 = tpu.memref_slice %arg7[%dma_wait3A_68, %dma_wait3A_69] : memref<8x128xi32, #tpu.memory_space<vmem>> -> memref<1x128xi32, #tpu.memory_space<vmem>>
      %dma_wait3A_71 = tpu.memref_squeeze %dma_wait3A_70 : memref<1x128xi32, #tpu.memory_space<vmem>> -> memref<128xi32, #tpu.memory_space<vmem>>
      %dma_wait3A_72 = arith.constant 0 : i32
      %dma_wait3A_73 = arith.constant 0 : i32
      %dma_wait3A_74 = tpu.memref_slice %arg2[%dma_wait3A_72, %dma_wait3A_73] : memref<10000x128xf32, #tpu.memory_space<hbm>> -> memref<10000x128xf32, #tpu.memory_space<hbm>>
      tpu.wait_indirect_dma semaphore(%arg13 : memref<!tpu.dma_semaphore, #tpu.memory_space<semaphore_mem>>) src(%dma_wait3A_74 : memref<10000x128xf32, #tpu.memory_space<hbm>>) dst(%arg10 : memref<128x128xf32, #tpu.memory_space<vmem>>)
      %scan3A_75 = arith.constant 0 : i32
      %scan3A_76 = arith.constant 128 : i32
      %scan3A_77 = arith.addi %scan3A_75, %scan3A_76 : i32
      %scan3A_78 = arith.constant 1 : i32
      scf.for %scan3A_292 = %scan3A_75 to %scan3A_77 step %scan3A_78  : i32 {
        %mul3A_293 = arith.constant 1 : i32
        %mul3A_294 = arith.muli %scan3A_292, %mul3A_293 : i32
        %add3A_295 = arith.constant 0 : i32
        %add3A_296 = arith.addi %add3A_295, %mul3A_294 : i32
        %get3A = arith.index_cast %add3A_296 : i32 to index
        %get3A_297 = arith.constant 0 : index
        %get3A_298 = tpu.vector_load %arg10[%get3A, %get3A_297] {strides = array<i32>} : memref<128x128xf32, #tpu.memory_space<vmem>>, vector<1x16xf32>,
        %get3A_299 = vector.shape_cast %get3A_298 : vector<1x16xf32> to vector<16xf32>
        %swap3A = arith.index_cast %add3A_296 : i32 to index
        %swap3A_300 = arith.constant 0 : index
        %swap3A_301 = tpu.vector_load %arg11[%swap3A, %swap3A_300] {strides = array<i32>} : memref<128x128xf32, #tpu.memory_space<vmem>>, vector<1x16xf32>,
        %swap3A_302 = vector.shape_cast %swap3A_301 : vector<1x16xf32> to vector<16xf32>
        %swap3A_303 = vector.shape_cast %get3A_299 : vector<16xf32> to vector<1x16xf32>
        tpu.vector_store %arg11[%swap3A, %swap3A_300], %swap3A_303 {strides = array<i32>} : memref<128x128xf32, #tpu.memory_space<vmem>>, vector<1x16xf32>,
        %get3A_304 = arith.index_cast %add3A_296 : i32 to index
        %get3A_305 = arith.constant 16 : index
        %get3A_306 = tpu.vector_load %arg10[%get3A_304, %get3A_305] {strides = array<i32>} : memref<128x128xf32, #tpu.memory_space<vmem>>, vector<1x16xf32>,
        %get3A_307 = vector.shape_cast %get3A_306 : vector<1x16xf32> to vector<16xf32>
        %swap3A_308 = arith.index_cast %add3A_296 : i32 to index
        %swap3A_309 = arith.constant 16 : index
        %swap3A_310 = tpu.vector_load %arg11[%swap3A_308, %swap3A_309] {strides = array<i32>} : memref<128x128xf32, #tpu.memory_space<vmem>>, vector<1x16xf32>,
        %swap3A_311 = vector.shape_cast %swap3A_310 : vector<1x16xf32> to vector<16xf32>
        %swap3A_312 = vector.shape_cast %get3A_307 : vector<16xf32> to vector<1x16xf32>
        tpu.vector_store %arg11[%swap3A_308, %swap3A_309], %swap3A_312 {strides = array<i32>} : memref<128x128xf32, #tpu.memory_space<vmem>>, vector<1x16xf32>,
        %get3A_313 = arith.index_cast %add3A_296 : i32 to index
        %get3A_314 = arith.constant 32 : index
        %get3A_315 = tpu.vector_load %arg10[%get3A_313, %get3A_314] {strides = array<i32>} : memref<128x128xf32, #tpu.memory_space<vmem>>, vector<1x16xf32>,
        %get3A_316 = vector.shape_cast %get3A_315 : vector<1x16xf32> to vector<16xf32>
        %swap3A_317 = arith.index_cast %add3A_296 : i32 to index
        %swap3A_318 = arith.constant 32 : index
        %swap3A_319 = tpu.vector_load %arg11[%swap3A_317, %swap3A_318] {strides = array<i32>} : memref<128x128xf32, #tpu.memory_space<vmem>>, vector<1x16xf32>,
        %swap3A_320 = vector.shape_cast %swap3A_319 : vector<1x16xf32> to vector<16xf32>
        %swap3A_321 = vector.shape_cast %get3A_316 : vector<16xf32> to vector<1x16xf32>
        tpu.vector_store %arg11[%swap3A_317, %swap3A_318], %swap3A_321 {strides = array<i32>} : memref<128x128xf32, #tpu.memory_space<vmem>>, vector<1x16xf32>,
        %get3A_322 = arith.index_cast %add3A_296 : i32 to index
        %get3A_323 = arith.constant 48 : index
        %get3A_324 = tpu.vector_load %arg10[%get3A_322, %get3A_323] {strides = array<i32>} : memref<128x128xf32, #tpu.memory_space<vmem>>, vector<1x16xf32>,
        %get3A_325 = vector.shape_cast %get3A_324 : vector<1x16xf32> to vector<16xf32>
        %swap3A_326 = arith.index_cast %add3A_296 : i32 to index
        %swap3A_327 = arith.constant 48 : index
        %swap3A_328 = tpu.vector_load %arg11[%swap3A_326, %swap3A_327] {strides = array<i32>} : memref<128x128xf32, #tpu.memory_space<vmem>>, vector<1x16xf32>,
        %swap3A_329 = vector.shape_cast %swap3A_328 : vector<1x16xf32> to vector<16xf32>
        %swap3A_330 = vector.shape_cast %get3A_325 : vector<16xf32> to vector<1x16xf32>
        tpu.vector_store %arg11[%swap3A_326, %swap3A_327], %swap3A_330 {strides = array<i32>} : memref<128x128xf32, #tpu.memory_space<vmem>>, vector<1x16xf32>,
        %get3A_331 = arith.index_cast %add3A_296 : i32 to index
        %get3A_332 = arith.constant 64 : index
        %get3A_333 = tpu.vector_load %arg10[%get3A_331, %get3A_332] {strides = array<i32>} : memref<128x128xf32, #tpu.memory_space<vmem>>, vector<1x16xf32>,
        %get3A_334 = vector.shape_cast %get3A_333 : vector<1x16xf32> to vector<16xf32>
        %swap3A_335 = arith.index_cast %add3A_296 : i32 to index
        %swap3A_336 = arith.constant 64 : index
        %swap3A_337 = tpu.vector_load %arg11[%swap3A_335, %swap3A_336] {strides = array<i32>} : memref<128x128xf32, #tpu.memory_space<vmem>>, vector<1x16xf32>,
        %swap3A_338 = vector.shape_cast %swap3A_337 : vector<1x16xf32> to vector<16xf32>
        %swap3A_339 = vector.shape_cast %get3A_334 : vector<16xf32> to vector<1x16xf32>
        tpu.vector_store %arg11[%swap3A_335, %swap3A_336], %swap3A_339 {strides = array<i32>} : memref<128x128xf32, #tpu.memory_space<vmem>>, vector<1x16xf32>,
        %get3A_340 = arith.index_cast %add3A_296 : i32 to index
        %get3A_341 = arith.constant 80 : index
        %get3A_342 = tpu.vector_load %arg10[%get3A_340, %get3A_341] {strides = array<i32>} : memref<128x128xf32, #tpu.memory_space<vmem>>, vector<1x16xf32>,
        %get3A_343 = vector.shape_cast %get3A_342 : vector<1x16xf32> to vector<16xf32>
        %swap3A_344 = arith.index_cast %add3A_296 : i32 to index
        %swap3A_345 = arith.constant 80 : index
        %swap3A_346 = tpu.vector_load %arg11[%swap3A_344, %swap3A_345] {strides = array<i32>} : memref<128x128xf32, #tpu.memory_space<vmem>>, vector<1x16xf32>,
        %swap3A_347 = vector.shape_cast %swap3A_346 : vector<1x16xf32> to vector<16xf32>
        %swap3A_348 = vector.shape_cast %get3A_343 : vector<16xf32> to vector<1x16xf32>
        tpu.vector_store %arg11[%swap3A_344, %swap3A_345], %swap3A_348 {strides = array<i32>} : memref<128x128xf32, #tpu.memory_space<vmem>>, vector<1x16xf32>,
        %get3A_349 = arith.index_cast %add3A_296 : i32 to index
        %get3A_350 = arith.constant 96 : index
        %get3A_351 = tpu.vector_load %arg10[%get3A_349, %get3A_350] {strides = array<i32>} : memref<128x128xf32, #tpu.memory_space<vmem>>, vector<1x16xf32>,
        %get3A_352 = vector.shape_cast %get3A_351 : vector<1x16xf32> to vector<16xf32>
        %swap3A_353 = arith.index_cast %add3A_296 : i32 to index
        %swap3A_354 = arith.constant 96 : index
        %swap3A_355 = tpu.vector_load %arg11[%swap3A_353, %swap3A_354] {strides = array<i32>} : memref<128x128xf32, #tpu.memory_space<vmem>>, vector<1x16xf32>,
        %swap3A_356 = vector.shape_cast %swap3A_355 : vector<1x16xf32> to vector<16xf32>
        %swap3A_357 = vector.shape_cast %get3A_352 : vector<16xf32> to vector<1x16xf32>
        tpu.vector_store %arg11[%swap3A_353, %swap3A_354], %swap3A_357 {strides = array<i32>} : memref<128x128xf32, #tpu.memory_space<vmem>>, vector<1x16xf32>,
        %get3A_358 = arith.index_cast %add3A_296 : i32 to index
        %get3A_359 = arith.constant 112 : index
        %get3A_360 = tpu.vector_load %arg10[%get3A_358, %get3A_359] {strides = array<i32>} : memref<128x128xf32, #tpu.memory_space<vmem>>, vector<1x16xf32>,
        %get3A_361 = vector.shape_cast %get3A_360 : vector<1x16xf32> to vector<16xf32>
        %swap3A_362 = arith.index_cast %add3A_296 : i32 to index
        %swap3A_363 = arith.constant 112 : index
        %swap3A_364 = tpu.vector_load %arg11[%swap3A_362, %swap3A_363] {strides = array<i32>} : memref<128x128xf32, #tpu.memory_space<vmem>>, vector<1x16xf32>,
        %swap3A_365 = vector.shape_cast %swap3A_364 : vector<1x16xf32> to vector<16xf32>
        %swap3A_366 = vector.shape_cast %get3A_361 : vector<16xf32> to vector<1x16xf32>
        tpu.vector_store %arg11[%swap3A_362, %swap3A_363], %swap3A_366 {strides = array<i32>} : memref<128x128xf32, #tpu.memory_space<vmem>>, vector<1x16xf32>,
      }
      %scan3A_79 = arith.constant 128 : i32
      %dma_start3A_80 = arith.constant 1 : i32
      %dma_start3A_81 = arith.constant 0 : i32
      %dma_start3A_82 = tpu.memref_slice %arg8[%dma_start3A_80, %dma_start3A_81] : memref<8x128xi32, #tpu.memory_space<vmem>> -> memref<1x128xi32, #tpu.memory_space<vmem>>
      %dma_start3A_83 = tpu.memref_squeeze %dma_start3A_82 : memref<1x128xi32, #tpu.memory_space<vmem>> -> memref<128xi32, #tpu.memory_space<vmem>>
      %dma_start3A_84 = arith.constant 0 : i32
      %dma_start3A_85 = arith.constant 0 : i32
      %dma_start3A_86 = tpu.memref_slice %arg12[%dma_start3A_84, %dma_start3A_85] : memref<10240x128xf32, #tpu.memory_space<vmem_shared>> -> memref<10240x128xf32, #tpu.memory_space<vmem_shared>>
      tpu.enqueue_indirect_dma source(%arg11 : memref<128x128xf32, #tpu.memory_space<vmem>>) target(%dma_start3A_86 : memref<10240x128xf32, #tpu.memory_space<vmem_shared>>) offsets(%dma_start3A_83 : memref<128xi32, #tpu.memory_space<vmem>>) semaphore(%arg14 : memref<!tpu.dma_semaphore, #tpu.memory_space<semaphore_mem>>) {add = true}
      %dma_wait3A_87 = arith.constant 1 : i32
      %dma_wait3A_88 = arith.constant 0 : i32
      %dma_wait3A_89 = tpu.memref_slice %arg8[%dma_wait3A_87, %dma_wait3A_88] : memref<8x128xi32, #tpu.memory_space<vmem>> -> memref<1x128xi32, #tpu.memory_space<vmem>>
      %dma_wait3A_90 = tpu.memref_squeeze %dma_wait3A_89 : memref<1x128xi32, #tpu.memory_space<vmem>> -> memref<128xi32, #tpu.memory_space<vmem>>
      %dma_wait3A_91 = arith.constant 0 : i32
      %dma_wait3A_92 = arith.constant 0 : i32
      %dma_wait3A_93 = tpu.memref_slice %arg12[%dma_wait3A_91, %dma_wait3A_92] : memref<10240x128xf32, #tpu.memory_space<vmem_shared>> -> memref<10240x128xf32, #tpu.memory_space<vmem_shared>>
      tpu.wait_indirect_dma semaphore(%arg14 : memref<!tpu.dma_semaphore, #tpu.memory_space<semaphore_mem>>) src(%arg11 : memref<128x128xf32, #tpu.memory_space<vmem>>) dst(%dma_wait3A_93 : memref<10240x128xf32, #tpu.memory_space<vmem_shared>>)
      %dma_start3A_94 = arith.constant 2 : i32
      %dma_start3A_95 = arith.constant 0 : i32
      %dma_start3A_96 = tpu.memref_slice %arg7[%dma_start3A_94, %dma_start3A_95] : memref<8x128xi32, #tpu.memory_space<vmem>> -> memref<1x128xi32, #tpu.memory_space<vmem>>
      %dma_start3A_97 = tpu.memref_squeeze %dma_start3A_96 : memref<1x128xi32, #tpu.memory_space<vmem>> -> memref<128xi32, #tpu.memory_space<vmem>>
      %dma_start3A_98 = arith.constant 0 : i32
      %dma_start3A_99 = arith.constant 0 : i32
      %dma_start3A_100 = tpu.memref_slice %arg2[%dma_start3A_98, %dma_start3A_99] : memref<10000x128xf32, #tpu.memory_space<hbm>> -> memref<10000x128xf32, #tpu.memory_space<hbm>>
      tpu.enqueue_indirect_dma source(%dma_start3A_100 : memref<10000x128xf32, #tpu.memory_space<hbm>>) target(%arg10 : memref<128x128xf32, #tpu.memory_space<vmem>>) offsets(%dma_start3A_97 : memref<128xi32, #tpu.memory_space<vmem>>) semaphore(%arg13 : memref<!tpu.dma_semaphore, #tpu.memory_space<semaphore_mem>>)
      %dma_wait3A_101 = arith.constant 2 : i32
      %dma_wait3A_102 = arith.constant 0 : i32
      %dma_wait3A_103 = tpu.memref_slice %arg7[%dma_wait3A_101, %dma_wait3A_102] : memref<8x128xi32, #tpu.memory_space<vmem>> -> memref<1x128xi32, #tpu.memory_space<vmem>>
      %dma_wait3A_104 = tpu.memref_squeeze %dma_wait3A_103 : memref<1x128xi32, #tpu.memory_space<vmem>> -> memref<128xi32, #tpu.memory_space<vmem>>
      %dma_wait3A_105 = arith.constant 0 : i32
      %dma_wait3A_106 = arith.constant 0 : i32
      %dma_wait3A_107 = tpu.memref_slice %arg2[%dma_wait3A_105, %dma_wait3A_106] : memref<10000x128xf32, #tpu.memory_space<hbm>> -> memref<10000x128xf32, #tpu.memory_space<hbm>>
      tpu.wait_indirect_dma semaphore(%arg13 : memref<!tpu.dma_semaphore, #tpu.memory_space<semaphore_mem>>) src(%dma_wait3A_107 : memref<10000x128xf32, #tpu.memory_space<hbm>>) dst(%arg10 : memref<128x128xf32, #tpu.memory_space<vmem>>)
      %scan3A_108 = arith.constant 0 : i32
      %scan3A_109 = arith.constant 128 : i32
      %scan3A_110 = arith.addi %scan3A_108, %scan3A_109 : i32
      %scan3A_111 = arith.constant 1 : i32
      scf.for %scan3A_292 = %scan3A_108 to %scan3A_110 step %scan3A_111  : i32 {
        %mul3A_293 = arith.constant 1 : i32
        %mul3A_294 = arith.muli %scan3A_292, %mul3A_293 : i32
        %add3A_295 = arith.constant 0 : i32
        %add3A_296 = arith.addi %add3A_295, %mul3A_294 : i32
        %get3A = arith.index_cast %add3A_296 : i32 to index
        %get3A_297 = arith.constant 0 : index
        %get3A_298 = tpu.vector_load %arg10[%get3A, %get3A_297] {strides = array<i32>} : memref<128x128xf32, #tpu.memory_space<vmem>>, vector<1x16xf32>,
        %get3A_299 = vector.shape_cast %get3A_298 : vector<1x16xf32> to vector<16xf32>
        %swap3A = arith.index_cast %add3A_296 : i32 to index
        %swap3A_300 = arith.constant 0 : index
        %swap3A_301 = tpu.vector_load %arg11[%swap3A, %swap3A_300] {strides = array<i32>} : memref<128x128xf32, #tpu.memory_space<vmem>>, vector<1x16xf32>,
        %swap3A_302 = vector.shape_cast %swap3A_301 : vector<1x16xf32> to vector<16xf32>
        %swap3A_303 = vector.shape_cast %get3A_299 : vector<16xf32> to vector<1x16xf32>
        tpu.vector_store %arg11[%swap3A, %swap3A_300], %swap3A_303 {strides = array<i32>} : memref<128x128xf32, #tpu.memory_space<vmem>>, vector<1x16xf32>,
        %get3A_304 = arith.index_cast %add3A_296 : i32 to index
        %get3A_305 = arith.constant 16 : index
        %get3A_306 = tpu.vector_load %arg10[%get3A_304, %get3A_305] {strides = array<i32>} : memref<128x128xf32, #tpu.memory_space<vmem>>, vector<1x16xf32>,
        %get3A_307 = vector.shape_cast %get3A_306 : vector<1x16xf32> to vector<16xf32>
        %swap3A_308 = arith.index_cast %add3A_296 : i32 to index
        %swap3A_309 = arith.constant 16 : index
        %swap3A_310 = tpu.vector_load %arg11[%swap3A_308, %swap3A_309] {strides = array<i32>} : memref<128x128xf32, #tpu.memory_space<vmem>>, vector<1x16xf32>,
        %swap3A_311 = vector.shape_cast %swap3A_310 : vector<1x16xf32> to vector<16xf32>
        %swap3A_312 = vector.shape_cast %get3A_307 : vector<16xf32> to vector<1x16xf32>
        tpu.vector_store %arg11[%swap3A_308, %swap3A_309], %swap3A_312 {strides = array<i32>} : memref<128x128xf32, #tpu.memory_space<vmem>>, vector<1x16xf32>,
        %get3A_313 = arith.index_cast %add3A_296 : i32 to index
        %get3A_314 = arith.constant 32 : index
        %get3A_315 = tpu.vector_load %arg10[%get3A_313, %get3A_314] {strides = array<i32>} : memref<128x128xf32, #tpu.memory_space<vmem>>, vector<1x16xf32>,
        %get3A_316 = vector.shape_cast %get3A_315 : vector<1x16xf32> to vector<16xf32>
        %swap3A_317 = arith.index_cast %add3A_296 : i32 to index
        %swap3A_318 = arith.constant 32 : index
        %swap3A_319 = tpu.vector_load %arg11[%swap3A_317, %swap3A_318] {strides = array<i32>} : memref<128x128xf32, #tpu.memory_space<vmem>>, vector<1x16xf32>,
        %swap3A_320 = vector.shape_cast %swap3A_319 : vector<1x16xf32> to vector<16xf32>
        %swap3A_321 = vector.shape_cast %get3A_316 : vector<16xf32> to vector<1x16xf32>
        tpu.vector_store %arg11[%swap3A_317, %swap3A_318], %swap3A_321 {strides = array<i32>} : memref<128x128xf32, #tpu.memory_space<vmem>>, vector<1x16xf32>,
        %get3A_322 = arith.index_cast %add3A_296 : i32 to index
        %get3A_323 = arith.constant 48 : index
        %get3A_324 = tpu.vector_load %arg10[%get3A_322, %get3A_323] {strides = array<i32>} : memref<128x128xf32, #tpu.memory_space<vmem>>, vector<1x16xf32>,
        %get3A_325 = vector.shape_cast %get3A_324 : vector<1x16xf32> to vector<16xf32>
        %swap3A_326 = arith.index_cast %add3A_296 : i32 to index
        %swap3A_327 = arith.constant 48 : index
        %swap3A_328 = tpu.vector_load %arg11[%swap3A_326, %swap3A_327] {strides = array<i32>} : memref<128x128xf32, #tpu.memory_space<vmem>>, vector<1x16xf32>,
        %swap3A_329 = vector.shape_cast %swap3A_328 : vector<1x16xf32> to vector<16xf32>
        %swap3A_330 = vector.shape_cast %get3A_325 : vector<16xf32> to vector<1x16xf32>
        tpu.vector_store %arg11[%swap3A_326, %swap3A_327], %swap3A_330 {strides = array<i32>} : memref<128x128xf32, #tpu.memory_space<vmem>>, vector<1x16xf32>,
        %get3A_331 = arith.index_cast %add3A_296 : i32 to index
        %get3A_332 = arith.constant 64 : index
        %get3A_333 = tpu.vector_load %arg10[%get3A_331, %get3A_332] {strides = array<i32>} : memref<128x128xf32, #tpu.memory_space<vmem>>, vector<1x16xf32>,
        %get3A_334 = vector.shape_cast %get3A_333 : vector<1x16xf32> to vector<16xf32>
        %swap3A_335 = arith.index_cast %add3A_296 : i32 to index
        %swap3A_336 = arith.constant 64 : index
        %swap3A_337 = tpu.vector_load %arg11[%swap3A_335, %swap3A_336] {strides = array<i32>} : memref<128x128xf32, #tpu.memory_space<vmem>>, vector<1x16xf32>,
        %swap3A_338 = vector.shape_cast %swap3A_337 : vector<1x16xf32> to vector<16xf32>
        %swap3A_339 = vector.shape_cast %get3A_334 : vector<16xf32> to vector<1x16xf32>
        tpu.vector_store %arg11[%swap3A_335, %swap3A_336], %swap3A_339 {strides = array<i32>} : memref<128x128xf32, #tpu.memory_space<vmem>>, vector<1x16xf32>,
        %get3A_340 = arith.index_cast %add3A_296 : i32 to index
        %get3A_341 = arith.constant 80 : index
        %get3A_342 = tpu.vector_load %arg10[%get3A_340, %get3A_341] {strides = array<i32>} : memref<128x128xf32, #tpu.memory_space<vmem>>, vector<1x16xf32>,
        %get3A_343 = vector.shape_cast %get3A_342 : vector<1x16xf32> to vector<16xf32>
        %swap3A_344 = arith.index_cast %add3A_296 : i32 to index
        %swap3A_345 = arith.constant 80 : index
        %swap3A_346 = tpu.vector_load %arg11[%swap3A_344, %swap3A_345] {strides = array<i32>} : memref<128x128xf32, #tpu.memory_space<vmem>>, vector<1x16xf32>,
        %swap3A_347 = vector.shape_cast %swap3A_346 : vector<1x16xf32> to vector<16xf32>
        %swap3A_348 = vector.shape_cast %get3A_343 : vector<16xf32> to vector<1x16xf32>
        tpu.vector_store %arg11[%swap3A_344, %swap3A_345], %swap3A_348 {strides = array<i32>} : memref<128x128xf32, #tpu.memory_space<vmem>>, vector<1x16xf32>,
        %get3A_349 = arith.index_cast %add3A_296 : i32 to index
        %get3A_350 = arith.constant 96 : index
        %get3A_351 = tpu.vector_load %arg10[%get3A_349, %get3A_350] {strides = array<i32>} : memref<128x128xf32, #tpu.memory_space<vmem>>, vector<1x16xf32>,
        %get3A_352 = vector.shape_cast %get3A_351 : vector<1x16xf32> to vector<16xf32>
        %swap3A_353 = arith.index_cast %add3A_296 : i32 to index
        %swap3A_354 = arith.constant 96 : index
        %swap3A_355 = tpu.vector_load %arg11[%swap3A_353, %swap3A_354] {strides = array<i32>} : memref<128x128xf32, #tpu.memory_space<vmem>>, vector<1x16xf32>,
        %swap3A_356 = vector.shape_cast %swap3A_355 : vector<1x16xf32> to vector<16xf32>
        %swap3A_357 = vector.shape_cast %get3A_352 : vector<16xf32> to vector<1x16xf32>
        tpu.vector_store %arg11[%swap3A_353, %swap3A_354], %swap3A_357 {strides = array<i32>} : memref<128x128xf32, #tpu.memory_space<vmem>>, vector<1x16xf32>,
        %get3A_358 = arith.index_cast %add3A_296 : i32 to index
        %get3A_359 = arith.constant 112 : index
        %get3A_360 = tpu.vector_load %arg10[%get3A_358, %get3A_359] {strides = array<i32>} : memref<128x128xf32, #tpu.memory_space<vmem>>, vector<1x16xf32>,
        %get3A_361 = vector.shape_cast %get3A_360 : vector<1x16xf32> to vector<16xf32>
        %swap3A_362 = arith.index_cast %add3A_296 : i32 to index
        %swap3A_363 = arith.constant 112 : index
        %swap3A_364 = tpu.vector_load %arg11[%swap3A_362, %swap3A_363] {strides = array<i32>} : memref<128x128xf32, #tpu.memory_space<vmem>>, vector<1x16xf32>,
        %swap3A_365 = vector.shape_cast %swap3A_364 : vector<1x16xf32> to vector<16xf32>
        %swap3A_366 = vector.shape_cast %get3A_361 : vector<16xf32> to vector<1x16xf32>
        tpu.vector_store %arg11[%swap3A_362, %swap3A_363], %swap3A_366 {strides = array<i32>} : memref<128x128xf32, #tpu.memory_space<vmem>>, vector<1x16xf32>,
      }
      %scan3A_112 = arith.constant 128 : i32
      %dma_start3A_113 = arith.constant 2 : i32
      %dma_start3A_114 = arith.constant 0 : i32
      %dma_start3A_115 = tpu.memref_slice %arg8[%dma_start3A_113, %dma_start3A_114] : memref<8x128xi32, #tpu.memory_space<vmem>> -> memref<1x128xi32, #tpu.memory_space<vmem>>
      %dma_start3A_116 = tpu.memref_squeeze %dma_start3A_115 : memref<1x128xi32, #tpu.memory_space<vmem>> -> memref<128xi32, #tpu.memory_space<vmem>>
      %dma_start3A_117 = arith.constant 0 : i32
      %dma_start3A_118 = arith.constant 0 : i32
      %dma_start3A_119 = tpu.memref_slice %arg12[%dma_start3A_117, %dma_start3A_118] : memref<10240x128xf32, #tpu.memory_space<vmem_shared>> -> memref<10240x128xf32, #tpu.memory_space<vmem_shared>>
      tpu.enqueue_indirect_dma source(%arg11 : memref<128x128xf32, #tpu.memory_space<vmem>>) target(%dma_start3A_119 : memref<10240x128xf32, #tpu.memory_space<vmem_shared>>) offsets(%dma_start3A_116 : memref<128xi32, #tpu.memory_space<vmem>>) semaphore(%arg14 : memref<!tpu.dma_semaphore, #tpu.memory_space<semaphore_mem>>) {add = true}
      %dma_wait3A_120 = arith.constant 2 : i32
      %dma_wait3A_121 = arith.constant 0 : i32
      %dma_wait3A_122 = tpu.memref_slice %arg8[%dma_wait3A_120, %dma_wait3A_121] : memref<8x128xi32, #tpu.memory_space<vmem>> -> memref<1x128xi32, #tpu.memory_space<vmem>>
      %dma_wait3A_123 = tpu.memref_squeeze %dma_wait3A_122 : memref<1x128xi32, #tpu.memory_space<vmem>> -> memref<128xi32, #tpu.memory_space<vmem>>
      %dma_wait3A_124 = arith.constant 0 : i32
      %dma_wait3A_125 = arith.constant 0 : i32
      %dma_wait3A_126 = tpu.memref_slice %arg12[%dma_wait3A_124, %dma_wait3A_125] : memref<10240x128xf32, #tpu.memory_space<vmem_shared>> -> memref<10240x128xf32, #tpu.memory_space<vmem_shared>>
      tpu.wait_indirect_dma semaphore(%arg14 : memref<!tpu.dma_semaphore, #tpu.memory_space<semaphore_mem>>) src(%arg11 : memref<128x128xf32, #tpu.memory_space<vmem>>) dst(%dma_wait3A_126 : memref<10240x128xf32, #tpu.memory_space<vmem_shared>>)
      %dma_start3A_127 = arith.constant 3 : i32
      %dma_start3A_128 = arith.constant 0 : i32
      %dma_start3A_129 = tpu.memref_slice %arg7[%dma_start3A_127, %dma_start3A_128] : memref<8x128xi32, #tpu.memory_space<vmem>> -> memref<1x128xi32, #tpu.memory_space<vmem>>
      %dma_start3A_130 = tpu.memref_squeeze %dma_start3A_129 : memref<1x128xi32, #tpu.memory_space<vmem>> -> memref<128xi32, #tpu.memory_space<vmem>>
      %dma_start3A_131 = arith.constant 0 : i32
      %dma_start3A_132 = arith.constant 0 : i32
      %dma_start3A_133 = tpu.memref_slice %arg2[%dma_start3A_131, %dma_start3A_132] : memref<10000x128xf32, #tpu.memory_space<hbm>> -> memref<10000x128xf32, #tpu.memory_space<hbm>>
      tpu.enqueue_indirect_dma source(%dma_start3A_133 : memref<10000x128xf32, #tpu.memory_space<hbm>>) target(%arg10 : memref<128x128xf32, #tpu.memory_space<vmem>>) offsets(%dma_start3A_130 : memref<128xi32, #tpu.memory_space<vmem>>) semaphore(%arg13 : memref<!tpu.dma_semaphore, #tpu.memory_space<semaphore_mem>>)
      %dma_wait3A_134 = arith.constant 3 : i32
      %dma_wait3A_135 = arith.constant 0 : i32
      %dma_wait3A_136 = tpu.memref_slice %arg7[%dma_wait3A_134, %dma_wait3A_135] : memref<8x128xi32, #tpu.memory_space<vmem>> -> memref<1x128xi32, #tpu.memory_space<vmem>>
      %dma_wait3A_137 = tpu.memref_squeeze %dma_wait3A_136 : memref<1x128xi32, #tpu.memory_space<vmem>> -> memref<128xi32, #tpu.memory_space<vmem>>
      %dma_wait3A_138 = arith.constant 0 : i32
      %dma_wait3A_139 = arith.constant 0 : i32
      %dma_wait3A_140 = tpu.memref_slice %arg2[%dma_wait3A_138, %dma_wait3A_139] : memref<10000x128xf32, #tpu.memory_space<hbm>> -> memref<10000x128xf32, #tpu.memory_space<hbm>>
      tpu.wait_indirect_dma semaphore(%arg13 : memref<!tpu.dma_semaphore, #tpu.memory_space<semaphore_mem>>) src(%dma_wait3A_140 : memref<10000x128xf32, #tpu.memory_space<hbm>>) dst(%arg10 : memref<128x128xf32, #tpu.memory_space<vmem>>)
      %scan3A_141 = arith.constant 0 : i32
      %scan3A_142 = arith.constant 128 : i32
      %scan3A_143 = arith.addi %scan3A_141, %scan3A_142 : i32
      %scan3A_144 = arith.constant 1 : i32
      scf.for %scan3A_292 = %scan3A_141 to %scan3A_143 step %scan3A_144  : i32 {
        %mul3A_293 = arith.constant 1 : i32
        %mul3A_294 = arith.muli %scan3A_292, %mul3A_293 : i32
        %add3A_295 = arith.constant 0 : i32
        %add3A_296 = arith.addi %add3A_295, %mul3A_294 : i32
        %get3A = arith.index_cast %add3A_296 : i32 to index
        %get3A_297 = arith.constant 0 : index
        %get3A_298 = tpu.vector_load %arg10[%get3A, %get3A_297] {strides = array<i32>} : memref<128x128xf32, #tpu.memory_space<vmem>>, vector<1x16xf32>,
        %get3A_299 = vector.shape_cast %get3A_298 : vector<1x16xf32> to vector<16xf32>
        %swap3A = arith.index_cast %add3A_296 : i32 to index
        %swap3A_300 = arith.constant 0 : index
        %swap3A_301 = tpu.vector_load %arg11[%swap3A, %swap3A_300] {strides = array<i32>} : memref<128x128xf32, #tpu.memory_space<vmem>>, vector<1x16xf32>,
        %swap3A_302 = vector.shape_cast %swap3A_301 : vector<1x16xf32> to vector<16xf32>
        %swap3A_303 = vector.shape_cast %get3A_299 : vector<16xf32> to vector<1x16xf32>
        tpu.vector_store %arg11[%swap3A, %swap3A_300], %swap3A_303 {strides = array<i32>} : memref<128x128xf32, #tpu.memory_space<vmem>>, vector<1x16xf32>,
        %get3A_304 = arith.index_cast %add3A_296 : i32 to index
        %get3A_305 = arith.constant 16 : index
        %get3A_306 = tpu.vector_load %arg10[%get3A_304, %get3A_305] {strides = array<i32>} : memref<128x128xf32, #tpu.memory_space<vmem>>, vector<1x16xf32>,
        %get3A_307 = vector.shape_cast %get3A_306 : vector<1x16xf32> to vector<16xf32>
        %swap3A_308 = arith.index_cast %add3A_296 : i32 to index
        %swap3A_309 = arith.constant 16 : index
        %swap3A_310 = tpu.vector_load %arg11[%swap3A_308, %swap3A_309] {strides = array<i32>} : memref<128x128xf32, #tpu.memory_space<vmem>>, vector<1x16xf32>,
        %swap3A_311 = vector.shape_cast %swap3A_310 : vector<1x16xf32> to vector<16xf32>
        %swap3A_312 = vector.shape_cast %get3A_307 : vector<16xf32> to vector<1x16xf32>
        tpu.vector_store %arg11[%swap3A_308, %swap3A_309], %swap3A_312 {strides = array<i32>} : memref<128x128xf32, #tpu.memory_space<vmem>>, vector<1x16xf32>,
        %get3A_313 = arith.index_cast %add3A_296 : i32 to index
        %get3A_314 = arith.constant 32 : index
        %get3A_315 = tpu.vector_load %arg10[%get3A_313, %get3A_314] {strides = array<i32>} : memref<128x128xf32, #tpu.memory_space<vmem>>, vector<1x16xf32>,
        %get3A_316 = vector.shape_cast %get3A_315 : vector<1x16xf32> to vector<16xf32>
        %swap3A_317 = arith.index_cast %add3A_296 : i32 to index
        %swap3A_318 = arith.constant 32 : index
        %swap3A_319 = tpu.vector_load %arg11[%swap3A_317, %swap3A_318] {strides = array<i32>} : memref<128x128xf32, #tpu.memory_space<vmem>>, vector<1x16xf32>,
        %swap3A_320 = vector.shape_cast %swap3A_319 : vector<1x16xf32> to vector<16xf32>
        %swap3A_321 = vector.shape_cast %get3A_316 : vector<16xf32> to vector<1x16xf32>
        tpu.vector_store %arg11[%swap3A_317, %swap3A_318], %swap3A_321 {strides = array<i32>} : memref<128x128xf32, #tpu.memory_space<vmem>>, vector<1x16xf32>,
        %get3A_322 = arith.index_cast %add3A_296 : i32 to index
        %get3A_323 = arith.constant 48 : index
        %get3A_324 = tpu.vector_load %arg10[%get3A_322, %get3A_323] {strides = array<i32>} : memref<128x128xf32, #tpu.memory_space<vmem>>, vector<1x16xf32>,
        %get3A_325 = vector.shape_cast %get3A_324 : vector<1x16xf32> to vector<16xf32>
        %swap3A_326 = arith.index_cast %add3A_296 : i32 to index
        %swap3A_327 = arith.constant 48 : index
        %swap3A_328 = tpu.vector_load %arg11[%swap3A_326, %swap3A_327] {strides = array<i32>} : memref<128x128xf32, #tpu.memory_space<vmem>>, vector<1x16xf32>,
        %swap3A_329 = vector.shape_cast %swap3A_328 : vector<1x16xf32> to vector<16xf32>
        %swap3A_330 = vector.shape_cast %get3A_325 : vector<16xf32> to vector<1x16xf32>
        tpu.vector_store %arg11[%swap3A_326, %swap3A_327], %swap3A_330 {strides = array<i32>} : memref<128x128xf32, #tpu.memory_space<vmem>>, vector<1x16xf32>,
        %get3A_331 = arith.index_cast %add3A_296 : i32 to index
        %get3A_332 = arith.constant 64 : index
        %get3A_333 = tpu.vector_load %arg10[%get3A_331, %get3A_332] {strides = array<i32>} : memref<128x128xf32, #tpu.memory_space<vmem>>, vector<1x16xf32>,
        %get3A_334 = vector.shape_cast %get3A_333 : vector<1x16xf32> to vector<16xf32>
        %swap3A_335 = arith.index_cast %add3A_296 : i32 to index
        %swap3A_336 = arith.constant 64 : index
        %swap3A_337 = tpu.vector_load %arg11[%swap3A_335, %swap3A_336] {strides = array<i32>} : memref<128x128xf32, #tpu.memory_space<vmem>>, vector<1x16xf32>,
        %swap3A_338 = vector.shape_cast %swap3A_337 : vector<1x16xf32> to vector<16xf32>
        %swap3A_339 = vector.shape_cast %get3A_334 : vector<16xf32> to vector<1x16xf32>
        tpu.vector_store %arg11[%swap3A_335, %swap3A_336], %swap3A_339 {strides = array<i32>} : memref<128x128xf32, #tpu.memory_space<vmem>>, vector<1x16xf32>,
        %get3A_340 = arith.index_cast %add3A_296 : i32 to index
        %get3A_341 = arith.constant 80 : index
        %get3A_342 = tpu.vector_load %arg10[%get3A_340, %get3A_341] {strides = array<i32>} : memref<128x128xf32, #tpu.memory_space<vmem>>, vector<1x16xf32>,
        %get3A_343 = vector.shape_cast %get3A_342 : vector<1x16xf32> to vector<16xf32>
        %swap3A_344 = arith.index_cast %add3A_296 : i32 to index
        %swap3A_345 = arith.constant 80 : index
        %swap3A_346 = tpu.vector_load %arg11[%swap3A_344, %swap3A_345] {strides = array<i32>} : memref<128x128xf32, #tpu.memory_space<vmem>>, vector<1x16xf32>,
        %swap3A_347 = vector.shape_cast %swap3A_346 : vector<1x16xf32> to vector<16xf32>
        %swap3A_348 = vector.shape_cast %get3A_343 : vector<16xf32> to vector<1x16xf32>
        tpu.vector_store %arg11[%swap3A_344, %swap3A_345], %swap3A_348 {strides = array<i32>} : memref<128x128xf32, #tpu.memory_space<vmem>>, vector<1x16xf32>,
        %get3A_349 = arith.index_cast %add3A_296 : i32 to index
        %get3A_350 = arith.constant 96 : index
        %get3A_351 = tpu.vector_load %arg10[%get3A_349, %get3A_350] {strides = array<i32>} : memref<128x128xf32, #tpu.memory_space<vmem>>, vector<1x16xf32>,
        %get3A_352 = vector.shape_cast %get3A_351 : vector<1x16xf32> to vector<16xf32>
        %swap3A_353 = arith.index_cast %add3A_296 : i32 to index
        %swap3A_354 = arith.constant 96 : index
        %swap3A_355 = tpu.vector_load %arg11[%swap3A_353, %swap3A_354] {strides = array<i32>} : memref<128x128xf32, #tpu.memory_space<vmem>>, vector<1x16xf32>,
        %swap3A_356 = vector.shape_cast %swap3A_355 : vector<1x16xf32> to vector<16xf32>
        %swap3A_357 = vector.shape_cast %get3A_352 : vector<16xf32> to vector<1x16xf32>
        tpu.vector_store %arg11[%swap3A_353, %swap3A_354], %swap3A_357 {strides = array<i32>} : memref<128x128xf32, #tpu.memory_space<vmem>>, vector<1x16xf32>,
        %get3A_358 = arith.index_cast %add3A_296 : i32 to index
        %get3A_359 = arith.constant 112 : index
        %get3A_360 = tpu.vector_load %arg10[%get3A_358, %get3A_359] {strides = array<i32>} : memref<128x128xf32, #tpu.memory_space<vmem>>, vector<1x16xf32>,
        %get3A_361 = vector.shape_cast %get3A_360 : vector<1x16xf32> to vector<16xf32>
        %swap3A_362 = arith.index_cast %add3A_296 : i32 to index
        %swap3A_363 = arith.constant 112 : index
        %swap3A_364 = tpu.vector_load %arg11[%swap3A_362, %swap3A_363] {strides = array<i32>} : memref<128x128xf32, #tpu.memory_space<vmem>>, vector<1x16xf32>,
        %swap3A_365 = vector.shape_cast %swap3A_364 : vector<1x16xf32> to vector<16xf32>
        %swap3A_366 = vector.shape_cast %get3A_361 : vector<16xf32> to vector<1x16xf32>
        tpu.vector_store %arg11[%swap3A_362, %swap3A_363], %swap3A_366 {strides = array<i32>} : memref<128x128xf32, #tpu.memory_space<vmem>>, vector<1x16xf32>,
      }
      %scan3A_145 = arith.constant 128 : i32
      %dma_start3A_146 = arith.constant 3 : i32
      %dma_start3A_147 = arith.constant 0 : i32
      %dma_start3A_148 = tpu.memref_slice %arg8[%dma_start3A_146, %dma_start3A_147] : memref<8x128xi32, #tpu.memory_space<vmem>> -> memref<1x128xi32, #tpu.memory_space<vmem>>
      %dma_start3A_149 = tpu.memref_squeeze %dma_start3A_148 : memref<1x128xi32, #tpu.memory_space<vmem>> -> memref<128xi32, #tpu.memory_space<vmem>>
      %dma_start3A_150 = arith.constant 0 : i32
      %dma_start3A_151 = arith.constant 0 : i32
      %dma_start3A_152 = tpu.memref_slice %arg12[%dma_start3A_150, %dma_start3A_151] : memref<10240x128xf32, #tpu.memory_space<vmem_shared>> -> memref<10240x128xf32, #tpu.memory_space<vmem_shared>>
      tpu.enqueue_indirect_dma source(%arg11 : memref<128x128xf32, #tpu.memory_space<vmem>>) target(%dma_start3A_152 : memref<10240x128xf32, #tpu.memory_space<vmem_shared>>) offsets(%dma_start3A_149 : memref<128xi32, #tpu.memory_space<vmem>>) semaphore(%arg14 : memref<!tpu.dma_semaphore, #tpu.memory_space<semaphore_mem>>) {add = true}
      %dma_wait3A_153 = arith.constant 3 : i32
      %dma_wait3A_154 = arith.constant 0 : i32
      %dma_wait3A_155 = tpu.memref_slice %arg8[%dma_wait3A_153, %dma_wait3A_154] : memref<8x128xi32, #tpu.memory_space<vmem>> -> memref<1x128xi32, #tpu.memory_space<vmem>>
      %dma_wait3A_156 = tpu.memref_squeeze %dma_wait3A_155 : memref<1x128xi32, #tpu.memory_space<vmem>> -> memref<128xi32, #tpu.memory_space<vmem>>
      %dma_wait3A_157 = arith.constant 0 : i32
      %dma_wait3A_158 = arith.constant 0 : i32
      %dma_wait3A_159 = tpu.memref_slice %arg12[%dma_wait3A_157, %dma_wait3A_158] : memref<10240x128xf32, #tpu.memory_space<vmem_shared>> -> memref<10240x128xf32, #tpu.memory_space<vmem_shared>>
      tpu.wait_indirect_dma semaphore(%arg14 : memref<!tpu.dma_semaphore, #tpu.memory_space<semaphore_mem>>) src(%arg11 : memref<128x128xf32, #tpu.memory_space<vmem>>) dst(%dma_wait3A_159 : memref<10240x128xf32, #tpu.memory_space<vmem_shared>>)
      %dma_start3A_160 = arith.constant 4 : i32
      %dma_start3A_161 = arith.constant 0 : i32
      %dma_start3A_162 = tpu.memref_slice %arg7[%dma_start3A_160, %dma_start3A_161] : memref<8x128xi32, #tpu.memory_space<vmem>> -> memref<1x128xi32, #tpu.memory_space<vmem>>
      %dma_start3A_163 = tpu.memref_squeeze %dma_start3A_162 : memref<1x128xi32, #tpu.memory_space<vmem>> -> memref<128xi32, #tpu.memory_space<vmem>>
      %dma_start3A_164 = arith.constant 0 : i32
      %dma_start3A_165 = arith.constant 0 : i32
      %dma_start3A_166 = tpu.memref_slice %arg2[%dma_start3A_164, %dma_start3A_165] : memref<10000x128xf32, #tpu.memory_space<hbm>> -> memref<10000x128xf32, #tpu.memory_space<hbm>>
      tpu.enqueue_indirect_dma source(%dma_start3A_166 : memref<10000x128xf32, #tpu.memory_space<hbm>>) target(%arg10 : memref<128x128xf32, #tpu.memory_space<vmem>>) offsets(%dma_start3A_163 : memref<128xi32, #tpu.memory_space<vmem>>) semaphore(%arg13 : memref<!tpu.dma_semaphore, #tpu.memory_space<semaphore_mem>>)
      %dma_wait3A_167 = arith.constant 4 : i32
      %dma_wait3A_168 = arith.constant 0 : i32
      %dma_wait3A_169 = tpu.memref_slice %arg7[%dma_wait3A_167, %dma_wait3A_168] : memref<8x128xi32, #tpu.memory_space<vmem>> -> memref<1x128xi32, #tpu.memory_space<vmem>>
      %dma_wait3A_170 = tpu.memref_squeeze %dma_wait3A_169 : memref<1x128xi32, #tpu.memory_space<vmem>> -> memref<128xi32, #tpu.memory_space<vmem>>
      %dma_wait3A_171 = arith.constant 0 : i32
      %dma_wait3A_172 = arith.constant 0 : i32
      %dma_wait3A_173 = tpu.memref_slice %arg2[%dma_wait3A_171, %dma_wait3A_172] : memref<10000x128xf32, #tpu.memory_space<hbm>> -> memref<10000x128xf32, #tpu.memory_space<hbm>>
      tpu.wait_indirect_dma semaphore(%arg13 : memref<!tpu.dma_semaphore, #tpu.memory_space<semaphore_mem>>) src(%dma_wait3A_173 : memref<10000x128xf32, #tpu.memory_space<hbm>>) dst(%arg10 : memref<128x128xf32, #tpu.memory_space<vmem>>)
      %scan3A_174 = arith.constant 0 : i32
      %scan3A_175 = arith.constant 128 : i32
      %scan3A_176 = arith.addi %scan3A_174, %scan3A_175 : i32
      %scan3A_177 = arith.constant 1 : i32
      scf.for %scan3A_292 = %scan3A_174 to %scan3A_176 step %scan3A_177  : i32 {
        %mul3A_293 = arith.constant 1 : i32
        %mul3A_294 = arith.muli %scan3A_292, %mul3A_293 : i32
        %add3A_295 = arith.constant 0 : i32
        %add3A_296 = arith.addi %add3A_295, %mul3A_294 : i32
        %get3A = arith.index_cast %add3A_296 : i32 to index
        %get3A_297 = arith.constant 0 : index
        %get3A_298 = tpu.vector_load %arg10[%get3A, %get3A_297] {strides = array<i32>} : memref<128x128xf32, #tpu.memory_space<vmem>>, vector<1x16xf32>,
        %get3A_299 = vector.shape_cast %get3A_298 : vector<1x16xf32> to vector<16xf32>
        %swap3A = arith.index_cast %add3A_296 : i32 to index
        %swap3A_300 = arith.constant 0 : index
        %swap3A_301 = tpu.vector_load %arg11[%swap3A, %swap3A_300] {strides = array<i32>} : memref<128x128xf32, #tpu.memory_space<vmem>>, vector<1x16xf32>,
        %swap3A_302 = vector.shape_cast %swap3A_301 : vector<1x16xf32> to vector<16xf32>
        %swap3A_303 = vector.shape_cast %get3A_299 : vector<16xf32> to vector<1x16xf32>
        tpu.vector_store %arg11[%swap3A, %swap3A_300], %swap3A_303 {strides = array<i32>} : memref<128x128xf32, #tpu.memory_space<vmem>>, vector<1x16xf32>,
        %get3A_304 = arith.index_cast %add3A_296 : i32 to index
        %get3A_305 = arith.constant 16 : index
        %get3A_306 = tpu.vector_load %arg10[%get3A_304, %get3A_305] {strides = array<i32>} : memref<128x128xf32, #tpu.memory_space<vmem>>, vector<1x16xf32>,
        %get3A_307 = vector.shape_cast %get3A_306 : vector<1x16xf32> to vector<16xf32>
        %swap3A_308 = arith.index_cast %add3A_296 : i32 to index
        %swap3A_309 = arith.constant 16 : index
        %swap3A_310 = tpu.vector_load %arg11[%swap3A_308, %swap3A_309] {strides = array<i32>} : memref<128x128xf32, #tpu.memory_space<vmem>>, vector<1x16xf32>,
        %swap3A_311 = vector.shape_cast %swap3A_310 : vector<1x16xf32> to vector<16xf32>
        %swap3A_312 = vector.shape_cast %get3A_307 : vector<16xf32> to vector<1x16xf32>
        tpu.vector_store %arg11[%swap3A_308, %swap3A_309], %swap3A_312 {strides = array<i32>} : memref<128x128xf32, #tpu.memory_space<vmem>>, vector<1x16xf32>,
        %get3A_313 = arith.index_cast %add3A_296 : i32 to index
        %get3A_314 = arith.constant 32 : index
        %get3A_315 = tpu.vector_load %arg10[%get3A_313, %get3A_314] {strides = array<i32>} : memref<128x128xf32, #tpu.memory_space<vmem>>, vector<1x16xf32>,
        %get3A_316 = vector.shape_cast %get3A_315 : vector<1x16xf32> to vector<16xf32>
        %swap3A_317 = arith.index_cast %add3A_296 : i32 to index
        %swap3A_318 = arith.constant 32 : index
        %swap3A_319 = tpu.vector_load %arg11[%swap3A_317, %swap3A_318] {strides = array<i32>} : memref<128x128xf32, #tpu.memory_space<vmem>>, vector<1x16xf32>,
        %swap3A_320 = vector.shape_cast %swap3A_319 : vector<1x16xf32> to vector<16xf32>
        %swap3A_321 = vector.shape_cast %get3A_316 : vector<16xf32> to vector<1x16xf32>
        tpu.vector_store %arg11[%swap3A_317, %swap3A_318], %swap3A_321 {strides = array<i32>} : memref<128x128xf32, #tpu.memory_space<vmem>>, vector<1x16xf32>,
        %get3A_322 = arith.index_cast %add3A_296 : i32 to index
        %get3A_323 = arith.constant 48 : index
        %get3A_324 = tpu.vector_load %arg10[%get3A_322, %get3A_323] {strides = array<i32>} : memref<128x128xf32, #tpu.memory_space<vmem>>, vector<1x16xf32>,
        %get3A_325 = vector.shape_cast %get3A_324 : vector<1x16xf32> to vector<16xf32>
        %swap3A_326 = arith.index_cast %add3A_296 : i32 to index
        %swap3A_327 = arith.constant 48 : index
        %swap3A_328 = tpu.vector_load %arg11[%swap3A_326, %swap3A_327] {strides = array<i32>} : memref<128x128xf32, #tpu.memory_space<vmem>>, vector<1x16xf32>,
        %swap3A_329 = vector.shape_cast %swap3A_328 : vector<1x16xf32> to vector<16xf32>
        %swap3A_330 = vector.shape_cast %get3A_325 : vector<16xf32> to vector<1x16xf32>
        tpu.vector_store %arg11[%swap3A_326, %swap3A_327], %swap3A_330 {strides = array<i32>} : memref<128x128xf32, #tpu.memory_space<vmem>>, vector<1x16xf32>,
        %get3A_331 = arith.index_cast %add3A_296 : i32 to index
        %get3A_332 = arith.constant 64 : index
        %get3A_333 = tpu.vector_load %arg10[%get3A_331, %get3A_332] {strides = array<i32>} : memref<128x128xf32, #tpu.memory_space<vmem>>, vector<1x16xf32>,
        %get3A_334 = vector.shape_cast %get3A_333 : vector<1x16xf32> to vector<16xf32>
        %swap3A_335 = arith.index_cast %add3A_296 : i32 to index
        %swap3A_336 = arith.constant 64 : index
        %swap3A_337 = tpu.vector_load %arg11[%swap3A_335, %swap3A_336] {strides = array<i32>} : memref<128x128xf32, #tpu.memory_space<vmem>>, vector<1x16xf32>,
        %swap3A_338 = vector.shape_cast %swap3A_337 : vector<1x16xf32> to vector<16xf32>
        %swap3A_339 = vector.shape_cast %get3A_334 : vector<16xf32> to vector<1x16xf32>
        tpu.vector_store %arg11[%swap3A_335, %swap3A_336], %swap3A_339 {strides = array<i32>} : memref<128x128xf32, #tpu.memory_space<vmem>>, vector<1x16xf32>,
        %get3A_340 = arith.index_cast %add3A_296 : i32 to index
        %get3A_341 = arith.constant 80 : index
        %get3A_342 = tpu.vector_load %arg10[%get3A_340, %get3A_341] {strides = array<i32>} : memref<128x128xf32, #tpu.memory_space<vmem>>, vector<1x16xf32>,
        %get3A_343 = vector.shape_cast %get3A_342 : vector<1x16xf32> to vector<16xf32>
        %swap3A_344 = arith.index_cast %add3A_296 : i32 to index
        %swap3A_345 = arith.constant 80 : index
        %swap3A_346 = tpu.vector_load %arg11[%swap3A_344, %swap3A_345] {strides = array<i32>} : memref<128x128xf32, #tpu.memory_space<vmem>>, vector<1x16xf32>,
        %swap3A_347 = vector.shape_cast %swap3A_346 : vector<1x16xf32> to vector<16xf32>
        %swap3A_348 = vector.shape_cast %get3A_343 : vector<16xf32> to vector<1x16xf32>
        tpu.vector_store %arg11[%swap3A_344, %swap3A_345], %swap3A_348 {strides = array<i32>} : memref<128x128xf32, #tpu.memory_space<vmem>>, vector<1x16xf32>,
        %get3A_349 = arith.index_cast %add3A_296 : i32 to index
        %get3A_350 = arith.constant 96 : index
        %get3A_351 = tpu.vector_load %arg10[%get3A_349, %get3A_350] {strides = array<i32>} : memref<128x128xf32, #tpu.memory_space<vmem>>, vector<1x16xf32>,
        %get3A_352 = vector.shape_cast %get3A_351 : vector<1x16xf32> to vector<16xf32>
        %swap3A_353 = arith.index_cast %add3A_296 : i32 to index
        %swap3A_354 = arith.constant 96 : index
        %swap3A_355 = tpu.vector_load %arg11[%swap3A_353, %swap3A_354] {strides = array<i32>} : memref<128x128xf32, #tpu.memory_space<vmem>>, vector<1x16xf32>,
        %swap3A_356 = vector.shape_cast %swap3A_355 : vector<1x16xf32> to vector<16xf32>
        %swap3A_357 = vector.shape_cast %get3A_352 : vector<16xf32> to vector<1x16xf32>
        tpu.vector_store %arg11[%swap3A_353, %swap3A_354], %swap3A_357 {strides = array<i32>} : memref<128x128xf32, #tpu.memory_space<vmem>>, vector<1x16xf32>,
        %get3A_358 = arith.index_cast %add3A_296 : i32 to index
        %get3A_359 = arith.constant 112 : index
        %get3A_360 = tpu.vector_load %arg10[%get3A_358, %get3A_359] {strides = array<i32>} : memref<128x128xf32, #tpu.memory_space<vmem>>, vector<1x16xf32>,
        %get3A_361 = vector.shape_cast %get3A_360 : vector<1x16xf32> to vector<16xf32>
        %swap3A_362 = arith.index_cast %add3A_296 : i32 to index
        %swap3A_363 = arith.constant 112 : index
        %swap3A_364 = tpu.vector_load %arg11[%swap3A_362, %swap3A_363] {strides = array<i32>} : memref<128x128xf32, #tpu.memory_space<vmem>>, vector<1x16xf32>,
        %swap3A_365 = vector.shape_cast %swap3A_364 : vector<1x16xf32> to vector<16xf32>
        %swap3A_366 = vector.shape_cast %get3A_361 : vector<16xf32> to vector<1x16xf32>
        tpu.vector_store %arg11[%swap3A_362, %swap3A_363], %swap3A_366 {strides = array<i32>} : memref<128x128xf32, #tpu.memory_space<vmem>>, vector<1x16xf32>,
      }
      %scan3A_178 = arith.constant 128 : i32
      %dma_start3A_179 = arith.constant 4 : i32
      %dma_start3A_180 = arith.constant 0 : i32
      %dma_start3A_181 = tpu.memref_slice %arg8[%dma_start3A_179, %dma_start3A_180] : memref<8x128xi32, #tpu.memory_space<vmem>> -> memref<1x128xi32, #tpu.memory_space<vmem>>
      %dma_start3A_182 = tpu.memref_squeeze %dma_start3A_181 : memref<1x128xi32, #tpu.memory_space<vmem>> -> memref<128xi32, #tpu.memory_space<vmem>>
      %dma_start3A_183 = arith.constant 0 : i32
      %dma_start3A_184 = arith.constant 0 : i32
      %dma_start3A_185 = tpu.memref_slice %arg12[%dma_start3A_183, %dma_start3A_184] : memref<10240x128xf32, #tpu.memory_space<vmem_shared>> -> memref<10240x128xf32, #tpu.memory_space<vmem_shared>>
      tpu.enqueue_indirect_dma source(%arg11 : memref<128x128xf32, #tpu.memory_space<vmem>>) target(%dma_start3A_185 : memref<10240x128xf32, #tpu.memory_space<vmem_shared>>) offsets(%dma_start3A_182 : memref<128xi32, #tpu.memory_space<vmem>>) semaphore(%arg14 : memref<!tpu.dma_semaphore, #tpu.memory_space<semaphore_mem>>) {add = true}
      %dma_wait3A_186 = arith.constant 4 : i32
      %dma_wait3A_187 = arith.constant 0 : i32
      %dma_wait3A_188 = tpu.memref_slice %arg8[%dma_wait3A_186, %dma_wait3A_187] : memref<8x128xi32, #tpu.memory_space<vmem>> -> memref<1x128xi32, #tpu.memory_space<vmem>>
      %dma_wait3A_189 = tpu.memref_squeeze %dma_wait3A_188 : memref<1x128xi32, #tpu.memory_space<vmem>> -> memref<128xi32, #tpu.memory_space<vmem>>
      %dma_wait3A_190 = arith.constant 0 : i32
      %dma_wait3A_191 = arith.constant 0 : i32
      %dma_wait3A_192 = tpu.memref_slice %arg12[%dma_wait3A_190, %dma_wait3A_191] : memref<10240x128xf32, #tpu.memory_space<vmem_shared>> -> memref<10240x128xf32, #tpu.memory_space<vmem_shared>>
      tpu.wait_indirect_dma semaphore(%arg14 : memref<!tpu.dma_semaphore, #tpu.memory_space<semaphore_mem>>) src(%arg11 : memref<128x128xf32, #tpu.memory_space<vmem>>) dst(%dma_wait3A_192 : memref<10240x128xf32, #tpu.memory_space<vmem_shared>>)
      %dma_start3A_193 = arith.constant 5 : i32
      %dma_start3A_194 = arith.constant 0 : i32
      %dma_start3A_195 = tpu.memref_slice %arg7[%dma_start3A_193, %dma_start3A_194] : memref<8x128xi32, #tpu.memory_space<vmem>> -> memref<1x128xi32, #tpu.memory_space<vmem>>
      %dma_start3A_196 = tpu.memref_squeeze %dma_start3A_195 : memref<1x128xi32, #tpu.memory_space<vmem>> -> memref<128xi32, #tpu.memory_space<vmem>>
      %dma_start3A_197 = arith.constant 0 : i32
      %dma_start3A_198 = arith.constant 0 : i32
      %dma_start3A_199 = tpu.memref_slice %arg2[%dma_start3A_197, %dma_start3A_198] : memref<10000x128xf32, #tpu.memory_space<hbm>> -> memref<10000x128xf32, #tpu.memory_space<hbm>>
      tpu.enqueue_indirect_dma source(%dma_start3A_199 : memref<10000x128xf32, #tpu.memory_space<hbm>>) target(%arg10 : memref<128x128xf32, #tpu.memory_space<vmem>>) offsets(%dma_start3A_196 : memref<128xi32, #tpu.memory_space<vmem>>) semaphore(%arg13 : memref<!tpu.dma_semaphore, #tpu.memory_space<semaphore_mem>>)
      %dma_wait3A_200 = arith.constant 5 : i32
      %dma_wait3A_201 = arith.constant 0 : i32
      %dma_wait3A_202 = tpu.memref_slice %arg7[%dma_wait3A_200, %dma_wait3A_201] : memref<8x128xi32, #tpu.memory_space<vmem>> -> memref<1x128xi32, #tpu.memory_space<vmem>>
      %dma_wait3A_203 = tpu.memref_squeeze %dma_wait3A_202 : memref<1x128xi32, #tpu.memory_space<vmem>> -> memref<128xi32, #tpu.memory_space<vmem>>
      %dma_wait3A_204 = arith.constant 0 : i32
      %dma_wait3A_205 = arith.constant 0 : i32
      %dma_wait3A_206 = tpu.memref_slice %arg2[%dma_wait3A_204, %dma_wait3A_205] : memref<10000x128xf32, #tpu.memory_space<hbm>> -> memref<10000x128xf32, #tpu.memory_space<hbm>>
      tpu.wait_indirect_dma semaphore(%arg13 : memref<!tpu.dma_semaphore, #tpu.memory_space<semaphore_mem>>) src(%dma_wait3A_206 : memref<10000x128xf32, #tpu.memory_space<hbm>>) dst(%arg10 : memref<128x128xf32, #tpu.memory_space<vmem>>)
      %scan3A_207 = arith.constant 0 : i32
      %scan3A_208 = arith.constant 128 : i32
      %scan3A_209 = arith.addi %scan3A_207, %scan3A_208 : i32
      %scan3A_210 = arith.constant 1 : i32
      scf.for %scan3A_292 = %scan3A_207 to %scan3A_209 step %scan3A_210  : i32 {
        %mul3A_293 = arith.constant 1 : i32
        %mul3A_294 = arith.muli %scan3A_292, %mul3A_293 : i32
        %add3A_295 = arith.constant 0 : i32
        %add3A_296 = arith.addi %add3A_295, %mul3A_294 : i32
        %get3A = arith.index_cast %add3A_296 : i32 to index
        %get3A_297 = arith.constant 0 : index
        %get3A_298 = tpu.vector_load %arg10[%get3A, %get3A_297] {strides = array<i32>} : memref<128x128xf32, #tpu.memory_space<vmem>>, vector<1x16xf32>,
        %get3A_299 = vector.shape_cast %get3A_298 : vector<1x16xf32> to vector<16xf32>
        %swap3A = arith.index_cast %add3A_296 : i32 to index
        %swap3A_300 = arith.constant 0 : index
        %swap3A_301 = tpu.vector_load %arg11[%swap3A, %swap3A_300] {strides = array<i32>} : memref<128x128xf32, #tpu.memory_space<vmem>>, vector<1x16xf32>,
        %swap3A_302 = vector.shape_cast %swap3A_301 : vector<1x16xf32> to vector<16xf32>
        %swap3A_303 = vector.shape_cast %get3A_299 : vector<16xf32> to vector<1x16xf32>
        tpu.vector_store %arg11[%swap3A, %swap3A_300], %swap3A_303 {strides = array<i32>} : memref<128x128xf32, #tpu.memory_space<vmem>>, vector<1x16xf32>,
        %get3A_304 = arith.index_cast %add3A_296 : i32 to index
        %get3A_305 = arith.constant 16 : index
        %get3A_306 = tpu.vector_load %arg10[%get3A_304, %get3A_305] {strides = array<i32>} : memref<128x128xf32, #tpu.memory_space<vmem>>, vector<1x16xf32>,
        %get3A_307 = vector.shape_cast %get3A_306 : vector<1x16xf32> to vector<16xf32>
        %swap3A_308 = arith.index_cast %add3A_296 : i32 to index
        %swap3A_309 = arith.constant 16 : index
        %swap3A_310 = tpu.vector_load %arg11[%swap3A_308, %swap3A_309] {strides = array<i32>} : memref<128x128xf32, #tpu.memory_space<vmem>>, vector<1x16xf32>,
        %swap3A_311 = vector.shape_cast %swap3A_310 : vector<1x16xf32> to vector<16xf32>
        %swap3A_312 = vector.shape_cast %get3A_307 : vector<16xf32> to vector<1x16xf32>
        tpu.vector_store %arg11[%swap3A_308, %swap3A_309], %swap3A_312 {strides = array<i32>} : memref<128x128xf32, #tpu.memory_space<vmem>>, vector<1x16xf32>,
        %get3A_313 = arith.index_cast %add3A_296 : i32 to index
        %get3A_314 = arith.constant 32 : index
        %get3A_315 = tpu.vector_load %arg10[%get3A_313, %get3A_314] {strides = array<i32>} : memref<128x128xf32, #tpu.memory_space<vmem>>, vector<1x16xf32>,
        %get3A_316 = vector.shape_cast %get3A_315 : vector<1x16xf32> to vector<16xf32>
        %swap3A_317 = arith.index_cast %add3A_296 : i32 to index
        %swap3A_318 = arith.constant 32 : index
        %swap3A_319 = tpu.vector_load %arg11[%swap3A_317, %swap3A_318] {strides = array<i32>} : memref<128x128xf32, #tpu.memory_space<vmem>>, vector<1x16xf32>,
        %swap3A_320 = vector.shape_cast %swap3A_319 : vector<1x16xf32> to vector<16xf32>
        %swap3A_321 = vector.shape_cast %get3A_316 : vector<16xf32> to vector<1x16xf32>
        tpu.vector_store %arg11[%swap3A_317, %swap3A_318], %swap3A_321 {strides = array<i32>} : memref<128x128xf32, #tpu.memory_space<vmem>>, vector<1x16xf32>,
        %get3A_322 = arith.index_cast %add3A_296 : i32 to index
        %get3A_323 = arith.constant 48 : index
        %get3A_324 = tpu.vector_load %arg10[%get3A_322, %get3A_323] {strides = array<i32>} : memref<128x128xf32, #tpu.memory_space<vmem>>, vector<1x16xf32>,
        %get3A_325 = vector.shape_cast %get3A_324 : vector<1x16xf32> to vector<16xf32>
        %swap3A_326 = arith.index_cast %add3A_296 : i32 to index
        %swap3A_327 = arith.constant 48 : index
        %swap3A_328 = tpu.vector_load %arg11[%swap3A_326, %swap3A_327] {strides = array<i32>} : memref<128x128xf32, #tpu.memory_space<vmem>>, vector<1x16xf32>,
        %swap3A_329 = vector.shape_cast %swap3A_328 : vector<1x16xf32> to vector<16xf32>
        %swap3A_330 = vector.shape_cast %get3A_325 : vector<16xf32> to vector<1x16xf32>
        tpu.vector_store %arg11[%swap3A_326, %swap3A_327], %swap3A_330 {strides = array<i32>} : memref<128x128xf32, #tpu.memory_space<vmem>>, vector<1x16xf32>,
        %get3A_331 = arith.index_cast %add3A_296 : i32 to index
        %get3A_332 = arith.constant 64 : index
        %get3A_333 = tpu.vector_load %arg10[%get3A_331, %get3A_332] {strides = array<i32>} : memref<128x128xf32, #tpu.memory_space<vmem>>, vector<1x16xf32>,
        %get3A_334 = vector.shape_cast %get3A_333 : vector<1x16xf32> to vector<16xf32>
        %swap3A_335 = arith.index_cast %add3A_296 : i32 to index
        %swap3A_336 = arith.constant 64 : index
        %swap3A_337 = tpu.vector_load %arg11[%swap3A_335, %swap3A_336] {strides = array<i32>} : memref<128x128xf32, #tpu.memory_space<vmem>>, vector<1x16xf32>,
        %swap3A_338 = vector.shape_cast %swap3A_337 : vector<1x16xf32> to vector<16xf32>
        %swap3A_339 = vector.shape_cast %get3A_334 : vector<16xf32> to vector<1x16xf32>
        tpu.vector_store %arg11[%swap3A_335, %swap3A_336], %swap3A_339 {strides = array<i32>} : memref<128x128xf32, #tpu.memory_space<vmem>>, vector<1x16xf32>,
        %get3A_340 = arith.index_cast %add3A_296 : i32 to index
        %get3A_341 = arith.constant 80 : index
        %get3A_342 = tpu.vector_load %arg10[%get3A_340, %get3A_341] {strides = array<i32>} : memref<128x128xf32, #tpu.memory_space<vmem>>, vector<1x16xf32>,
        %get3A_343 = vector.shape_cast %get3A_342 : vector<1x16xf32> to vector<16xf32>
        %swap3A_344 = arith.index_cast %add3A_296 : i32 to index
        %swap3A_345 = arith.constant 80 : index
        %swap3A_346 = tpu.vector_load %arg11[%swap3A_344, %swap3A_345] {strides = array<i32>} : memref<128x128xf32, #tpu.memory_space<vmem>>, vector<1x16xf32>,
        %swap3A_347 = vector.shape_cast %swap3A_346 : vector<1x16xf32> to vector<16xf32>
        %swap3A_348 = vector.shape_cast %get3A_343 : vector<16xf32> to vector<1x16xf32>
        tpu.vector_store %arg11[%swap3A_344, %swap3A_345], %swap3A_348 {strides = array<i32>} : memref<128x128xf32, #tpu.memory_space<vmem>>, vector<1x16xf32>,
        %get3A_349 = arith.index_cast %add3A_296 : i32 to index
        %get3A_350 = arith.constant 96 : index
        %get3A_351 = tpu.vector_load %arg10[%get3A_349, %get3A_350] {strides = array<i32>} : memref<128x128xf32, #tpu.memory_space<vmem>>, vector<1x16xf32>,
        %get3A_352 = vector.shape_cast %get3A_351 : vector<1x16xf32> to vector<16xf32>
        %swap3A_353 = arith.index_cast %add3A_296 : i32 to index
        %swap3A_354 = arith.constant 96 : index
        %swap3A_355 = tpu.vector_load %arg11[%swap3A_353, %swap3A_354] {strides = array<i32>} : memref<128x128xf32, #tpu.memory_space<vmem>>, vector<1x16xf32>,
        %swap3A_356 = vector.shape_cast %swap3A_355 : vector<1x16xf32> to vector<16xf32>
        %swap3A_357 = vector.shape_cast %get3A_352 : vector<16xf32> to vector<1x16xf32>
        tpu.vector_store %arg11[%swap3A_353, %swap3A_354], %swap3A_357 {strides = array<i32>} : memref<128x128xf32, #tpu.memory_space<vmem>>, vector<1x16xf32>,
        %get3A_358 = arith.index_cast %add3A_296 : i32 to index
        %get3A_359 = arith.constant 112 : index
        %get3A_360 = tpu.vector_load %arg10[%get3A_358, %get3A_359] {strides = array<i32>} : memref<128x128xf32, #tpu.memory_space<vmem>>, vector<1x16xf32>,
        %get3A_361 = vector.shape_cast %get3A_360 : vector<1x16xf32> to vector<16xf32>
        %swap3A_362 = arith.index_cast %add3A_296 : i32 to index
        %swap3A_363 = arith.constant 112 : index
        %swap3A_364 = tpu.vector_load %arg11[%swap3A_362, %swap3A_363] {strides = array<i32>} : memref<128x128xf32, #tpu.memory_space<vmem>>, vector<1x16xf32>,
        %swap3A_365 = vector.shape_cast %swap3A_364 : vector<1x16xf32> to vector<16xf32>
        %swap3A_366 = vector.shape_cast %get3A_361 : vector<16xf32> to vector<1x16xf32>
        tpu.vector_store %arg11[%swap3A_362, %swap3A_363], %swap3A_366 {strides = array<i32>} : memref<128x128xf32, #tpu.memory_space<vmem>>, vector<1x16xf32>,
      }
      %scan3A_211 = arith.constant 128 : i32
      %dma_start3A_212 = arith.constant 5 : i32
      %dma_start3A_213 = arith.constant 0 : i32
      %dma_start3A_214 = tpu.memref_slice %arg8[%dma_start3A_212, %dma_start3A_213] : memref<8x128xi32, #tpu.memory_space<vmem>> -> memref<1x128xi32, #tpu.memory_space<vmem>>
      %dma_start3A_215 = tpu.memref_squeeze %dma_start3A_214 : memref<1x128xi32, #tpu.memory_space<vmem>> -> memref<128xi32, #tpu.memory_space<vmem>>
      %dma_start3A_216 = arith.constant 0 : i32
      %dma_start3A_217 = arith.constant 0 : i32
      %dma_start3A_218 = tpu.memref_slice %arg12[%dma_start3A_216, %dma_start3A_217] : memref<10240x128xf32, #tpu.memory_space<vmem_shared>> -> memref<10240x128xf32, #tpu.memory_space<vmem_shared>>
      tpu.enqueue_indirect_dma source(%arg11 : memref<128x128xf32, #tpu.memory_space<vmem>>) target(%dma_start3A_218 : memref<10240x128xf32, #tpu.memory_space<vmem_shared>>) offsets(%dma_start3A_215 : memref<128xi32, #tpu.memory_space<vmem>>) semaphore(%arg14 : memref<!tpu.dma_semaphore, #tpu.memory_space<semaphore_mem>>) {add = true}
      %dma_wait3A_219 = arith.constant 5 : i32
      %dma_wait3A_220 = arith.constant 0 : i32
      %dma_wait3A_221 = tpu.memref_slice %arg8[%dma_wait3A_219, %dma_wait3A_220] : memref<8x128xi32, #tpu.memory_space<vmem>> -> memref<1x128xi32, #tpu.memory_space<vmem>>
      %dma_wait3A_222 = tpu.memref_squeeze %dma_wait3A_221 : memref<1x128xi32, #tpu.memory_space<vmem>> -> memref<128xi32, #tpu.memory_space<vmem>>
      %dma_wait3A_223 = arith.constant 0 : i32
      %dma_wait3A_224 = arith.constant 0 : i32
      %dma_wait3A_225 = tpu.memref_slice %arg12[%dma_wait3A_223, %dma_wait3A_224] : memref<10240x128xf32, #tpu.memory_space<vmem_shared>> -> memref<10240x128xf32, #tpu.memory_space<vmem_shared>>
      tpu.wait_indirect_dma semaphore(%arg14 : memref<!tpu.dma_semaphore, #tpu.memory_space<semaphore_mem>>) src(%arg11 : memref<128x128xf32, #tpu.memory_space<vmem>>) dst(%dma_wait3A_225 : memref<10240x128xf32, #tpu.memory_space<vmem_shared>>)
      %dma_start3A_226 = arith.constant 6 : i32
      %dma_start3A_227 = arith.constant 0 : i32
      %dma_start3A_228 = tpu.memref_slice %arg7[%dma_start3A_226, %dma_start3A_227] : memref<8x128xi32, #tpu.memory_space<vmem>> -> memref<1x128xi32, #tpu.memory_space<vmem>>
      %dma_start3A_229 = tpu.memref_squeeze %dma_start3A_228 : memref<1x128xi32, #tpu.memory_space<vmem>> -> memref<128xi32, #tpu.memory_space<vmem>>
      %dma_start3A_230 = arith.constant 0 : i32
      %dma_start3A_231 = arith.constant 0 : i32
      %dma_start3A_232 = tpu.memref_slice %arg2[%dma_start3A_230, %dma_start3A_231] : memref<10000x128xf32, #tpu.memory_space<hbm>> -> memref<10000x128xf32, #tpu.memory_space<hbm>>
      tpu.enqueue_indirect_dma source(%dma_start3A_232 : memref<10000x128xf32, #tpu.memory_space<hbm>>) target(%arg10 : memref<128x128xf32, #tpu.memory_space<vmem>>) offsets(%dma_start3A_229 : memref<128xi32, #tpu.memory_space<vmem>>) semaphore(%arg13 : memref<!tpu.dma_semaphore, #tpu.memory_space<semaphore_mem>>)
      %dma_wait3A_233 = arith.constant 6 : i32
      %dma_wait3A_234 = arith.constant 0 : i32
      %dma_wait3A_235 = tpu.memref_slice %arg7[%dma_wait3A_233, %dma_wait3A_234] : memref<8x128xi32, #tpu.memory_space<vmem>> -> memref<1x128xi32, #tpu.memory_space<vmem>>
      %dma_wait3A_236 = tpu.memref_squeeze %dma_wait3A_235 : memref<1x128xi32, #tpu.memory_space<vmem>> -> memref<128xi32, #tpu.memory_space<vmem>>
      %dma_wait3A_237 = arith.constant 0 : i32
      %dma_wait3A_238 = arith.constant 0 : i32
      %dma_wait3A_239 = tpu.memref_slice %arg2[%dma_wait3A_237, %dma_wait3A_238] : memref<10000x128xf32, #tpu.memory_space<hbm>> -> memref<10000x128xf32, #tpu.memory_space<hbm>>
      tpu.wait_indirect_dma semaphore(%arg13 : memref<!tpu.dma_semaphore, #tpu.memory_space<semaphore_mem>>) src(%dma_wait3A_239 : memref<10000x128xf32, #tpu.memory_space<hbm>>) dst(%arg10 : memref<128x128xf32, #tpu.memory_space<vmem>>)
      %scan3A_240 = arith.constant 0 : i32
      %scan3A_241 = arith.constant 128 : i32
      %scan3A_242 = arith.addi %scan3A_240, %scan3A_241 : i32
      %scan3A_243 = arith.constant 1 : i32
      scf.for %scan3A_292 = %scan3A_240 to %scan3A_242 step %scan3A_243  : i32 {
        %mul3A_293 = arith.constant 1 : i32
        %mul3A_294 = arith.muli %scan3A_292, %mul3A_293 : i32
        %add3A_295 = arith.constant 0 : i32
        %add3A_296 = arith.addi %add3A_295, %mul3A_294 : i32
        %get3A = arith.index_cast %add3A_296 : i32 to index
        %get3A_297 = arith.constant 0 : index
        %get3A_298 = tpu.vector_load %arg10[%get3A, %get3A_297] {strides = array<i32>} : memref<128x128xf32, #tpu.memory_space<vmem>>, vector<1x16xf32>,
        %get3A_299 = vector.shape_cast %get3A_298 : vector<1x16xf32> to vector<16xf32>
        %swap3A = arith.index_cast %add3A_296 : i32 to index
        %swap3A_300 = arith.constant 0 : index
        %swap3A_301 = tpu.vector_load %arg11[%swap3A, %swap3A_300] {strides = array<i32>} : memref<128x128xf32, #tpu.memory_space<vmem>>, vector<1x16xf32>,
        %swap3A_302 = vector.shape_cast %swap3A_301 : vector<1x16xf32> to vector<16xf32>
        %swap3A_303 = vector.shape_cast %get3A_299 : vector<16xf32> to vector<1x16xf32>
        tpu.vector_store %arg11[%swap3A, %swap3A_300], %swap3A_303 {strides = array<i32>} : memref<128x128xf32, #tpu.memory_space<vmem>>, vector<1x16xf32>,
        %get3A_304 = arith.index_cast %add3A_296 : i32 to index
        %get3A_305 = arith.constant 16 : index
        %get3A_306 = tpu.vector_load %arg10[%get3A_304, %get3A_305] {strides = array<i32>} : memref<128x128xf32, #tpu.memory_space<vmem>>, vector<1x16xf32>,
        %get3A_307 = vector.shape_cast %get3A_306 : vector<1x16xf32> to vector<16xf32>
        %swap3A_308 = arith.index_cast %add3A_296 : i32 to index
        %swap3A_309 = arith.constant 16 : index
        %swap3A_310 = tpu.vector_load %arg11[%swap3A_308, %swap3A_309] {strides = array<i32>} : memref<128x128xf32, #tpu.memory_space<vmem>>, vector<1x16xf32>,
        %swap3A_311 = vector.shape_cast %swap3A_310 : vector<1x16xf32> to vector<16xf32>
        %swap3A_312 = vector.shape_cast %get3A_307 : vector<16xf32> to vector<1x16xf32>
        tpu.vector_store %arg11[%swap3A_308, %swap3A_309], %swap3A_312 {strides = array<i32>} : memref<128x128xf32, #tpu.memory_space<vmem>>, vector<1x16xf32>,
        %get3A_313 = arith.index_cast %add3A_296 : i32 to index
        %get3A_314 = arith.constant 32 : index
        %get3A_315 = tpu.vector_load %arg10[%get3A_313, %get3A_314] {strides = array<i32>} : memref<128x128xf32, #tpu.memory_space<vmem>>, vector<1x16xf32>,
        %get3A_316 = vector.shape_cast %get3A_315 : vector<1x16xf32> to vector<16xf32>
        %swap3A_317 = arith.index_cast %add3A_296 : i32 to index
        %swap3A_318 = arith.constant 32 : index
        %swap3A_319 = tpu.vector_load %arg11[%swap3A_317, %swap3A_318] {strides = array<i32>} : memref<128x128xf32, #tpu.memory_space<vmem>>, vector<1x16xf32>,
        %swap3A_320 = vector.shape_cast %swap3A_319 : vector<1x16xf32> to vector<16xf32>
        %swap3A_321 = vector.shape_cast %get3A_316 : vector<16xf32> to vector<1x16xf32>
        tpu.vector_store %arg11[%swap3A_317, %swap3A_318], %swap3A_321 {strides = array<i32>} : memref<128x128xf32, #tpu.memory_space<vmem>>, vector<1x16xf32>,
        %get3A_322 = arith.index_cast %add3A_296 : i32 to index
        %get3A_323 = arith.constant 48 : index
        %get3A_324 = tpu.vector_load %arg10[%get3A_322, %get3A_323] {strides = array<i32>} : memref<128x128xf32, #tpu.memory_space<vmem>>, vector<1x16xf32>,
        %get3A_325 = vector.shape_cast %get3A_324 : vector<1x16xf32> to vector<16xf32>
        %swap3A_326 = arith.index_cast %add3A_296 : i32 to index
        %swap3A_327 = arith.constant 48 : index
        %swap3A_328 = tpu.vector_load %arg11[%swap3A_326, %swap3A_327] {strides = array<i32>} : memref<128x128xf32, #tpu.memory_space<vmem>>, vector<1x16xf32>,
        %swap3A_329 = vector.shape_cast %swap3A_328 : vector<1x16xf32> to vector<16xf32>
        %swap3A_330 = vector.shape_cast %get3A_325 : vector<16xf32> to vector<1x16xf32>
        tpu.vector_store %arg11[%swap3A_326, %swap3A_327], %swap3A_330 {strides = array<i32>} : memref<128x128xf32, #tpu.memory_space<vmem>>, vector<1x16xf32>,
        %get3A_331 = arith.index_cast %add3A_296 : i32 to index
        %get3A_332 = arith.constant 64 : index
        %get3A_333 = tpu.vector_load %arg10[%get3A_331, %get3A_332] {strides = array<i32>} : memref<128x128xf32, #tpu.memory_space<vmem>>, vector<1x16xf32>,
        %get3A_334 = vector.shape_cast %get3A_333 : vector<1x16xf32> to vector<16xf32>
        %swap3A_335 = arith.index_cast %add3A_296 : i32 to index
        %swap3A_336 = arith.constant 64 : index
        %swap3A_337 = tpu.vector_load %arg11[%swap3A_335, %swap3A_336] {strides = array<i32>} : memref<128x128xf32, #tpu.memory_space<vmem>>, vector<1x16xf32>,
        %swap3A_338 = vector.shape_cast %swap3A_337 : vector<1x16xf32> to vector<16xf32>
        %swap3A_339 = vector.shape_cast %get3A_334 : vector<16xf32> to vector<1x16xf32>
        tpu.vector_store %arg11[%swap3A_335, %swap3A_336], %swap3A_339 {strides = array<i32>} : memref<128x128xf32, #tpu.memory_space<vmem>>, vector<1x16xf32>,
        %get3A_340 = arith.index_cast %add3A_296 : i32 to index
        %get3A_341 = arith.constant 80 : index
        %get3A_342 = tpu.vector_load %arg10[%get3A_340, %get3A_341] {strides = array<i32>} : memref<128x128xf32, #tpu.memory_space<vmem>>, vector<1x16xf32>,
        %get3A_343 = vector.shape_cast %get3A_342 : vector<1x16xf32> to vector<16xf32>
        %swap3A_344 = arith.index_cast %add3A_296 : i32 to index
        %swap3A_345 = arith.constant 80 : index
        %swap3A_346 = tpu.vector_load %arg11[%swap3A_344, %swap3A_345] {strides = array<i32>} : memref<128x128xf32, #tpu.memory_space<vmem>>, vector<1x16xf32>,
        %swap3A_347 = vector.shape_cast %swap3A_346 : vector<1x16xf32> to vector<16xf32>
        %swap3A_348 = vector.shape_cast %get3A_343 : vector<16xf32> to vector<1x16xf32>
        tpu.vector_store %arg11[%swap3A_344, %swap3A_345], %swap3A_348 {strides = array<i32>} : memref<128x128xf32, #tpu.memory_space<vmem>>, vector<1x16xf32>,
        %get3A_349 = arith.index_cast %add3A_296 : i32 to index
        %get3A_350 = arith.constant 96 : index
        %get3A_351 = tpu.vector_load %arg10[%get3A_349, %get3A_350] {strides = array<i32>} : memref<128x128xf32, #tpu.memory_space<vmem>>, vector<1x16xf32>,
        %get3A_352 = vector.shape_cast %get3A_351 : vector<1x16xf32> to vector<16xf32>
        %swap3A_353 = arith.index_cast %add3A_296 : i32 to index
        %swap3A_354 = arith.constant 96 : index
        %swap3A_355 = tpu.vector_load %arg11[%swap3A_353, %swap3A_354] {strides = array<i32>} : memref<128x128xf32, #tpu.memory_space<vmem>>, vector<1x16xf32>,
        %swap3A_356 = vector.shape_cast %swap3A_355 : vector<1x16xf32> to vector<16xf32>
        %swap3A_357 = vector.shape_cast %get3A_352 : vector<16xf32> to vector<1x16xf32>
        tpu.vector_store %arg11[%swap3A_353, %swap3A_354], %swap3A_357 {strides = array<i32>} : memref<128x128xf32, #tpu.memory_space<vmem>>, vector<1x16xf32>,
        %get3A_358 = arith.index_cast %add3A_296 : i32 to index
        %get3A_359 = arith.constant 112 : index
        %get3A_360 = tpu.vector_load %arg10[%get3A_358, %get3A_359] {strides = array<i32>} : memref<128x128xf32, #tpu.memory_space<vmem>>, vector<1x16xf32>,
        %get3A_361 = vector.shape_cast %get3A_360 : vector<1x16xf32> to vector<16xf32>
        %swap3A_362 = arith.index_cast %add3A_296 : i32 to index
        %swap3A_363 = arith.constant 112 : index
        %swap3A_364 = tpu.vector_load %arg11[%swap3A_362, %swap3A_363] {strides = array<i32>} : memref<128x128xf32, #tpu.memory_space<vmem>>, vector<1x16xf32>,
        %swap3A_365 = vector.shape_cast %swap3A_364 : vector<1x16xf32> to vector<16xf32>
        %swap3A_366 = vector.shape_cast %get3A_361 : vector<16xf32> to vector<1x16xf32>
        tpu.vector_store %arg11[%swap3A_362, %swap3A_363], %swap3A_366 {strides = array<i32>} : memref<128x128xf32, #tpu.memory_space<vmem>>, vector<1x16xf32>,
      }
      %scan3A_244 = arith.constant 128 : i32
      %dma_start3A_245 = arith.constant 6 : i32
      %dma_start3A_246 = arith.constant 0 : i32
      %dma_start3A_247 = tpu.memref_slice %arg8[%dma_start3A_245, %dma_start3A_246] : memref<8x128xi32, #tpu.memory_space<vmem>> -> memref<1x128xi32, #tpu.memory_space<vmem>>
      %dma_start3A_248 = tpu.memref_squeeze %dma_start3A_247 : memref<1x128xi32, #tpu.memory_space<vmem>> -> memref<128xi32, #tpu.memory_space<vmem>>
      %dma_start3A_249 = arith.constant 0 : i32
      %dma_start3A_250 = arith.constant 0 : i32
      %dma_start3A_251 = tpu.memref_slice %arg12[%dma_start3A_249, %dma_start3A_250] : memref<10240x128xf32, #tpu.memory_space<vmem_shared>> -> memref<10240x128xf32, #tpu.memory_space<vmem_shared>>
      tpu.enqueue_indirect_dma source(%arg11 : memref<128x128xf32, #tpu.memory_space<vmem>>) target(%dma_start3A_251 : memref<10240x128xf32, #tpu.memory_space<vmem_shared>>) offsets(%dma_start3A_248 : memref<128xi32, #tpu.memory_space<vmem>>) semaphore(%arg14 : memref<!tpu.dma_semaphore, #tpu.memory_space<semaphore_mem>>) {add = true}
      %dma_wait3A_252 = arith.constant 6 : i32
      %dma_wait3A_253 = arith.constant 0 : i32
      %dma_wait3A_254 = tpu.memref_slice %arg8[%dma_wait3A_252, %dma_wait3A_253] : memref<8x128xi32, #tpu.memory_space<vmem>> -> memref<1x128xi32, #tpu.memory_space<vmem>>
      %dma_wait3A_255 = tpu.memref_squeeze %dma_wait3A_254 : memref<1x128xi32, #tpu.memory_space<vmem>> -> memref<128xi32, #tpu.memory_space<vmem>>
      %dma_wait3A_256 = arith.constant 0 : i32
      %dma_wait3A_257 = arith.constant 0 : i32
      %dma_wait3A_258 = tpu.memref_slice %arg12[%dma_wait3A_256, %dma_wait3A_257] : memref<10240x128xf32, #tpu.memory_space<vmem_shared>> -> memref<10240x128xf32, #tpu.memory_space<vmem_shared>>
      tpu.wait_indirect_dma semaphore(%arg14 : memref<!tpu.dma_semaphore, #tpu.memory_space<semaphore_mem>>) src(%arg11 : memref<128x128xf32, #tpu.memory_space<vmem>>) dst(%dma_wait3A_258 : memref<10240x128xf32, #tpu.memory_space<vmem_shared>>)
      %dma_start3A_259 = arith.constant 7 : i32
      %dma_start3A_260 = arith.constant 0 : i32
      %dma_start3A_261 = tpu.memref_slice %arg7[%dma_start3A_259, %dma_start3A_260] : memref<8x128xi32, #tpu.memory_space<vmem>> -> memref<1x128xi32, #tpu.memory_space<vmem>>
      %dma_start3A_262 = tpu.memref_squeeze %dma_start3A_261 : memref<1x128xi32, #tpu.memory_space<vmem>> -> memref<128xi32, #tpu.memory_space<vmem>>
      %dma_start3A_263 = arith.constant 0 : i32
      %dma_start3A_264 = arith.constant 0 : i32
      %dma_start3A_265 = tpu.memref_slice %arg2[%dma_start3A_263, %dma_start3A_264] : memref<10000x128xf32, #tpu.memory_space<hbm>> -> memref<10000x128xf32, #tpu.memory_space<hbm>>
      tpu.enqueue_indirect_dma source(%dma_start3A_265 : memref<10000x128xf32, #tpu.memory_space<hbm>>) target(%arg10 : memref<128x128xf32, #tpu.memory_space<vmem>>) offsets(%dma_start3A_262 : memref<128xi32, #tpu.memory_space<vmem>>) semaphore(%arg13 : memref<!tpu.dma_semaphore, #tpu.memory_space<semaphore_mem>>)
      %dma_wait3A_266 = arith.constant 7 : i32
      %dma_wait3A_267 = arith.constant 0 : i32
      %dma_wait3A_268 = tpu.memref_slice %arg7[%dma_wait3A_266, %dma_wait3A_267] : memref<8x128xi32, #tpu.memory_space<vmem>> -> memref<1x128xi32, #tpu.memory_space<vmem>>
      %dma_wait3A_269 = tpu.memref_squeeze %dma_wait3A_268 : memref<1x128xi32, #tpu.memory_space<vmem>> -> memref<128xi32, #tpu.memory_space<vmem>>
      %dma_wait3A_270 = arith.constant 0 : i32
      %dma_wait3A_271 = arith.constant 0 : i32
      %dma_wait3A_272 = tpu.memref_slice %arg2[%dma_wait3A_270, %dma_wait3A_271] : memref<10000x128xf32, #tpu.memory_space<hbm>> -> memref<10000x128xf32, #tpu.memory_space<hbm>>
      tpu.wait_indirect_dma semaphore(%arg13 : memref<!tpu.dma_semaphore, #tpu.memory_space<semaphore_mem>>) src(%dma_wait3A_272 : memref<10000x128xf32, #tpu.memory_space<hbm>>) dst(%arg10 : memref<128x128xf32, #tpu.memory_space<vmem>>)
      %scan3A_273 = arith.constant 0 : i32
      %scan3A_274 = arith.constant 128 : i32
      %scan3A_275 = arith.addi %scan3A_273, %scan3A_274 : i32
      %scan3A_276 = arith.constant 1 : i32
      scf.for %scan3A_292 = %scan3A_273 to %scan3A_275 step %scan3A_276  : i32 {
        %mul3A_293 = arith.constant 1 : i32
        %mul3A_294 = arith.muli %scan3A_292, %mul3A_293 : i32
        %add3A_295 = arith.constant 0 : i32
        %add3A_296 = arith.addi %add3A_295, %mul3A_294 : i32
        %get3A = arith.index_cast %add3A_296 : i32 to index
        %get3A_297 = arith.constant 0 : index
        %get3A_298 = tpu.vector_load %arg10[%get3A, %get3A_297] {strides = array<i32>} : memref<128x128xf32, #tpu.memory_space<vmem>>, vector<1x16xf32>,
        %get3A_299 = vector.shape_cast %get3A_298 : vector<1x16xf32> to vector<16xf32>
        %swap3A = arith.index_cast %add3A_296 : i32 to index
        %swap3A_300 = arith.constant 0 : index
        %swap3A_301 = tpu.vector_load %arg11[%swap3A, %swap3A_300] {strides = array<i32>} : memref<128x128xf32, #tpu.memory_space<vmem>>, vector<1x16xf32>,
        %swap3A_302 = vector.shape_cast %swap3A_301 : vector<1x16xf32> to vector<16xf32>
        %swap3A_303 = vector.shape_cast %get3A_299 : vector<16xf32> to vector<1x16xf32>
        tpu.vector_store %arg11[%swap3A, %swap3A_300], %swap3A_303 {strides = array<i32>} : memref<128x128xf32, #tpu.memory_space<vmem>>, vector<1x16xf32>,
        %get3A_304 = arith.index_cast %add3A_296 : i32 to index
        %get3A_305 = arith.constant 16 : index
        %get3A_306 = tpu.vector_load %arg10[%get3A_304, %get3A_305] {strides = array<i32>} : memref<128x128xf32, #tpu.memory_space<vmem>>, vector<1x16xf32>,
        %get3A_307 = vector.shape_cast %get3A_306 : vector<1x16xf32> to vector<16xf32>
        %swap3A_308 = arith.index_cast %add3A_296 : i32 to index
        %swap3A_309 = arith.constant 16 : index
        %swap3A_310 = tpu.vector_load %arg11[%swap3A_308, %swap3A_309] {strides = array<i32>} : memref<128x128xf32, #tpu.memory_space<vmem>>, vector<1x16xf32>,
        %swap3A_311 = vector.shape_cast %swap3A_310 : vector<1x16xf32> to vector<16xf32>
        %swap3A_312 = vector.shape_cast %get3A_307 : vector<16xf32> to vector<1x16xf32>
        tpu.vector_store %arg11[%swap3A_308, %swap3A_309], %swap3A_312 {strides = array<i32>} : memref<128x128xf32, #tpu.memory_space<vmem>>, vector<1x16xf32>,
        %get3A_313 = arith.index_cast %add3A_296 : i32 to index
        %get3A_314 = arith.constant 32 : index
        %get3A_315 = tpu.vector_load %arg10[%get3A_313, %get3A_314] {strides = array<i32>} : memref<128x128xf32, #tpu.memory_space<vmem>>, vector<1x16xf32>,
        %get3A_316 = vector.shape_cast %get3A_315 : vector<1x16xf32> to vector<16xf32>
        %swap3A_317 = arith.index_cast %add3A_296 : i32 to index
        %swap3A_318 = arith.constant 32 : index
        %swap3A_319 = tpu.vector_load %arg11[%swap3A_317, %swap3A_318] {strides = array<i32>} : memref<128x128xf32, #tpu.memory_space<vmem>>, vector<1x16xf32>,
        %swap3A_320 = vector.shape_cast %swap3A_319 : vector<1x16xf32> to vector<16xf32>
        %swap3A_321 = vector.shape_cast %get3A_316 : vector<16xf32> to vector<1x16xf32>
        tpu.vector_store %arg11[%swap3A_317, %swap3A_318], %swap3A_321 {strides = array<i32>} : memref<128x128xf32, #tpu.memory_space<vmem>>, vector<1x16xf32>,
        %get3A_322 = arith.index_cast %add3A_296 : i32 to index
        %get3A_323 = arith.constant 48 : index
        %get3A_324 = tpu.vector_load %arg10[%get3A_322, %get3A_323] {strides = array<i32>} : memref<128x128xf32, #tpu.memory_space<vmem>>, vector<1x16xf32>,
        %get3A_325 = vector.shape_cast %get3A_324 : vector<1x16xf32> to vector<16xf32>
        %swap3A_326 = arith.index_cast %add3A_296 : i32 to index
        %swap3A_327 = arith.constant 48 : index
        %swap3A_328 = tpu.vector_load %arg11[%swap3A_326, %swap3A_327] {strides = array<i32>} : memref<128x128xf32, #tpu.memory_space<vmem>>, vector<1x16xf32>,
        %swap3A_329 = vector.shape_cast %swap3A_328 : vector<1x16xf32> to vector<16xf32>
        %swap3A_330 = vector.shape_cast %get3A_325 : vector<16xf32> to vector<1x16xf32>
        tpu.vector_store %arg11[%swap3A_326, %swap3A_327], %swap3A_330 {strides = array<i32>} : memref<128x128xf32, #tpu.memory_space<vmem>>, vector<1x16xf32>,
        %get3A_331 = arith.index_cast %add3A_296 : i32 to index
        %get3A_332 = arith.constant 64 : index
        %get3A_333 = tpu.vector_load %arg10[%get3A_331, %get3A_332] {strides = array<i32>} : memref<128x128xf32, #tpu.memory_space<vmem>>, vector<1x16xf32>,
        %get3A_334 = vector.shape_cast %get3A_333 : vector<1x16xf32> to vector<16xf32>
        %swap3A_335 = arith.index_cast %add3A_296 : i32 to index
        %swap3A_336 = arith.constant 64 : index
        %swap3A_337 = tpu.vector_load %arg11[%swap3A_335, %swap3A_336] {strides = array<i32>} : memref<128x128xf32, #tpu.memory_space<vmem>>, vector<1x16xf32>,
        %swap3A_338 = vector.shape_cast %swap3A_337 : vector<1x16xf32> to vector<16xf32>
        %swap3A_339 = vector.shape_cast %get3A_334 : vector<16xf32> to vector<1x16xf32>
        tpu.vector_store %arg11[%swap3A_335, %swap3A_336], %swap3A_339 {strides = array<i32>} : memref<128x128xf32, #tpu.memory_space<vmem>>, vector<1x16xf32>,
        %get3A_340 = arith.index_cast %add3A_296 : i32 to index
        %get3A_341 = arith.constant 80 : index
        %get3A_342 = tpu.vector_load %arg10[%get3A_340, %get3A_341] {strides = array<i32>} : memref<128x128xf32, #tpu.memory_space<vmem>>, vector<1x16xf32>,
        %get3A_343 = vector.shape_cast %get3A_342 : vector<1x16xf32> to vector<16xf32>
        %swap3A_344 = arith.index_cast %add3A_296 : i32 to index
        %swap3A_345 = arith.constant 80 : index
        %swap3A_346 = tpu.vector_load %arg11[%swap3A_344, %swap3A_345] {strides = array<i32>} : memref<128x128xf32, #tpu.memory_space<vmem>>, vector<1x16xf32>,
        %swap3A_347 = vector.shape_cast %swap3A_346 : vector<1x16xf32> to vector<16xf32>
        %swap3A_348 = vector.shape_cast %get3A_343 : vector<16xf32> to vector<1x16xf32>
        tpu.vector_store %arg11[%swap3A_344, %swap3A_345], %swap3A_348 {strides = array<i32>} : memref<128x128xf32, #tpu.memory_space<vmem>>, vector<1x16xf32>,
        %get3A_349 = arith.index_cast %add3A_296 : i32 to index
        %get3A_350 = arith.constant 96 : index
        %get3A_351 = tpu.vector_load %arg10[%get3A_349, %get3A_350] {strides = array<i32>} : memref<128x128xf32, #tpu.memory_space<vmem>>, vector<1x16xf32>,
        %get3A_352 = vector.shape_cast %get3A_351 : vector<1x16xf32> to vector<16xf32>
        %swap3A_353 = arith.index_cast %add3A_296 : i32 to index
        %swap3A_354 = arith.constant 96 : index
        %swap3A_355 = tpu.vector_load %arg11[%swap3A_353, %swap3A_354] {strides = array<i32>} : memref<128x128xf32, #tpu.memory_space<vmem>>, vector<1x16xf32>,
        %swap3A_356 = vector.shape_cast %swap3A_355 : vector<1x16xf32> to vector<16xf32>
        %swap3A_357 = vector.shape_cast %get3A_352 : vector<16xf32> to vector<1x16xf32>
        tpu.vector_store %arg11[%swap3A_353, %swap3A_354], %swap3A_357 {strides = array<i32>} : memref<128x128xf32, #tpu.memory_space<vmem>>, vector<1x16xf32>,
        %get3A_358 = arith.index_cast %add3A_296 : i32 to index
        %get3A_359 = arith.constant 112 : index
        %get3A_360 = tpu.vector_load %arg10[%get3A_358, %get3A_359] {strides = array<i32>} : memref<128x128xf32, #tpu.memory_space<vmem>>, vector<1x16xf32>,
        %get3A_361 = vector.shape_cast %get3A_360 : vector<1x16xf32> to vector<16xf32>
        %swap3A_362 = arith.index_cast %add3A_296 : i32 to index
        %swap3A_363 = arith.constant 112 : index
        %swap3A_364 = tpu.vector_load %arg11[%swap3A_362, %swap3A_363] {strides = array<i32>} : memref<128x128xf32, #tpu.memory_space<vmem>>, vector<1x16xf32>,
        %swap3A_365 = vector.shape_cast %swap3A_364 : vector<1x16xf32> to vector<16xf32>
        %swap3A_366 = vector.shape_cast %get3A_361 : vector<16xf32> to vector<1x16xf32>
        tpu.vector_store %arg11[%swap3A_362, %swap3A_363], %swap3A_366 {strides = array<i32>} : memref<128x128xf32, #tpu.memory_space<vmem>>, vector<1x16xf32>,
      }
      %scan3A_277 = arith.constant 128 : i32
      %dma_start3A_278 = arith.constant 7 : i32
      %dma_start3A_279 = arith.constant 0 : i32
      %dma_start3A_280 = tpu.memref_slice %arg8[%dma_start3A_278, %dma_start3A_279] : memref<8x128xi32, #tpu.memory_space<vmem>> -> memref<1x128xi32, #tpu.memory_space<vmem>>
      %dma_start3A_281 = tpu.memref_squeeze %dma_start3A_280 : memref<1x128xi32, #tpu.memory_space<vmem>> -> memref<128xi32, #tpu.memory_space<vmem>>
      %dma_start3A_282 = arith.constant 0 : i32
      %dma_start3A_283 = arith.constant 0 : i32
      %dma_start3A_284 = tpu.memref_slice %arg12[%dma_start3A_282, %dma_start3A_283] : memref<10240x128xf32, #tpu.memory_space<vmem_shared>> -> memref<10240x128xf32, #tpu.memory_space<vmem_shared>>
      tpu.enqueue_indirect_dma source(%arg11 : memref<128x128xf32, #tpu.memory_space<vmem>>) target(%dma_start3A_284 : memref<10240x128xf32, #tpu.memory_space<vmem_shared>>) offsets(%dma_start3A_281 : memref<128xi32, #tpu.memory_space<vmem>>) semaphore(%arg14 : memref<!tpu.dma_semaphore, #tpu.memory_space<semaphore_mem>>) {add = true}
      %dma_wait3A_285 = arith.constant 7 : i32
      %dma_wait3A_286 = arith.constant 0 : i32
      %dma_wait3A_287 = tpu.memref_slice %arg8[%dma_wait3A_285, %dma_wait3A_286] : memref<8x128xi32, #tpu.memory_space<vmem>> -> memref<1x128xi32, #tpu.memory_space<vmem>>
      %dma_wait3A_288 = tpu.memref_squeeze %dma_wait3A_287 : memref<1x128xi32, #tpu.memory_space<vmem>> -> memref<128xi32, #tpu.memory_space<vmem>>
      %dma_wait3A_289 = arith.constant 0 : i32
      %dma_wait3A_290 = arith.constant 0 : i32
      %dma_wait3A_291 = tpu.memref_slice %arg12[%dma_wait3A_289, %dma_wait3A_290] : memref<10240x128xf32, #tpu.memory_space<vmem_shared>> -> memref<10240x128xf32, #tpu.memory_space<vmem_shared>>
      tpu.wait_indirect_dma semaphore(%arg14 : memref<!tpu.dma_semaphore, #tpu.memory_space<semaphore_mem>>) src(%arg11 : memref<128x128xf32, #tpu.memory_space<vmem>>) dst(%dma_wait3A_291 : memref<10240x128xf32, #tpu.memory_space<vmem_shared>>)
    }
    %scan3A_14 = arith.constant 10 : i32
    %barrier3A_15 = arith.constant 0 : index
    tpu.barrier barrier_id(%barrier3A_15)
    %scan3A_16 = arith.constant 0 : i32
    %scan3A_17 = arith.constant 5 : i32
    %scan3A_18 = arith.addi %scan3A_16, %scan3A_17 : i32
    %scan3A_19 = arith.constant 1 : i32
    scf.for %scan3A_21 = %scan3A_16 to %scan3A_18 step %scan3A_19  : i32 {
      %mul3A_22 = arith.constant 1 : i32
      %mul3A_23 = arith.muli %scan3A_21, %mul3A_22 : i32
      %add3A_24 = arith.constant 0 : i32
      %add3A_25 = arith.addi %add3A_24, %mul3A_23 : i32
      "tpu.region"() ({
        %run_scoped3A = tpu.sem_alloc : memref<!tpu.dma_semaphore, #tpu.memory_space<semaphore_mem>>
        %dma_start3A = arith.constant 0 : i32
        %dma_start3A_31 = tpu.memref_slice %arg9[%add3A_25, %dma_start3A] : memref<5x128xi32, #tpu.memory_space<vmem>> -> memref<1x128xi32, #tpu.memory_space<vmem>>
        %dma_start3A_32 = tpu.memref_squeeze %dma_start3A_31 : memref<1x128xi32, #tpu.memory_space<vmem>> -> memref<128xi32, #tpu.memory_space<vmem>>
        %dma_start3A_33 = arith.constant 0 : i32
        %dma_start3A_34 = arith.constant 0 : i32
        %dma_start3A_35 = tpu.memref_slice %arg12[%dma_start3A_33, %dma_start3A_34] : memref<10240x128xf32, #tpu.memory_space<vmem_shared>> -> memref<10240x128xf32, #tpu.memory_space<vmem_shared>>
        tpu.enqueue_indirect_dma source(%dma_start3A_35 : memref<10240x128xf32, #tpu.memory_space<vmem_shared>>) target(%arg10 : memref<128x128xf32, #tpu.memory_space<vmem>>) offsets(%dma_start3A_32 : memref<128xi32, #tpu.memory_space<vmem>>) semaphore(%run_scoped3A : memref<!tpu.dma_semaphore, #tpu.memory_space<semaphore_mem>>)
        %dma_wait3A = arith.constant 0 : i32
        %dma_wait3A_36 = tpu.memref_slice %arg9[%add3A_25, %dma_wait3A] : memref<5x128xi32, #tpu.memory_space<vmem>> -> memref<1x128xi32, #tpu.memory_space<vmem>>
        %dma_wait3A_37 = tpu.memref_squeeze %dma_wait3A_36 : memref<1x128xi32, #tpu.memory_space<vmem>> -> memref<128xi32, #tpu.memory_space<vmem>>
        %dma_wait3A_38 = arith.constant 0 : i32
        %dma_wait3A_39 = arith.constant 0 : i32
        %dma_wait3A_40 = tpu.memref_slice %arg12[%dma_wait3A_38, %dma_wait3A_39] : memref<10240x128xf32, #tpu.memory_space<vmem_shared>> -> memref<10240x128xf32, #tpu.memory_space<vmem_shared>>
        tpu.wait_indirect_dma semaphore(%run_scoped3A : memref<!tpu.dma_semaphore, #tpu.memory_space<semaphore_mem>>) src(%dma_wait3A_40 : memref<10240x128xf32, #tpu.memory_space<vmem_shared>>) dst(%arg10 : memref<128x128xf32, #tpu.memory_space<vmem>>)
        tpu.yield
      }) : () -> ()
      %mul3A_26 = arith.constant 640 : i32
      %mul3A_27 = arith.muli %arg1, %mul3A_26 : i32
      %mul3A_28 = arith.constant 128 : i32
      %mul3A_29 = arith.muli %add3A_25, %mul3A_28 : i32
      %add3A_30 = arith.addi %mul3A_27, %mul3A_29 : i32
      "tpu.region"() ({
        %run_scoped3A = tpu.sem_alloc : memref<!tpu.dma_semaphore, #tpu.memory_space<semaphore_mem>>
        %dma_start3A = arith.constant 0 : i32
        %dma_start3A_31 = tpu.memref_slice %arg6[%arg0, %add3A_30, %dma_start3A] : memref<2x10240x128xf32, #tpu.memory_space<hbm>> -> memref<1x128x128xf32, #tpu.memory_space<hbm>>
        %dma_start3A_32 = tpu.memref_squeeze %dma_start3A_31 : memref<1x128x128xf32, #tpu.memory_space<hbm>> -> memref<128x128xf32, #tpu.memory_space<hbm>>
        %dma_start3A_33 = arith.constant 0 : i32
        %dma_start3A_34 = tpu.memref_slice %arg6[%arg0, %add3A_30, %dma_start3A_33] : memref<2x10240x128xf32, #tpu.memory_space<hbm>> -> memref<1x128x128xf32, #tpu.memory_space<hbm>>
        %dma_start3A_35 = tpu.memref_squeeze %dma_start3A_34 : memref<1x128x128xf32, #tpu.memory_space<hbm>> -> memref<128x128xf32, #tpu.memory_space<hbm>>
        tpu.enqueue_dma source(%arg10 : memref<128x128xf32, #tpu.memory_space<vmem>>) target(%dma_start3A_35 : memref<128x128xf32, #tpu.memory_space<hbm>>) target_semaphore(%run_scoped3A : memref<!tpu.dma_semaphore, #tpu.memory_space<semaphore_mem>>)
        %dma_wait3A = arith.constant 0 : i32
        %dma_wait3A_36 = tpu.memref_slice %arg6[%arg0, %add3A_30, %dma_wait3A] : memref<2x10240x128xf32, #tpu.memory_space<hbm>> -> memref<1x128x128xf32, #tpu.memory_space<hbm>>
        %dma_wait3A_37 = tpu.memref_squeeze %dma_wait3A_36 : memref<1x128x128xf32, #tpu.memory_space<hbm>> -> memref<128x128xf32, #tpu.memory_space<hbm>>
        %dma_wait3A_38 = arith.constant 0 : i32
        %dma_wait3A_39 = tpu.memref_slice %arg6[%arg0, %add3A_30, %dma_wait3A_38] : memref<2x10240x128xf32, #tpu.memory_space<hbm>> -> memref<1x128x128xf32, #tpu.memory_space<hbm>>
        %dma_wait3A_40 = tpu.memref_squeeze %dma_wait3A_39 : memref<1x128x128xf32, #tpu.memory_space<hbm>> -> memref<128x128xf32, #tpu.memory_space<hbm>>
        tpu.wait_dma2 semaphore(%run_scoped3A : memref<!tpu.dma_semaphore, #tpu.memory_space<semaphore_mem>>) src(%arg10 : memref<128x128xf32, #tpu.memory_space<vmem>>) dst(%dma_wait3A_40 : memref<128x128xf32, #tpu.memory_space<hbm>>)
        tpu.yield
      }) : () -> ()
    }
    %scan3A_20 = arith.constant 5 : i32
    return
  }
}

module attributes {stable_mosaic.version = 14 : i64} {
  func.func @body(%arg0: i32, %arg1: memref<1000x128xf32, #tpu.memory_space<vmem>>, %arg2: memref<128x128xf32, #tpu.memory_space<vmem>>, %arg3: memref<1000x128xf32, #tpu.memory_space<vmem>>) attributes {dimension_semantics = [#tpu.dimension_semantics<arbitrary>], iteration_bounds = array<i64: 10>, scalar_prefetch = 0 : i64, scratch_operands = 0 : i64, tpu.core_type = #tpu.core_type<tc>, window_params = [{transform_indices = @transform_0, window_bounds = array<i64: 1000, 128>}, {pipeline_mode = #tpu.pipeline_mode<synchronous>, transform_indices = @transform_1, window_bounds = array<i64: 128, 128>}, {transform_indices = @transform_2, window_bounds = array<i64: 1000, 128>}]} {
    %get3A = arith.constant 0 : index
    %get3A_0 = arith.constant 0 : index
    %get3A_1 = vector.load %arg1[%get3A, %get3A_0] : memref<1000x128xf32, #tpu.memory_space<vmem>>, vector<1000x128xf32>
    %get3A_2 = arith.constant 0 : index
    %get3A_3 = arith.constant 0 : index
    %get3A_4 = vector.load %arg2[%get3A_2, %get3A_3] : memref<128x128xf32, #tpu.memory_space<vmem>>, vector<128x128xf32>
    %dot_general3A = arith.constant dense<0.000000e+00> : vector<1000x128xf32>
    %dot_general3A_5 = tpu.matmul %get3A_1, %get3A_4, %dot_general3A {dimension_numbers = #tpu.dot_dimension_numbers<[1], [0], [0], [1], [0, 0, 1, 1], [], []>, transpose_lhs_hint = false} : vector<1000x128xf32>, vector<128x128xf32>, vector<1000x128xf32> -> vector<1000x128xf32>
    %swap3A = arith.constant 0 : index
    %swap3A_6 = arith.constant 0 : index
    %swap3A_7 = vector.load %arg3[%swap3A, %swap3A_6] : memref<1000x128xf32, #tpu.memory_space<vmem>>, vector<1000x128xf32>
    tpu.vector_store %arg3[%swap3A, %swap3A_6], %dot_general3A_5 {strides = array<i32>} : memref<1000x128xf32, #tpu.memory_space<vmem>>, vector<1000x128xf32>,
    return
  }
  func.func @transform_0(%arg0: i32) -> (i32, i32) {
    %c0_i32 = arith.constant 0 : i32
    %c0_i32_0 = arith.constant 0 : i32
    return %arg0, %c0_i32 : i32, i32
  }
  func.func @transform_1(%arg0: i32) -> (i32, i32) {
    %c0_i32 = arith.constant 0 : i32
    %c0_i32_0 = arith.constant 0 : i32
    %c0_i32_1 = arith.constant 0 : i32
    return %c0_i32, %c0_i32_0 : i32, i32
  }
  func.func @transform_2(%arg0: i32) -> (i32, i32) {
    %c0_i32 = arith.constant 0 : i32
    %c0_i32_0 = arith.constant 0 : i32
    return %arg0, %c0_i32 : i32, i32
  }
}

module attributes {stable_mosaic.version = 14 : i64} {
  func.func @body(%arg0: i32, %arg1: memref<2x1000x128xf32, #tpu.memory_space<vmem>>, %arg2: memref<1000x128xf32, #tpu.memory_space<vmem>>, %arg3: memref<1000x1xf32, #tpu.memory_space<vmem>>, %arg4: memref<1000x1xf32, #tpu.memory_space<vmem>>, %arg5: memref<1x128xf32, #tpu.memory_space<vmem>>, %arg6: memref<1000x128xf32, #tpu.memory_space<vmem>>, %arg7: memref<1x128xf32, #tpu.memory_space<vmem>>, %arg8: memref<1x128xf32, #tpu.memory_space<vmem>>) attributes {dimension_semantics = [#tpu.dimension_semantics<arbitrary>], iteration_bounds = array<i64: 10>, scalar_prefetch = 0 : i64, scratch_operands = 0 : i64, tpu.core_type = #tpu.core_type<tc>, window_params = [{transform_indices = @transform_0, window_bounds = array<i64: 2, 1000, 128>}, {transform_indices = @transform_1, window_bounds = array<i64: 1000, 128>}, {transform_indices = @transform_2, window_bounds = array<i64: 1000, 1>}, {transform_indices = @transform_3, window_bounds = array<i64: 1000, 1>}, {pipeline_mode = #tpu.pipeline_mode<synchronous>, transform_indices = @transform_4, window_bounds = array<i64: 1, 128>}, {transform_indices = @transform_5, window_bounds = array<i64: 1000, 128>}, {pipeline_mode = #tpu.pipeline_mode<synchronous>, transform_indices = @transform_6, window_bounds = array<i64: 1, 128>}, {pipeline_mode = #tpu.pipeline_mode<synchronous>, transform_indices = @transform_7, window_bounds = array<i64: 1, 128>}]} {
    %get3A = arith.constant 0 : index
    %get3A_0 = arith.constant 0 : index
    %get3A_1 = vector.load %arg3[%get3A, %get3A_0] : memref<1000x1xf32, #tpu.memory_space<vmem>>, vector<1000x1xf32>
    %get3A_2 = arith.constant 0 : index
    %get3A_3 = arith.constant 0 : index
    %get3A_4 = arith.constant 0 : index
    %get3A_5 = vector.load %arg1[%get3A_2, %get3A_3, %get3A_4] : memref<2x1000x128xf32, #tpu.memory_space<vmem>>, vector<1x1000x128xf32>
    %get3A_6 = vector.shape_cast %get3A_5 : vector<1x1000x128xf32> to vector<1000x128xf32>
    %get3A_7 = arith.constant 1 : index
    %get3A_8 = arith.constant 0 : index
    %get3A_9 = arith.constant 0 : index
    %get3A_10 = vector.load %arg1[%get3A_7, %get3A_8, %get3A_9] : memref<2x1000x128xf32, #tpu.memory_space<vmem>>, vector<1x1000x128xf32>
    %get3A_11 = vector.shape_cast %get3A_10 : vector<1x1000x128xf32> to vector<1000x128xf32>
    %add3A = arith.addf %get3A_6, %get3A_11 : vector<1000x128xf32>
    %mul3A = vector.broadcast %get3A_1 : vector<1000x1xf32> to vector<1000x128xf32>
    %mul3A_12 = arith.mulf %mul3A, %add3A : vector<1000x128xf32>
    %get3A_13 = arith.constant 0 : index
    %get3A_14 = arith.constant 0 : index
    %get3A_15 = vector.load %arg4[%get3A_13, %get3A_14] : memref<1000x1xf32, #tpu.memory_space<vmem>>, vector<1000x1xf32>
    %get3A_16 = arith.constant 0 : index
    %get3A_17 = arith.constant 0 : index
    %get3A_18 = vector.load %arg2[%get3A_16, %get3A_17] : memref<1000x128xf32, #tpu.memory_space<vmem>>, vector<1000x128xf32>
    %mul3A_19 = vector.broadcast %get3A_15 : vector<1000x1xf32> to vector<1000x128xf32>
    %mul3A_20 = arith.mulf %mul3A_19, %get3A_18 : vector<1000x128xf32>
    %add3A_21 = arith.addf %mul3A_12, %mul3A_20 : vector<1000x128xf32>
    %get3A_22 = arith.constant 0 : index
    %get3A_23 = arith.constant 0 : index
    %get3A_24 = vector.load %arg5[%get3A_22, %get3A_23] : memref<1x128xf32, #tpu.memory_space<vmem>>, vector<1x128xf32>
    %add3A_25 = vector.broadcast %get3A_24 : vector<1x128xf32> to vector<1000x128xf32>
    %add3A_26 = arith.addf %add3A_21, %add3A_25 : vector<1000x128xf32>
    %max3A = arith.constant 0.000000e+00 : f32
    %max3A_27 = vector.broadcast %max3A : f32 to vector<1000x128xf32>
    %max3A_28 = arith.maximumf %add3A_26, %max3A_27 : vector<1000x128xf32>
    %swap3A = arith.constant 0 : index
    %swap3A_29 = arith.constant 0 : index
    %swap3A_30 = vector.load %arg6[%swap3A, %swap3A_29] : memref<1000x128xf32, #tpu.memory_space<vmem>>, vector<1000x128xf32>
    tpu.vector_store %arg6[%swap3A, %swap3A_29], %max3A_28 {strides = array<i32>} : memref<1000x128xf32, #tpu.memory_space<vmem>>, vector<1000x128xf32>,
    %eq3A = arith.constant 0 : i32
    %eq3A_31 = arith.cmpi eq, %arg0, %eq3A : i32
    %convert_element_type3A = arith.extui %eq3A_31 : i1 to i32
    %cond3A = arith.constant 0 : i32
    %cond3A_32 = arith.cmpi ne, %convert_element_type3A, %cond3A : i32
    scf.if %cond3A_32 {
      %broadcast_in_dim3A_52 = arith.constant 0.000000e+00 : f32
      %broadcast_in_dim3A_53 = vector.broadcast %broadcast_in_dim3A_52 : f32 to vector<1x128xf32>
      %swap3A_54 = arith.constant 0 : index
      %swap3A_55 = arith.constant 0 : index
      %swap3A_56 = vector.load %arg7[%swap3A_54, %swap3A_55] : memref<1x128xf32, #tpu.memory_space<vmem>>, vector<1x128xf32>
      tpu.vector_store %arg7[%swap3A_54, %swap3A_55], %broadcast_in_dim3A_53 {strides = array<i32>} : memref<1x128xf32, #tpu.memory_space<vmem>>, vector<1x128xf32>,
      %broadcast_in_dim3A_57 = arith.constant 0.000000e+00 : f32
      %broadcast_in_dim3A_58 = vector.broadcast %broadcast_in_dim3A_57 : f32 to vector<1x128xf32>
      %swap3A_59 = arith.constant 0 : index
      %swap3A_60 = arith.constant 0 : index
      %swap3A_61 = vector.load %arg8[%swap3A_59, %swap3A_60] : memref<1x128xf32, #tpu.memory_space<vmem>>, vector<1x128xf32>
      tpu.vector_store %arg8[%swap3A_59, %swap3A_60], %broadcast_in_dim3A_58 {strides = array<i32>} : memref<1x128xf32, #tpu.memory_space<vmem>>, vector<1x128xf32>,
    } else {
    }
    %get3A_33 = arith.constant 0 : index
    %get3A_34 = arith.constant 0 : index
    %get3A_35 = vector.load %arg7[%get3A_33, %get3A_34] : memref<1x128xf32, #tpu.memory_space<vmem>>, vector<1x128xf32>
    %reduce_sum3A = arith.constant dense<0.000000e+00> : vector<128xf32>
    %reduce_sum3A_36 = vector.multi_reduction <add>, %max3A_28, %reduce_sum3A [0] : vector<1000x128xf32> to vector<128xf32>
    %broadcast_in_dim3A = vector.shape_cast %reduce_sum3A_36 : vector<128xf32> to vector<1x128xf32>
    %add3A_37 = arith.addf %get3A_35, %broadcast_in_dim3A : vector<1x128xf32>
    %swap3A_38 = arith.constant 0 : index
    %swap3A_39 = arith.constant 0 : index
    %swap3A_40 = vector.load %arg7[%swap3A_38, %swap3A_39] : memref<1x128xf32, #tpu.memory_space<vmem>>, vector<1x128xf32>
    tpu.vector_store %arg7[%swap3A_38, %swap3A_39], %add3A_37 {strides = array<i32>} : memref<1x128xf32, #tpu.memory_space<vmem>>, vector<1x128xf32>,
    %get3A_41 = arith.constant 0 : index
    %get3A_42 = arith.constant 0 : index
    %get3A_43 = vector.load %arg8[%get3A_41, %get3A_42] : memref<1x128xf32, #tpu.memory_space<vmem>>, vector<1x128xf32>
    %mul3A_44 = arith.mulf %max3A_28, %max3A_28 : vector<1000x128xf32>
    %reduce_sum3A_45 = arith.constant dense<0.000000e+00> : vector<128xf32>
    %reduce_sum3A_46 = vector.multi_reduction <add>, %mul3A_44, %reduce_sum3A_45 [0] : vector<1000x128xf32> to vector<128xf32>
    %broadcast_in_dim3A_47 = vector.shape_cast %reduce_sum3A_46 : vector<128xf32> to vector<1x128xf32>
    %add3A_48 = arith.addf %get3A_43, %broadcast_in_dim3A_47 : vector<1x128xf32>
    %swap3A_49 = arith.constant 0 : index
    %swap3A_50 = arith.constant 0 : index
    %swap3A_51 = vector.load %arg8[%swap3A_49, %swap3A_50] : memref<1x128xf32, #tpu.memory_space<vmem>>, vector<1x128xf32>
    tpu.vector_store %arg8[%swap3A_49, %swap3A_50], %add3A_48 {strides = array<i32>} : memref<1x128xf32, #tpu.memory_space<vmem>>, vector<1x128xf32>,
    return
  }
  func.func @transform_0(%arg0: i32) -> (i32, i32, i32) {
    %c0_i32 = arith.constant 0 : i32
    %c0_i32_0 = arith.constant 0 : i32
    %c0_i32_1 = arith.constant 0 : i32
    return %c0_i32, %arg0, %c0_i32_0 : i32, i32, i32
  }
  func.func @transform_1(%arg0: i32) -> (i32, i32) {
    %c0_i32 = arith.constant 0 : i32
    %c0_i32_0 = arith.constant 0 : i32
    return %arg0, %c0_i32 : i32, i32
  }
  func.func @transform_2(%arg0: i32) -> (i32, i32) {
    %c0_i32 = arith.constant 0 : i32
    %c0_i32_0 = arith.constant 0 : i32
    return %arg0, %c0_i32 : i32, i32
  }
  func.func @transform_3(%arg0: i32) -> (i32, i32) {
    %c0_i32 = arith.constant 0 : i32
    %c0_i32_0 = arith.constant 0 : i32
    return %arg0, %c0_i32 : i32, i32
  }
  func.func @transform_4(%arg0: i32) -> (i32, i32) {
    %c0_i32 = arith.constant 0 : i32
    %c0_i32_0 = arith.constant 0 : i32
    %c0_i32_1 = arith.constant 0 : i32
    return %c0_i32, %c0_i32_0 : i32, i32
  }
  func.func @transform_5(%arg0: i32) -> (i32, i32) {
    %c0_i32 = arith.constant 0 : i32
    %c0_i32_0 = arith.constant 0 : i32
    return %arg0, %c0_i32 : i32, i32
  }
  func.func @transform_6(%arg0: i32) -> (i32, i32) {
    %c0_i32 = arith.constant 0 : i32
    %c0_i32_0 = arith.constant 0 : i32
    %c0_i32_1 = arith.constant 0 : i32
    return %c0_i32, %c0_i32_0 : i32, i32
  }
  func.func @transform_7(%arg0: i32) -> (i32, i32) {
    %c0_i32 = arith.constant 0 : i32
    %c0_i32_0 = arith.constant 0 : i32
    %c0_i32_1 = arith.constant 0 : i32
    return %c0_i32, %c0_i32_0 : i32, i32
  }
}

module attributes {stable_mosaic.version = 14 : i64} {
  func.func @body(%arg0: i32, %arg1: memref<2x1000x16xf32, #tpu.memory_space<vmem>>, %arg2: memref<1000x128xf32, #tpu.memory_space<vmem>>, %arg3: memref<1000x1xf32, #tpu.memory_space<vmem>>, %arg4: memref<1000x1xf32, #tpu.memory_space<vmem>>, %arg5: memref<1000x128xf32, #tpu.memory_space<vmem>>) attributes {dimension_semantics = [#tpu.dimension_semantics<arbitrary>], iteration_bounds = array<i64: 10>, scalar_prefetch = 0 : i64, scratch_operands = 0 : i64, tpu.core_type = #tpu.core_type<tc>, window_params = [{transform_indices = @transform_0, window_bounds = array<i64: 2, 1000, 16>}, {transform_indices = @transform_1, window_bounds = array<i64: 1000, 128>}, {transform_indices = @transform_2, window_bounds = array<i64: 1000, 1>}, {transform_indices = @transform_3, window_bounds = array<i64: 1000, 1>}, {transform_indices = @transform_4, window_bounds = array<i64: 1000, 128>}]} {
    %get3A = arith.constant 0 : index
    %get3A_0 = arith.constant 0 : index
    %get3A_1 = arith.constant 0 : index
    %get3A_2 = vector.load %arg1[%get3A, %get3A_0, %get3A_1] : memref<2x1000x16xf32, #tpu.memory_space<vmem>>, vector<1x1000x16xf32>
    %get3A_3 = vector.shape_cast %get3A_2 : vector<1x1000x16xf32> to vector<1000x16xf32>
    %get3A_4 = arith.constant 1 : index
    %get3A_5 = arith.constant 0 : index
    %get3A_6 = arith.constant 0 : index
    %get3A_7 = vector.load %arg1[%get3A_4, %get3A_5, %get3A_6] : memref<2x1000x16xf32, #tpu.memory_space<vmem>>, vector<1x1000x16xf32>
    %get3A_8 = vector.shape_cast %get3A_7 : vector<1x1000x16xf32> to vector<1000x16xf32>
    %add3A = arith.addf %get3A_3, %get3A_8 : vector<1000x16xf32>
    %reduce_sum3A = arith.constant dense<0.000000e+00> : vector<1000xf32>
    %reduce_sum3A_9 = vector.multi_reduction <add>, %add3A, %reduce_sum3A [1] : vector<1000x16xf32> to vector<1000xf32>
    %broadcast_in_dim3A = vector.shape_cast %reduce_sum3A_9 : vector<1000xf32> to vector<1000x1xf32>
    %add3A_10 = arith.constant 1.000000e+00 : f32
    %add3A_11 = vector.broadcast %add3A_10 : f32 to vector<1000x1xf32>
    %add3A_12 = arith.addf %broadcast_in_dim3A, %add3A_11 : vector<1000x1xf32>
    %rsqrt3A = math.rsqrt %add3A_12 : vector<1000x1xf32>
    %swap3A = arith.constant 0 : index
    %swap3A_13 = arith.constant 0 : index
    %swap3A_14 = vector.load %arg3[%swap3A, %swap3A_13] : memref<1000x1xf32, #tpu.memory_space<vmem>>, vector<1000x1xf32>
    tpu.vector_store %arg3[%swap3A, %swap3A_13], %rsqrt3A {strides = array<i32>} : memref<1000x1xf32, #tpu.memory_space<vmem>>, vector<1000x1xf32>,
    %mul3A = arith.mulf %rsqrt3A, %rsqrt3A : vector<1000x1xf32>
    %swap3A_15 = arith.constant 0 : index
    %swap3A_16 = arith.constant 0 : index
    %swap3A_17 = vector.load %arg4[%swap3A_15, %swap3A_16] : memref<1000x1xf32, #tpu.memory_space<vmem>>, vector<1000x1xf32>
    tpu.vector_store %arg4[%swap3A_15, %swap3A_16], %mul3A {strides = array<i32>} : memref<1000x1xf32, #tpu.memory_space<vmem>>, vector<1000x1xf32>,
    %get3A_18 = arith.constant 0 : index
    %get3A_19 = arith.constant 0 : index
    %get3A_20 = vector.load %arg2[%get3A_18, %get3A_19] : memref<1000x128xf32, #tpu.memory_space<vmem>>, vector<1000x128xf32>
    %mul3A_21 = vector.broadcast %rsqrt3A : vector<1000x1xf32> to vector<1000x128xf32>
    %mul3A_22 = arith.mulf %get3A_20, %mul3A_21 : vector<1000x128xf32>
    %swap3A_23 = arith.constant 0 : index
    %swap3A_24 = arith.constant 0 : index
    %swap3A_25 = vector.load %arg5[%swap3A_23, %swap3A_24] : memref<1000x128xf32, #tpu.memory_space<vmem>>, vector<1000x128xf32>
    tpu.vector_store %arg5[%swap3A_23, %swap3A_24], %mul3A_22 {strides = array<i32>} : memref<1000x128xf32, #tpu.memory_space<vmem>>, vector<1000x128xf32>,
    return
  }
  func.func @transform_0(%arg0: i32) -> (i32, i32, i32) {
    %c0_i32 = arith.constant 0 : i32
    %c0_i32_0 = arith.constant 0 : i32
    %c0_i32_1 = arith.constant 0 : i32
    return %c0_i32, %arg0, %c0_i32_0 : i32, i32, i32
  }
  func.func @transform_1(%arg0: i32) -> (i32, i32) {
    %c0_i32 = arith.constant 0 : i32
    %c0_i32_0 = arith.constant 0 : i32
    return %arg0, %c0_i32 : i32, i32
  }
  func.func @transform_2(%arg0: i32) -> (i32, i32) {
    %c0_i32 = arith.constant 0 : i32
    %c0_i32_0 = arith.constant 0 : i32
    return %arg0, %c0_i32 : i32, i32
  }
  func.func @transform_3(%arg0: i32) -> (i32, i32) {
    %c0_i32 = arith.constant 0 : i32
    %c0_i32_0 = arith.constant 0 : i32
    return %arg0, %c0_i32 : i32, i32
  }
  func.func @transform_4(%arg0: i32) -> (i32, i32) {
    %c0_i32 = arith.constant 0 : i32
    %c0_i32_0 = arith.constant 0 : i32
    return %arg0, %c0_i32 : i32, i32
  }
}

module attributes {stable_mosaic.version = 14 : i64} {
  func.func @body(%arg0: i32, %arg1: memref<1000x128xf32, #tpu.memory_space<vmem>>, %arg2: memref<1x128xf32, #tpu.memory_space<vmem>>, %arg3: memref<1x128xf32, #tpu.memory_space<vmem>>, %arg4: memref<1x128xf32, #tpu.memory_space<vmem>>, %arg5: memref<1x128xf32, #tpu.memory_space<vmem>>, %arg6: memref<128x128xf32, #tpu.memory_space<vmem>>, %arg7: memref<1000x1xf32, #tpu.memory_space<vmem>>, %arg8: memref<1000x128xf32, #tpu.memory_space<vmem>>, %arg9: memref<1000x128xf32, #tpu.memory_space<vmem>>) attributes {dimension_semantics = [#tpu.dimension_semantics<arbitrary>], iteration_bounds = array<i64: 10>, scalar_prefetch = 0 : i64, scratch_operands = 0 : i64, tpu.core_type = #tpu.core_type<tc>, window_params = [{transform_indices = @transform_0, window_bounds = array<i64: 1000, 128>}, {pipeline_mode = #tpu.pipeline_mode<synchronous>, transform_indices = @transform_1, window_bounds = array<i64: 1, 128>}, {pipeline_mode = #tpu.pipeline_mode<synchronous>, transform_indices = @transform_2, window_bounds = array<i64: 1, 128>}, {pipeline_mode = #tpu.pipeline_mode<synchronous>, transform_indices = @transform_3, window_bounds = array<i64: 1, 128>}, {pipeline_mode = #tpu.pipeline_mode<synchronous>, transform_indices = @transform_4, window_bounds = array<i64: 1, 128>}, {pipeline_mode = #tpu.pipeline_mode<synchronous>, transform_indices = @transform_5, window_bounds = array<i64: 128, 128>}, {transform_indices = @transform_6, window_bounds = array<i64: 1000, 1>}, {transform_indices = @transform_7, window_bounds = array<i64: 1000, 128>}, {transform_indices = @transform_8, window_bounds = array<i64: 1000, 128>}]} {
    %get3A = arith.constant 0 : index
    %get3A_0 = arith.constant 0 : index
    %get3A_1 = vector.load %arg2[%get3A, %get3A_0] : memref<1x128xf32, #tpu.memory_space<vmem>>, vector<1x128xf32>
    %mul3A = arith.constant 9.99999974E-5 : f32
    %mul3A_2 = vector.broadcast %mul3A : f32 to vector<1x128xf32>
    %mul3A_3 = arith.mulf %get3A_1, %mul3A_2 : vector<1x128xf32>
    %get3A_4 = arith.constant 0 : index
    %get3A_5 = arith.constant 0 : index
    %get3A_6 = vector.load %arg3[%get3A_4, %get3A_5] : memref<1x128xf32, #tpu.memory_space<vmem>>, vector<1x128xf32>
    %mul3A_7 = arith.constant 9.99999974E-5 : f32
    %mul3A_8 = vector.broadcast %mul3A_7 : f32 to vector<1x128xf32>
    %mul3A_9 = arith.mulf %get3A_6, %mul3A_8 : vector<1x128xf32>
    %mul3A_10 = arith.mulf %mul3A_3, %mul3A_3 : vector<1x128xf32>
    %sub3A = arith.subf %mul3A_9, %mul3A_10 : vector<1x128xf32>
    %get3A_11 = arith.constant 0 : index
    %get3A_12 = arith.constant 0 : index
    %get3A_13 = vector.load %arg4[%get3A_11, %get3A_12] : memref<1x128xf32, #tpu.memory_space<vmem>>, vector<1x128xf32>
    %add3A = arith.constant 9.99999974E-6 : f32
    %add3A_14 = vector.broadcast %add3A : f32 to vector<1x128xf32>
    %add3A_15 = arith.addf %sub3A, %add3A_14 : vector<1x128xf32>
    %rsqrt3A = math.rsqrt %add3A_15 : vector<1x128xf32>
    %mul3A_16 = arith.mulf %get3A_13, %rsqrt3A : vector<1x128xf32>
    %get3A_17 = arith.constant 0 : index
    %get3A_18 = arith.constant 0 : index
    %get3A_19 = vector.load %arg1[%get3A_17, %get3A_18] : memref<1000x128xf32, #tpu.memory_space<vmem>>, vector<1000x128xf32>
    %sub3A_20 = vector.broadcast %mul3A_3 : vector<1x128xf32> to vector<1000x128xf32>
    %sub3A_21 = arith.subf %get3A_19, %sub3A_20 : vector<1000x128xf32>
    %mul3A_22 = vector.broadcast %mul3A_16 : vector<1x128xf32> to vector<1000x128xf32>
    %mul3A_23 = arith.mulf %sub3A_21, %mul3A_22 : vector<1000x128xf32>
    %get3A_24 = arith.constant 0 : index
    %get3A_25 = arith.constant 0 : index
    %get3A_26 = vector.load %arg5[%get3A_24, %get3A_25] : memref<1x128xf32, #tpu.memory_space<vmem>>, vector<1x128xf32>
    %add3A_27 = vector.broadcast %get3A_26 : vector<1x128xf32> to vector<1000x128xf32>
    %add3A_28 = arith.addf %mul3A_23, %add3A_27 : vector<1000x128xf32>
    %get3A_29 = arith.constant 0 : index
    %get3A_30 = arith.constant 0 : index
    %get3A_31 = vector.load %arg6[%get3A_29, %get3A_30] : memref<128x128xf32, #tpu.memory_space<vmem>>, vector<128x128xf32>
    %dot_general3A = arith.constant dense<0.000000e+00> : vector<1000x128xf32>
    %dot_general3A_32 = tpu.matmul %add3A_28, %get3A_31, %dot_general3A {dimension_numbers = #tpu.dot_dimension_numbers<[1], [0], [0], [1], [0, 0, 1, 1], [], []>, transpose_lhs_hint = false} : vector<1000x128xf32>, vector<128x128xf32>, vector<1000x128xf32> -> vector<1000x128xf32>
    %swap3A = arith.constant 0 : index
    %swap3A_33 = arith.constant 0 : index
    %swap3A_34 = vector.load %arg8[%swap3A, %swap3A_33] : memref<1000x128xf32, #tpu.memory_space<vmem>>, vector<1000x128xf32>
    tpu.vector_store %arg8[%swap3A, %swap3A_33], %dot_general3A_32 {strides = array<i32>} : memref<1000x128xf32, #tpu.memory_space<vmem>>, vector<1000x128xf32>,
    %get3A_35 = arith.constant 0 : index
    %get3A_36 = arith.constant 0 : index
    %get3A_37 = vector.load %arg7[%get3A_35, %get3A_36] : memref<1000x1xf32, #tpu.memory_space<vmem>>, vector<1000x1xf32>
    %mul3A_38 = vector.broadcast %get3A_37 : vector<1000x1xf32> to vector<1000x128xf32>
    %mul3A_39 = arith.mulf %dot_general3A_32, %mul3A_38 : vector<1000x128xf32>
    %swap3A_40 = arith.constant 0 : index
    %swap3A_41 = arith.constant 0 : index
    %swap3A_42 = vector.load %arg9[%swap3A_40, %swap3A_41] : memref<1000x128xf32, #tpu.memory_space<vmem>>, vector<1000x128xf32>
    tpu.vector_store %arg9[%swap3A_40, %swap3A_41], %mul3A_39 {strides = array<i32>} : memref<1000x128xf32, #tpu.memory_space<vmem>>, vector<1000x128xf32>,
    return
  }
  func.func @transform_0(%arg0: i32) -> (i32, i32) {
    %c0_i32 = arith.constant 0 : i32
    %c0_i32_0 = arith.constant 0 : i32
    return %arg0, %c0_i32 : i32, i32
  }
  func.func @transform_1(%arg0: i32) -> (i32, i32) {
    %c0_i32 = arith.constant 0 : i32
    %c0_i32_0 = arith.constant 0 : i32
    %c0_i32_1 = arith.constant 0 : i32
    return %c0_i32, %c0_i32_0 : i32, i32
  }
  func.func @transform_2(%arg0: i32) -> (i32, i32) {
    %c0_i32 = arith.constant 0 : i32
    %c0_i32_0 = arith.constant 0 : i32
    %c0_i32_1 = arith.constant 0 : i32
    return %c0_i32, %c0_i32_0 : i32, i32
  }
  func.func @transform_3(%arg0: i32) -> (i32, i32) {
    %c0_i32 = arith.constant 0 : i32
    %c0_i32_0 = arith.constant 0 : i32
    %c0_i32_1 = arith.constant 0 : i32
    return %c0_i32, %c0_i32_0 : i32, i32
  }
  func.func @transform_4(%arg0: i32) -> (i32, i32) {
    %c0_i32 = arith.constant 0 : i32
    %c0_i32_0 = arith.constant 0 : i32
    %c0_i32_1 = arith.constant 0 : i32
    return %c0_i32, %c0_i32_0 : i32, i32
  }
  func.func @transform_5(%arg0: i32) -> (i32, i32) {
    %c0_i32 = arith.constant 0 : i32
    %c0_i32_0 = arith.constant 0 : i32
    %c0_i32_1 = arith.constant 0 : i32
    return %c0_i32, %c0_i32_0 : i32, i32
  }
  func.func @transform_6(%arg0: i32) -> (i32, i32) {
    %c0_i32 = arith.constant 0 : i32
    %c0_i32_0 = arith.constant 0 : i32
    return %arg0, %c0_i32 : i32, i32
  }
  func.func @transform_7(%arg0: i32) -> (i32, i32) {
    %c0_i32 = arith.constant 0 : i32
    %c0_i32_0 = arith.constant 0 : i32
    return %arg0, %c0_i32 : i32, i32
  }
  func.func @transform_8(%arg0: i32) -> (i32, i32) {
    %c0_i32 = arith.constant 0 : i32
    %c0_i32_0 = arith.constant 0 : i32
    return %arg0, %c0_i32 : i32, i32
  }
}

module attributes {stable_mosaic.version = 14 : i64} {
  func.func @body(%arg0: i32, %arg1: memref<2x1000x128xf32, #tpu.memory_space<vmem>>, %arg2: memref<1000x128xf32, #tpu.memory_space<vmem>>, %arg3: memref<1000x1xf32, #tpu.memory_space<vmem>>, %arg4: memref<1000x1xf32, #tpu.memory_space<vmem>>, %arg5: memref<1x128xf32, #tpu.memory_space<vmem>>, %arg6: memref<1000x1xi32, #tpu.memory_space<vmem>>, %arg7: memref<64x128xf32, #tpu.memory_space<vmem>>, %arg8: memref<64x1xf32, #tpu.memory_space<vmem>>, %arg9: memref<1x128xf32, #tpu.memory_space<vmem>>, %arg10: memref<1x128xf32, #tpu.memory_space<vmem>>) attributes {dimension_semantics = [#tpu.dimension_semantics<arbitrary>], iteration_bounds = array<i64: 10>, scalar_prefetch = 0 : i64, scratch_operands = 0 : i64, tpu.core_type = #tpu.core_type<tc>, window_params = [{transform_indices = @transform_0, window_bounds = array<i64: 2, 1000, 128>}, {transform_indices = @transform_1, window_bounds = array<i64: 1000, 128>}, {transform_indices = @transform_2, window_bounds = array<i64: 1000, 1>}, {transform_indices = @transform_3, window_bounds = array<i64: 1000, 1>}, {pipeline_mode = #tpu.pipeline_mode<synchronous>, transform_indices = @transform_4, window_bounds = array<i64: 1, 128>}, {transform_indices = @transform_5, window_bounds = array<i64: 1000, 1>}, {pipeline_mode = #tpu.pipeline_mode<synchronous>, transform_indices = @transform_6, window_bounds = array<i64: 64, 128>}, {pipeline_mode = #tpu.pipeline_mode<synchronous>, transform_indices = @transform_7, window_bounds = array<i64: 64, 1>}, {pipeline_mode = #tpu.pipeline_mode<synchronous>, transform_indices = @transform_8, window_bounds = array<i64: 1, 128>}, {pipeline_mode = #tpu.pipeline_mode<synchronous>, transform_indices = @transform_9, window_bounds = array<i64: 1, 128>}]} {
    %get3A = arith.constant 0 : index
    %get3A_0 = arith.constant 0 : index
    %get3A_1 = vector.load %arg3[%get3A, %get3A_0] : memref<1000x1xf32, #tpu.memory_space<vmem>>, vector<1000x1xf32>
    %get3A_2 = arith.constant 0 : index
    %get3A_3 = arith.constant 0 : index
    %get3A_4 = arith.constant 0 : index
    %get3A_5 = vector.load %arg1[%get3A_2, %get3A_3, %get3A_4] : memref<2x1000x128xf32, #tpu.memory_space<vmem>>, vector<1x1000x128xf32>
    %get3A_6 = vector.shape_cast %get3A_5 : vector<1x1000x128xf32> to vector<1000x128xf32>
    %get3A_7 = arith.constant 1 : index
    %get3A_8 = arith.constant 0 : index
    %get3A_9 = arith.constant 0 : index
    %get3A_10 = vector.load %arg1[%get3A_7, %get3A_8, %get3A_9] : memref<2x1000x128xf32, #tpu.memory_space<vmem>>, vector<1x1000x128xf32>
    %get3A_11 = vector.shape_cast %get3A_10 : vector<1x1000x128xf32> to vector<1000x128xf32>
    %add3A = arith.addf %get3A_6, %get3A_11 : vector<1000x128xf32>
    %mul3A = vector.broadcast %get3A_1 : vector<1000x1xf32> to vector<1000x128xf32>
    %mul3A_12 = arith.mulf %mul3A, %add3A : vector<1000x128xf32>
    %get3A_13 = arith.constant 0 : index
    %get3A_14 = arith.constant 0 : index
    %get3A_15 = vector.load %arg4[%get3A_13, %get3A_14] : memref<1000x1xf32, #tpu.memory_space<vmem>>, vector<1000x1xf32>
    %get3A_16 = arith.constant 0 : index
    %get3A_17 = arith.constant 0 : index
    %get3A_18 = vector.load %arg2[%get3A_16, %get3A_17] : memref<1000x128xf32, #tpu.memory_space<vmem>>, vector<1000x128xf32>
    %mul3A_19 = vector.broadcast %get3A_15 : vector<1000x1xf32> to vector<1000x128xf32>
    %mul3A_20 = arith.mulf %mul3A_19, %get3A_18 : vector<1000x128xf32>
    %add3A_21 = arith.addf %mul3A_12, %mul3A_20 : vector<1000x128xf32>
    %get3A_22 = arith.constant 0 : index
    %get3A_23 = arith.constant 0 : index
    %get3A_24 = vector.load %arg5[%get3A_22, %get3A_23] : memref<1x128xf32, #tpu.memory_space<vmem>>, vector<1x128xf32>
    %add3A_25 = vector.broadcast %get3A_24 : vector<1x128xf32> to vector<1000x128xf32>
    %add3A_26 = arith.addf %add3A_21, %add3A_25 : vector<1000x128xf32>
    %max3A = arith.constant 0.000000e+00 : f32
    %max3A_27 = vector.broadcast %max3A : f32 to vector<1000x128xf32>
    %max3A_28 = arith.maximumf %add3A_26, %max3A_27 : vector<1000x128xf32>
    %eq3A = arith.constant 0 : i32
    %eq3A_29 = arith.cmpi eq, %arg0, %eq3A : i32
    %convert_element_type3A = arith.extui %eq3A_29 : i1 to i32
    %cond3A = arith.constant 0 : i32
    %cond3A_30 = arith.cmpi ne, %convert_element_type3A, %cond3A : i32
    scf.if %cond3A_30 {
      %broadcast_in_dim3A_76 = arith.constant 0.000000e+00 : f32
      %broadcast_in_dim3A_77 = vector.broadcast %broadcast_in_dim3A_76 : f32 to vector<64x128xf32>
      %swap3A_78 = arith.constant 0 : index
      %swap3A_79 = arith.constant 0 : index
      %swap3A_80 = vector.load %arg7[%swap3A_78, %swap3A_79] : memref<64x128xf32, #tpu.memory_space<vmem>>, vector<64x128xf32>
      tpu.vector_store %arg7[%swap3A_78, %swap3A_79], %broadcast_in_dim3A_77 {strides = array<i32>} : memref<64x128xf32, #tpu.memory_space<vmem>>, vector<64x128xf32>,
      %broadcast_in_dim3A_81 = arith.constant 0.000000e+00 : f32
      %broadcast_in_dim3A_82 = vector.broadcast %broadcast_in_dim3A_81 : f32 to vector<64x1xf32>
      %swap3A_83 = arith.constant 0 : index
      %swap3A_84 = arith.constant 0 : index
      %swap3A_85 = vector.load %arg8[%swap3A_83, %swap3A_84] : memref<64x1xf32, #tpu.memory_space<vmem>>, vector<64x1xf32>
      tpu.vector_store %arg8[%swap3A_83, %swap3A_84], %broadcast_in_dim3A_82 {strides = array<i32>} : memref<64x1xf32, #tpu.memory_space<vmem>>, vector<64x1xf32>,
      %broadcast_in_dim3A_86 = arith.constant 0.000000e+00 : f32
      %broadcast_in_dim3A_87 = vector.broadcast %broadcast_in_dim3A_86 : f32 to vector<1x128xf32>
      %swap3A_88 = arith.constant 0 : index
      %swap3A_89 = arith.constant 0 : index
      %swap3A_90 = vector.load %arg9[%swap3A_88, %swap3A_89] : memref<1x128xf32, #tpu.memory_space<vmem>>, vector<1x128xf32>
      tpu.vector_store %arg9[%swap3A_88, %swap3A_89], %broadcast_in_dim3A_87 {strides = array<i32>} : memref<1x128xf32, #tpu.memory_space<vmem>>, vector<1x128xf32>,
      %broadcast_in_dim3A_91 = arith.constant 0.000000e+00 : f32
      %broadcast_in_dim3A_92 = vector.broadcast %broadcast_in_dim3A_91 : f32 to vector<1x128xf32>
      %swap3A_93 = arith.constant 0 : index
      %swap3A_94 = arith.constant 0 : index
      %swap3A_95 = vector.load %arg10[%swap3A_93, %swap3A_94] : memref<1x128xf32, #tpu.memory_space<vmem>>, vector<1x128xf32>
      tpu.vector_store %arg10[%swap3A_93, %swap3A_94], %broadcast_in_dim3A_92 {strides = array<i32>} : memref<1x128xf32, #tpu.memory_space<vmem>>, vector<1x128xf32>,
    } else {
    }
    %get3A_31 = arith.constant 0 : index
    %get3A_32 = arith.constant 0 : index
    %get3A_33 = vector.load %arg9[%get3A_31, %get3A_32] : memref<1x128xf32, #tpu.memory_space<vmem>>, vector<1x128xf32>
    %reduce_sum3A = arith.constant dense<0.000000e+00> : vector<128xf32>
    %reduce_sum3A_34 = vector.multi_reduction <add>, %max3A_28, %reduce_sum3A [0] : vector<1000x128xf32> to vector<128xf32>
    %broadcast_in_dim3A = vector.shape_cast %reduce_sum3A_34 : vector<128xf32> to vector<1x128xf32>
    %add3A_35 = arith.addf %get3A_33, %broadcast_in_dim3A : vector<1x128xf32>
    %swap3A = arith.constant 0 : index
    %swap3A_36 = arith.constant 0 : index
    %swap3A_37 = vector.load %arg9[%swap3A, %swap3A_36] : memref<1x128xf32, #tpu.memory_space<vmem>>, vector<1x128xf32>
    tpu.vector_store %arg9[%swap3A, %swap3A_36], %add3A_35 {strides = array<i32>} : memref<1x128xf32, #tpu.memory_space<vmem>>, vector<1x128xf32>,
    %get3A_38 = arith.constant 0 : index
    %get3A_39 = arith.constant 0 : index
    %get3A_40 = vector.load %arg10[%get3A_38, %get3A_39] : memref<1x128xf32, #tpu.memory_space<vmem>>, vector<1x128xf32>
    %mul3A_41 = arith.mulf %max3A_28, %max3A_28 : vector<1000x128xf32>
    %reduce_sum3A_42 = arith.constant dense<0.000000e+00> : vector<128xf32>
    %reduce_sum3A_43 = vector.multi_reduction <add>, %mul3A_41, %reduce_sum3A_42 [0] : vector<1000x128xf32> to vector<128xf32>
    %broadcast_in_dim3A_44 = vector.shape_cast %reduce_sum3A_43 : vector<128xf32> to vector<1x128xf32>
    %add3A_45 = arith.addf %get3A_40, %broadcast_in_dim3A_44 : vector<1x128xf32>
    %swap3A_46 = arith.constant 0 : index
    %swap3A_47 = arith.constant 0 : index
    %swap3A_48 = vector.load %arg10[%swap3A_46, %swap3A_47] : memref<1x128xf32, #tpu.memory_space<vmem>>, vector<1x128xf32>
    tpu.vector_store %arg10[%swap3A_46, %swap3A_47], %add3A_45 {strides = array<i32>} : memref<1x128xf32, #tpu.memory_space<vmem>>, vector<1x128xf32>,
    %iota3A = tpu.iota {dimensions = array<i32: 1>} : vector<1000x64xi32>
    %get3A_49 = arith.constant 0 : index
    %get3A_50 = arith.constant 0 : index
    %get3A_51 = vector.load %arg6[%get3A_49, %get3A_50] : memref<1000x1xi32, #tpu.memory_space<vmem>>, vector<1000x1xi32>
    %eq3A_52 = vector.broadcast %get3A_51 : vector<1000x1xi32> to vector<1000x64xi32>
    %eq3A_53 = arith.cmpi eq, %eq3A_52, %iota3A : vector<1000x64xi32>
    %jit3A = arith.constant 1.000000e+00 : f32
    %jit3A_54 = arith.constant 0.000000e+00 : f32
    %broadcast_in_dim3A_55 = vector.broadcast %jit3A : f32 to vector<1000x64xf32>
    %broadcast_in_dim3A_56 = vector.broadcast %jit3A_54 : f32 to vector<1000x64xf32>
    %select_n3A = arith.select %eq3A_53, %broadcast_in_dim3A_55, %broadcast_in_dim3A_56 : vector<1000x64xi1>, vector<1000x64xf32>
    %get3A_57 = arith.constant 0 : index
    %get3A_58 = arith.constant 0 : index
    %get3A_59 = vector.load %arg7[%get3A_57, %get3A_58] : memref<64x128xf32, #tpu.memory_space<vmem>>, vector<64x128xf32>
    %dot_general3A = arith.constant dense<0.000000e+00> : vector<64x128xf32>
    %dot_general3A_60 = tpu.matmul %select_n3A, %max3A_28, %dot_general3A {dimension_numbers = #tpu.dot_dimension_numbers<[0], [0], [1], [1], [0, 1, 1, 1], [], []>, transpose_lhs_hint = false} : vector<1000x64xf32>, vector<1000x128xf32>, vector<64x128xf32> -> vector<64x128xf32>
    %add3A_61 = arith.addf %get3A_59, %dot_general3A_60 : vector<64x128xf32>
    %swap3A_62 = arith.constant 0 : index
    %swap3A_63 = arith.constant 0 : index
    %swap3A_64 = vector.load %arg7[%swap3A_62, %swap3A_63] : memref<64x128xf32, #tpu.memory_space<vmem>>, vector<64x128xf32>
    tpu.vector_store %arg7[%swap3A_62, %swap3A_63], %add3A_61 {strides = array<i32>} : memref<64x128xf32, #tpu.memory_space<vmem>>, vector<64x128xf32>,
    %broadcast_in_dim3A_65 = arith.constant 1.000000e+00 : f32
    %broadcast_in_dim3A_66 = vector.broadcast %broadcast_in_dim3A_65 : f32 to vector<1000x1xf32>
    %get3A_67 = arith.constant 0 : index
    %get3A_68 = arith.constant 0 : index
    %get3A_69 = vector.load %arg8[%get3A_67, %get3A_68] : memref<64x1xf32, #tpu.memory_space<vmem>>, vector<64x1xf32>
    %dot_general3A_70 = arith.constant dense<0.000000e+00> : vector<64x1xf32>
    %dot_general3A_71 = tpu.matmul %select_n3A, %broadcast_in_dim3A_66, %dot_general3A_70 {dimension_numbers = #tpu.dot_dimension_numbers<[0], [0], [1], [1], [0, 1, 1, 1], [], []>, transpose_lhs_hint = false} : vector<1000x64xf32>, vector<1000x1xf32>, vector<64x1xf32> -> vector<64x1xf32>
    %add3A_72 = arith.addf %get3A_69, %dot_general3A_71 : vector<64x1xf32>
    %swap3A_73 = arith.constant 0 : index
    %swap3A_74 = arith.constant 0 : index
    %swap3A_75 = vector.load %arg8[%swap3A_73, %swap3A_74] : memref<64x1xf32, #tpu.memory_space<vmem>>, vector<64x1xf32>
    tpu.vector_store %arg8[%swap3A_73, %swap3A_74], %add3A_72 {strides = array<i32>} : memref<64x1xf32, #tpu.memory_space<vmem>>, vector<64x1xf32>,
    return
  }
  func.func @transform_0(%arg0: i32) -> (i32, i32, i32) {
    %c0_i32 = arith.constant 0 : i32
    %c0_i32_0 = arith.constant 0 : i32
    %c0_i32_1 = arith.constant 0 : i32
    return %c0_i32, %arg0, %c0_i32_0 : i32, i32, i32
  }
  func.func @transform_1(%arg0: i32) -> (i32, i32) {
    %c0_i32 = arith.constant 0 : i32
    %c0_i32_0 = arith.constant 0 : i32
    return %arg0, %c0_i32 : i32, i32
  }
  func.func @transform_2(%arg0: i32) -> (i32, i32) {
    %c0_i32 = arith.constant 0 : i32
    %c0_i32_0 = arith.constant 0 : i32
    return %arg0, %c0_i32 : i32, i32
  }
  func.func @transform_3(%arg0: i32) -> (i32, i32) {
    %c0_i32 = arith.constant 0 : i32
    %c0_i32_0 = arith.constant 0 : i32
    return %arg0, %c0_i32 : i32, i32
  }
  func.func @transform_4(%arg0: i32) -> (i32, i32) {
    %c0_i32 = arith.constant 0 : i32
    %c0_i32_0 = arith.constant 0 : i32
    %c0_i32_1 = arith.constant 0 : i32
    return %c0_i32, %c0_i32_0 : i32, i32
  }
  func.func @transform_5(%arg0: i32) -> (i32, i32) {
    %c0_i32 = arith.constant 0 : i32
    %c0_i32_0 = arith.constant 0 : i32
    return %arg0, %c0_i32 : i32, i32
  }
  func.func @transform_6(%arg0: i32) -> (i32, i32) {
    %c0_i32 = arith.constant 0 : i32
    %c0_i32_0 = arith.constant 0 : i32
    %c0_i32_1 = arith.constant 0 : i32
    return %c0_i32, %c0_i32_0 : i32, i32
  }
  func.func @transform_7(%arg0: i32) -> (i32, i32) {
    %c0_i32 = arith.constant 0 : i32
    %c0_i32_0 = arith.constant 0 : i32
    %c0_i32_1 = arith.constant 0 : i32
    return %c0_i32, %c0_i32_0 : i32, i32
  }
  func.func @transform_8(%arg0: i32) -> (i32, i32) {
    %c0_i32 = arith.constant 0 : i32
    %c0_i32_0 = arith.constant 0 : i32
    %c0_i32_1 = arith.constant 0 : i32
    return %c0_i32, %c0_i32_0 : i32, i32
  }
  func.func @transform_9(%arg0: i32) -> (i32, i32) {
    %c0_i32 = arith.constant 0 : i32
    %c0_i32_0 = arith.constant 0 : i32
    %c0_i32_1 = arith.constant 0 : i32
    return %c0_i32, %c0_i32_0 : i32, i32
  }
}

module attributes {stable_mosaic.version = 14 : i64} {
  func.func @body(%arg0: memref<64x128xf32, #tpu.memory_space<vmem>>, %arg1: memref<64x1xf32, #tpu.memory_space<vmem>>, %arg2: memref<1x128xf32, #tpu.memory_space<vmem>>, %arg3: memref<1x128xf32, #tpu.memory_space<vmem>>, %arg4: memref<1x128xf32, #tpu.memory_space<vmem>>, %arg5: memref<1x128xf32, #tpu.memory_space<vmem>>, %arg6: memref<128x128xf32, #tpu.memory_space<vmem>>, %arg7: memref<1x128xf32, #tpu.memory_space<vmem>>, %arg8: memref<1x128xf32, #tpu.memory_space<vmem>>, %arg9: memref<1x128xf32, #tpu.memory_space<vmem>>, %arg10: memref<128x128xf32, #tpu.memory_space<vmem>>, %arg11: memref<1x128xf32, #tpu.memory_space<vmem>>, %arg12: memref<1x128xf32, #tpu.memory_space<vmem>>, %arg13: memref<1x128xf32, #tpu.memory_space<vmem>>, %arg14: memref<128x1xf32, #tpu.memory_space<vmem>>, %arg15: memref<1x1xf32, #tpu.memory_space<vmem>>, %arg16: memref<64x1xf32, #tpu.memory_space<vmem>>) attributes {dimension_semantics = [], scalar_prefetch = 0 : i64, scratch_operands = 0 : i64, tpu.core_type = #tpu.core_type<tc>} {
    %get3A = arith.constant 0 : index
    %get3A_0 = arith.constant 0 : index
    %get3A_1 = vector.load %arg2[%get3A, %get3A_0] : memref<1x128xf32, #tpu.memory_space<vmem>>, vector<1x128xf32>
    %mul3A = arith.constant 9.99999974E-5 : f32
    %mul3A_2 = vector.broadcast %mul3A : f32 to vector<1x128xf32>
    %mul3A_3 = arith.mulf %get3A_1, %mul3A_2 : vector<1x128xf32>
    %get3A_4 = arith.constant 0 : index
    %get3A_5 = arith.constant 0 : index
    %get3A_6 = vector.load %arg3[%get3A_4, %get3A_5] : memref<1x128xf32, #tpu.memory_space<vmem>>, vector<1x128xf32>
    %mul3A_7 = arith.constant 9.99999974E-5 : f32
    %mul3A_8 = vector.broadcast %mul3A_7 : f32 to vector<1x128xf32>
    %mul3A_9 = arith.mulf %get3A_6, %mul3A_8 : vector<1x128xf32>
    %mul3A_10 = arith.mulf %mul3A_3, %mul3A_3 : vector<1x128xf32>
    %sub3A = arith.subf %mul3A_9, %mul3A_10 : vector<1x128xf32>
    %get3A_11 = arith.constant 0 : index
    %get3A_12 = arith.constant 0 : index
    %get3A_13 = vector.load %arg4[%get3A_11, %get3A_12] : memref<1x128xf32, #tpu.memory_space<vmem>>, vector<1x128xf32>
    %add3A = arith.constant 9.99999974E-6 : f32
    %add3A_14 = vector.broadcast %add3A : f32 to vector<1x128xf32>
    %add3A_15 = arith.addf %sub3A, %add3A_14 : vector<1x128xf32>
    %rsqrt3A = math.rsqrt %add3A_15 : vector<1x128xf32>
    %mul3A_16 = arith.mulf %get3A_13, %rsqrt3A : vector<1x128xf32>
    %get3A_17 = arith.constant 0 : index
    %get3A_18 = arith.constant 0 : index
    %get3A_19 = vector.load %arg0[%get3A_17, %get3A_18] : memref<64x128xf32, #tpu.memory_space<vmem>>, vector<64x128xf32>
    %mul3A_20 = vector.broadcast %mul3A_16 : vector<1x128xf32> to vector<64x128xf32>
    %mul3A_21 = arith.mulf %mul3A_20, %get3A_19 : vector<64x128xf32>
    %get3A_22 = arith.constant 0 : index
    %get3A_23 = arith.constant 0 : index
    %get3A_24 = vector.load %arg1[%get3A_22, %get3A_23] : memref<64x1xf32, #tpu.memory_space<vmem>>, vector<64x1xf32>
    %get3A_25 = arith.constant 0 : index
    %get3A_26 = arith.constant 0 : index
    %get3A_27 = vector.load %arg5[%get3A_25, %get3A_26] : memref<1x128xf32, #tpu.memory_space<vmem>>, vector<1x128xf32>
    %mul3A_28 = arith.mulf %mul3A_16, %mul3A_3 : vector<1x128xf32>
    %sub3A_29 = arith.subf %get3A_27, %mul3A_28 : vector<1x128xf32>
    %mul3A_30 = vector.broadcast %get3A_24 : vector<64x1xf32> to vector<64x128xf32>
    %mul3A_31 = vector.broadcast %sub3A_29 : vector<1x128xf32> to vector<64x128xf32>
    %mul3A_32 = arith.mulf %mul3A_30, %mul3A_31 : vector<64x128xf32>
    %add3A_33 = arith.addf %mul3A_21, %mul3A_32 : vector<64x128xf32>
    %get3A_34 = arith.constant 0 : index
    %get3A_35 = arith.constant 0 : index
    %get3A_36 = vector.load %arg6[%get3A_34, %get3A_35] : memref<128x128xf32, #tpu.memory_space<vmem>>, vector<128x128xf32>
    %get3A_37 = arith.constant 0 : index
    %get3A_38 = arith.constant 0 : index
    %get3A_39 = vector.load %arg7[%get3A_37, %get3A_38] : memref<1x128xf32, #tpu.memory_space<vmem>>, vector<1x128xf32>
    %get3A_40 = arith.constant 0 : index
    %get3A_41 = arith.constant 0 : index
    %get3A_42 = vector.load %arg8[%get3A_40, %get3A_41] : memref<1x128xf32, #tpu.memory_space<vmem>>, vector<1x128xf32>
    %get3A_43 = arith.constant 0 : index
    %get3A_44 = arith.constant 0 : index
    %get3A_45 = vector.load %arg9[%get3A_43, %get3A_44] : memref<1x128xf32, #tpu.memory_space<vmem>>, vector<1x128xf32>
    %dot_general3A = arith.constant dense<0.000000e+00> : vector<64x128xf32>
    %dot_general3A_46 = tpu.matmul %add3A_33, %get3A_36, %dot_general3A {dimension_numbers = #tpu.dot_dimension_numbers<[1], [0], [0], [1], [0, 0, 1, 1], [], []>, transpose_lhs_hint = false} : vector<64x128xf32>, vector<128x128xf32>, vector<64x128xf32> -> vector<64x128xf32>
    %add3A_47 = vector.broadcast %get3A_39 : vector<1x128xf32> to vector<64x128xf32>
    %add3A_48 = arith.addf %dot_general3A_46, %add3A_47 : vector<64x128xf32>
    %max3A = arith.constant 0.000000e+00 : f32
    %max3A_49 = vector.broadcast %max3A : f32 to vector<64x128xf32>
    %max3A_50 = arith.maximumf %add3A_48, %max3A_49 : vector<64x128xf32>
    %reduce_sum3A = arith.constant dense<0.000000e+00> : vector<128xf32>
    %reduce_sum3A_51 = vector.multi_reduction <add>, %max3A_50, %reduce_sum3A [0] : vector<64x128xf32> to vector<128xf32>
    %broadcast_in_dim3A = vector.shape_cast %reduce_sum3A_51 : vector<128xf32> to vector<1x128xf32>
    %div3A = arith.constant 6.400000e+01 : f32
    %div3A_52 = vector.broadcast %div3A : f32 to vector<1x128xf32>
    %div3A_53 = arith.divf %broadcast_in_dim3A, %div3A_52 : vector<1x128xf32>
    %sub3A_54 = vector.broadcast %div3A_53 : vector<1x128xf32> to vector<64x128xf32>
    %sub3A_55 = arith.subf %max3A_50, %sub3A_54 : vector<64x128xf32>
    %square3A = arith.mulf %sub3A_55, %sub3A_55 : vector<64x128xf32>
    %reduce_sum3A_56 = arith.constant dense<0.000000e+00> : vector<128xf32>
    %reduce_sum3A_57 = vector.multi_reduction <add>, %square3A, %reduce_sum3A_56 [0] : vector<64x128xf32> to vector<128xf32>
    %broadcast_in_dim3A_58 = vector.shape_cast %reduce_sum3A_57 : vector<128xf32> to vector<1x128xf32>
    %div3A_59 = arith.constant 6.400000e+01 : f32
    %div3A_60 = vector.broadcast %div3A_59 : f32 to vector<1x128xf32>
    %div3A_61 = arith.divf %broadcast_in_dim3A_58, %div3A_60 : vector<1x128xf32>
    %sub3A_62 = vector.broadcast %div3A_53 : vector<1x128xf32> to vector<64x128xf32>
    %sub3A_63 = arith.subf %max3A_50, %sub3A_62 : vector<64x128xf32>
    %add3A_64 = arith.constant 9.99999974E-6 : f32
    %add3A_65 = vector.broadcast %add3A_64 : f32 to vector<1x128xf32>
    %add3A_66 = arith.addf %div3A_61, %add3A_65 : vector<1x128xf32>
    %rsqrt3A_67 = math.rsqrt %add3A_66 : vector<1x128xf32>
    %mul3A_68 = vector.broadcast %rsqrt3A_67 : vector<1x128xf32> to vector<64x128xf32>
    %mul3A_69 = arith.mulf %sub3A_63, %mul3A_68 : vector<64x128xf32>
    %mul3A_70 = vector.broadcast %get3A_42 : vector<1x128xf32> to vector<64x128xf32>
    %mul3A_71 = arith.mulf %mul3A_69, %mul3A_70 : vector<64x128xf32>
    %add3A_72 = vector.broadcast %get3A_45 : vector<1x128xf32> to vector<64x128xf32>
    %add3A_73 = arith.addf %mul3A_71, %add3A_72 : vector<64x128xf32>
    %get3A_74 = arith.constant 0 : index
    %get3A_75 = arith.constant 0 : index
    %get3A_76 = vector.load %arg10[%get3A_74, %get3A_75] : memref<128x128xf32, #tpu.memory_space<vmem>>, vector<128x128xf32>
    %get3A_77 = arith.constant 0 : index
    %get3A_78 = arith.constant 0 : index
    %get3A_79 = vector.load %arg11[%get3A_77, %get3A_78] : memref<1x128xf32, #tpu.memory_space<vmem>>, vector<1x128xf32>
    %get3A_80 = arith.constant 0 : index
    %get3A_81 = arith.constant 0 : index
    %get3A_82 = vector.load %arg12[%get3A_80, %get3A_81] : memref<1x128xf32, #tpu.memory_space<vmem>>, vector<1x128xf32>
    %get3A_83 = arith.constant 0 : index
    %get3A_84 = arith.constant 0 : index
    %get3A_85 = vector.load %arg13[%get3A_83, %get3A_84] : memref<1x128xf32, #tpu.memory_space<vmem>>, vector<1x128xf32>
    %dot_general3A_86 = arith.constant dense<0.000000e+00> : vector<64x128xf32>
    %dot_general3A_87 = tpu.matmul %add3A_73, %get3A_76, %dot_general3A_86 {dimension_numbers = #tpu.dot_dimension_numbers<[1], [0], [0], [1], [0, 0, 1, 1], [], []>, transpose_lhs_hint = false} : vector<64x128xf32>, vector<128x128xf32>, vector<64x128xf32> -> vector<64x128xf32>
    %add3A_88 = vector.broadcast %get3A_79 : vector<1x128xf32> to vector<64x128xf32>
    %add3A_89 = arith.addf %dot_general3A_87, %add3A_88 : vector<64x128xf32>
    %max3A_90 = arith.constant 0.000000e+00 : f32
    %max3A_91 = vector.broadcast %max3A_90 : f32 to vector<64x128xf32>
    %max3A_92 = arith.maximumf %add3A_89, %max3A_91 : vector<64x128xf32>
    %reduce_sum3A_93 = arith.constant dense<0.000000e+00> : vector<128xf32>
    %reduce_sum3A_94 = vector.multi_reduction <add>, %max3A_92, %reduce_sum3A_93 [0] : vector<64x128xf32> to vector<128xf32>
    %broadcast_in_dim3A_95 = vector.shape_cast %reduce_sum3A_94 : vector<128xf32> to vector<1x128xf32>
    %div3A_96 = arith.constant 6.400000e+01 : f32
    %div3A_97 = vector.broadcast %div3A_96 : f32 to vector<1x128xf32>
    %div3A_98 = arith.divf %broadcast_in_dim3A_95, %div3A_97 : vector<1x128xf32>
    %sub3A_99 = vector.broadcast %div3A_98 : vector<1x128xf32> to vector<64x128xf32>
    %sub3A_100 = arith.subf %max3A_92, %sub3A_99 : vector<64x128xf32>
    %square3A_101 = arith.mulf %sub3A_100, %sub3A_100 : vector<64x128xf32>
    %reduce_sum3A_102 = arith.constant dense<0.000000e+00> : vector<128xf32>
    %reduce_sum3A_103 = vector.multi_reduction <add>, %square3A_101, %reduce_sum3A_102 [0] : vector<64x128xf32> to vector<128xf32>
    %broadcast_in_dim3A_104 = vector.shape_cast %reduce_sum3A_103 : vector<128xf32> to vector<1x128xf32>
    %div3A_105 = arith.constant 6.400000e+01 : f32
    %div3A_106 = vector.broadcast %div3A_105 : f32 to vector<1x128xf32>
    %div3A_107 = arith.divf %broadcast_in_dim3A_104, %div3A_106 : vector<1x128xf32>
    %sub3A_108 = vector.broadcast %div3A_98 : vector<1x128xf32> to vector<64x128xf32>
    %sub3A_109 = arith.subf %max3A_92, %sub3A_108 : vector<64x128xf32>
    %add3A_110 = arith.constant 9.99999974E-6 : f32
    %add3A_111 = vector.broadcast %add3A_110 : f32 to vector<1x128xf32>
    %add3A_112 = arith.addf %div3A_107, %add3A_111 : vector<1x128xf32>
    %rsqrt3A_113 = math.rsqrt %add3A_112 : vector<1x128xf32>
    %mul3A_114 = vector.broadcast %rsqrt3A_113 : vector<1x128xf32> to vector<64x128xf32>
    %mul3A_115 = arith.mulf %sub3A_109, %mul3A_114 : vector<64x128xf32>
    %mul3A_116 = vector.broadcast %get3A_82 : vector<1x128xf32> to vector<64x128xf32>
    %mul3A_117 = arith.mulf %mul3A_115, %mul3A_116 : vector<64x128xf32>
    %add3A_118 = vector.broadcast %get3A_85 : vector<1x128xf32> to vector<64x128xf32>
    %add3A_119 = arith.addf %mul3A_117, %add3A_118 : vector<64x128xf32>
    %get3A_120 = arith.constant 0 : index
    %get3A_121 = arith.constant 0 : index
    %get3A_122 = vector.load %arg14[%get3A_120, %get3A_121] : memref<128x1xf32, #tpu.memory_space<vmem>>, vector<128x1xf32>
    %dot_general3A_123 = arith.constant dense<0.000000e+00> : vector<64x1xf32>
    %dot_general3A_124 = tpu.matmul %add3A_119, %get3A_122, %dot_general3A_123 {dimension_numbers = #tpu.dot_dimension_numbers<[1], [0], [0], [1], [0, 0, 1, 1], [], []>, transpose_lhs_hint = false} : vector<64x128xf32>, vector<128x1xf32>, vector<64x1xf32> -> vector<64x1xf32>
    %get3A_125 = arith.constant 0 : index
    %get3A_126 = arith.constant 0 : index
    %get3A_127 = vector.load %arg15[%get3A_125, %get3A_126] : memref<1x1xf32, #tpu.memory_space<vmem>>, vector<1x1xf32>
    %add3A_128 = vector.broadcast %get3A_127 : vector<1x1xf32> to vector<64x1xf32>
    %add3A_129 = arith.addf %dot_general3A_124, %add3A_128 : vector<64x1xf32>
    %swap3A = arith.constant 0 : index
    %swap3A_130 = arith.constant 0 : index
    %swap3A_131 = vector.load %arg16[%swap3A, %swap3A_130] : memref<64x1xf32, #tpu.memory_space<vmem>>, vector<64x1xf32>
    tpu.vector_store %arg16[%swap3A, %swap3A_130], %add3A_129 {strides = array<i32>} : memref<64x1xf32, #tpu.memory_space<vmem>>, vector<64x1xf32>,
    return
  }
}

</mosaic_0001>

<sc_bundles>
// kernel: kernel.11.cloned.1.call-start
scs
__scs_entry_jumppad:
0x0: {  	(pc) =	sbr.rel $0x88, $3  }
0x1: {  	(tag) =	ssettag $0x0;
	lr =	simm.s32 $0x1  }
0x2: {  	[smem:$0x3F8C] =	sst lr;
	_ =	strace $0xD0000000  }
0x3: {  	_ = 	snop  }
0x4: {  	_ = 	snop  }
0x5: {  	_ = 	snop  }
0x6: {  	_ = 	snop  }
0x7: {  	_ = 	snop  }
__scs_overlays_trampoline_lowered:
0x8: {  	[smem:$0x3F9B] =	sst s0  }
0x9: {  	[smem:$0x3F9C] =	sst s1  }
0xa: {  	[smem:$0x3F9D] =	sst s2  }
0xb: {  	[smem:$0x3F9E] =	sst s3  }
0xc: {  	[smem:$0x3F9F] =	sst s4  }
0xd: {  	[smem:$0x3FA0] =	sst s5  }
0xe: {  	[smem:$0x3FA1] =	sst s6  }
0xf: {  	[smem:$0x3FA2] =	sst s7  }
0x10: {  	[smem:$0x3FA3] =	sst s8  }
0x11: {  	[smem:$0x3FA4] =	sst s9;
	s0 =	simm.s32 @!p0 $0x0  }
0x12: {  	s1 =	sld [smem:$0x3F8A];
	s0 =	simm.s32 @p0 $0x1  }
0x13: {  	[smem:$0x3FA5] =	sst s0;
	s0 =	simm.s32 @!p1 $0x0  }
0x14: {  	s2 =	sld [smem:$0x3F89];
	s0 =	simm.s32 @p1 $0x1  }
0x15: {  	[smem:$0x3FA6] =	sst s0;
	s0 =	simm.s32 @!p2 $0x0  }
0x16: {  	s3 =	sld [smem:$0x3FDB];
	s0 =	simm.s32 @p2 $0x1  }
0x17: {  	s4 =	simm.s32 $0x1BF5;
	[smem:$0x3FA8] =	sst s0  }
0x18: {  	s0 =	sld [smem:$0x3F8B];
	_ =	swait.ge [sflag:s4], $0x0  }
0x19: {  	s7 =	sld [smem:$0x3F8C]  }
0x1a: {  	s8 =	sadd.s32 $0xFFFFE003, lr  }
0x1b: {  	s9 =	sadd.s32 $0xFFFFFEF7, lr;
	s5 =	simm.s32 $0xFFFFFFFF;
	p2 =	slt.u32 s8, $0xFFFFF086  }
0x1c: {  	p1 =	slt.u32 s9, $0xF7A;
	s5 =	simm.s32 @!p2 $0x0  }
0x1d: {  	s5 =	simm.s32 @p1 $0x1;
	p0 =	seq.s32 s7, s2  }
0x1e: {  	s7 =	smul.u32 @!p0 $0xF7A, s2;
	p2 =	seq.s32 @!p0 s5, $0x0  }
0x1f: {  	s9 =	smul.u32 $0xF7A, s1;
	s8 =	simm.s32 @!p0 $0x1BF5;
	p2 =	por !p2, p0  }
0x20: {  	[sflag:s8] =	ssyncset.s32 @!p0 $0xFFFFF086;
	s6 =	sadd.s32 @!p0 s3, s7;
	s7 =	simm.s32 @!p0 $0x108  }
0x21: {  	s3 =	sadd.s32 s3, s9;
	s6 =	sadd.s32 @!p0 $0x88, s6;
	s7 =	simm.s32 @p2 $0x1082  }
0x22: {  	[simem:s7], [sflag:s8] =	dma.local @!p0 [hbm:s6], $0xF7A  }
0x23: {  	s9 =	sor.u32 $0xD0000000, s2;
	s6 =	simm.s32 $0x108;
	_ =	swait.ge @!p0 [sflag:s8], $0x0  }
0x24: {  	s3 =	sadd.s32 $0x88, s3;
	s6 =	simm.s32 @!p1 $0x1082;
	[sflag:s4] =	ssyncset.s32 $0xFFFFF086  }
0x25: {  	[simem:s6], [sflag:s4] =	dma.local [hbm:s3], $0xF7A  }
0x26: {  	[smem:$0x3F8C] =	sst s1;
	(tag) =	ssettag s2;
	_ =	strace s9  }
0x27: {  	s1 =	sld [smem:$0x3F9C]  }
0x28: {  	s2 =	sld [smem:$0x3F9D]  }
0x29: {  	s4 =	sld [smem:$0x3F9F]  }
0x2a: {  	p0 =	seq.s32 s5, $0x0;
	s5 =	sld [smem:$0x3FA0]  }
0x2b: {  	s6 =	sld [smem:$0x3FA1]  }
0x2c: {  	s7 =	sld [smem:$0x3FA2]  }
0x2d: {  	s3 =	simm.s32 $0x108;
	s8 =	sld [smem:$0x3FA3]  }
0x2e: {  	s3 =	simm.s32 @!p0 $0x1082;
	s9 =	sld [smem:$0x3FA4]  }
0x2f: {  	lr =	sadd.s32 s0, s3;
	s0 =	sld [smem:$0x3F9B]  }
0x30: {  	s3 =	sld [smem:$0x3F9E]  }
0x31: {  	[smem:$0x3FA7] =	sst s10  }
0x32: {  	s10 =	sld [smem:$0x3FA5];
	_ =	sdelay $0x3  }
0x33: {  	p0 =	seq.s32 s10, $0x1;
	s10 =	sld [smem:$0x3FA7];
	_ =	sdelay $0x3  }
0x34: {  	[smem:$0x3FA7] =	sst s10  }
0x35: {  	s10 =	sld [smem:$0x3FA6];
	_ =	sdelay $0x3  }
0x36: {  	p1 =	seq.s32 s10, $0x1;
	s10 =	sld [smem:$0x3FA7];
	_ =	sdelay $0x3  }
0x37: {  	[smem:$0x3FA7] =	sst s10  }
0x38: {  	s10 =	sld [smem:$0x3FA8]  }
0x39: {  	_ = 	snop;
	(pc) =	sbr.ind lr, $3  }
0x3a: {  	_ = 	snop  }
0x3b: {  	_ = 	snop  }
0x3c: {  	p2 =	seq.s32 s10, $0x1;
	s10 =	sld [smem:$0x3FA7]  }
0x3d: {  	_ =	shalt  }
0x3e: {  	_ =	shalt  }
0x3f: {  	_ =	shalt  }
0x40: {  	_ =	shalt  }
0x41: {  	_ =	shalt  }
0x42: {  	_ =	shalt  }
0x43: {  	_ =	shalt  }
0x44: {  	_ =	shalt  }
0x45: {  	_ =	shalt  }
0x46: {  	_ =	shalt  }
0x47: {  	_ =	shalt  }
0x48: {  	_ =	shalt  }
0x49: {  	_ =	shalt  }
0x4a: {  	_ =	shalt  }
0x4b: {  	_ =	shalt  }
0x4c: {  	_ =	shalt  }
0x4d: {  	_ =	shalt  }
0x4e: {  	_ =	shalt  }
0x4f: {  	_ =	shalt  }
0x50: {  	_ =	shalt  }
0x51: {  	_ =	shalt  }
0x52: {  	_ =	shalt  }
0x53: {  	_ =	shalt  }
0x54: {  	_ =	shalt  }
0x55: {  	_ =	shalt  }
0x56: {  	_ =	shalt  }
0x57: {  	_ =	shalt  }
0x58: {  	_ =	shalt  }
0x59: {  	_ =	shalt  }
0x5a: {  	_ =	shalt  }
0x5b: {  	_ =	shalt  }
0x5c: {  	_ =	shalt  }
0x5d: {  	_ =	shalt  }
0x5e: {  	_ =	shalt  }
0x5f: {  	_ =	shalt  }
0x60: {  	_ =	shalt  }
0x61: {  	_ =	shalt  }
0x62: {  	_ =	shalt  }
0x63: {  	_ =	shalt  }
0x64: {  	_ =	shalt  }
0x65: {  	_ =	shalt  }
0x66: {  	_ =	shalt  }
0x67: {  	_ =	shalt  }
0x68: {  	_ =	shalt  }
0x69: {  	_ =	shalt  }
0x6a: {  	_ =	shalt  }
0x6b: {  	_ =	shalt  }
0x6c: {  	_ =	shalt  }
0x6d: {  	_ =	shalt  }
0x6e: {  	_ =	shalt  }
0x6f: {  	_ =	shalt  }
0x70: {  	_ =	shalt  }
0x71: {  	_ =	shalt  }
0x72: {  	_ =	shalt  }
0x73: {  	_ =	shalt  }
0x74: {  	_ =	shalt  }
0x75: {  	_ =	shalt  }
0x76: {  	_ =	shalt  }
0x77: {  	_ =	shalt  }
0x78: {  	_ =	shalt  }
0x79: {  	_ =	shalt  }
0x7a: {  	_ =	shalt  }
0x7b: {  	_ =	shalt  }
0x7c: {  	_ =	shalt  }
0x7d: {  	_ =	shalt  }
0x7e: {  	_ =	shalt  }
0x7f: {  	_ =	shalt  }
0x80: {  	_ =	shalt  }
0x81: {  	_ =	shalt  }
0x82: {  	_ =	shalt  }
0x83: {  	_ =	shalt  }
0x84: {  	_ =	shalt  }
0x85: {  	_ =	shalt  }
0x86: {  	_ =	shalt  }
0x87: {  	_ =	shalt  }
.Lfunc_end0:
.L_simem_size_0:
called_computation_lowered:
.L_overlay_start_0:
0x88: {  	s2 =	sld [smem:$0x3FD9]  }
0x89: {  	s3 =	sld [smem:$0x3FFE];
	_ =	sdelay $0x1  }
0x8a: {  	s1 =	srdreg.scid  }
0x8b: {  	s0 =	sand.u32 $0x1, s1  }
0x8c: {  	s16 =	sshll.u32 s0, $0xA;
	s2 =	sadd.s32 s3, s2  }
0x8d: {  	s2 =	sadd.s32 s2, s16  }
0x8e: {  	[smem:$0x3FB3] =	sst s2  }
0x8f: {  	_ = 	snop  }
0x90: {  	(tm) =	ssettm $0x1  }
0x91: {  	s17 =	sld [smem:$0x3FFB];
	_ =	sdelay $0x3  }
0x92: {  	_ =	strace s17  }
0x93: {  	s2 =	sld [smem:$0x3FFC];
	_ =	sdelay $0x3  }
0x94: {  	_ =	strace s2  }
0x95: {  	s2 =	sld [smem:$0x3FFD];
	_ =	sdelay $0x3  }
0x96: {  	_ =	strace s2  }
0x97: {  	_ =	strace $0x8FFFFFFF  }
0x98: {  	s18 =	sld [smem:$0x3FDB];
	_ =	sdelay $0x1  }
0x99: {  	s19 =	simm.s32 $_scs_section_size  }
0x9a: {  	s4 =	simm.s32 $_size__tile_overlayer_lowered;
	s5 =	simm.s32 $_tile_overlayer_lowered  }
0x9b: {  	s22 =	simm.s32 $0x1BFF;
	s21 =	sshll.u32 s5, $0x1;
	s2 =	sadd.s32 s19, s18  }
0x9c: {  	s6 =	simm.s32 $0x0;
	s20 =	sshll.u32 s4, $0x1;
	s4 =	sadd.s32 s21, s2  }
0x9d: {  	[timem:s6], [sflag:s22] =	dma.local [hbm:s4], s20  }
0x9e: {  	_ =	swait.ge [sflag:s22], s20  }
0x9f: {  	s3 =	ssub.s32 $0x0, s20;
	[sflag:s22] =	ssyncset.done $0x0  }
0xa0: {  	[sflag:s22] =	ssyncadd.s32 s3;
	_ =	sdelay $0x1  }
0xa1: {  	s23 =	simm.s32 $0x1B8B  }
0xa2: {  	_ =	swait.ge [sflag:s23], $0x1  }
0xa3: {  	[sflag:s23] =	ssyncset.done $0x0  }
0xa4: {  	s25 =	simm.s32 $0x1B8E;
	s24 =	sld [smem:$0x3FFE];
	[sflag:s23] =	ssyncadd.s32 $0xFFFFFFFF  }
0xa5: {  	s26 =	simm.s32 $execute0_lowered;
	[smem:$0x3FD2] =	sst s25  }
0xa6: {  	s4 =	sshll.u32 s26, $0x1;
	_ =	strace $0x80000046;
	[dreg:$0x1] =	wrdreg $0xFFFFFFFF  }
0xa7: {  	s28 =	simm.s32 $_size_execute0_lowered;
	s2 =	sadd.s32 s2, s4;
	[dreg:$0x0] =	wrdreg $0x0  }
0xa8: {  	s4 =	sshll.u32 s28, $0x1;
	[dreg:$0x2] =	wrdreg s2  }
0xa9: {  	[dreg:$0x3] =	wrdreg s4  }
0xaa: {  	[dreg:$0x4] =	wrdreg $0xC0  }
0xab: {  	_ =	task [dreg:s6], $0x5FFFF  }
0xac: {  	[dreg:$0x1] =	wrdreg $0xFFFFFFFF  }
0xad: {  	[dreg:$0x0] =	wrdreg $0x60  }
0xae: {  	[dreg:$0x2] =	wrdreg s24  }
0xaf: {  	[dreg:$0x3] =	wrdreg $0xAC000  }
0xb0: {  	[dreg:$0x4] =	wrdreg $0x9  }
0xb1: {  	_ =	task.clear_ibuf [dreg:s6], $0x5FFFF;
	_ =	strace $0x90000046  }
0xb2: {  	s29 =	simm.s32 $0x9;
	_ =	strace $0x80000048  }
0xb3: {  	_ =	swait.ge [sflag:s29], $0x1  }
0xb4: {  	[sflag:s29] =	ssyncadd.s32 $0xFFFFFFFF  }
0xb5: {  	_ =	strace $0x90000048  }
0xb6: {  	_ =	sfence  }
0xb7: {  	s30 =	sld [smem:$0x0];
	_ =	sdelay $0x2  }
0xb8: {  	s31 =	sshll.u32 s1, $0xD;
	s1 =	sshrl.u32 s1, $0x2  }
0xb9: {  	s3 =	sand.u32 $0x4000, s31;
	s1 =	sadd.s32 s1, s30  }
0xba: {  	s0 =	sor.u32 s3, s0;
	s1 =	sshll.u32 s1, $0x11  }
0xbb: {  	s0 =	sor.u32 s1, s0  }
0xbc: {  	s0 =	sadd.s32 $0x8F2B, s0  }
0xbd: {  	[sflag:s0] =	ssyncadd.remote.s32 $0x1  }
0xbe: {  	_ =	sfence.sel $0xFFFF  }
0xbf: {  	[dreg:$0x0] =	wrdreg $0xFFFFFFFF;
	(pc) =	sbr.abs _section_cstart, $3  }
0xc0: {  	[dreg:$0x1] =	wrdreg $0xFFFFFFFF  }
0xc1: {  	_ =	task.clear_ibuf [dreg:s6], $0x2FFFF;
	_ =	strace $0x9FFFFFFF  }
0xc2: {  	(tm) =	ssettm $0x7FFFFFFF  }
0xc3: {  	_ =	shalt  }
tec
execute0_lowered:
.L_overlay_start_1:
0x0: {  	(tag) =	ssettag $0x1  }
0x1: {  	s0 =	srdreg.scid;
	s5 =	rddreg [dreg:$0x0]  }
0x2: {  	s2 =	rddreg [dreg:$0x1];
	s3 =	simm.s32 $0x0;
	s12 =	simm.s32 $0x1  }
0x3: {  	s13 =	simm.s32 $0x2800;
	s14 =	simm.s32 $0x80;
	s15 =	simm.s32 $0x6C00  }
0x4: {  	s16 =	simm.s32 $0x2880;
	s17 =	simm.s32 $0x2900;
	s18 =	simm.s32 $0x2980  }
0x5: {  	s19 =	simm.s32 $0x2A00;
	s20 =	simm.s32 $0x2C00;
	s4 =	sand.u32 $0x1, s0  }
0x6: {  	s21 =	simm.s32 $0x0;
	s0 =	stileid.u32;
	s7 =	smul.u32 $0x140000, s4  }
0x7: {  	[smem:$0x7FF] =	sst s3;
	s1 =	sshll.u32 s4, $0x4;
	s8 =	smul.u32 $0x14000, s0  }
0x8: {  	s4 =	ssub.s32 $0x2, s4;
	s30 =	sshll.u32 s0, $0x7;
	s1 =	sor.u32 s0, s1  }
0x9: {  	s9 =	sshrl.u32 s4, $0x1;
	s6 =	smul.u32 $0x500, s1;
	s1 =	rddreg [dreg:$0x2]  }
0xa: {  	_ =	strace $0x80000047;
	s7 =	sadd.s32 s7, s8;
	s8 =	sadd.s32 s30, s5  }
0xb: {  	s31 =	ssub.s32 s4, s9;
	s7 =	sshrl.u32 s7, $0x3;
	s6 =	sadd.s32 s6, s5  }
0xc: {  	s11 =	sadd.s32 s7, s5;
	s5 =	sadd.s32 $0x4000, s8;
	s4 =	sadd.s32 $0x4800, s6  }
0xd: {  	s6 =	smax.u32 s31, $0x1;
	s7 =	sadd.s32 $0xE800, s11;
	s8 =	sadd.s32 $0xF000, s11  }
0xe: {  	v0 =	vimm.f32 $1.000000000e+00;
	v1 =	vimm.f32 $0.0e+00;
	s9 =	sadd.s32 $0xF800, s11;
	s10 =	sadd.s32 $0x10000, s11;
	s11 =	sadd.s32 $0x10800, s11  }
.LBB2_1:
0xf: {  	s22 =	simm.s32 $0x200;
	s23 =	simm.s32 $0x0  }
.LBB2_2:
0x10: {  	p0 =	sne.s32 s22, $0xFE00;
	[tilespmem:s23+$0x2C00] =	vst v0;
	s24 =	smov.u32 s22;
	s22 =	sadd.s32 $0x200, s22  }
.Ltmp0:
0x11: {  	[tilespmem:s23+$0x6C00] =	vst v1;
	(pc) =	sbr.rel @p0 .LBB2_2-.Ltmp0, $2  }
0x12: {  	_ =	sdelay $0x2  }
0x13: {  	s23 =	sshra.s32 s24, $0x2  }
0x14: {  	[tilespmem:s23+$0x2C00] =	vst v0  }
0x15: {  	[tilespmem:s23+$0x6C00] =	vst v1;
	s22 =	simm.s32 $0x0  }
0x16: {  	[tilespmem:s22], [sflag:$0x1] =	stream.linear.gather [hbm4b:s4+s22], $0x2800, $0x38;
	[tilespmem:$0xD400] =	vst v63  }
0x17: {  	_ =	swait.ge [sflag:s12], $0x2800  }
0x18: {  	[sflag:s12] =	ssyncset.done $0x0  }
0x19: {  	[sflag:s12] =	ssyncadd.s32 $0xFFFFD800  }
0x1a: {  	[tilespmem:s13], [sflag:$0x1] =	stream.linear.gather [hbm4b:s5+s22], $0x280, $0x38;
	[tilespmem:$0xD400] =	vst v63  }
0x1b: {  	_ =	swait.ge [sflag:s12], $0x280  }
0x1c: {  	[sflag:s12] =	ssyncset.done $0x0  }
0x1d: {  	[sflag:s12] =	ssyncadd.s32 $0xFFFFFD80  }
0x1e: {  	[spmem:s2] =	stream.indirect.scatter [tilespmem:s15], [sflag:$0x1], $0x10, s13, s14, $0xb8;
	[tilespmem:$0xD400] =	vst v63  }
0x1f: {  	_ =	swait.ge [sflag:s12], $0x800  }
0x20: {  	[sflag:s12] =	ssyncset.done $0x0  }
0x21: {  	[sflag:s12] =	ssyncadd.s32 $0xFFFFF800  }
0x22: {  	[spmem:s2] =	stream.indirect.scatter [tilespmem:s15], [sflag:$0x1], $0x10, s16, s14, $0xb8;
	[tilespmem:$0xD400] =	vst v63  }
0x23: {  	_ =	swait.ge [sflag:s12], $0x800  }
0x24: {  	[sflag:s12] =	ssyncset.done $0x0  }
0x25: {  	[sflag:s12] =	ssyncadd.s32 $0xFFFFF800  }
0x26: {  	[spmem:s2] =	stream.indirect.scatter [tilespmem:s15], [sflag:$0x1], $0x10, s17, s14, $0xb8;
	[tilespmem:$0xD400] =	vst v63  }
0x27: {  	_ =	swait.ge [sflag:s12], $0x800  }
0x28: {  	[sflag:s12] =	ssyncset.done $0x0  }
0x29: {  	[sflag:s12] =	ssyncadd.s32 $0xFFFFF800  }
0x2a: {  	[spmem:s2] =	stream.indirect.scatter [tilespmem:s15], [sflag:$0x1], $0x10, s18, s14, $0xb8;
	[tilespmem:$0xD400] =	vst v63  }
0x2b: {  	_ =	swait.ge [sflag:s12], $0x800  }
0x2c: {  	[sflag:s12] =	ssyncset.done $0x0  }
0x2d: {  	[sflag:s12] =	ssyncadd.s32 $0xFFFFF800  }
0x2e: {  	[spmem:s2] =	stream.indirect.scatter [tilespmem:s15], [sflag:$0x1], $0x10, s19, s14, $0xb8;
	[tilespmem:$0xD400] =	vst v63  }
0x2f: {  	_ =	swait.ge [sflag:s12], $0x800  }
0x30: {  	[sflag:s12] =	ssyncset.done $0x0  }
0x31: {  	[sflag:s12] =	ssyncadd.s32 $0xFFFFF800  }
0x32: {  	s31 =	simm.s32 $0x0;
	[bflag:$0x0] =	sbarrier.arrive $0xFFFF  }
0x33: {  	[spmem:s2] =	stream.indirect.scatter.add.f32 [tilespmem:s20], [sflag:$0x1], $0x10, s31, s14, $0xb8;
	[tilespmem:$0xD400] =	vst v63  }
0x34: {  	_ =	swait.ge [sflag:s12], $0x800  }
0x35: {  	s22 =	simm.s32 $0x200;
	[sflag:s12] =	ssyncset.done $0x0  }
.LBB2_4:
0x36: {  	s23 =	sshra.s32 s22, $0x2;
	[sflag:s12] =	ssyncadd.s32 $0xFFFFF800;
	p0 =	sne.s32 s22, $0x9E00  }
0x37: {  	[spmem:s2] =	stream.indirect.scatter.add.f32 [tilespmem:s20], [sflag:$0x1], $0x10, s23, s14, $0xb8;
	[tilespmem:$0xD400] =	vst v63  }
.Ltmp1:
0x38: {  	_ = 	snop;
	(pc) =	sbr.rel @p0 .LBB2_4-.Ltmp1, $4  }
0x39: {  	_ = 	snop  }
0x3a: {  	s22 =	sadd.s32 $0x200, s22  }
0x3b: {  	_ =	swait.ge [sflag:s12], $0x800  }
0x3c: {  	[sflag:s12] =	ssyncset.done $0x0  }
0x3d: {  	[sflag:s12] =	ssyncadd.s32 $0xFFFFF800  }
0x3e: {  	[bflag:$0x0] =	sbarrier.arrive $0xFFFF  }
0x3f: {  	[tilespmem:s15], [sflag:$0x1] =	stream.indirect.gather [spmem:s2], $0x10, s13, s14, $0xb8;
	[tilespmem:$0xD400] =	vst v63  }
0x40: {  	_ =	swait.ge [sflag:s12], $0x800  }
0x41: {  	[sflag:s12] =	ssyncset.done $0x0  }
0x42: {  	[sflag:s12] =	ssyncadd.s32 $0xFFFFF800  }
0x43: {  	[hbm4b:s7+s3] =	stream.linear.scatter [tilespmem:s15], [sflag:$0x1], $0x4000, $0x38;
	[tilespmem:$0xD400] =	vst v63  }
0x44: {  	_ =	swait.ge [sflag:s12], $0x4000  }
0x45: {  	[sflag:s12] =	ssyncset.done $0x0  }
0x46: {  	[sflag:s12] =	ssyncadd.s32 $0xFFFFC000  }
0x47: {  	[tilespmem:s15], [sflag:$0x1] =	stream.indirect.gather [spmem:s2], $0x10, s16, s14, $0xb8;
	[tilespmem:$0xD400] =	vst v63  }
0x48: {  	_ =	swait.ge [sflag:s12], $0x800  }
0x49: {  	[sflag:s12] =	ssyncset.done $0x0  }
0x4a: {  	[sflag:s12] =	ssyncadd.s32 $0xFFFFF800  }
0x4b: {  	[hbm4b:s8+s3] =	stream.linear.scatter [tilespmem:s15], [sflag:$0x1], $0x4000, $0x38;
	[tilespmem:$0xD400] =	vst v63  }
0x4c: {  	_ =	swait.ge [sflag:s12], $0x4000  }
0x4d: {  	[sflag:s12] =	ssyncset.done $0x0  }
0x4e: {  	[sflag:s12] =	ssyncadd.s32 $0xFFFFC000  }
0x4f: {  	[tilespmem:s15], [sflag:$0x1] =	stream.indirect.gather [spmem:s2], $0x10, s17, s14, $0xb8;
	[tilespmem:$0xD400] =	vst v63  }
0x50: {  	_ =	swait.ge [sflag:s12], $0x800  }
0x51: {  	[sflag:s12] =	ssyncset.done $0x0  }
0x52: {  	[sflag:s12] =	ssyncadd.s32 $0xFFFFF800  }
0x53: {  	[hbm4b:s9+s3] =	stream.linear.scatter [tilespmem:s15], [sflag:$0x1], $0x4000, $0x38;
	[tilespmem:$0xD400] =	vst v63  }
0x54: {  	_ =	swait.ge [sflag:s12], $0x4000  }
0x55: {  	[sflag:s12] =	ssyncset.done $0x0  }
0x56: {  	[sflag:s12] =	ssyncadd.s32 $0xFFFFC000  }
0x57: {  	[tilespmem:s15], [sflag:$0x1] =	stream.indirect.gather [spmem:s2], $0x10, s18, s14, $0xb8;
	[tilespmem:$0xD400] =	vst v63  }
0x58: {  	_ =	swait.ge [sflag:s12], $0x800  }
0x59: {  	[sflag:s12] =	ssyncset.done $0x0  }
0x5a: {  	[sflag:s12] =	ssyncadd.s32 $0xFFFFF800  }
0x5b: {  	[hbm4b:s10+s3] =	stream.linear.scatter [tilespmem:s15], [sflag:$0x1], $0x4000, $0x38;
	[tilespmem:$0xD400] =	vst v63  }
0x5c: {  	_ =	swait.ge [sflag:s12], $0x4000  }
0x5d: {  	[sflag:s12] =	ssyncset.done $0x0  }
0x5e: {  	[sflag:s12] =	ssyncadd.s32 $0xFFFFC000  }
0x5f: {  	[tilespmem:s15], [sflag:$0x1] =	stream.indirect.gather [spmem:s2], $0x10, s19, s14, $0xb8;
	[tilespmem:$0xD400] =	vst v63  }
0x60: {  	s21 =	sadd.s32 $0x1, s21;
	_ =	swait.ge [sflag:s12], $0x800  }
0x61: {  	p0 =	sne.s32 s21, s6;
	[sflag:s12] =	ssyncset.done $0x0  }
.Ltmp2:
0x62: {  	[sflag:s12] =	ssyncadd.s32 $0xFFFFF800;
	(pc) =	sbr.rel @p0 .LBB2_1-.Ltmp2, $4  }
0x63: {  	[hbm4b:s11+s3] =	stream.linear.scatter [tilespmem:s15], [sflag:$0x1], $0x4000, $0x38;
	[tilespmem:$0xD400] =	vst v63  }
0x64: {  	_ =	swait.ge [sflag:s12], $0x4000  }
0x65: {  	[sflag:s12] =	ssyncset.done $0x0  }
0x66: {  	[sflag:s12] =	ssyncadd.s32 $0xFFFFC000  }
0x67: {  	_ =	sfence.sel $0x180000  }
0x68: {  	[bflag:$0x0] =	sbarrier.arrive $0xFFFF  }
0x69: {  	p0 =	sne.s32 s0, $0x0;
	_ =	strace $0x90000047  }
0x6a: {  	s0 =	sadd.s32 @!p0 $0x100000, s1;
	[bflag:$0x2] =	sbarrier.arrive $0xFFFF  }
0x6b: {  	[sflag:s0] =	ssyncadd.tile.s32 @!p0 $0x1;
	_ =	shalt  }
.Lfunc_end2:
_tile_overlayer_lowered:
.L_overlay_start_2:
0x6c: {  	(tag) =	ssettag $0x2  }
0x6d: {  	s0 =	rddreg [dreg:$0x0];
	s2 =	stileid.u32  }
0x6e: {  	s1 =	rddreg [dreg:$0x1];
	p0 =	sne.s32 s2, $0x0  }
0x6f: {  	s3 =	rddreg [dreg:$0x2];
	[bflag:$0x3] =	sbarrier.arrive $0xFFFF;
	s2 =	simm.s32 @!p0 $0x1C01  }
0x70: {  	[timem:s3], [sflag:s2] =	dma.local @!p0 [hbm:s0], s1  }
0x71: {  	s0 =	simm.s32 @!p0 $0x1  }
0x72: {  	_ =	swait.ge @!p0 [sflag:s0], s1  }
0x73: {  	s1 =	ssub.s32 @!p0 $0x0, s1;
	[sflag:s0] =	ssyncset.done @!p0 $0x0  }
0x74: {  	[sflag:s0] =	ssyncadd.s32 @!p0 s1  }
0x75: {  	[bflag:$0x3] =	sbarrier.arrive $0xFFFF  }
0x76: {  	_ =	shalt  }

// kernel: kernel.14.cloned.1.call-start
scs
__scs_entry_jumppad:
0x0: {  	(pc) =	sbr.rel $0x88, $3  }
0x1: {  	(tag) =	ssettag $0x0;
	lr =	simm.s32 $0x1  }
0x2: {  	[smem:$0x3F8C] =	sst lr;
	_ =	strace $0xD0000000  }
0x3: {  	_ = 	snop  }
0x4: {  	_ = 	snop  }
0x5: {  	_ = 	snop  }
0x6: {  	_ = 	snop  }
0x7: {  	_ = 	snop  }
__scs_overlays_trampoline_lowered:
0x8: {  	[smem:$0x3F9B] =	sst s0  }
0x9: {  	[smem:$0x3F9C] =	sst s1  }
0xa: {  	[smem:$0x3F9D] =	sst s2  }
0xb: {  	[smem:$0x3F9E] =	sst s3  }
0xc: {  	[smem:$0x3F9F] =	sst s4  }
0xd: {  	[smem:$0x3FA0] =	sst s5  }
0xe: {  	[smem:$0x3FA1] =	sst s6  }
0xf: {  	[smem:$0x3FA2] =	sst s7  }
0x10: {  	[smem:$0x3FA3] =	sst s8  }
0x11: {  	[smem:$0x3FA4] =	sst s9;
	s0 =	simm.s32 @!p0 $0x0  }
0x12: {  	s1 =	sld [smem:$0x3F8A];
	s0 =	simm.s32 @p0 $0x1  }
0x13: {  	[smem:$0x3FA5] =	sst s0;
	s0 =	simm.s32 @!p1 $0x0  }
0x14: {  	s2 =	sld [smem:$0x3F89];
	s0 =	simm.s32 @p1 $0x1  }
0x15: {  	[smem:$0x3FA6] =	sst s0;
	s0 =	simm.s32 @!p2 $0x0  }
0x16: {  	s3 =	sld [smem:$0x3FDB];
	s0 =	simm.s32 @p2 $0x1  }
0x17: {  	s4 =	simm.s32 $0x1BF5;
	[smem:$0x3FA8] =	sst s0  }
0x18: {  	s0 =	sld [smem:$0x3F8B];
	_ =	swait.ge [sflag:s4], $0x0  }
0x19: {  	s7 =	sld [smem:$0x3F8C]  }
0x1a: {  	s8 =	sadd.s32 $0xFFFFE003, lr  }
0x1b: {  	s9 =	sadd.s32 $0xFFFFFEF7, lr;
	s5 =	simm.s32 $0xFFFFFFFF;
	p2 =	slt.u32 s8, $0xFFFFF086  }
0x1c: {  	p1 =	slt.u32 s9, $0xF7A;
	s5 =	simm.s32 @!p2 $0x0  }
0x1d: {  	s5 =	simm.s32 @p1 $0x1;
	p0 =	seq.s32 s7, s2  }
0x1e: {  	s7 =	smul.u32 @!p0 $0xF7A, s2;
	p2 =	seq.s32 @!p0 s5, $0x0  }
0x1f: {  	s9 =	smul.u32 $0xF7A, s1;
	s8 =	simm.s32 @!p0 $0x1BF5;
	p2 =	por !p2, p0  }
0x20: {  	[sflag:s8] =	ssyncset.s32 @!p0 $0xFFFFF086;
	s6 =	sadd.s32 @!p0 s3, s7;
	s7 =	simm.s32 @!p0 $0x108  }
0x21: {  	s3 =	sadd.s32 s3, s9;
	s6 =	sadd.s32 @!p0 $0x88, s6;
	s7 =	simm.s32 @p2 $0x1082  }
0x22: {  	[simem:s7], [sflag:s8] =	dma.local @!p0 [hbm:s6], $0xF7A  }
0x23: {  	s9 =	sor.u32 $0xD0000000, s2;
	s6 =	simm.s32 $0x108;
	_ =	swait.ge @!p0 [sflag:s8], $0x0  }
0x24: {  	s3 =	sadd.s32 $0x88, s3;
	s6 =	simm.s32 @!p1 $0x1082;
	[sflag:s4] =	ssyncset.s32 $0xFFFFF086  }
0x25: {  	[simem:s6], [sflag:s4] =	dma.local [hbm:s3], $0xF7A  }
0x26: {  	[smem:$0x3F8C] =	sst s1;
	(tag) =	ssettag s2;
	_ =	strace s9  }
0x27: {  	s1 =	sld [smem:$0x3F9C]  }
0x28: {  	s2 =	sld [smem:$0x3F9D]  }
0x29: {  	s4 =	sld [smem:$0x3F9F]  }
0x2a: {  	p0 =	seq.s32 s5, $0x0;
	s5 =	sld [smem:$0x3FA0]  }
0x2b: {  	s6 =	sld [smem:$0x3FA1]  }
0x2c: {  	s7 =	sld [smem:$0x3FA2]  }
0x2d: {  	s3 =	simm.s32 $0x108;
	s8 =	sld [smem:$0x3FA3]  }
0x2e: {  	s3 =	simm.s32 @!p0 $0x1082;
	s9 =	sld [smem:$0x3FA4]  }
0x2f: {  	lr =	sadd.s32 s0, s3;
	s0 =	sld [smem:$0x3F9B]  }
0x30: {  	s3 =	sld [smem:$0x3F9E]  }
0x31: {  	[smem:$0x3FA7] =	sst s10  }
0x32: {  	s10 =	sld [smem:$0x3FA5];
	_ =	sdelay $0x3  }
0x33: {  	p0 =	seq.s32 s10, $0x1;
	s10 =	sld [smem:$0x3FA7];
	_ =	sdelay $0x3  }
0x34: {  	[smem:$0x3FA7] =	sst s10  }
0x35: {  	s10 =	sld [smem:$0x3FA6];
	_ =	sdelay $0x3  }
0x36: {  	p1 =	seq.s32 s10, $0x1;
	s10 =	sld [smem:$0x3FA7];
	_ =	sdelay $0x3  }
0x37: {  	[smem:$0x3FA7] =	sst s10  }
0x38: {  	s10 =	sld [smem:$0x3FA8]  }
0x39: {  	_ = 	snop;
	(pc) =	sbr.ind lr, $3  }
0x3a: {  	_ = 	snop  }
0x3b: {  	_ = 	snop  }
0x3c: {  	p2 =	seq.s32 s10, $0x1;
	s10 =	sld [smem:$0x3FA7]  }
0x3d: {  	_ =	shalt  }
0x3e: {  	_ =	shalt  }
0x3f: {  	_ =	shalt  }
0x40: {  	_ =	shalt  }
0x41: {  	_ =	shalt  }
0x42: {  	_ =	shalt  }
0x43: {  	_ =	shalt  }
0x44: {  	_ =	shalt  }
0x45: {  	_ =	shalt  }
0x46: {  	_ =	shalt  }
0x47: {  	_ =	shalt  }
0x48: {  	_ =	shalt  }
0x49: {  	_ =	shalt  }
0x4a: {  	_ =	shalt  }
0x4b: {  	_ =	shalt  }
0x4c: {  	_ =	shalt  }
0x4d: {  	_ =	shalt  }
0x4e: {  	_ =	shalt  }
0x4f: {  	_ =	shalt  }
0x50: {  	_ =	shalt  }
0x51: {  	_ =	shalt  }
0x52: {  	_ =	shalt  }
0x53: {  	_ =	shalt  }
0x54: {  	_ =	shalt  }
0x55: {  	_ =	shalt  }
0x56: {  	_ =	shalt  }
0x57: {  	_ =	shalt  }
0x58: {  	_ =	shalt  }
0x59: {  	_ =	shalt  }
0x5a: {  	_ =	shalt  }
0x5b: {  	_ =	shalt  }
0x5c: {  	_ =	shalt  }
0x5d: {  	_ =	shalt  }
0x5e: {  	_ =	shalt  }
0x5f: {  	_ =	shalt  }
0x60: {  	_ =	shalt  }
0x61: {  	_ =	shalt  }
0x62: {  	_ =	shalt  }
0x63: {  	_ =	shalt  }
0x64: {  	_ =	shalt  }
0x65: {  	_ =	shalt  }
0x66: {  	_ =	shalt  }
0x67: {  	_ =	shalt  }
0x68: {  	_ =	shalt  }
0x69: {  	_ =	shalt  }
0x6a: {  	_ =	shalt  }
0x6b: {  	_ =	shalt  }
0x6c: {  	_ =	shalt  }
0x6d: {  	_ =	shalt  }
0x6e: {  	_ =	shalt  }
0x6f: {  	_ =	shalt  }
0x70: {  	_ =	shalt  }
0x71: {  	_ =	shalt  }
0x72: {  	_ =	shalt  }
0x73: {  	_ =	shalt  }
0x74: {  	_ =	shalt  }
0x75: {  	_ =	shalt  }
0x76: {  	_ =	shalt  }
0x77: {  	_ =	shalt  }
0x78: {  	_ =	shalt  }
0x79: {  	_ =	shalt  }
0x7a: {  	_ =	shalt  }
0x7b: {  	_ =	shalt  }
0x7c: {  	_ =	shalt  }
0x7d: {  	_ =	shalt  }
0x7e: {  	_ =	shalt  }
0x7f: {  	_ =	shalt  }
0x80: {  	_ =	shalt  }
0x81: {  	_ =	shalt  }
0x82: {  	_ =	shalt  }
0x83: {  	_ =	shalt  }
0x84: {  	_ =	shalt  }
0x85: {  	_ =	shalt  }
0x86: {  	_ =	shalt  }
0x87: {  	_ =	shalt  }
.Lfunc_end0:
.L_simem_size_0:
called_computation.1_lowered:
.L_overlay_start_0:
0x88: {  	s2 =	sld [smem:$0x3FD9]  }
0x89: {  	s3 =	sld [smem:$0x3FFE];
	_ =	sdelay $0x1  }
0x8a: {  	s1 =	srdreg.scid  }
0x8b: {  	s0 =	sand.u32 $0x1, s1  }
0x8c: {  	s16 =	sshll.u32 s0, $0xA;
	s2 =	sadd.s32 s3, s2  }
0x8d: {  	s2 =	sadd.s32 s2, s16  }
0x8e: {  	[smem:$0x3FB3] =	sst s2  }
0x8f: {  	_ = 	snop  }
0x90: {  	(tm) =	ssettm $0x1  }
0x91: {  	s17 =	sld [smem:$0x3FFB];
	_ =	sdelay $0x3  }
0x92: {  	_ =	strace s17  }
0x93: {  	s2 =	sld [smem:$0x3FFC];
	_ =	sdelay $0x3  }
0x94: {  	_ =	strace s2  }
0x95: {  	s2 =	sld [smem:$0x3FFD];
	_ =	sdelay $0x3  }
0x96: {  	_ =	strace s2  }
0x97: {  	_ =	strace $0x8FFFFFFF  }
0x98: {  	s18 =	sld [smem:$0x3FDB];
	_ =	sdelay $0x1  }
0x99: {  	s19 =	simm.s32 $_scs_section_size  }
0x9a: {  	s4 =	simm.s32 $_size__tile_overlayer_lowered;
	s5 =	simm.s32 $_tile_overlayer_lowered  }
0x9b: {  	s22 =	simm.s32 $0x1BFF;
	s21 =	sshll.u32 s5, $0x1;
	s2 =	sadd.s32 s19, s18  }
0x9c: {  	s6 =	simm.s32 $0x0;
	s20 =	sshll.u32 s4, $0x1;
	s4 =	sadd.s32 s21, s2  }
0x9d: {  	[timem:s6], [sflag:s22] =	dma.local [hbm:s4], s20  }
0x9e: {  	_ =	swait.ge [sflag:s22], s20  }
0x9f: {  	s3 =	ssub.s32 $0x0, s20;
	[sflag:s22] =	ssyncset.done $0x0  }
0xa0: {  	[sflag:s22] =	ssyncadd.s32 s3;
	_ =	sdelay $0x1  }
0xa1: {  	s23 =	simm.s32 $0x1B8B  }
0xa2: {  	_ =	swait.ge [sflag:s23], $0x1  }
0xa3: {  	[sflag:s23] =	ssyncset.done $0x0  }
0xa4: {  	s25 =	simm.s32 $0x1B8E;
	s24 =	sld [smem:$0x3FFE];
	[sflag:s23] =	ssyncadd.s32 $0xFFFFFFFF  }
0xa5: {  	s26 =	simm.s32 $execute0_lowered;
	[smem:$0x3FD2] =	sst s25  }
0xa6: {  	s4 =	sshll.u32 s26, $0x1;
	_ =	strace $0x80000049;
	[dreg:$0x1] =	wrdreg $0xFFFFFFFF  }
0xa7: {  	s28 =	simm.s32 $_size_execute0_lowered;
	s2 =	sadd.s32 s2, s4;
	[dreg:$0x0] =	wrdreg $0x0  }
0xa8: {  	s4 =	sshll.u32 s28, $0x1;
	[dreg:$0x2] =	wrdreg s2  }
0xa9: {  	[dreg:$0x3] =	wrdreg s4  }
0xaa: {  	[dreg:$0x4] =	wrdreg $0xC0  }
0xab: {  	_ =	task [dreg:s6], $0x5FFFF  }
0xac: {  	[dreg:$0x1] =	wrdreg $0xFFFFFFFF  }
0xad: {  	[dreg:$0x0] =	wrdreg $0x60  }
0xae: {  	[dreg:$0x2] =	wrdreg s24  }
0xaf: {  	[dreg:$0x3] =	wrdreg $0x8C000  }
0xb0: {  	[dreg:$0x4] =	wrdreg $0x9  }
0xb1: {  	_ =	task.clear_ibuf [dreg:s6], $0x5FFFF;
	_ =	strace $0x90000049  }
0xb2: {  	s29 =	simm.s32 $0x9;
	_ =	strace $0x8000004B  }
0xb3: {  	_ =	swait.ge [sflag:s29], $0x1  }
0xb4: {  	[sflag:s29] =	ssyncadd.s32 $0xFFFFFFFF  }
0xb5: {  	_ =	strace $0x9000004B  }
0xb6: {  	_ =	sfence  }
0xb7: {  	s30 =	sld [smem:$0x0];
	_ =	sdelay $0x2  }
0xb8: {  	s31 =	sshll.u32 s1, $0xD;
	s1 =	sshrl.u32 s1, $0x2  }
0xb9: {  	s3 =	sand.u32 $0x4000, s31;
	s1 =	sadd.s32 s1, s30  }
0xba: {  	s0 =	sor.u32 s3, s0;
	s1 =	sshll.u32 s1, $0x11  }
0xbb: {  	s0 =	sor.u32 s1, s0  }
0xbc: {  	s0 =	sadd.s32 $0x8F2B, s0  }
0xbd: {  	[sflag:s0] =	ssyncadd.remote.s32 $0x1  }
0xbe: {  	_ =	sfence.sel $0xFFFF  }
0xbf: {  	[dreg:$0x0] =	wrdreg $0xFFFFFFFF;
	(pc) =	sbr.abs _section_cstart, $3  }
0xc0: {  	[dreg:$0x1] =	wrdreg $0xFFFFFFFF  }
0xc1: {  	_ =	task.clear_ibuf [dreg:s6], $0x2FFFF;
	_ =	strace $0x9FFFFFFF  }
0xc2: {  	(tm) =	ssettm $0x7FFFFFFF  }
0xc3: {  	_ =	shalt  }
tec
execute0_lowered:
.L_overlay_start_1:
0x0: {  	(tag) =	ssettag $0x1  }
0x1: {  	s0 =	rddreg [dreg:$0x0]  }
0x2: {  	s1 =	rddreg [dreg:$0x1]  }
0x3: {  	s2 =	srdreg.scid;
	s12 =	simm.s32 $0x0;
	s9 =	stileid.u32  }
0x4: {  	s13 =	simm.s32 $0x800;
	s16 =	simm.s32 $0x3;
	s17 =	simm.s32 $0x80  }
0x5: {  	s18 =	simm.s32 $0xC00;
	s14 =	simm.s32 $0x880;
	s15 =	simm.s32 $0x900  }
0x6: {  	s28 =	simm.s32 $0x480;
	s29 =	simm.s32 $0x100;
	s30 =	simm.s32 $0x500  }
0x7: {  	s31 =	simm.s32 $0x180;
	s10 =	simm.s32 $0x380;
	s11 =	simm.s32 $0x0  }
0x8: {  	s2 =	sand.u32 $0x1, s2;
	[smem:$0x7FF] =	sst s12;
	s7 =	smul.u32 $0x14000, s9  }
0x9: {  	s4 =	sadd.s32 $0xE800, s0;
	s5 =	sadd.s32 $0x5E800, s0;
	s3 =	smul.u32 $0x140000, s2  }
0xa: {  	s6 =	sadd.s32 $0x4800, s0;
	s8 =	sshll.u32 s9, $0x7;
	_ =	strace $0x8000004A  }
0xb: {  	s19 =	sadd.s32 s8, s0;
	s20 =	ssub.s32 $0x2, s2;
	s3 =	sadd.s32 s3, s7  }
0xc: {  	s2 =	sshll.u32 s2, $0x4;
	s21 =	sshrl.u32 s20, $0x1;
	s3 =	sshrl.u32 s3, $0x3  }
0xd: {  	s7 =	sadd.s32 $0x4000, s19;
	s0 =	sadd.s32 s3, s0;
	s3 =	ssub.s32 s20, s21  }
0xe: {  	s2 =	sor.u32 s9, s2;
	[dreg:$0x3] =	wrdreg s7;
	s22 =	smax.u32 s3, $0x1  }
0xf: {  	s9 =	simm.s32 $0x300;
	s23 =	sadd.s32 $0x68800, s0;
	[dreg:$0x4] =	wrdreg s22  }
0x10: {  	s8 =	smul.u32 $0x2800, s2;
	s24 =	sadd.s32 $0x69000, s0;
	[dreg:$0x5] =	wrdreg s23  }
0x11: {  	s2 =	simm.s32 $0x200;
	s25 =	sadd.s32 $0x69800, s0;
	[dreg:$0x6] =	wrdreg s24  }
0x12: {  	s19 =	simm.s32 $0x280;
	s26 =	sadd.s32 $0x6A000, s0;
	[dreg:$0x7] =	wrdreg s25  }
0x13: {  	s7 =	simm.s32 $0x600;
	s0 =	sadd.s32 $0x6A800, s0;
	[dreg:$0x8] =	wrdreg s26  }
0x14: {  	s20 =	simm.s32 $0x680;
	s21 =	simm.s32 $0x700;
	[dreg:$0x9] =	wrdreg s0  }
0x15: {  	s23 =	simm.s32 $0x400;
	s24 =	simm.s32 $0x1;
	s25 =	simm.s32 $0x4C00  }
0x16: {  	v0 =	vimm.f32 $0.0e+00;
	s26 =	simm.s32 $0x2;
	s0 =	simm.s32 $0x580;
	s22 =	simm.s32 $0x780  }
.LBB2_1:
0x17: {  	s3 =	rddreg [dreg:$0x3]  }
0x18: {  	[tilespmem:s13], [sflag:$0x3] =	stream.linear.gather [hbm4b:s3+s12], $0x280, $0x38;
	[tilespmem:$0x1CC00] =	vst v63  }
0x19: {  	_ =	swait.ge [sflag:s16], $0x280  }
0x1a: {  	[sflag:s16] =	ssyncset.done $0x0  }
0x1b: {  	s3 =	simm.s32 $0x0;
	s12 =	simm.s32 $0x200;
	[sflag:s16] =	ssyncadd.s32 $0xFFFFFD80  }
.LBB2_2:
0x1c: {  	p0 =	sne.s32 s12, $0xFE00;
	[tilespmem:s3+$0xC70] =	vst v0  }
0x1d: {  	[tilespmem:s3+$0xC00] =	vst v0  }
0x1e: {  	[tilespmem:s3+$0xC10] =	vst v0  }
.Ltmp0:
0x1f: {  	[tilespmem:s3+$0xC20] =	vst v0;
	(pc) =	sbr.rel @p0 .LBB2_2-.Ltmp0, $4  }
0x20: {  	[tilespmem:s3+$0xC30] =	vst v0  }
0x21: {  	[tilespmem:s3+$0xC40] =	vst v0  }
0x22: {  	[tilespmem:s3+$0xC50] =	vst v0  }
0x23: {  	[tilespmem:s3+$0xC60] =	vst v0;
	s3 =	sshra.s32 s12, $0x2;
	s12 =	sadd.s32 $0x200, s12  }
0x24: {  	[tilespmem:s3+$0xC70] =	vst v0  }
0x25: {  	[tilespmem:s3+$0xC00] =	vst v0  }
0x26: {  	[tilespmem:s3+$0xC10] =	vst v0  }
0x27: {  	[tilespmem:s3+$0xC20] =	vst v0  }
0x28: {  	[tilespmem:s3+$0xC30] =	vst v0  }
0x29: {  	[tilespmem:s3+$0xC40] =	vst v0  }
0x2a: {  	[tilespmem:s3+$0xC50] =	vst v0  }
0x2b: {  	[tilespmem:s3+$0xC60] =	vst v0  }
0x2c: {  	[spmem:s1] =	stream.indirect.scatter [tilespmem:s18], [sflag:$0x3], $0x80, s13, s17, $0xb8;
	[tilespmem:$0x1CC00] =	vst v63  }
0x2d: {  	_ =	swait.ge [sflag:s16], $0x4000  }
0x2e: {  	[sflag:s16] =	ssyncset.done $0x0  }
0x2f: {  	[sflag:s16] =	ssyncadd.s32 $0xFFFFC000  }
0x30: {  	[spmem:s1] =	stream.indirect.scatter [tilespmem:s18], [sflag:$0x3], $0x80, s14, s17, $0xb8;
	[tilespmem:$0x1CC00] =	vst v63  }
0x31: {  	_ =	swait.ge [sflag:s16], $0x4000  }
0x32: {  	[sflag:s16] =	ssyncset.done $0x0  }
0x33: {  	[sflag:s16] =	ssyncadd.s32 $0xFFFFC000  }
0x34: {  	[spmem:s1] =	stream.indirect.scatter [tilespmem:s18], [sflag:$0x3], $0x80, s15, s17, $0xb8;
	[tilespmem:$0x1CC00] =	vst v63  }
0x35: {  	_ =	swait.ge [sflag:s16], $0x4000  }
0x36: {  	[sflag:s16] =	ssyncset.done $0x0  }
0x37: {  	s14 =	simm.s32 $0x980;
	[sflag:s16] =	ssyncadd.s32 $0xFFFFC000  }
0x38: {  	[spmem:s1] =	stream.indirect.scatter [tilespmem:s18], [sflag:$0x3], $0x80, s14, s17, $0xb8;
	[tilespmem:$0x1CC00] =	vst v63  }
0x39: {  	_ =	swait.ge [sflag:s16], $0x4000  }
0x3a: {  	[sflag:s16] =	ssyncset.done $0x0  }
0x3b: {  	s15 =	simm.s32 $0xA00;
	[sflag:s16] =	ssyncadd.s32 $0xFFFFC000  }
0x3c: {  	[spmem:s1] =	stream.indirect.scatter [tilespmem:s18], [sflag:$0x3], $0x80, s15, s17, $0xb8;
	[tilespmem:$0x1CC00] =	vst v63  }
0x3d: {  	_ =	swait.ge [sflag:s16], $0x4000  }
0x3e: {  	[sflag:s16] =	ssyncset.done $0x0  }
0x3f: {  	[sflag:s16] =	ssyncadd.s32 $0xFFFFC000  }
0x40: {  	s12 =	simm.s32 $0x0;
	s13 =	simm.s32 $0x0;
	[bflag:$0x0] =	sbarrier.arrive $0xFFFF  }
.LBB2_4:
0x41: {  	s3 =	sshll.u32 s13, $0xA  }
0x42: {  	s3 =	sadd.s32 s8, s3  }
0x43: {  	s3 =	sshrl.u32 s3, $0x3  }
0x44: {  	s14 =	sadd.s32 s5, s3  }
0x45: {  	[tilespmem:s12], [sflag:$0x3] =	stream.linear.gather [hbm4b:s14+s12], $0x400, $0x38;
	[tilespmem:$0x1CC00] =	vst v63  }
0x46: {  	_ =	swait.ge [sflag:s16], $0x400  }
0x47: {  	[sflag:s16] =	ssyncset.done $0x0  }
0x48: {  	s3 =	sadd.s32 s6, s3;
	[sflag:s16] =	ssyncadd.s32 $0xFFFFFC00  }
0x49: {  	[tilespmem:s23], [sflag:$0x3] =	stream.linear.gather [hbm4b:s3+s12], $0x400, $0x38;
	[tilespmem:$0x1CC00] =	vst v63  }
0x4a: {  	_ =	swait.ge [sflag:s16], $0x400  }
0x4b: {  	[sflag:s16] =	ssyncset.done $0x0  }
0x4c: {  	[sflag:s16] =	ssyncadd.s32 $0xFFFFFC00  }
0x4d: {  	[tilespmem:s18], [sflag:$0x1] =	stream.indirect.gather [hbm4b:s4+s17], $0x80, s12, s17, $0xb8;
	[tilespmem:$0x1CC00] =	vst v63  }
0x4e: {  	_ =	swait.ge [sflag:s24], $0x4000  }
0x4f: {  	[sflag:s24] =	ssyncset.done $0x0  }
0x50: {  	s14 =	simm.s32 $0x0;
	[sflag:s24] =	ssyncadd.s32 $0xFFFFC000  }
0x51: {  	v4 =	vld [tilespmem:s14+$0xC70]  }
0x52: {  	v5 =	vld [tilespmem:s14+$0xC00]  }
0x53: {  	v6 =	vld [tilespmem:s14+$0xC10]  }
0x54: {  	v3 =	vld [tilespmem:s14+$0xC20]  }
0x55: {  	v1 =	vld [tilespmem:s14+$0xC30]  }
0x56: {  	v2 =	vld [tilespmem:s14+$0xC40];
	[tilespmem:s14+$0x4C70] =	vst v4  }
0x57: {  	[tilespmem:s14+$0x4C00] =	vst v5;
	v4 =	vld [tilespmem:s14+$0xC50]  }
0x58: {  	s15 =	simm.s32 $0x80;
	s3 =	simm.s32 $0x400;
	[tilespmem:s14+$0x4C10] =	vst v6;
	v5 =	vld [tilespmem:s14+$0xC60]  }
.LBB2_5:
0x59: {  	p0 =	sne.s32 s3, $0xFE00;
	v6 =	vld [tilespmem:s15+$0xC70];
	[tilespmem:s14+$0x4C20] =	vst v3  }
0x5a: {  	v7 =	vld [tilespmem:s15+$0xC00];
	[tilespmem:s14+$0x4C30] =	vst v1  }
0x5b: {  	v8 =	vld [tilespmem:s15+$0xC10];
	[tilespmem:s14+$0x4C40] =	vst v2  }
.Ltmp1:
0x5c: {  	v3 =	vld [tilespmem:s15+$0xC20];
	[tilespmem:s14+$0x4C50] =	vst v4;
	(pc) =	sbr.rel @p0 .LBB2_5-.Ltmp1, $4  }
0x5d: {  	v1 =	vld [tilespmem:s15+$0xC30];
	[tilespmem:s14+$0x4C60] =	vst v5;
	s14 =	smov.u32 s15  }
0x5e: {  	v2 =	vld [tilespmem:s14+$0xC40];
	[tilespmem:s14+$0x4C70] =	vst v6  }
0x5f: {  	[tilespmem:s14+$0x4C00] =	vst v7;
	v4 =	vld [tilespmem:s14+$0xC50]  }
0x60: {  	s15 =	sshra.s32 s3, $0x2;
	s3 =	sadd.s32 $0x200, s3;
	[tilespmem:s14+$0x4C10] =	vst v8;
	v5 =	vld [tilespmem:s14+$0xC60]  }
0x61: {  	v6 =	vld [tilespmem:s15+$0xC70];
	[tilespmem:s14+$0x4C20] =	vst v3  }
0x62: {  	v3 =	vld [tilespmem:s15+$0xC00];
	[tilespmem:s14+$0x4C30] =	vst v1  }
0x63: {  	v1 =	vld [tilespmem:s15+$0xC10];
	[tilespmem:s14+$0x4C40] =	vst v2  }
0x64: {  	v2 =	vld [tilespmem:s15+$0xC20];
	[tilespmem:s14+$0x4C50] =	vst v4  }
0x65: {  	v4 =	vld [tilespmem:s15+$0xC30];
	[tilespmem:s14+$0x4C60] =	vst v5  }
0x66: {  	v5 =	vld [tilespmem:s15+$0xC40];
	[tilespmem:s15+$0x4C70] =	vst v6  }
0x67: {  	[tilespmem:s15+$0x4C00] =	vst v3;
	v3 =	vld [tilespmem:s15+$0xC50]  }
0x68: {  	[tilespmem:s15+$0x4C10] =	vst v1;
	v1 =	vld [tilespmem:s15+$0xC60]  }
0x69: {  	[tilespmem:s15+$0x4C20] =	vst v2  }
0x6a: {  	[tilespmem:s15+$0x4C30] =	vst v4  }
0x6b: {  	[tilespmem:s15+$0x4C40] =	vst v5  }
0x6c: {  	[tilespmem:s15+$0x4C50] =	vst v3  }
0x6d: {  	[tilespmem:s15+$0x4C60] =	vst v1  }
0x6e: {  	[spmem:s1] =	stream.indirect.scatter.add.f32 [tilespmem:s25], [sflag:$0x2], $0x80, s23, s17, $0xb8;
	[tilespmem:$0x1CC00] =	vst v63  }
0x6f: {  	_ =	swait.ge [sflag:s26], $0x4000  }
0x70: {  	[sflag:s26] =	ssyncset.done $0x0  }
0x71: {  	[sflag:s26] =	ssyncadd.s32 $0xFFFFC000  }
0x72: {  	[tilespmem:s18], [sflag:$0x1] =	stream.indirect.gather [hbm4b:s4+s17], $0x80, s17, s17, $0xb8;
	[tilespmem:$0x1CC00] =	vst v63  }
0x73: {  	_ =	swait.ge [sflag:s24], $0x4000  }
0x74: {  	[sflag:s24] =	ssyncset.done $0x0  }
0x75: {  	s14 =	simm.s32 $0x0;
	[sflag:s24] =	ssyncadd.s32 $0xFFFFC000  }
0x76: {  	v4 =	vld [tilespmem:s14+$0xC70]  }
0x77: {  	v5 =	vld [tilespmem:s14+$0xC00]  }
0x78: {  	v6 =	vld [tilespmem:s14+$0xC10]  }
0x79: {  	v3 =	vld [tilespmem:s14+$0xC20]  }
0x7a: {  	v1 =	vld [tilespmem:s14+$0xC30]  }
0x7b: {  	v2 =	vld [tilespmem:s14+$0xC40];
	[tilespmem:s14+$0x4C70] =	vst v4  }
0x7c: {  	[tilespmem:s14+$0x4C00] =	vst v5;
	v4 =	vld [tilespmem:s14+$0xC50]  }
0x7d: {  	s3 =	simm.s32 $0x400;
	s15 =	simm.s32 $0x80;
	[tilespmem:s14+$0x4C10] =	vst v6;
	v5 =	vld [tilespmem:s14+$0xC60]  }
.LBB2_7:
0x7e: {  	p0 =	sne.s32 s3, $0xFE00;
	v6 =	vld [tilespmem:s15+$0xC70];
	[tilespmem:s14+$0x4C20] =	vst v3  }
0x7f: {  	v7 =	vld [tilespmem:s15+$0xC00];
	[tilespmem:s14+$0x4C30] =	vst v1  }
0x80: {  	v8 =	vld [tilespmem:s15+$0xC10];
	[tilespmem:s14+$0x4C40] =	vst v2  }
.Ltmp2:
0x81: {  	v3 =	vld [tilespmem:s15+$0xC20];
	[tilespmem:s14+$0x4C50] =	vst v4;
	(pc) =	sbr.rel @p0 .LBB2_7-.Ltmp2, $4  }
0x82: {  	v1 =	vld [tilespmem:s15+$0xC30];
	[tilespmem:s14+$0x4C60] =	vst v5;
	s14 =	smov.u32 s15  }
0x83: {  	v2 =	vld [tilespmem:s14+$0xC40];
	[tilespmem:s14+$0x4C70] =	vst v6  }
0x84: {  	[tilespmem:s14+$0x4C00] =	vst v7;
	v4 =	vld [tilespmem:s14+$0xC50]  }
0x85: {  	s15 =	sshra.s32 s3, $0x2;
	s3 =	sadd.s32 $0x200, s3;
	[tilespmem:s14+$0x4C10] =	vst v8;
	v5 =	vld [tilespmem:s14+$0xC60]  }
0x86: {  	v6 =	vld [tilespmem:s15+$0xC70];
	[tilespmem:s14+$0x4C20] =	vst v3  }
0x87: {  	v3 =	vld [tilespmem:s15+$0xC00];
	[tilespmem:s14+$0x4C30] =	vst v1  }
0x88: {  	v1 =	vld [tilespmem:s15+$0xC10];
	[tilespmem:s14+$0x4C40] =	vst v2  }
0x89: {  	v2 =	vld [tilespmem:s15+$0xC20];
	[tilespmem:s14+$0x4C50] =	vst v4  }
0x8a: {  	v4 =	vld [tilespmem:s15+$0xC30];
	[tilespmem:s14+$0x4C60] =	vst v5  }
0x8b: {  	v5 =	vld [tilespmem:s15+$0xC40];
	[tilespmem:s15+$0x4C70] =	vst v6  }
0x8c: {  	[tilespmem:s15+$0x4C00] =	vst v3;
	v3 =	vld [tilespmem:s15+$0xC50]  }
0x8d: {  	[tilespmem:s15+$0x4C10] =	vst v1;
	v1 =	vld [tilespmem:s15+$0xC60]  }
0x8e: {  	[tilespmem:s15+$0x4C20] =	vst v2  }
0x8f: {  	[tilespmem:s15+$0x4C30] =	vst v4  }
0x90: {  	[tilespmem:s15+$0x4C40] =	vst v5  }
0x91: {  	[tilespmem:s15+$0x4C50] =	vst v3  }
0x92: {  	[tilespmem:s15+$0x4C60] =	vst v1  }
0x93: {  	[spmem:s1] =	stream.indirect.scatter.add.f32 [tilespmem:s25], [sflag:$0x2], $0x80, s28, s17, $0xb8;
	[tilespmem:$0x1CC00] =	vst v63  }
0x94: {  	_ =	swait.ge [sflag:s26], $0x4000  }
0x95: {  	[sflag:s26] =	ssyncset.done $0x0  }
0x96: {  	[sflag:s26] =	ssyncadd.s32 $0xFFFFC000  }
0x97: {  	[tilespmem:s18], [sflag:$0x1] =	stream.indirect.gather [hbm4b:s4+s17], $0x80, s29, s17, $0xb8;
	[tilespmem:$0x1CC00] =	vst v63  }
0x98: {  	_ =	swait.ge [sflag:s24], $0x4000  }
0x99: {  	[sflag:s24] =	ssyncset.done $0x0  }
0x9a: {  	s14 =	simm.s32 $0x0;
	[sflag:s24] =	ssyncadd.s32 $0xFFFFC000  }
0x9b: {  	v4 =	vld [tilespmem:s14+$0xC70]  }
0x9c: {  	v5 =	vld [tilespmem:s14+$0xC00]  }
0x9d: {  	v6 =	vld [tilespmem:s14+$0xC10]  }
0x9e: {  	v3 =	vld [tilespmem:s14+$0xC20]  }
0x9f: {  	v1 =	vld [tilespmem:s14+$0xC30]  }
0xa0: {  	v2 =	vld [tilespmem:s14+$0xC40];
	[tilespmem:s14+$0x4C70] =	vst v4  }
0xa1: {  	[tilespmem:s14+$0x4C00] =	vst v5;
	v4 =	vld [tilespmem:s14+$0xC50]  }
0xa2: {  	s3 =	simm.s32 $0x400;
	s15 =	simm.s32 $0x80;
	[tilespmem:s14+$0x4C10] =	vst v6;
	v5 =	vld [tilespmem:s14+$0xC60]  }
.LBB2_9:
0xa3: {  	p0 =	sne.s32 s3, $0xFE00;
	v6 =	vld [tilespmem:s15+$0xC70];
	[tilespmem:s14+$0x4C20] =	vst v3  }
0xa4: {  	v7 =	vld [tilespmem:s15+$0xC00];
	[tilespmem:s14+$0x4C30] =	vst v1  }
0xa5: {  	v8 =	vld [tilespmem:s15+$0xC10];
	[tilespmem:s14+$0x4C40] =	vst v2  }
.Ltmp3:
0xa6: {  	v3 =	vld [tilespmem:s15+$0xC20];
	[tilespmem:s14+$0x4C50] =	vst v4;
	(pc) =	sbr.rel @p0 .LBB2_9-.Ltmp3, $4  }
0xa7: {  	v1 =	vld [tilespmem:s15+$0xC30];
	[tilespmem:s14+$0x4C60] =	vst v5;
	s14 =	smov.u32 s15  }
0xa8: {  	v2 =	vld [tilespmem:s14+$0xC40];
	[tilespmem:s14+$0x4C70] =	vst v6  }
0xa9: {  	[tilespmem:s14+$0x4C00] =	vst v7;
	v4 =	vld [tilespmem:s14+$0xC50]  }
0xaa: {  	s15 =	sshra.s32 s3, $0x2;
	s3 =	sadd.s32 $0x200, s3;
	[tilespmem:s14+$0x4C10] =	vst v8;
	v5 =	vld [tilespmem:s14+$0xC60]  }
0xab: {  	v6 =	vld [tilespmem:s15+$0xC70];
	[tilespmem:s14+$0x4C20] =	vst v3  }
0xac: {  	v3 =	vld [tilespmem:s15+$0xC00];
	[tilespmem:s14+$0x4C30] =	vst v1  }
0xad: {  	v1 =	vld [tilespmem:s15+$0xC10];
	[tilespmem:s14+$0x4C40] =	vst v2  }
0xae: {  	v2 =	vld [tilespmem:s15+$0xC20];
	[tilespmem:s14+$0x4C50] =	vst v4  }
0xaf: {  	v4 =	vld [tilespmem:s15+$0xC30];
	[tilespmem:s14+$0x4C60] =	vst v5  }
0xb0: {  	v5 =	vld [tilespmem:s15+$0xC40];
	[tilespmem:s15+$0x4C70] =	vst v6  }
0xb1: {  	[tilespmem:s15+$0x4C00] =	vst v3;
	v3 =	vld [tilespmem:s15+$0xC50]  }
0xb2: {  	[tilespmem:s15+$0x4C10] =	vst v1;
	v1 =	vld [tilespmem:s15+$0xC60]  }
0xb3: {  	[tilespmem:s15+$0x4C20] =	vst v2  }
0xb4: {  	[tilespmem:s15+$0x4C30] =	vst v4  }
0xb5: {  	[tilespmem:s15+$0x4C40] =	vst v5  }
0xb6: {  	[tilespmem:s15+$0x4C50] =	vst v3  }
0xb7: {  	[tilespmem:s15+$0x4C60] =	vst v1  }
0xb8: {  	[spmem:s1] =	stream.indirect.scatter.add.f32 [tilespmem:s25], [sflag:$0x2], $0x80, s30, s17, $0xb8;
	[tilespmem:$0x1CC00] =	vst v63  }
0xb9: {  	_ =	swait.ge [sflag:s26], $0x4000  }
0xba: {  	[sflag:s26] =	ssyncset.done $0x0  }
0xbb: {  	[sflag:s26] =	ssyncadd.s32 $0xFFFFC000  }
0xbc: {  	[tilespmem:s18], [sflag:$0x1] =	stream.indirect.gather [hbm4b:s4+s17], $0x80, s31, s17, $0xb8;
	[tilespmem:$0x1CC00] =	vst v63  }
0xbd: {  	_ =	swait.ge [sflag:s24], $0x4000  }
0xbe: {  	[sflag:s24] =	ssyncset.done $0x0  }
0xbf: {  	s14 =	simm.s32 $0x0;
	[sflag:s24] =	ssyncadd.s32 $0xFFFFC000  }
0xc0: {  	v4 =	vld [tilespmem:s14+$0xC70]  }
0xc1: {  	v5 =	vld [tilespmem:s14+$0xC00]  }
0xc2: {  	v6 =	vld [tilespmem:s14+$0xC10]  }
0xc3: {  	v3 =	vld [tilespmem:s14+$0xC20]  }
0xc4: {  	v1 =	vld [tilespmem:s14+$0xC30]  }
0xc5: {  	v2 =	vld [tilespmem:s14+$0xC40];
	[tilespmem:s14+$0x4C70] =	vst v4  }
0xc6: {  	[tilespmem:s14+$0x4C00] =	vst v5;
	v4 =	vld [tilespmem:s14+$0xC50]  }
0xc7: {  	s3 =	simm.s32 $0x400;
	s15 =	simm.s32 $0x80;
	[tilespmem:s14+$0x4C10] =	vst v6;
	v5 =	vld [tilespmem:s14+$0xC60]  }
.LBB2_11:
0xc8: {  	p0 =	sne.s32 s3, $0xFE00;
	v6 =	vld [tilespmem:s15+$0xC70];
	[tilespmem:s14+$0x4C20] =	vst v3  }
0xc9: {  	v7 =	vld [tilespmem:s15+$0xC00];
	[tilespmem:s14+$0x4C30] =	vst v1  }
0xca: {  	v8 =	vld [tilespmem:s15+$0xC10];
	[tilespmem:s14+$0x4C40] =	vst v2  }
.Ltmp4:
0xcb: {  	v3 =	vld [tilespmem:s15+$0xC20];
	[tilespmem:s14+$0x4C50] =	vst v4;
	(pc) =	sbr.rel @p0 .LBB2_11-.Ltmp4, $4  }
0xcc: {  	v1 =	vld [tilespmem:s15+$0xC30];
	[tilespmem:s14+$0x4C60] =	vst v5;
	s14 =	smov.u32 s15  }
0xcd: {  	v2 =	vld [tilespmem:s14+$0xC40];
	[tilespmem:s14+$0x4C70] =	vst v6  }
0xce: {  	[tilespmem:s14+$0x4C00] =	vst v7;
	v4 =	vld [tilespmem:s14+$0xC50]  }
0xcf: {  	s15 =	sshra.s32 s3, $0x2;
	s3 =	sadd.s32 $0x200, s3;
	[tilespmem:s14+$0x4C10] =	vst v8;
	v5 =	vld [tilespmem:s14+$0xC60]  }
0xd0: {  	v6 =	vld [tilespmem:s15+$0xC70];
	[tilespmem:s14+$0x4C20] =	vst v3  }
0xd1: {  	v3 =	vld [tilespmem:s15+$0xC00];
	[tilespmem:s14+$0x4C30] =	vst v1  }
0xd2: {  	v1 =	vld [tilespmem:s15+$0xC10];
	[tilespmem:s14+$0x4C40] =	vst v2  }
0xd3: {  	v2 =	vld [tilespmem:s15+$0xC20];
	[tilespmem:s14+$0x4C50] =	vst v4  }
0xd4: {  	v4 =	vld [tilespmem:s15+$0xC30];
	[tilespmem:s14+$0x4C60] =	vst v5  }
0xd5: {  	v5 =	vld [tilespmem:s15+$0xC40];
	[tilespmem:s15+$0x4C70] =	vst v6  }
0xd6: {  	[tilespmem:s15+$0x4C00] =	vst v3;
	v3 =	vld [tilespmem:s15+$0xC50]  }
0xd7: {  	[tilespmem:s15+$0x4C10] =	vst v1;
	v1 =	vld [tilespmem:s15+$0xC60]  }
0xd8: {  	[tilespmem:s15+$0x4C20] =	vst v2  }
0xd9: {  	[tilespmem:s15+$0x4C30] =	vst v4  }
0xda: {  	[tilespmem:s15+$0x4C40] =	vst v5  }
0xdb: {  	[tilespmem:s15+$0x4C50] =	vst v3  }
0xdc: {  	[tilespmem:s15+$0x4C60] =	vst v1  }
0xdd: {  	[spmem:s1] =	stream.indirect.scatter.add.f32 [tilespmem:s25], [sflag:$0x2], $0x80, s0, s17, $0xb8;
	[tilespmem:$0x1CC00] =	vst v63  }
0xde: {  	_ =	swait.ge [sflag:s26], $0x4000  }
0xdf: {  	[sflag:s26] =	ssyncset.done $0x0  }
0xe0: {  	[sflag:s26] =	ssyncadd.s32 $0xFFFFC000  }
0xe1: {  	[tilespmem:s18], [sflag:$0x1] =	stream.indirect.gather [hbm4b:s4+s17], $0x80, s2, s17, $0xb8;
	[tilespmem:$0x1CC00] =	vst v63  }
0xe2: {  	_ =	swait.ge [sflag:s24], $0x4000  }
0xe3: {  	[sflag:s24] =	ssyncset.done $0x0  }
0xe4: {  	s14 =	simm.s32 $0x0;
	[sflag:s24] =	ssyncadd.s32 $0xFFFFC000  }
0xe5: {  	v4 =	vld [tilespmem:s14+$0xC70]  }
0xe6: {  	v5 =	vld [tilespmem:s14+$0xC00]  }
0xe7: {  	v6 =	vld [tilespmem:s14+$0xC10]  }
0xe8: {  	v3 =	vld [tilespmem:s14+$0xC20]  }
0xe9: {  	v1 =	vld [tilespmem:s14+$0xC30]  }
0xea: {  	v2 =	vld [tilespmem:s14+$0xC40];
	[tilespmem:s14+$0x4C70] =	vst v4  }
0xeb: {  	[tilespmem:s14+$0x4C00] =	vst v5;
	v4 =	vld [tilespmem:s14+$0xC50]  }
0xec: {  	s3 =	simm.s32 $0x400;
	s15 =	simm.s32 $0x80;
	[tilespmem:s14+$0x4C10] =	vst v6;
	v5 =	vld [tilespmem:s14+$0xC60]  }
.LBB2_13:
0xed: {  	p0 =	sne.s32 s3, $0xFE00;
	v6 =	vld [tilespmem:s15+$0xC70];
	[tilespmem:s14+$0x4C20] =	vst v3  }
0xee: {  	v7 =	vld [tilespmem:s15+$0xC00];
	[tilespmem:s14+$0x4C30] =	vst v1  }
0xef: {  	v8 =	vld [tilespmem:s15+$0xC10];
	[tilespmem:s14+$0x4C40] =	vst v2  }
.Ltmp5:
0xf0: {  	v3 =	vld [tilespmem:s15+$0xC20];
	[tilespmem:s14+$0x4C50] =	vst v4;
	(pc) =	sbr.rel @p0 .LBB2_13-.Ltmp5, $4  }
0xf1: {  	v1 =	vld [tilespmem:s15+$0xC30];
	[tilespmem:s14+$0x4C60] =	vst v5;
	s14 =	smov.u32 s15  }
0xf2: {  	v2 =	vld [tilespmem:s14+$0xC40];
	[tilespmem:s14+$0x4C70] =	vst v6  }
0xf3: {  	[tilespmem:s14+$0x4C00] =	vst v7;
	v4 =	vld [tilespmem:s14+$0xC50]  }
0xf4: {  	s15 =	sshra.s32 s3, $0x2;
	s3 =	sadd.s32 $0x200, s3;
	[tilespmem:s14+$0x4C10] =	vst v8;
	v5 =	vld [tilespmem:s14+$0xC60]  }
0xf5: {  	v6 =	vld [tilespmem:s15+$0xC70];
	[tilespmem:s14+$0x4C20] =	vst v3  }
0xf6: {  	v3 =	vld [tilespmem:s15+$0xC00];
	[tilespmem:s14+$0x4C30] =	vst v1  }
0xf7: {  	v1 =	vld [tilespmem:s15+$0xC10];
	[tilespmem:s14+$0x4C40] =	vst v2  }
0xf8: {  	v2 =	vld [tilespmem:s15+$0xC20];
	[tilespmem:s14+$0x4C50] =	vst v4  }
0xf9: {  	v4 =	vld [tilespmem:s15+$0xC30];
	[tilespmem:s14+$0x4C60] =	vst v5  }
0xfa: {  	v5 =	vld [tilespmem:s15+$0xC40];
	[tilespmem:s15+$0x4C70] =	vst v6  }
0xfb: {  	[tilespmem:s15+$0x4C00] =	vst v3;
	v3 =	vld [tilespmem:s15+$0xC50]  }
0xfc: {  	[tilespmem:s15+$0x4C10] =	vst v1;
	v1 =	vld [tilespmem:s15+$0xC60]  }
0xfd: {  	[tilespmem:s15+$0x4C20] =	vst v2  }
0xfe: {  	[tilespmem:s15+$0x4C30] =	vst v4  }
0xff: {  	[tilespmem:s15+$0x4C40] =	vst v5  }
0x100: {  	[tilespmem:s15+$0x4C50] =	vst v3  }
0x101: {  	[tilespmem:s15+$0x4C60] =	vst v1  }
0x102: {  	[spmem:s1] =	stream.indirect.scatter.add.f32 [tilespmem:s25], [sflag:$0x2], $0x80, s7, s17, $0xb8;
	[tilespmem:$0x1CC00] =	vst v63  }
0x103: {  	_ =	swait.ge [sflag:s26], $0x4000  }
0x104: {  	[sflag:s26] =	ssyncset.done $0x0  }
0x105: {  	[sflag:s26] =	ssyncadd.s32 $0xFFFFC000  }
0x106: {  	[tilespmem:s18], [sflag:$0x1] =	stream.indirect.gather [hbm4b:s4+s17], $0x80, s19, s17, $0xb8;
	[tilespmem:$0x1CC00] =	vst v63  }
0x107: {  	_ =	swait.ge [sflag:s24], $0x4000  }
0x108: {  	[sflag:s24] =	ssyncset.done $0x0  }
0x109: {  	s14 =	simm.s32 $0x0;
	[sflag:s24] =	ssyncadd.s32 $0xFFFFC000  }
0x10a: {  	v4 =	vld [tilespmem:s14+$0xC70]  }
0x10b: {  	v5 =	vld [tilespmem:s14+$0xC00]  }
0x10c: {  	v6 =	vld [tilespmem:s14+$0xC10]  }
0x10d: {  	v3 =	vld [tilespmem:s14+$0xC20]  }
0x10e: {  	v1 =	vld [tilespmem:s14+$0xC30]  }
0x10f: {  	v2 =	vld [tilespmem:s14+$0xC40];
	[tilespmem:s14+$0x4C70] =	vst v4  }
0x110: {  	[tilespmem:s14+$0x4C00] =	vst v5;
	v4 =	vld [tilespmem:s14+$0xC50]  }
0x111: {  	s3 =	simm.s32 $0x400;
	s15 =	simm.s32 $0x80;
	[tilespmem:s14+$0x4C10] =	vst v6;
	v5 =	vld [tilespmem:s14+$0xC60]  }
.LBB2_15:
0x112: {  	p0 =	sne.s32 s3, $0xFE00;
	v6 =	vld [tilespmem:s15+$0xC70];
	[tilespmem:s14+$0x4C20] =	vst v3  }
0x113: {  	v7 =	vld [tilespmem:s15+$0xC00];
	[tilespmem:s14+$0x4C30] =	vst v1  }
0x114: {  	v8 =	vld [tilespmem:s15+$0xC10];
	[tilespmem:s14+$0x4C40] =	vst v2  }
.Ltmp6:
0x115: {  	v3 =	vld [tilespmem:s15+$0xC20];
	[tilespmem:s14+$0x4C50] =	vst v4;
	(pc) =	sbr.rel @p0 .LBB2_15-.Ltmp6, $4  }
0x116: {  	v1 =	vld [tilespmem:s15+$0xC30];
	[tilespmem:s14+$0x4C60] =	vst v5;
	s14 =	smov.u32 s15  }
0x117: {  	v2 =	vld [tilespmem:s14+$0xC40];
	[tilespmem:s14+$0x4C70] =	vst v6  }
0x118: {  	[tilespmem:s14+$0x4C00] =	vst v7;
	v4 =	vld [tilespmem:s14+$0xC50]  }
0x119: {  	s15 =	sshra.s32 s3, $0x2;
	s3 =	sadd.s32 $0x200, s3;
	[tilespmem:s14+$0x4C10] =	vst v8;
	v5 =	vld [tilespmem:s14+$0xC60]  }
0x11a: {  	v6 =	vld [tilespmem:s15+$0xC70];
	[tilespmem:s14+$0x4C20] =	vst v3  }
0x11b: {  	v3 =	vld [tilespmem:s15+$0xC00];
	[tilespmem:s14+$0x4C30] =	vst v1  }
0x11c: {  	v1 =	vld [tilespmem:s15+$0xC10];
	[tilespmem:s14+$0x4C40] =	vst v2  }
0x11d: {  	v2 =	vld [tilespmem:s15+$0xC20];
	[tilespmem:s14+$0x4C50] =	vst v4  }
0x11e: {  	v4 =	vld [tilespmem:s15+$0xC30];
	[tilespmem:s14+$0x4C60] =	vst v5  }
0x11f: {  	v5 =	vld [tilespmem:s15+$0xC40];
	[tilespmem:s15+$0x4C70] =	vst v6  }
0x120: {  	[tilespmem:s15+$0x4C00] =	vst v3;
	v3 =	vld [tilespmem:s15+$0xC50]  }
0x121: {  	[tilespmem:s15+$0x4C10] =	vst v1;
	v1 =	vld [tilespmem:s15+$0xC60]  }
0x122: {  	[tilespmem:s15+$0x4C20] =	vst v2  }
0x123: {  	[tilespmem:s15+$0x4C30] =	vst v4  }
0x124: {  	[tilespmem:s15+$0x4C40] =	vst v5  }
0x125: {  	[tilespmem:s15+$0x4C50] =	vst v3  }
0x126: {  	[tilespmem:s15+$0x4C60] =	vst v1  }
0x127: {  	[spmem:s1] =	stream.indirect.scatter.add.f32 [tilespmem:s25], [sflag:$0x2], $0x80, s20, s17, $0xb8;
	[tilespmem:$0x1CC00] =	vst v63  }
0x128: {  	_ =	swait.ge [sflag:s26], $0x4000  }
0x129: {  	[sflag:s26] =	ssyncset.done $0x0  }
0x12a: {  	[sflag:s26] =	ssyncadd.s32 $0xFFFFC000  }
0x12b: {  	[tilespmem:s18], [sflag:$0x1] =	stream.indirect.gather [hbm4b:s4+s17], $0x80, s9, s17, $0xb8;
	[tilespmem:$0x1CC00] =	vst v63  }
0x12c: {  	_ =	swait.ge [sflag:s24], $0x4000  }
0x12d: {  	[sflag:s24] =	ssyncset.done $0x0  }
0x12e: {  	s14 =	simm.s32 $0x0;
	[sflag:s24] =	ssyncadd.s32 $0xFFFFC000  }
0x12f: {  	v4 =	vld [tilespmem:s14+$0xC70]  }
0x130: {  	v5 =	vld [tilespmem:s14+$0xC00]  }
0x131: {  	v6 =	vld [tilespmem:s14+$0xC10]  }
0x132: {  	v3 =	vld [tilespmem:s14+$0xC20]  }
0x133: {  	v1 =	vld [tilespmem:s14+$0xC30]  }
0x134: {  	v2 =	vld [tilespmem:s14+$0xC40];
	[tilespmem:s14+$0x4C70] =	vst v4  }
0x135: {  	[tilespmem:s14+$0x4C00] =	vst v5;
	v4 =	vld [tilespmem:s14+$0xC50]  }
0x136: {  	s3 =	simm.s32 $0x400;
	s15 =	simm.s32 $0x80;
	[tilespmem:s14+$0x4C10] =	vst v6;
	v5 =	vld [tilespmem:s14+$0xC60]  }
.LBB2_17:
0x137: {  	p0 =	sne.s32 s3, $0xFE00;
	v6 =	vld [tilespmem:s15+$0xC70];
	[tilespmem:s14+$0x4C20] =	vst v3  }
0x138: {  	v7 =	vld [tilespmem:s15+$0xC00];
	[tilespmem:s14+$0x4C30] =	vst v1  }
0x139: {  	v8 =	vld [tilespmem:s15+$0xC10];
	[tilespmem:s14+$0x4C40] =	vst v2  }
.Ltmp7:
0x13a: {  	v3 =	vld [tilespmem:s15+$0xC20];
	[tilespmem:s14+$0x4C50] =	vst v4;
	(pc) =	sbr.rel @p0 .LBB2_17-.Ltmp7, $4  }
0x13b: {  	v1 =	vld [tilespmem:s15+$0xC30];
	[tilespmem:s14+$0x4C60] =	vst v5;
	s14 =	smov.u32 s15  }
0x13c: {  	v2 =	vld [tilespmem:s14+$0xC40];
	[tilespmem:s14+$0x4C70] =	vst v6  }
0x13d: {  	[tilespmem:s14+$0x4C00] =	vst v7;
	v4 =	vld [tilespmem:s14+$0xC50]  }
0x13e: {  	s15 =	sshra.s32 s3, $0x2;
	s3 =	sadd.s32 $0x200, s3;
	[tilespmem:s14+$0x4C10] =	vst v8;
	v5 =	vld [tilespmem:s14+$0xC60]  }
0x13f: {  	v6 =	vld [tilespmem:s15+$0xC70];
	[tilespmem:s14+$0x4C20] =	vst v3  }
0x140: {  	v3 =	vld [tilespmem:s15+$0xC00];
	[tilespmem:s14+$0x4C30] =	vst v1  }
0x141: {  	v1 =	vld [tilespmem:s15+$0xC10];
	[tilespmem:s14+$0x4C40] =	vst v2  }
0x142: {  	v2 =	vld [tilespmem:s15+$0xC20];
	[tilespmem:s14+$0x4C50] =	vst v4  }
0x143: {  	v4 =	vld [tilespmem:s15+$0xC30];
	[tilespmem:s14+$0x4C60] =	vst v5  }
0x144: {  	v5 =	vld [tilespmem:s15+$0xC40];
	[tilespmem:s15+$0x4C70] =	vst v6  }
0x145: {  	[tilespmem:s15+$0x4C00] =	vst v3;
	v3 =	vld [tilespmem:s15+$0xC50]  }
0x146: {  	[tilespmem:s15+$0x4C10] =	vst v1;
	v1 =	vld [tilespmem:s15+$0xC60]  }
0x147: {  	[tilespmem:s15+$0x4C20] =	vst v2  }
0x148: {  	[tilespmem:s15+$0x4C30] =	vst v4  }
0x149: {  	[tilespmem:s15+$0x4C40] =	vst v5  }
0x14a: {  	[tilespmem:s15+$0x4C50] =	vst v3  }
0x14b: {  	[tilespmem:s15+$0x4C60] =	vst v1  }
0x14c: {  	[spmem:s1] =	stream.indirect.scatter.add.f32 [tilespmem:s25], [sflag:$0x2], $0x80, s21, s17, $0xb8;
	[tilespmem:$0x1CC00] =	vst v63  }
0x14d: {  	_ =	swait.ge [sflag:s26], $0x4000  }
0x14e: {  	[sflag:s26] =	ssyncset.done $0x0  }
0x14f: {  	[sflag:s26] =	ssyncadd.s32 $0xFFFFC000  }
0x150: {  	[tilespmem:s18], [sflag:$0x1] =	stream.indirect.gather [hbm4b:s4+s17], $0x80, s10, s17, $0xb8;
	[tilespmem:$0x1CC00] =	vst v63  }
0x151: {  	_ =	swait.ge [sflag:s24], $0x4000  }
0x152: {  	[sflag:s24] =	ssyncset.done $0x0  }
0x153: {  	s14 =	simm.s32 $0x0;
	[sflag:s24] =	ssyncadd.s32 $0xFFFFC000  }
0x154: {  	v4 =	vld [tilespmem:s14+$0xC70]  }
0x155: {  	v5 =	vld [tilespmem:s14+$0xC00]  }
0x156: {  	v6 =	vld [tilespmem:s14+$0xC10]  }
0x157: {  	v3 =	vld [tilespmem:s14+$0xC20]  }
0x158: {  	v1 =	vld [tilespmem:s14+$0xC30]  }
0x159: {  	v2 =	vld [tilespmem:s14+$0xC40];
	[tilespmem:s14+$0x4C70] =	vst v4  }
0x15a: {  	[tilespmem:s14+$0x4C00] =	vst v5;
	v4 =	vld [tilespmem:s14+$0xC50]  }
0x15b: {  	s3 =	simm.s32 $0x400;
	s15 =	simm.s32 $0x80;
	[tilespmem:s14+$0x4C10] =	vst v6;
	v5 =	vld [tilespmem:s14+$0xC60]  }
.LBB2_19:
0x15c: {  	p0 =	sne.s32 s3, $0xFE00;
	v6 =	vld [tilespmem:s15+$0xC70];
	[tilespmem:s14+$0x4C20] =	vst v3  }
0x15d: {  	v7 =	vld [tilespmem:s15+$0xC00];
	[tilespmem:s14+$0x4C30] =	vst v1  }
0x15e: {  	v8 =	vld [tilespmem:s15+$0xC10];
	[tilespmem:s14+$0x4C40] =	vst v2  }
.Ltmp8:
0x15f: {  	v3 =	vld [tilespmem:s15+$0xC20];
	[tilespmem:s14+$0x4C50] =	vst v4;
	(pc) =	sbr.rel @p0 .LBB2_19-.Ltmp8, $4  }
0x160: {  	v1 =	vld [tilespmem:s15+$0xC30];
	[tilespmem:s14+$0x4C60] =	vst v5;
	s14 =	smov.u32 s15  }
0x161: {  	v2 =	vld [tilespmem:s14+$0xC40];
	[tilespmem:s14+$0x4C70] =	vst v6  }
0x162: {  	[tilespmem:s14+$0x4C00] =	vst v7;
	v4 =	vld [tilespmem:s14+$0xC50]  }
0x163: {  	s15 =	sshra.s32 s3, $0x2;
	s3 =	sadd.s32 $0x200, s3;
	[tilespmem:s14+$0x4C10] =	vst v8;
	v5 =	vld [tilespmem:s14+$0xC60]  }
0x164: {  	v6 =	vld [tilespmem:s15+$0xC70];
	[tilespmem:s14+$0x4C20] =	vst v3  }
0x165: {  	v3 =	vld [tilespmem:s15+$0xC00];
	[tilespmem:s14+$0x4C30] =	vst v1  }
0x166: {  	v1 =	vld [tilespmem:s15+$0xC10];
	[tilespmem:s14+$0x4C40] =	vst v2  }
0x167: {  	v2 =	vld [tilespmem:s15+$0xC20];
	[tilespmem:s14+$0x4C50] =	vst v4  }
0x168: {  	v4 =	vld [tilespmem:s15+$0xC30];
	[tilespmem:s14+$0x4C60] =	vst v5  }
0x169: {  	v5 =	vld [tilespmem:s15+$0xC40];
	[tilespmem:s15+$0x4C70] =	vst v6  }
0x16a: {  	[tilespmem:s15+$0x4C00] =	vst v3;
	v3 =	vld [tilespmem:s15+$0xC50]  }
0x16b: {  	[tilespmem:s15+$0x4C10] =	vst v1;
	v1 =	vld [tilespmem:s15+$0xC60]  }
0x16c: {  	[tilespmem:s15+$0x4C20] =	vst v2  }
0x16d: {  	[tilespmem:s15+$0x4C30] =	vst v4  }
0x16e: {  	s13 =	sadd.s32 $0x1, s13;
	[tilespmem:s15+$0x4C40] =	vst v5  }
0x16f: {  	p0 =	sne.s32 s13, $0xA;
	[tilespmem:s15+$0x4C50] =	vst v3  }
.Ltmp9:
0x170: {  	[tilespmem:s15+$0x4C60] =	vst v1;
	(pc) =	sbr.rel @p0 .LBB2_4-.Ltmp9, $4  }
0x171: {  	[spmem:s1] =	stream.indirect.scatter.add.f32 [tilespmem:s25], [sflag:$0x2], $0x80, s22, s17, $0xb8;
	[tilespmem:$0x1CC00] =	vst v63  }
0x172: {  	_ =	swait.ge [sflag:s26], $0x4000  }
0x173: {  	[sflag:s26] =	ssyncset.done $0x0  }
0x174: {  	[sflag:s26] =	ssyncadd.s32 $0xFFFFC000  }
0x175: {  	[bflag:$0x0] =	sbarrier.arrive $0xFFFF;
	s13 =	simm.s32 $0x800  }
0x176: {  	[tilespmem:s18], [sflag:$0x3] =	stream.indirect.gather [spmem:s1], $0x80, s13, s17, $0xb8;
	[tilespmem:$0x1CC00] =	vst v63  }
0x177: {  	_ =	swait.ge [sflag:s16], $0x4000  }
0x178: {  	[sflag:s16] =	ssyncset.done $0x0  }
0x179: {  	s12 =	simm.s32 $0x0;
	s3 =	rddreg [dreg:$0x5];
	[sflag:s16] =	ssyncadd.s32 $0xFFFFC000  }
0x17a: {  	[hbm4b:s3+s12] =	stream.linear.scatter [tilespmem:s18], [sflag:$0x3], $0x4000, $0x38;
	[tilespmem:$0x1CC00] =	vst v63  }
0x17b: {  	_ =	swait.ge [sflag:s16], $0x4000  }
0x17c: {  	[sflag:s16] =	ssyncset.done $0x0  }
0x17d: {  	s14 =	simm.s32 $0x880;
	[sflag:s16] =	ssyncadd.s32 $0xFFFFC000  }
0x17e: {  	[tilespmem:s18], [sflag:$0x3] =	stream.indirect.gather [spmem:s1], $0x80, s14, s17, $0xb8;
	[tilespmem:$0x1CC00] =	vst v63  }
0x17f: {  	_ =	swait.ge [sflag:s16], $0x4000  }
0x180: {  	[sflag:s16] =	ssyncset.done $0x0  }
0x181: {  	s15 =	rddreg [dreg:$0x6];
	[sflag:s16] =	ssyncadd.s32 $0xFFFFC000  }
0x182: {  	[hbm4b:s15+s12] =	stream.linear.scatter [tilespmem:s18], [sflag:$0x3], $0x4000, $0x38;
	[tilespmem:$0x1CC00] =	vst v63  }
0x183: {  	_ =	swait.ge [sflag:s16], $0x4000  }
0x184: {  	[sflag:s16] =	ssyncset.done $0x0  }
0x185: {  	s15 =	simm.s32 $0x900;
	[sflag:s16] =	ssyncadd.s32 $0xFFFFC000  }
0x186: {  	[tilespmem:s18], [sflag:$0x3] =	stream.indirect.gather [spmem:s1], $0x80, s15, s17, $0xb8;
	[tilespmem:$0x1CC00] =	vst v63  }
0x187: {  	_ =	swait.ge [sflag:s16], $0x4000  }
0x188: {  	[sflag:s16] =	ssyncset.done $0x0  }
0x189: {  	s3 =	rddreg [dreg:$0x7];
	[sflag:s16] =	ssyncadd.s32 $0xFFFFC000  }
0x18a: {  	[hbm4b:s3+s12] =	stream.linear.scatter [tilespmem:s18], [sflag:$0x3], $0x4000, $0x38;
	[tilespmem:$0x1CC00] =	vst v63  }
0x18b: {  	_ =	swait.ge [sflag:s16], $0x4000  }
0x18c: {  	[sflag:s16] =	ssyncset.done $0x0  }
0x18d: {  	s3 =	simm.s32 $0x980;
	[sflag:s16] =	ssyncadd.s32 $0xFFFFC000  }
0x18e: {  	[tilespmem:s18], [sflag:$0x3] =	stream.indirect.gather [spmem:s1], $0x80, s3, s17, $0xb8;
	[tilespmem:$0x1CC00] =	vst v63  }
0x18f: {  	_ =	swait.ge [sflag:s16], $0x4000  }
0x190: {  	[sflag:s16] =	ssyncset.done $0x0  }
0x191: {  	s3 =	rddreg [dreg:$0x8];
	[sflag:s16] =	ssyncadd.s32 $0xFFFFC000  }
0x192: {  	[hbm4b:s3+s12] =	stream.linear.scatter [tilespmem:s18], [sflag:$0x3], $0x4000, $0x38;
	[tilespmem:$0x1CC00] =	vst v63  }
0x193: {  	_ =	swait.ge [sflag:s16], $0x4000  }
0x194: {  	[sflag:s16] =	ssyncset.done $0x0  }
0x195: {  	s3 =	simm.s32 $0xA00;
	[sflag:s16] =	ssyncadd.s32 $0xFFFFC000  }
0x196: {  	[tilespmem:s18], [sflag:$0x3] =	stream.indirect.gather [spmem:s1], $0x80, s3, s17, $0xb8;
	[tilespmem:$0x1CC00] =	vst v63  }
0x197: {  	_ =	swait.ge [sflag:s16], $0x4000  }
0x198: {  	[sflag:s16] =	ssyncset.done $0x0  }
0x199: {  	s3 =	rddreg [dreg:$0x9];
	[sflag:s16] =	ssyncadd.s32 $0xFFFFC000  }
0x19a: {  	[hbm4b:s3+s12] =	stream.linear.scatter [tilespmem:s18], [sflag:$0x3], $0x4000, $0x38;
	[tilespmem:$0x1CC00] =	vst v63  }
0x19b: {  	_ =	swait.ge [sflag:s16], $0x4000  }
0x19c: {  	s11 =	sadd.s32 $0x1, s11;
	s3 =	rddreg [dreg:$0x4]  }
0x19d: {  	p0 =	sne.s32 s11, s3  }
.Ltmp10:
0x19e: {  	_ = 	snop;
	(pc) =	sbr.rel @p0 .LBB2_1-.Ltmp10, $3  }
0x19f: {  	_ =	sdelay $0x1  }
0x1a0: {  	[sflag:s16] =	ssyncset.done $0x0  }
0x1a1: {  	[sflag:s16] =	ssyncadd.s32 $0xFFFFC000  }
0x1a2: {  	_ =	sfence.sel $0x180000  }
0x1a3: {  	[bflag:$0x0] =	sbarrier.arrive $0xFFFF  }
0x1a4: {  	_ =	strace $0x9000004A  }
0x1a5: {  	s0 =	stileid.u32;
	[bflag:$0x2] =	sbarrier.arrive $0xFFFF  }
0x1a6: {  	p0 =	sne.s32 s0, $0x0;
	s0 =	rddreg [dreg:$0x2]  }
0x1a7: {  	s0 =	sadd.s32 @!p0 $0x100000, s0  }
0x1a8: {  	[sflag:s0] =	ssyncadd.tile.s32 @!p0 $0x1;
	_ =	shalt  }
.Lfunc_end2:
_tile_overlayer_lowered:
.L_overlay_start_2:
0x1a9: {  	(tag) =	ssettag $0x2  }
0x1aa: {  	s0 =	rddreg [dreg:$0x0];
	s2 =	stileid.u32  }
0x1ab: {  	s1 =	rddreg [dreg:$0x1];
	p0 =	sne.s32 s2, $0x0  }
0x1ac: {  	s3 =	rddreg [dreg:$0x2];
	[bflag:$0x3] =	sbarrier.arrive $0xFFFF;
	s2 =	simm.s32 @!p0 $0x1C03  }
0x1ad: {  	[timem:s3], [sflag:s2] =	dma.local @!p0 [hbm:s0], s1  }
0x1ae: {  	s0 =	simm.s32 @!p0 $0x3  }
0x1af: {  	_ =	swait.ge @!p0 [sflag:s0], s1  }
0x1b0: {  	s1 =	ssub.s32 @!p0 $0x0, s1;
	[sflag:s0] =	ssyncset.done @!p0 $0x0  }
0x1b1: {  	[sflag:s0] =	ssyncadd.s32 @!p0 s1  }
0x1b2: {  	[bflag:$0x3] =	sbarrier.arrive $0xFFFF  }
0x1b3: {  	_ =	shalt  }

// kernel: kernel.17.cloned.1.call-start
scs
__scs_entry_jumppad:
0x0: {  	(pc) =	sbr.rel $0x88, $3  }
0x1: {  	(tag) =	ssettag $0x0;
	lr =	simm.s32 $0x1  }
0x2: {  	[smem:$0x3F8C] =	sst lr;
	_ =	strace $0xD0000000  }
0x3: {  	_ = 	snop  }
0x4: {  	_ = 	snop  }
0x5: {  	_ = 	snop  }
0x6: {  	_ = 	snop  }
0x7: {  	_ = 	snop  }
__scs_overlays_trampoline_lowered:
0x8: {  	[smem:$0x3F9B] =	sst s0  }
0x9: {  	[smem:$0x3F9C] =	sst s1  }
0xa: {  	[smem:$0x3F9D] =	sst s2  }
0xb: {  	[smem:$0x3F9E] =	sst s3  }
0xc: {  	[smem:$0x3F9F] =	sst s4  }
0xd: {  	[smem:$0x3FA0] =	sst s5  }
0xe: {  	[smem:$0x3FA1] =	sst s6  }
0xf: {  	[smem:$0x3FA2] =	sst s7  }
0x10: {  	[smem:$0x3FA3] =	sst s8  }
0x11: {  	[smem:$0x3FA4] =	sst s9;
	s0 =	simm.s32 @!p0 $0x0  }
0x12: {  	s1 =	sld [smem:$0x3F8A];
	s0 =	simm.s32 @p0 $0x1  }
0x13: {  	[smem:$0x3FA5] =	sst s0;
	s0 =	simm.s32 @!p1 $0x0  }
0x14: {  	s2 =	sld [smem:$0x3F89];
	s0 =	simm.s32 @p1 $0x1  }
0x15: {  	[smem:$0x3FA6] =	sst s0;
	s0 =	simm.s32 @!p2 $0x0  }
0x16: {  	s3 =	sld [smem:$0x3FDB];
	s0 =	simm.s32 @p2 $0x1  }
0x17: {  	s4 =	simm.s32 $0x1BF5;
	[smem:$0x3FA8] =	sst s0  }
0x18: {  	s0 =	sld [smem:$0x3F8B];
	_ =	swait.ge [sflag:s4], $0x0  }
0x19: {  	s7 =	sld [smem:$0x3F8C]  }
0x1a: {  	s8 =	sadd.s32 $0xFFFFE003, lr  }
0x1b: {  	s9 =	sadd.s32 $0xFFFFFEF7, lr;
	s5 =	simm.s32 $0xFFFFFFFF;
	p2 =	slt.u32 s8, $0xFFFFF086  }
0x1c: {  	p1 =	slt.u32 s9, $0xF7A;
	s5 =	simm.s32 @!p2 $0x0  }
0x1d: {  	s5 =	simm.s32 @p1 $0x1;
	p0 =	seq.s32 s7, s2  }
0x1e: {  	s7 =	smul.u32 @!p0 $0xF7A, s2;
	p2 =	seq.s32 @!p0 s5, $0x0  }
0x1f: {  	s9 =	smul.u32 $0xF7A, s1;
	s8 =	simm.s32 @!p0 $0x1BF5;
	p2 =	por !p2, p0  }
0x20: {  	[sflag:s8] =	ssyncset.s32 @!p0 $0xFFFFF086;
	s6 =	sadd.s32 @!p0 s3, s7;
	s7 =	simm.s32 @!p0 $0x108  }
0x21: {  	s3 =	sadd.s32 s3, s9;
	s6 =	sadd.s32 @!p0 $0x88, s6;
	s7 =	simm.s32 @p2 $0x1082  }
0x22: {  	[simem:s7], [sflag:s8] =	dma.local @!p0 [hbm:s6], $0xF7A  }
0x23: {  	s9 =	sor.u32 $0xD0000000, s2;
	s6 =	simm.s32 $0x108;
	_ =	swait.ge @!p0 [sflag:s8], $0x0  }
0x24: {  	s3 =	sadd.s32 $0x88, s3;
	s6 =	simm.s32 @!p1 $0x1082;
	[sflag:s4] =	ssyncset.s32 $0xFFFFF086  }
0x25: {  	[simem:s6], [sflag:s4] =	dma.local [hbm:s3], $0xF7A  }
0x26: {  	[smem:$0x3F8C] =	sst s1;
	(tag) =	ssettag s2;
	_ =	strace s9  }
0x27: {  	s1 =	sld [smem:$0x3F9C]  }
0x28: {  	s2 =	sld [smem:$0x3F9D]  }
0x29: {  	s4 =	sld [smem:$0x3F9F]  }
0x2a: {  	p0 =	seq.s32 s5, $0x0;
	s5 =	sld [smem:$0x3FA0]  }
0x2b: {  	s6 =	sld [smem:$0x3FA1]  }
0x2c: {  	s7 =	sld [smem:$0x3FA2]  }
0x2d: {  	s3 =	simm.s32 $0x108;
	s8 =	sld [smem:$0x3FA3]  }
0x2e: {  	s3 =	simm.s32 @!p0 $0x1082;
	s9 =	sld [smem:$0x3FA4]  }
0x2f: {  	lr =	sadd.s32 s0, s3;
	s0 =	sld [smem:$0x3F9B]  }
0x30: {  	s3 =	sld [smem:$0x3F9E]  }
0x31: {  	[smem:$0x3FA7] =	sst s10  }
0x32: {  	s10 =	sld [smem:$0x3FA5];
	_ =	sdelay $0x3  }
0x33: {  	p0 =	seq.s32 s10, $0x1;
	s10 =	sld [smem:$0x3FA7];
	_ =	sdelay $0x3  }
0x34: {  	[smem:$0x3FA7] =	sst s10  }
0x35: {  	s10 =	sld [smem:$0x3FA6];
	_ =	sdelay $0x3  }
0x36: {  	p1 =	seq.s32 s10, $0x1;
	s10 =	sld [smem:$0x3FA7];
	_ =	sdelay $0x3  }
0x37: {  	[smem:$0x3FA7] =	sst s10  }
0x38: {  	s10 =	sld [smem:$0x3FA8]  }
0x39: {  	_ = 	snop;
	(pc) =	sbr.ind lr, $3  }
0x3a: {  	_ = 	snop  }
0x3b: {  	_ = 	snop  }
0x3c: {  	p2 =	seq.s32 s10, $0x1;
	s10 =	sld [smem:$0x3FA7]  }
0x3d: {  	_ =	shalt  }
0x3e: {  	_ =	shalt  }
0x3f: {  	_ =	shalt  }
0x40: {  	_ =	shalt  }
0x41: {  	_ =	shalt  }
0x42: {  	_ =	shalt  }
0x43: {  	_ =	shalt  }
0x44: {  	_ =	shalt  }
0x45: {  	_ =	shalt  }
0x46: {  	_ =	shalt  }
0x47: {  	_ =	shalt  }
0x48: {  	_ =	shalt  }
0x49: {  	_ =	shalt  }
0x4a: {  	_ =	shalt  }
0x4b: {  	_ =	shalt  }
0x4c: {  	_ =	shalt  }
0x4d: {  	_ =	shalt  }
0x4e: {  	_ =	shalt  }
0x4f: {  	_ =	shalt  }
0x50: {  	_ =	shalt  }
0x51: {  	_ =	shalt  }
0x52: {  	_ =	shalt  }
0x53: {  	_ =	shalt  }
0x54: {  	_ =	shalt  }
0x55: {  	_ =	shalt  }
0x56: {  	_ =	shalt  }
0x57: {  	_ =	shalt  }
0x58: {  	_ =	shalt  }
0x59: {  	_ =	shalt  }
0x5a: {  	_ =	shalt  }
0x5b: {  	_ =	shalt  }
0x5c: {  	_ =	shalt  }
0x5d: {  	_ =	shalt  }
0x5e: {  	_ =	shalt  }
0x5f: {  	_ =	shalt  }
0x60: {  	_ =	shalt  }
0x61: {  	_ =	shalt  }
0x62: {  	_ =	shalt  }
0x63: {  	_ =	shalt  }
0x64: {  	_ =	shalt  }
0x65: {  	_ =	shalt  }
0x66: {  	_ =	shalt  }
0x67: {  	_ =	shalt  }
0x68: {  	_ =	shalt  }
0x69: {  	_ =	shalt  }
0x6a: {  	_ =	shalt  }
0x6b: {  	_ =	shalt  }
0x6c: {  	_ =	shalt  }
0x6d: {  	_ =	shalt  }
0x6e: {  	_ =	shalt  }
0x6f: {  	_ =	shalt  }
0x70: {  	_ =	shalt  }
0x71: {  	_ =	shalt  }
0x72: {  	_ =	shalt  }
0x73: {  	_ =	shalt  }
0x74: {  	_ =	shalt  }
0x75: {  	_ =	shalt  }
0x76: {  	_ =	shalt  }
0x77: {  	_ =	shalt  }
0x78: {  	_ =	shalt  }
0x79: {  	_ =	shalt  }
0x7a: {  	_ =	shalt  }
0x7b: {  	_ =	shalt  }
0x7c: {  	_ =	shalt  }
0x7d: {  	_ =	shalt  }
0x7e: {  	_ =	shalt  }
0x7f: {  	_ =	shalt  }
0x80: {  	_ =	shalt  }
0x81: {  	_ =	shalt  }
0x82: {  	_ =	shalt  }
0x83: {  	_ =	shalt  }
0x84: {  	_ =	shalt  }
0x85: {  	_ =	shalt  }
0x86: {  	_ =	shalt  }
0x87: {  	_ =	shalt  }
.Lfunc_end0:
.L_simem_size_0:
called_computation.2_lowered:
.L_overlay_start_0:
0x88: {  	s2 =	sld [smem:$0x3FD9]  }
0x89: {  	s3 =	sld [smem:$0x3FFE];
	_ =	sdelay $0x1  }
0x8a: {  	s1 =	srdreg.scid  }
0x8b: {  	s0 =	sand.u32 $0x1, s1  }
0x8c: {  	s16 =	sshll.u32 s0, $0xA;
	s2 =	sadd.s32 s3, s2  }
0x8d: {  	s2 =	sadd.s32 s2, s16  }
0x8e: {  	[smem:$0x3FB3] =	sst s2  }
0x8f: {  	_ = 	snop  }
0x90: {  	(tm) =	ssettm $0x1  }
0x91: {  	s17 =	sld [smem:$0x3FFB];
	_ =	sdelay $0x3  }
0x92: {  	_ =	strace s17  }
0x93: {  	s2 =	sld [smem:$0x3FFC];
	_ =	sdelay $0x3  }
0x94: {  	_ =	strace s2  }
0x95: {  	s2 =	sld [smem:$0x3FFD];
	_ =	sdelay $0x3  }
0x96: {  	_ =	strace s2  }
0x97: {  	_ =	strace $0x8FFFFFFF  }
0x98: {  	s18 =	sld [smem:$0x3FDB];
	_ =	sdelay $0x1  }
0x99: {  	s19 =	simm.s32 $_scs_section_size  }
0x9a: {  	s4 =	simm.s32 $_size__tile_overlayer_lowered;
	s5 =	simm.s32 $_tile_overlayer_lowered  }
0x9b: {  	s22 =	simm.s32 $0x1BFF;
	s21 =	sshll.u32 s5, $0x1;
	s2 =	sadd.s32 s19, s18  }
0x9c: {  	s6 =	simm.s32 $0x0;
	s20 =	sshll.u32 s4, $0x1;
	s4 =	sadd.s32 s21, s2  }
0x9d: {  	[timem:s6], [sflag:s22] =	dma.local [hbm:s4], s20  }
0x9e: {  	_ =	swait.ge [sflag:s22], s20  }
0x9f: {  	s3 =	ssub.s32 $0x0, s20;
	[sflag:s22] =	ssyncset.done $0x0  }
0xa0: {  	[sflag:s22] =	ssyncadd.s32 s3;
	_ =	sdelay $0x1  }
0xa1: {  	s23 =	simm.s32 $0x1B8B  }
0xa2: {  	_ =	swait.ge [sflag:s23], $0x1  }
0xa3: {  	[sflag:s23] =	ssyncset.done $0x0  }
0xa4: {  	s25 =	simm.s32 $0x1B8E;
	s24 =	sld [smem:$0x3FFE];
	[sflag:s23] =	ssyncadd.s32 $0xFFFFFFFF  }
0xa5: {  	s26 =	simm.s32 $execute0_lowered;
	[smem:$0x3FD2] =	sst s25  }
0xa6: {  	s4 =	sshll.u32 s26, $0x1;
	_ =	strace $0x8000004C;
	[dreg:$0x1] =	wrdreg $0xFFFFFFFF  }
0xa7: {  	s28 =	simm.s32 $_size_execute0_lowered;
	s2 =	sadd.s32 s2, s4;
	[dreg:$0x0] =	wrdreg $0x0  }
0xa8: {  	s4 =	sshll.u32 s28, $0x1;
	[dreg:$0x2] =	wrdreg s2  }
0xa9: {  	[dreg:$0x3] =	wrdreg s4  }
0xaa: {  	[dreg:$0x4] =	wrdreg $0xC0  }
0xab: {  	_ =	task [dreg:s6], $0x5FFFF  }
0xac: {  	[dreg:$0x1] =	wrdreg $0xFFFFFFFF  }
0xad: {  	[dreg:$0x0] =	wrdreg $0x60  }
0xae: {  	[dreg:$0x2] =	wrdreg s24  }
0xaf: {  	[dreg:$0x3] =	wrdreg $0x8C000  }
0xb0: {  	[dreg:$0x4] =	wrdreg $0x9  }
0xb1: {  	_ =	task.clear_ibuf [dreg:s6], $0x5FFFF;
	_ =	strace $0x9000004C  }
0xb2: {  	s29 =	simm.s32 $0x9;
	_ =	strace $0x8000004E  }
0xb3: {  	_ =	swait.ge [sflag:s29], $0x1  }
0xb4: {  	[sflag:s29] =	ssyncadd.s32 $0xFFFFFFFF  }
0xb5: {  	_ =	strace $0x9000004E  }
0xb6: {  	_ =	sfence  }
0xb7: {  	s30 =	sld [smem:$0x0];
	_ =	sdelay $0x2  }
0xb8: {  	s31 =	sshll.u32 s1, $0xD;
	s1 =	sshrl.u32 s1, $0x2  }
0xb9: {  	s3 =	sand.u32 $0x4000, s31;
	s1 =	sadd.s32 s1, s30  }
0xba: {  	s0 =	sor.u32 s3, s0;
	s1 =	sshll.u32 s1, $0x11  }
0xbb: {  	s0 =	sor.u32 s1, s0  }
0xbc: {  	s0 =	sadd.s32 $0x8F2B, s0  }
0xbd: {  	[sflag:s0] =	ssyncadd.remote.s32 $0x1  }
0xbe: {  	_ =	sfence.sel $0xFFFF  }
0xbf: {  	[dreg:$0x0] =	wrdreg $0xFFFFFFFF;
	(pc) =	sbr.abs _section_cstart, $3  }
0xc0: {  	[dreg:$0x1] =	wrdreg $0xFFFFFFFF  }
0xc1: {  	_ =	task.clear_ibuf [dreg:s6], $0x2FFFF;
	_ =	strace $0x9FFFFFFF  }
0xc2: {  	(tm) =	ssettm $0x7FFFFFFF  }
0xc3: {  	_ =	shalt  }
tec
execute0_lowered:
.L_overlay_start_1:
0x0: {  	(tag) =	ssettag $0x1  }
0x1: {  	s0 =	rddreg [dreg:$0x0]  }
0x2: {  	s1 =	rddreg [dreg:$0x1]  }
0x3: {  	s2 =	srdreg.scid;
	s12 =	simm.s32 $0x0;
	s9 =	stileid.u32  }
0x4: {  	s13 =	simm.s32 $0x800;
	s16 =	simm.s32 $0x3;
	s17 =	simm.s32 $0x80  }
0x5: {  	s18 =	simm.s32 $0xC00;
	s14 =	simm.s32 $0x880;
	s15 =	simm.s32 $0x900  }
0x6: {  	s28 =	simm.s32 $0x480;
	s29 =	simm.s32 $0x100;
	s30 =	simm.s32 $0x500  }
0x7: {  	s31 =	simm.s32 $0x180;
	s10 =	simm.s32 $0x380;
	s11 =	simm.s32 $0x0  }
0x8: {  	s2 =	sand.u32 $0x1, s2;
	[smem:$0x7FF] =	sst s12;
	s7 =	smul.u32 $0x14000, s9  }
0x9: {  	s4 =	sadd.s32 $0xE800, s0;
	s5 =	sadd.s32 $0x5E800, s0;
	s3 =	smul.u32 $0x140000, s2  }
0xa: {  	s6 =	sadd.s32 $0x4800, s0;
	s8 =	sshll.u32 s9, $0x7;
	_ =	strace $0x8000004D  }
0xb: {  	s19 =	sadd.s32 s8, s0;
	s20 =	ssub.s32 $0x2, s2;
	s3 =	sadd.s32 s3, s7  }
0xc: {  	s2 =	sshll.u32 s2, $0x4;
	s21 =	sshrl.u32 s20, $0x1;
	s3 =	sshrl.u32 s3, $0x3  }
0xd: {  	s7 =	sadd.s32 $0x4000, s19;
	s0 =	sadd.s32 s3, s0;
	s3 =	ssub.s32 s20, s21  }
0xe: {  	s2 =	sor.u32 s9, s2;
	[dreg:$0x3] =	wrdreg s7;
	s22 =	smax.u32 s3, $0x1  }
0xf: {  	s9 =	simm.s32 $0x300;
	s23 =	sadd.s32 $0x68800, s0;
	[dreg:$0x4] =	wrdreg s22  }
0x10: {  	s8 =	smul.u32 $0x2800, s2;
	s24 =	sadd.s32 $0x69000, s0;
	[dreg:$0x5] =	wrdreg s23  }
0x11: {  	s2 =	simm.s32 $0x200;
	s25 =	sadd.s32 $0x69800, s0;
	[dreg:$0x6] =	wrdreg s24  }
0x12: {  	s19 =	simm.s32 $0x280;
	s26 =	sadd.s32 $0x6A000, s0;
	[dreg:$0x7] =	wrdreg s25  }
0x13: {  	s7 =	simm.s32 $0x600;
	s0 =	sadd.s32 $0x6A800, s0;
	[dreg:$0x8] =	wrdreg s26  }
0x14: {  	s20 =	simm.s32 $0x680;
	s21 =	simm.s32 $0x700;
	[dreg:$0x9] =	wrdreg s0  }
0x15: {  	s23 =	simm.s32 $0x400;
	s24 =	simm.s32 $0x1;
	s25 =	simm.s32 $0x4C00  }
0x16: {  	v0 =	vimm.f32 $0.0e+00;
	s26 =	simm.s32 $0x2;
	s0 =	simm.s32 $0x580;
	s22 =	simm.s32 $0x780  }
.LBB2_1:
0x17: {  	s3 =	rddreg [dreg:$0x3]  }
0x18: {  	[tilespmem:s13], [sflag:$0x3] =	stream.linear.gather [hbm4b:s3+s12], $0x280, $0x38;
	[tilespmem:$0x1CC00] =	vst v63  }
0x19: {  	_ =	swait.ge [sflag:s16], $0x280  }
0x1a: {  	[sflag:s16] =	ssyncset.done $0x0  }
0x1b: {  	s3 =	simm.s32 $0x0;
	s12 =	simm.s32 $0x200;
	[sflag:s16] =	ssyncadd.s32 $0xFFFFFD80  }
.LBB2_2:
0x1c: {  	p0 =	sne.s32 s12, $0xFE00;
	[tilespmem:s3+$0xC70] =	vst v0  }
0x1d: {  	[tilespmem:s3+$0xC00] =	vst v0  }
0x1e: {  	[tilespmem:s3+$0xC10] =	vst v0  }
.Ltmp0:
0x1f: {  	[tilespmem:s3+$0xC20] =	vst v0;
	(pc) =	sbr.rel @p0 .LBB2_2-.Ltmp0, $4  }
0x20: {  	[tilespmem:s3+$0xC30] =	vst v0  }
0x21: {  	[tilespmem:s3+$0xC40] =	vst v0  }
0x22: {  	[tilespmem:s3+$0xC50] =	vst v0  }
0x23: {  	[tilespmem:s3+$0xC60] =	vst v0;
	s3 =	sshra.s32 s12, $0x2;
	s12 =	sadd.s32 $0x200, s12  }
0x24: {  	[tilespmem:s3+$0xC70] =	vst v0  }
0x25: {  	[tilespmem:s3+$0xC00] =	vst v0  }
0x26: {  	[tilespmem:s3+$0xC10] =	vst v0  }
0x27: {  	[tilespmem:s3+$0xC20] =	vst v0  }
0x28: {  	[tilespmem:s3+$0xC30] =	vst v0  }
0x29: {  	[tilespmem:s3+$0xC40] =	vst v0  }
0x2a: {  	[tilespmem:s3+$0xC50] =	vst v0  }
0x2b: {  	[tilespmem:s3+$0xC60] =	vst v0  }
0x2c: {  	[spmem:s1] =	stream.indirect.scatter [tilespmem:s18], [sflag:$0x3], $0x80, s13, s17, $0xb8;
	[tilespmem:$0x1CC00] =	vst v63  }
0x2d: {  	_ =	swait.ge [sflag:s16], $0x4000  }
0x2e: {  	[sflag:s16] =	ssyncset.done $0x0  }
0x2f: {  	[sflag:s16] =	ssyncadd.s32 $0xFFFFC000  }
0x30: {  	[spmem:s1] =	stream.indirect.scatter [tilespmem:s18], [sflag:$0x3], $0x80, s14, s17, $0xb8;
	[tilespmem:$0x1CC00] =	vst v63  }
0x31: {  	_ =	swait.ge [sflag:s16], $0x4000  }
0x32: {  	[sflag:s16] =	ssyncset.done $0x0  }
0x33: {  	[sflag:s16] =	ssyncadd.s32 $0xFFFFC000  }
0x34: {  	[spmem:s1] =	stream.indirect.scatter [tilespmem:s18], [sflag:$0x3], $0x80, s15, s17, $0xb8;
	[tilespmem:$0x1CC00] =	vst v63  }
0x35: {  	_ =	swait.ge [sflag:s16], $0x4000  }
0x36: {  	[sflag:s16] =	ssyncset.done $0x0  }
0x37: {  	s14 =	simm.s32 $0x980;
	[sflag:s16] =	ssyncadd.s32 $0xFFFFC000  }
0x38: {  	[spmem:s1] =	stream.indirect.scatter [tilespmem:s18], [sflag:$0x3], $0x80, s14, s17, $0xb8;
	[tilespmem:$0x1CC00] =	vst v63  }
0x39: {  	_ =	swait.ge [sflag:s16], $0x4000  }
0x3a: {  	[sflag:s16] =	ssyncset.done $0x0  }
0x3b: {  	s15 =	simm.s32 $0xA00;
	[sflag:s16] =	ssyncadd.s32 $0xFFFFC000  }
0x3c: {  	[spmem:s1] =	stream.indirect.scatter [tilespmem:s18], [sflag:$0x3], $0x80, s15, s17, $0xb8;
	[tilespmem:$0x1CC00] =	vst v63  }
0x3d: {  	_ =	swait.ge [sflag:s16], $0x4000  }
0x3e: {  	[sflag:s16] =	ssyncset.done $0x0  }
0x3f: {  	[sflag:s16] =	ssyncadd.s32 $0xFFFFC000  }
0x40: {  	s12 =	simm.s32 $0x0;
	s13 =	simm.s32 $0x0;
	[bflag:$0x0] =	sbarrier.arrive $0xFFFF  }
.LBB2_4:
0x41: {  	s3 =	sshll.u32 s13, $0xA  }
0x42: {  	s3 =	sadd.s32 s8, s3  }
0x43: {  	s3 =	sshrl.u32 s3, $0x3  }
0x44: {  	s14 =	sadd.s32 s5, s3  }
0x45: {  	[tilespmem:s12], [sflag:$0x3] =	stream.linear.gather [hbm4b:s14+s12], $0x400, $0x38;
	[tilespmem:$0x1CC00] =	vst v63  }
0x46: {  	_ =	swait.ge [sflag:s16], $0x400  }
0x47: {  	[sflag:s16] =	ssyncset.done $0x0  }
0x48: {  	s3 =	sadd.s32 s6, s3;
	[sflag:s16] =	ssyncadd.s32 $0xFFFFFC00  }
0x49: {  	[tilespmem:s23], [sflag:$0x3] =	stream.linear.gather [hbm4b:s3+s12], $0x400, $0x38;
	[tilespmem:$0x1CC00] =	vst v63  }
0x4a: {  	_ =	swait.ge [sflag:s16], $0x400  }
0x4b: {  	[sflag:s16] =	ssyncset.done $0x0  }
0x4c: {  	[sflag:s16] =	ssyncadd.s32 $0xFFFFFC00  }
0x4d: {  	[tilespmem:s18], [sflag:$0x1] =	stream.indirect.gather [hbm4b:s4+s17], $0x80, s12, s17, $0xb8;
	[tilespmem:$0x1CC00] =	vst v63  }
0x4e: {  	_ =	swait.ge [sflag:s24], $0x4000  }
0x4f: {  	[sflag:s24] =	ssyncset.done $0x0  }
0x50: {  	s14 =	simm.s32 $0x0;
	[sflag:s24] =	ssyncadd.s32 $0xFFFFC000  }
0x51: {  	v4 =	vld [tilespmem:s14+$0xC70]  }
0x52: {  	v5 =	vld [tilespmem:s14+$0xC00]  }
0x53: {  	v6 =	vld [tilespmem:s14+$0xC10]  }
0x54: {  	v3 =	vld [tilespmem:s14+$0xC20]  }
0x55: {  	v1 =	vld [tilespmem:s14+$0xC30]  }
0x56: {  	v2 =	vld [tilespmem:s14+$0xC40];
	[tilespmem:s14+$0x4C70] =	vst v4  }
0x57: {  	[tilespmem:s14+$0x4C00] =	vst v5;
	v4 =	vld [tilespmem:s14+$0xC50]  }
0x58: {  	s15 =	simm.s32 $0x80;
	s3 =	simm.s32 $0x400;
	[tilespmem:s14+$0x4C10] =	vst v6;
	v5 =	vld [tilespmem:s14+$0xC60]  }
.LBB2_5:
0x59: {  	p0 =	sne.s32 s3, $0xFE00;
	v6 =	vld [tilespmem:s15+$0xC70];
	[tilespmem:s14+$0x4C20] =	vst v3  }
0x5a: {  	v7 =	vld [tilespmem:s15+$0xC00];
	[tilespmem:s14+$0x4C30] =	vst v1  }
0x5b: {  	v8 =	vld [tilespmem:s15+$0xC10];
	[tilespmem:s14+$0x4C40] =	vst v2  }
.Ltmp1:
0x5c: {  	v3 =	vld [tilespmem:s15+$0xC20];
	[tilespmem:s14+$0x4C50] =	vst v4;
	(pc) =	sbr.rel @p0 .LBB2_5-.Ltmp1, $4  }
0x5d: {  	v1 =	vld [tilespmem:s15+$0xC30];
	[tilespmem:s14+$0x4C60] =	vst v5;
	s14 =	smov.u32 s15  }
0x5e: {  	v2 =	vld [tilespmem:s14+$0xC40];
	[tilespmem:s14+$0x4C70] =	vst v6  }
0x5f: {  	[tilespmem:s14+$0x4C00] =	vst v7;
	v4 =	vld [tilespmem:s14+$0xC50]  }
0x60: {  	s15 =	sshra.s32 s3, $0x2;
	s3 =	sadd.s32 $0x200, s3;
	[tilespmem:s14+$0x4C10] =	vst v8;
	v5 =	vld [tilespmem:s14+$0xC60]  }
0x61: {  	v6 =	vld [tilespmem:s15+$0xC70];
	[tilespmem:s14+$0x4C20] =	vst v3  }
0x62: {  	v3 =	vld [tilespmem:s15+$0xC00];
	[tilespmem:s14+$0x4C30] =	vst v1  }
0x63: {  	v1 =	vld [tilespmem:s15+$0xC10];
	[tilespmem:s14+$0x4C40] =	vst v2  }
0x64: {  	v2 =	vld [tilespmem:s15+$0xC20];
	[tilespmem:s14+$0x4C50] =	vst v4  }
0x65: {  	v4 =	vld [tilespmem:s15+$0xC30];
	[tilespmem:s14+$0x4C60] =	vst v5  }
0x66: {  	v5 =	vld [tilespmem:s15+$0xC40];
	[tilespmem:s15+$0x4C70] =	vst v6  }
0x67: {  	[tilespmem:s15+$0x4C00] =	vst v3;
	v3 =	vld [tilespmem:s15+$0xC50]  }
0x68: {  	[tilespmem:s15+$0x4C10] =	vst v1;
	v1 =	vld [tilespmem:s15+$0xC60]  }
0x69: {  	[tilespmem:s15+$0x4C20] =	vst v2  }
0x6a: {  	[tilespmem:s15+$0x4C30] =	vst v4  }
0x6b: {  	[tilespmem:s15+$0x4C40] =	vst v5  }
0x6c: {  	[tilespmem:s15+$0x4C50] =	vst v3  }
0x6d: {  	[tilespmem:s15+$0x4C60] =	vst v1  }
0x6e: {  	[spmem:s1] =	stream.indirect.scatter.add.f32 [tilespmem:s25], [sflag:$0x2], $0x80, s23, s17, $0xb8;
	[tilespmem:$0x1CC00] =	vst v63  }
0x6f: {  	_ =	swait.ge [sflag:s26], $0x4000  }
0x70: {  	[sflag:s26] =	ssyncset.done $0x0  }
0x71: {  	[sflag:s26] =	ssyncadd.s32 $0xFFFFC000  }
0x72: {  	[tilespmem:s18], [sflag:$0x1] =	stream.indirect.gather [hbm4b:s4+s17], $0x80, s17, s17, $0xb8;
	[tilespmem:$0x1CC00] =	vst v63  }
0x73: {  	_ =	swait.ge [sflag:s24], $0x4000  }
0x74: {  	[sflag:s24] =	ssyncset.done $0x0  }
0x75: {  	s14 =	simm.s32 $0x0;
	[sflag:s24] =	ssyncadd.s32 $0xFFFFC000  }
0x76: {  	v4 =	vld [tilespmem:s14+$0xC70]  }
0x77: {  	v5 =	vld [tilespmem:s14+$0xC00]  }
0x78: {  	v6 =	vld [tilespmem:s14+$0xC10]  }
0x79: {  	v3 =	vld [tilespmem:s14+$0xC20]  }
0x7a: {  	v1 =	vld [tilespmem:s14+$0xC30]  }
0x7b: {  	v2 =	vld [tilespmem:s14+$0xC40];
	[tilespmem:s14+$0x4C70] =	vst v4  }
0x7c: {  	[tilespmem:s14+$0x4C00] =	vst v5;
	v4 =	vld [tilespmem:s14+$0xC50]  }
0x7d: {  	s3 =	simm.s32 $0x400;
	s15 =	simm.s32 $0x80;
	[tilespmem:s14+$0x4C10] =	vst v6;
	v5 =	vld [tilespmem:s14+$0xC60]  }
.LBB2_7:
0x7e: {  	p0 =	sne.s32 s3, $0xFE00;
	v6 =	vld [tilespmem:s15+$0xC70];
	[tilespmem:s14+$0x4C20] =	vst v3  }
0x7f: {  	v7 =	vld [tilespmem:s15+$0xC00];
	[tilespmem:s14+$0x4C30] =	vst v1  }
0x80: {  	v8 =	vld [tilespmem:s15+$0xC10];
	[tilespmem:s14+$0x4C40] =	vst v2  }
.Ltmp2:
0x81: {  	v3 =	vld [tilespmem:s15+$0xC20];
	[tilespmem:s14+$0x4C50] =	vst v4;
	(pc) =	sbr.rel @p0 .LBB2_7-.Ltmp2, $4  }
0x82: {  	v1 =	vld [tilespmem:s15+$0xC30];
	[tilespmem:s14+$0x4C60] =	vst v5;
	s14 =	smov.u32 s15  }
0x83: {  	v2 =	vld [tilespmem:s14+$0xC40];
	[tilespmem:s14+$0x4C70] =	vst v6  }
0x84: {  	[tilespmem:s14+$0x4C00] =	vst v7;
	v4 =	vld [tilespmem:s14+$0xC50]  }
0x85: {  	s15 =	sshra.s32 s3, $0x2;
	s3 =	sadd.s32 $0x200, s3;
	[tilespmem:s14+$0x4C10] =	vst v8;
	v5 =	vld [tilespmem:s14+$0xC60]  }
0x86: {  	v6 =	vld [tilespmem:s15+$0xC70];
	[tilespmem:s14+$0x4C20] =	vst v3  }
0x87: {  	v3 =	vld [tilespmem:s15+$0xC00];
	[tilespmem:s14+$0x4C30] =	vst v1  }
0x88: {  	v1 =	vld [tilespmem:s15+$0xC10];
	[tilespmem:s14+$0x4C40] =	vst v2  }
0x89: {  	v2 =	vld [tilespmem:s15+$0xC20];
	[tilespmem:s14+$0x4C50] =	vst v4  }
0x8a: {  	v4 =	vld [tilespmem:s15+$0xC30];
	[tilespmem:s14+$0x4C60] =	vst v5  }
0x8b: {  	v5 =	vld [tilespmem:s15+$0xC40];
	[tilespmem:s15+$0x4C70] =	vst v6  }
0x8c: {  	[tilespmem:s15+$0x4C00] =	vst v3;
	v3 =	vld [tilespmem:s15+$0xC50]  }
0x8d: {  	[tilespmem:s15+$0x4C10] =	vst v1;
	v1 =	vld [tilespmem:s15+$0xC60]  }
0x8e: {  	[tilespmem:s15+$0x4C20] =	vst v2  }
0x8f: {  	[tilespmem:s15+$0x4C30] =	vst v4  }
0x90: {  	[tilespmem:s15+$0x4C40] =	vst v5  }
0x91: {  	[tilespmem:s15+$0x4C50] =	vst v3  }
0x92: {  	[tilespmem:s15+$0x4C60] =	vst v1  }
0x93: {  	[spmem:s1] =	stream.indirect.scatter.add.f32 [tilespmem:s25], [sflag:$0x2], $0x80, s28, s17, $0xb8;
	[tilespmem:$0x1CC00] =	vst v63  }
0x94: {  	_ =	swait.ge [sflag:s26], $0x4000  }
0x95: {  	[sflag:s26] =	ssyncset.done $0x0  }
0x96: {  	[sflag:s26] =	ssyncadd.s32 $0xFFFFC000  }
0x97: {  	[tilespmem:s18], [sflag:$0x1] =	stream.indirect.gather [hbm4b:s4+s17], $0x80, s29, s17, $0xb8;
	[tilespmem:$0x1CC00] =	vst v63  }
0x98: {  	_ =	swait.ge [sflag:s24], $0x4000  }
0x99: {  	[sflag:s24] =	ssyncset.done $0x0  }
0x9a: {  	s14 =	simm.s32 $0x0;
	[sflag:s24] =	ssyncadd.s32 $0xFFFFC000  }
0x9b: {  	v4 =	vld [tilespmem:s14+$0xC70]  }
0x9c: {  	v5 =	vld [tilespmem:s14+$0xC00]  }
0x9d: {  	v6 =	vld [tilespmem:s14+$0xC10]  }
0x9e: {  	v3 =	vld [tilespmem:s14+$0xC20]  }
0x9f: {  	v1 =	vld [tilespmem:s14+$0xC30]  }
0xa0: {  	v2 =	vld [tilespmem:s14+$0xC40];
	[tilespmem:s14+$0x4C70] =	vst v4  }
0xa1: {  	[tilespmem:s14+$0x4C00] =	vst v5;
	v4 =	vld [tilespmem:s14+$0xC50]  }
0xa2: {  	s3 =	simm.s32 $0x400;
	s15 =	simm.s32 $0x80;
	[tilespmem:s14+$0x4C10] =	vst v6;
	v5 =	vld [tilespmem:s14+$0xC60]  }
.LBB2_9:
0xa3: {  	p0 =	sne.s32 s3, $0xFE00;
	v6 =	vld [tilespmem:s15+$0xC70];
	[tilespmem:s14+$0x4C20] =	vst v3  }
0xa4: {  	v7 =	vld [tilespmem:s15+$0xC00];
	[tilespmem:s14+$0x4C30] =	vst v1  }
0xa5: {  	v8 =	vld [tilespmem:s15+$0xC10];
	[tilespmem:s14+$0x4C40] =	vst v2  }
.Ltmp3:
0xa6: {  	v3 =	vld [tilespmem:s15+$0xC20];
	[tilespmem:s14+$0x4C50] =	vst v4;
	(pc) =	sbr.rel @p0 .LBB2_9-.Ltmp3, $4  }
0xa7: {  	v1 =	vld [tilespmem:s15+$0xC30];
	[tilespmem:s14+$0x4C60] =	vst v5;
	s14 =	smov.u32 s15  }
0xa8: {  	v2 =	vld [tilespmem:s14+$0xC40];
	[tilespmem:s14+$0x4C70] =	vst v6  }
0xa9: {  	[tilespmem:s14+$0x4C00] =	vst v7;
	v4 =	vld [tilespmem:s14+$0xC50]  }
0xaa: {  	s15 =	sshra.s32 s3, $0x2;
	s3 =	sadd.s32 $0x200, s3;
	[tilespmem:s14+$0x4C10] =	vst v8;
	v5 =	vld [tilespmem:s14+$0xC60]  }
0xab: {  	v6 =	vld [tilespmem:s15+$0xC70];
	[tilespmem:s14+$0x4C20] =	vst v3  }
0xac: {  	v3 =	vld [tilespmem:s15+$0xC00];
	[tilespmem:s14+$0x4C30] =	vst v1  }
0xad: {  	v1 =	vld [tilespmem:s15+$0xC10];
	[tilespmem:s14+$0x4C40] =	vst v2  }
0xae: {  	v2 =	vld [tilespmem:s15+$0xC20];
	[tilespmem:s14+$0x4C50] =	vst v4  }
0xaf: {  	v4 =	vld [tilespmem:s15+$0xC30];
	[tilespmem:s14+$0x4C60] =	vst v5  }
0xb0: {  	v5 =	vld [tilespmem:s15+$0xC40];
	[tilespmem:s15+$0x4C70] =	vst v6  }
0xb1: {  	[tilespmem:s15+$0x4C00] =	vst v3;
	v3 =	vld [tilespmem:s15+$0xC50]  }
0xb2: {  	[tilespmem:s15+$0x4C10] =	vst v1;
	v1 =	vld [tilespmem:s15+$0xC60]  }
0xb3: {  	[tilespmem:s15+$0x4C20] =	vst v2  }
0xb4: {  	[tilespmem:s15+$0x4C30] =	vst v4  }
0xb5: {  	[tilespmem:s15+$0x4C40] =	vst v5  }
0xb6: {  	[tilespmem:s15+$0x4C50] =	vst v3  }
0xb7: {  	[tilespmem:s15+$0x4C60] =	vst v1  }
0xb8: {  	[spmem:s1] =	stream.indirect.scatter.add.f32 [tilespmem:s25], [sflag:$0x2], $0x80, s30, s17, $0xb8;
	[tilespmem:$0x1CC00] =	vst v63  }
0xb9: {  	_ =	swait.ge [sflag:s26], $0x4000  }
0xba: {  	[sflag:s26] =	ssyncset.done $0x0  }
0xbb: {  	[sflag:s26] =	ssyncadd.s32 $0xFFFFC000  }
0xbc: {  	[tilespmem:s18], [sflag:$0x1] =	stream.indirect.gather [hbm4b:s4+s17], $0x80, s31, s17, $0xb8;
	[tilespmem:$0x1CC00] =	vst v63  }
0xbd: {  	_ =	swait.ge [sflag:s24], $0x4000  }
0xbe: {  	[sflag:s24] =	ssyncset.done $0x0  }
0xbf: {  	s14 =	simm.s32 $0x0;
	[sflag:s24] =	ssyncadd.s32 $0xFFFFC000  }
0xc0: {  	v4 =	vld [tilespmem:s14+$0xC70]  }
0xc1: {  	v5 =	vld [tilespmem:s14+$0xC00]  }
0xc2: {  	v6 =	vld [tilespmem:s14+$0xC10]  }
0xc3: {  	v3 =	vld [tilespmem:s14+$0xC20]  }
0xc4: {  	v1 =	vld [tilespmem:s14+$0xC30]  }
0xc5: {  	v2 =	vld [tilespmem:s14+$0xC40];
	[tilespmem:s14+$0x4C70] =	vst v4  }
0xc6: {  	[tilespmem:s14+$0x4C00] =	vst v5;
	v4 =	vld [tilespmem:s14+$0xC50]  }
0xc7: {  	s3 =	simm.s32 $0x400;
	s15 =	simm.s32 $0x80;
	[tilespmem:s14+$0x4C10] =	vst v6;
	v5 =	vld [tilespmem:s14+$0xC60]  }
.LBB2_11:
0xc8: {  	p0 =	sne.s32 s3, $0xFE00;
	v6 =	vld [tilespmem:s15+$0xC70];
	[tilespmem:s14+$0x4C20] =	vst v3  }
0xc9: {  	v7 =	vld [tilespmem:s15+$0xC00];
	[tilespmem:s14+$0x4C30] =	vst v1  }
0xca: {  	v8 =	vld [tilespmem:s15+$0xC10];
	[tilespmem:s14+$0x4C40] =	vst v2  }
.Ltmp4:
0xcb: {  	v3 =	vld [tilespmem:s15+$0xC20];
	[tilespmem:s14+$0x4C50] =	vst v4;
	(pc) =	sbr.rel @p0 .LBB2_11-.Ltmp4, $4  }
0xcc: {  	v1 =	vld [tilespmem:s15+$0xC30];
	[tilespmem:s14+$0x4C60] =	vst v5;
	s14 =	smov.u32 s15  }
0xcd: {  	v2 =	vld [tilespmem:s14+$0xC40];
	[tilespmem:s14+$0x4C70] =	vst v6  }
0xce: {  	[tilespmem:s14+$0x4C00] =	vst v7;
	v4 =	vld [tilespmem:s14+$0xC50]  }
0xcf: {  	s15 =	sshra.s32 s3, $0x2;
	s3 =	sadd.s32 $0x200, s3;
	[tilespmem:s14+$0x4C10] =	vst v8;
	v5 =	vld [tilespmem:s14+$0xC60]  }
0xd0: {  	v6 =	vld [tilespmem:s15+$0xC70];
	[tilespmem:s14+$0x4C20] =	vst v3  }
0xd1: {  	v3 =	vld [tilespmem:s15+$0xC00];
	[tilespmem:s14+$0x4C30] =	vst v1  }
0xd2: {  	v1 =	vld [tilespmem:s15+$0xC10];
	[tilespmem:s14+$0x4C40] =	vst v2  }
0xd3: {  	v2 =	vld [tilespmem:s15+$0xC20];
	[tilespmem:s14+$0x4C50] =	vst v4  }
0xd4: {  	v4 =	vld [tilespmem:s15+$0xC30];
	[tilespmem:s14+$0x4C60] =	vst v5  }
0xd5: {  	v5 =	vld [tilespmem:s15+$0xC40];
	[tilespmem:s15+$0x4C70] =	vst v6  }
0xd6: {  	[tilespmem:s15+$0x4C00] =	vst v3;
	v3 =	vld [tilespmem:s15+$0xC50]  }
0xd7: {  	[tilespmem:s15+$0x4C10] =	vst v1;
	v1 =	vld [tilespmem:s15+$0xC60]  }
0xd8: {  	[tilespmem:s15+$0x4C20] =	vst v2  }
0xd9: {  	[tilespmem:s15+$0x4C30] =	vst v4  }
0xda: {  	[tilespmem:s15+$0x4C40] =	vst v5  }
0xdb: {  	[tilespmem:s15+$0x4C50] =	vst v3  }
0xdc: {  	[tilespmem:s15+$0x4C60] =	vst v1  }
0xdd: {  	[spmem:s1] =	stream.indirect.scatter.add.f32 [tilespmem:s25], [sflag:$0x2], $0x80, s0, s17, $0xb8;
	[tilespmem:$0x1CC00] =	vst v63  }
0xde: {  	_ =	swait.ge [sflag:s26], $0x4000  }
0xdf: {  	[sflag:s26] =	ssyncset.done $0x0  }
0xe0: {  	[sflag:s26] =	ssyncadd.s32 $0xFFFFC000  }
0xe1: {  	[tilespmem:s18], [sflag:$0x1] =	stream.indirect.gather [hbm4b:s4+s17], $0x80, s2, s17, $0xb8;
	[tilespmem:$0x1CC00] =	vst v63  }
0xe2: {  	_ =	swait.ge [sflag:s24], $0x4000  }
0xe3: {  	[sflag:s24] =	ssyncset.done $0x0  }
0xe4: {  	s14 =	simm.s32 $0x0;
	[sflag:s24] =	ssyncadd.s32 $0xFFFFC000  }
0xe5: {  	v4 =	vld [tilespmem:s14+$0xC70]  }
0xe6: {  	v5 =	vld [tilespmem:s14+$0xC00]  }
0xe7: {  	v6 =	vld [tilespmem:s14+$0xC10]  }
0xe8: {  	v3 =	vld [tilespmem:s14+$0xC20]  }
0xe9: {  	v1 =	vld [tilespmem:s14+$0xC30]  }
0xea: {  	v2 =	vld [tilespmem:s14+$0xC40];
	[tilespmem:s14+$0x4C70] =	vst v4  }
0xeb: {  	[tilespmem:s14+$0x4C00] =	vst v5;
	v4 =	vld [tilespmem:s14+$0xC50]  }
0xec: {  	s3 =	simm.s32 $0x400;
	s15 =	simm.s32 $0x80;
	[tilespmem:s14+$0x4C10] =	vst v6;
	v5 =	vld [tilespmem:s14+$0xC60]  }
.LBB2_13:
0xed: {  	p0 =	sne.s32 s3, $0xFE00;
	v6 =	vld [tilespmem:s15+$0xC70];
	[tilespmem:s14+$0x4C20] =	vst v3  }
0xee: {  	v7 =	vld [tilespmem:s15+$0xC00];
	[tilespmem:s14+$0x4C30] =	vst v1  }
0xef: {  	v8 =	vld [tilespmem:s15+$0xC10];
	[tilespmem:s14+$0x4C40] =	vst v2  }
.Ltmp5:
0xf0: {  	v3 =	vld [tilespmem:s15+$0xC20];
	[tilespmem:s14+$0x4C50] =	vst v4;
	(pc) =	sbr.rel @p0 .LBB2_13-.Ltmp5, $4  }
0xf1: {  	v1 =	vld [tilespmem:s15+$0xC30];
	[tilespmem:s14+$0x4C60] =	vst v5;
	s14 =	smov.u32 s15  }
0xf2: {  	v2 =	vld [tilespmem:s14+$0xC40];
	[tilespmem:s14+$0x4C70] =	vst v6  }
0xf3: {  	[tilespmem:s14+$0x4C00] =	vst v7;
	v4 =	vld [tilespmem:s14+$0xC50]  }
0xf4: {  	s15 =	sshra.s32 s3, $0x2;
	s3 =	sadd.s32 $0x200, s3;
	[tilespmem:s14+$0x4C10] =	vst v8;
	v5 =	vld [tilespmem:s14+$0xC60]  }
0xf5: {  	v6 =	vld [tilespmem:s15+$0xC70];
	[tilespmem:s14+$0x4C20] =	vst v3  }
0xf6: {  	v3 =	vld [tilespmem:s15+$0xC00];
	[tilespmem:s14+$0x4C30] =	vst v1  }
0xf7: {  	v1 =	vld [tilespmem:s15+$0xC10];
	[tilespmem:s14+$0x4C40] =	vst v2  }
0xf8: {  	v2 =	vld [tilespmem:s15+$0xC20];
	[tilespmem:s14+$0x4C50] =	vst v4  }
0xf9: {  	v4 =	vld [tilespmem:s15+$0xC30];
	[tilespmem:s14+$0x4C60] =	vst v5  }
0xfa: {  	v5 =	vld [tilespmem:s15+$0xC40];
	[tilespmem:s15+$0x4C70] =	vst v6  }
0xfb: {  	[tilespmem:s15+$0x4C00] =	vst v3;
	v3 =	vld [tilespmem:s15+$0xC50]  }
0xfc: {  	[tilespmem:s15+$0x4C10] =	vst v1;
	v1 =	vld [tilespmem:s15+$0xC60]  }
0xfd: {  	[tilespmem:s15+$0x4C20] =	vst v2  }
0xfe: {  	[tilespmem:s15+$0x4C30] =	vst v4  }
0xff: {  	[tilespmem:s15+$0x4C40] =	vst v5  }
0x100: {  	[tilespmem:s15+$0x4C50] =	vst v3  }
0x101: {  	[tilespmem:s15+$0x4C60] =	vst v1  }
0x102: {  	[spmem:s1] =	stream.indirect.scatter.add.f32 [tilespmem:s25], [sflag:$0x2], $0x80, s7, s17, $0xb8;
	[tilespmem:$0x1CC00] =	vst v63  }
0x103: {  	_ =	swait.ge [sflag:s26], $0x4000  }
0x104: {  	[sflag:s26] =	ssyncset.done $0x0  }
0x105: {  	[sflag:s26] =	ssyncadd.s32 $0xFFFFC000  }
0x106: {  	[tilespmem:s18], [sflag:$0x1] =	stream.indirect.gather [hbm4b:s4+s17], $0x80, s19, s17, $0xb8;
	[tilespmem:$0x1CC00] =	vst v63  }
0x107: {  	_ =	swait.ge [sflag:s24], $0x4000  }
0x108: {  	[sflag:s24] =	ssyncset.done $0x0  }
0x109: {  	s14 =	simm.s32 $0x0;
	[sflag:s24] =	ssyncadd.s32 $0xFFFFC000  }
0x10a: {  	v4 =	vld [tilespmem:s14+$0xC70]  }
0x10b: {  	v5 =	vld [tilespmem:s14+$0xC00]  }
0x10c: {  	v6 =	vld [tilespmem:s14+$0xC10]  }
0x10d: {  	v3 =	vld [tilespmem:s14+$0xC20]  }
0x10e: {  	v1 =	vld [tilespmem:s14+$0xC30]  }
0x10f: {  	v2 =	vld [tilespmem:s14+$0xC40];
	[tilespmem:s14+$0x4C70] =	vst v4  }
0x110: {  	[tilespmem:s14+$0x4C00] =	vst v5;
	v4 =	vld [tilespmem:s14+$0xC50]  }
0x111: {  	s3 =	simm.s32 $0x400;
	s15 =	simm.s32 $0x80;
	[tilespmem:s14+$0x4C10] =	vst v6;
	v5 =	vld [tilespmem:s14+$0xC60]  }
.LBB2_15:
0x112: {  	p0 =	sne.s32 s3, $0xFE00;
	v6 =	vld [tilespmem:s15+$0xC70];
	[tilespmem:s14+$0x4C20] =	vst v3  }
0x113: {  	v7 =	vld [tilespmem:s15+$0xC00];
	[tilespmem:s14+$0x4C30] =	vst v1  }
0x114: {  	v8 =	vld [tilespmem:s15+$0xC10];
	[tilespmem:s14+$0x4C40] =	vst v2  }
.Ltmp6:
0x115: {  	v3 =	vld [tilespmem:s15+$0xC20];
	[tilespmem:s14+$0x4C50] =	vst v4;
	(pc) =	sbr.rel @p0 .LBB2_15-.Ltmp6, $4  }
0x116: {  	v1 =	vld [tilespmem:s15+$0xC30];
	[tilespmem:s14+$0x4C60] =	vst v5;
	s14 =	smov.u32 s15  }
0x117: {  	v2 =	vld [tilespmem:s14+$0xC40];
	[tilespmem:s14+$0x4C70] =	vst v6  }
0x118: {  	[tilespmem:s14+$0x4C00] =	vst v7;
	v4 =	vld [tilespmem:s14+$0xC50]  }
0x119: {  	s15 =	sshra.s32 s3, $0x2;
	s3 =	sadd.s32 $0x200, s3;
	[tilespmem:s14+$0x4C10] =	vst v8;
	v5 =	vld [tilespmem:s14+$0xC60]  }
0x11a: {  	v6 =	vld [tilespmem:s15+$0xC70];
	[tilespmem:s14+$0x4C20] =	vst v3  }
0x11b: {  	v3 =	vld [tilespmem:s15+$0xC00];
	[tilespmem:s14+$0x4C30] =	vst v1  }
0x11c: {  	v1 =	vld [tilespmem:s15+$0xC10];
	[tilespmem:s14+$0x4C40] =	vst v2  }
0x11d: {  	v2 =	vld [tilespmem:s15+$0xC20];
	[tilespmem:s14+$0x4C50] =	vst v4  }
0x11e: {  	v4 =	vld [tilespmem:s15+$0xC30];
	[tilespmem:s14+$0x4C60] =	vst v5  }
0x11f: {  	v5 =	vld [tilespmem:s15+$0xC40];
	[tilespmem:s15+$0x4C70] =	vst v6  }
0x120: {  	[tilespmem:s15+$0x4C00] =	vst v3;
	v3 =	vld [tilespmem:s15+$0xC50]  }
0x121: {  	[tilespmem:s15+$0x4C10] =	vst v1;
	v1 =	vld [tilespmem:s15+$0xC60]  }
0x122: {  	[tilespmem:s15+$0x4C20] =	vst v2  }
0x123: {  	[tilespmem:s15+$0x4C30] =	vst v4  }
0x124: {  	[tilespmem:s15+$0x4C40] =	vst v5  }
0x125: {  	[tilespmem:s15+$0x4C50] =	vst v3  }
0x126: {  	[tilespmem:s15+$0x4C60] =	vst v1  }
0x127: {  	[spmem:s1] =	stream.indirect.scatter.add.f32 [tilespmem:s25], [sflag:$0x2], $0x80, s20, s17, $0xb8;
	[tilespmem:$0x1CC00] =	vst v63  }
0x128: {  	_ =	swait.ge [sflag:s26], $0x4000  }
0x129: {  	[sflag:s26] =	ssyncset.done $0x0  }
0x12a: {  	[sflag:s26] =	ssyncadd.s32 $0xFFFFC000  }
0x12b: {  	[tilespmem:s18], [sflag:$0x1] =	stream.indirect.gather [hbm4b:s4+s17], $0x80, s9, s17, $0xb8;
	[tilespmem:$0x1CC00] =	vst v63  }
0x12c: {  	_ =	swait.ge [sflag:s24], $0x4000  }
0x12d: {  	[sflag:s24] =	ssyncset.done $0x0  }
0x12e: {  	s14 =	simm.s32 $0x0;
	[sflag:s24] =	ssyncadd.s32 $0xFFFFC000  }
0x12f: {  	v4 =	vld [tilespmem:s14+$0xC70]  }
0x130: {  	v5 =	vld [tilespmem:s14+$0xC00]  }
0x131: {  	v6 =	vld [tilespmem:s14+$0xC10]  }
0x132: {  	v3 =	vld [tilespmem:s14+$0xC20]  }
0x133: {  	v1 =	vld [tilespmem:s14+$0xC30]  }
0x134: {  	v2 =	vld [tilespmem:s14+$0xC40];
	[tilespmem:s14+$0x4C70] =	vst v4  }
0x135: {  	[tilespmem:s14+$0x4C00] =	vst v5;
	v4 =	vld [tilespmem:s14+$0xC50]  }
0x136: {  	s3 =	simm.s32 $0x400;
	s15 =	simm.s32 $0x80;
	[tilespmem:s14+$0x4C10] =	vst v6;
	v5 =	vld [tilespmem:s14+$0xC60]  }
.LBB2_17:
0x137: {  	p0 =	sne.s32 s3, $0xFE00;
	v6 =	vld [tilespmem:s15+$0xC70];
	[tilespmem:s14+$0x4C20] =	vst v3  }
0x138: {  	v7 =	vld [tilespmem:s15+$0xC00];
	[tilespmem:s14+$0x4C30] =	vst v1  }
0x139: {  	v8 =	vld [tilespmem:s15+$0xC10];
	[tilespmem:s14+$0x4C40] =	vst v2  }
.Ltmp7:
0x13a: {  	v3 =	vld [tilespmem:s15+$0xC20];
	[tilespmem:s14+$0x4C50] =	vst v4;
	(pc) =	sbr.rel @p0 .LBB2_17-.Ltmp7, $4  }
0x13b: {  	v1 =	vld [tilespmem:s15+$0xC30];
	[tilespmem:s14+$0x4C60] =	vst v5;
	s14 =	smov.u32 s15  }
0x13c: {  	v2 =	vld [tilespmem:s14+$0xC40];
	[tilespmem:s14+$0x4C70] =	vst v6  }
0x13d: {  	[tilespmem:s14+$0x4C00] =	vst v7;
	v4 =	vld [tilespmem:s14+$0xC50]  }
0x13e: {  	s15 =	sshra.s32 s3, $0x2;
	s3 =	sadd.s32 $0x200, s3;
	[tilespmem:s14+$0x4C10] =	vst v8;
	v5 =	vld [tilespmem:s14+$0xC60]  }
0x13f: {  	v6 =	vld [tilespmem:s15+$0xC70];
	[tilespmem:s14+$0x4C20] =	vst v3  }
0x140: {  	v3 =	vld [tilespmem:s15+$0xC00];
	[tilespmem:s14+$0x4C30] =	vst v1  }
0x141: {  	v1 =	vld [tilespmem:s15+$0xC10];
	[tilespmem:s14+$0x4C40] =	vst v2  }
0x142: {  	v2 =	vld [tilespmem:s15+$0xC20];
	[tilespmem:s14+$0x4C50] =	vst v4  }
0x143: {  	v4 =	vld [tilespmem:s15+$0xC30];
	[tilespmem:s14+$0x4C60] =	vst v5  }
0x144: {  	v5 =	vld [tilespmem:s15+$0xC40];
	[tilespmem:s15+$0x4C70] =	vst v6  }
0x145: {  	[tilespmem:s15+$0x4C00] =	vst v3;
	v3 =	vld [tilespmem:s15+$0xC50]  }
0x146: {  	[tilespmem:s15+$0x4C10] =	vst v1;
	v1 =	vld [tilespmem:s15+$0xC60]  }
0x147: {  	[tilespmem:s15+$0x4C20] =	vst v2  }
0x148: {  	[tilespmem:s15+$0x4C30] =	vst v4  }
0x149: {  	[tilespmem:s15+$0x4C40] =	vst v5  }
0x14a: {  	[tilespmem:s15+$0x4C50] =	vst v3  }
0x14b: {  	[tilespmem:s15+$0x4C60] =	vst v1  }
0x14c: {  	[spmem:s1] =	stream.indirect.scatter.add.f32 [tilespmem:s25], [sflag:$0x2], $0x80, s21, s17, $0xb8;
	[tilespmem:$0x1CC00] =	vst v63  }
0x14d: {  	_ =	swait.ge [sflag:s26], $0x4000  }
0x14e: {  	[sflag:s26] =	ssyncset.done $0x0  }
0x14f: {  	[sflag:s26] =	ssyncadd.s32 $0xFFFFC000  }
0x150: {  	[tilespmem:s18], [sflag:$0x1] =	stream.indirect.gather [hbm4b:s4+s17], $0x80, s10, s17, $0xb8;
	[tilespmem:$0x1CC00] =	vst v63  }
0x151: {  	_ =	swait.ge [sflag:s24], $0x4000  }
0x152: {  	[sflag:s24] =	ssyncset.done $0x0  }
0x153: {  	s14 =	simm.s32 $0x0;
	[sflag:s24] =	ssyncadd.s32 $0xFFFFC000  }
0x154: {  	v4 =	vld [tilespmem:s14+$0xC70]  }
0x155: {  	v5 =	vld [tilespmem:s14+$0xC00]  }
0x156: {  	v6 =	vld [tilespmem:s14+$0xC10]  }
0x157: {  	v3 =	vld [tilespmem:s14+$0xC20]  }
0x158: {  	v1 =	vld [tilespmem:s14+$0xC30]  }
0x159: {  	v2 =	vld [tilespmem:s14+$0xC40];
	[tilespmem:s14+$0x4C70] =	vst v4  }
0x15a: {  	[tilespmem:s14+$0x4C00] =	vst v5;
	v4 =	vld [tilespmem:s14+$0xC50]  }
0x15b: {  	s3 =	simm.s32 $0x400;
	s15 =	simm.s32 $0x80;
	[tilespmem:s14+$0x4C10] =	vst v6;
	v5 =	vld [tilespmem:s14+$0xC60]  }
.LBB2_19:
0x15c: {  	p0 =	sne.s32 s3, $0xFE00;
	v6 =	vld [tilespmem:s15+$0xC70];
	[tilespmem:s14+$0x4C20] =	vst v3  }
0x15d: {  	v7 =	vld [tilespmem:s15+$0xC00];
	[tilespmem:s14+$0x4C30] =	vst v1  }
0x15e: {  	v8 =	vld [tilespmem:s15+$0xC10];
	[tilespmem:s14+$0x4C40] =	vst v2  }
.Ltmp8:
0x15f: {  	v3 =	vld [tilespmem:s15+$0xC20];
	[tilespmem:s14+$0x4C50] =	vst v4;
	(pc) =	sbr.rel @p0 .LBB2_19-.Ltmp8, $4  }
0x160: {  	v1 =	vld [tilespmem:s15+$0xC30];
	[tilespmem:s14+$0x4C60] =	vst v5;
	s14 =	smov.u32 s15  }
0x161: {  	v2 =	vld [tilespmem:s14+$0xC40];
	[tilespmem:s14+$0x4C70] =	vst v6  }
0x162: {  	[tilespmem:s14+$0x4C00] =	vst v7;
	v4 =	vld [tilespmem:s14+$0xC50]  }
0x163: {  	s15 =	sshra.s32 s3, $0x2;
	s3 =	sadd.s32 $0x200, s3;
	[tilespmem:s14+$0x4C10] =	vst v8;
	v5 =	vld [tilespmem:s14+$0xC60]  }
0x164: {  	v6 =	vld [tilespmem:s15+$0xC70];
	[tilespmem:s14+$0x4C20] =	vst v3  }
0x165: {  	v3 =	vld [tilespmem:s15+$0xC00];
	[tilespmem:s14+$0x4C30] =	vst v1  }
0x166: {  	v1 =	vld [tilespmem:s15+$0xC10];
	[tilespmem:s14+$0x4C40] =	vst v2  }
0x167: {  	v2 =	vld [tilespmem:s15+$0xC20];
	[tilespmem:s14+$0x4C50] =	vst v4  }
0x168: {  	v4 =	vld [tilespmem:s15+$0xC30];
	[tilespmem:s14+$0x4C60] =	vst v5  }
0x169: {  	v5 =	vld [tilespmem:s15+$0xC40];
	[tilespmem:s15+$0x4C70] =	vst v6  }
0x16a: {  	[tilespmem:s15+$0x4C00] =	vst v3;
	v3 =	vld [tilespmem:s15+$0xC50]  }
0x16b: {  	[tilespmem:s15+$0x4C10] =	vst v1;
	v1 =	vld [tilespmem:s15+$0xC60]  }
0x16c: {  	[tilespmem:s15+$0x4C20] =	vst v2  }
0x16d: {  	[tilespmem:s15+$0x4C30] =	vst v4  }
0x16e: {  	s13 =	sadd.s32 $0x1, s13;
	[tilespmem:s15+$0x4C40] =	vst v5  }
0x16f: {  	p0 =	sne.s32 s13, $0xA;
	[tilespmem:s15+$0x4C50] =	vst v3  }
.Ltmp9:
0x170: {  	[tilespmem:s15+$0x4C60] =	vst v1;
	(pc) =	sbr.rel @p0 .LBB2_4-.Ltmp9, $4  }
0x171: {  	[spmem:s1] =	stream.indirect.scatter.add.f32 [tilespmem:s25], [sflag:$0x2], $0x80, s22, s17, $0xb8;
	[tilespmem:$0x1CC00] =	vst v63  }
0x172: {  	_ =	swait.ge [sflag:s26], $0x4000  }
0x173: {  	[sflag:s26] =	ssyncset.done $0x0  }
0x174: {  	[sflag:s26] =	ssyncadd.s32 $0xFFFFC000  }
0x175: {  	[bflag:$0x0] =	sbarrier.arrive $0xFFFF;
	s13 =	simm.s32 $0x800  }
0x176: {  	[tilespmem:s18], [sflag:$0x3] =	stream.indirect.gather [spmem:s1], $0x80, s13, s17, $0xb8;
	[tilespmem:$0x1CC00] =	vst v63  }
0x177: {  	_ =	swait.ge [sflag:s16], $0x4000  }
0x178: {  	[sflag:s16] =	ssyncset.done $0x0  }
0x179: {  	s12 =	simm.s32 $0x0;
	s3 =	rddreg [dreg:$0x5];
	[sflag:s16] =	ssyncadd.s32 $0xFFFFC000  }
0x17a: {  	[hbm4b:s3+s12] =	stream.linear.scatter [tilespmem:s18], [sflag:$0x3], $0x4000, $0x38;
	[tilespmem:$0x1CC00] =	vst v63  }
0x17b: {  	_ =	swait.ge [sflag:s16], $0x4000  }
0x17c: {  	[sflag:s16] =	ssyncset.done $0x0  }
0x17d: {  	s14 =	simm.s32 $0x880;
	[sflag:s16] =	ssyncadd.s32 $0xFFFFC000  }
0x17e: {  	[tilespmem:s18], [sflag:$0x3] =	stream.indirect.gather [spmem:s1], $0x80, s14, s17, $0xb8;
	[tilespmem:$0x1CC00] =	vst v63  }
0x17f: {  	_ =	swait.ge [sflag:s16], $0x4000  }
0x180: {  	[sflag:s16] =	ssyncset.done $0x0  }
0x181: {  	s15 =	rddreg [dreg:$0x6];
	[sflag:s16] =	ssyncadd.s32 $0xFFFFC000  }
0x182: {  	[hbm4b:s15+s12] =	stream.linear.scatter [tilespmem:s18], [sflag:$0x3], $0x4000, $0x38;
	[tilespmem:$0x1CC00] =	vst v63  }
0x183: {  	_ =	swait.ge [sflag:s16], $0x4000  }
0x184: {  	[sflag:s16] =	ssyncset.done $0x0  }
0x185: {  	s15 =	simm.s32 $0x900;
	[sflag:s16] =	ssyncadd.s32 $0xFFFFC000  }
0x186: {  	[tilespmem:s18], [sflag:$0x3] =	stream.indirect.gather [spmem:s1], $0x80, s15, s17, $0xb8;
	[tilespmem:$0x1CC00] =	vst v63  }
0x187: {  	_ =	swait.ge [sflag:s16], $0x4000  }
0x188: {  	[sflag:s16] =	ssyncset.done $0x0  }
0x189: {  	s3 =	rddreg [dreg:$0x7];
	[sflag:s16] =	ssyncadd.s32 $0xFFFFC000  }
0x18a: {  	[hbm4b:s3+s12] =	stream.linear.scatter [tilespmem:s18], [sflag:$0x3], $0x4000, $0x38;
	[tilespmem:$0x1CC00] =	vst v63  }
0x18b: {  	_ =	swait.ge [sflag:s16], $0x4000  }
0x18c: {  	[sflag:s16] =	ssyncset.done $0x0  }
0x18d: {  	s3 =	simm.s32 $0x980;
	[sflag:s16] =	ssyncadd.s32 $0xFFFFC000  }
0x18e: {  	[tilespmem:s18], [sflag:$0x3] =	stream.indirect.gather [spmem:s1], $0x80, s3, s17, $0xb8;
	[tilespmem:$0x1CC00] =	vst v63  }
0x18f: {  	_ =	swait.ge [sflag:s16], $0x4000  }
0x190: {  	[sflag:s16] =	ssyncset.done $0x0  }
0x191: {  	s3 =	rddreg [dreg:$0x8];
	[sflag:s16] =	ssyncadd.s32 $0xFFFFC000  }
0x192: {  	[hbm4b:s3+s12] =	stream.linear.scatter [tilespmem:s18], [sflag:$0x3], $0x4000, $0x38;
	[tilespmem:$0x1CC00] =	vst v63  }
0x193: {  	_ =	swait.ge [sflag:s16], $0x4000  }
0x194: {  	[sflag:s16] =	ssyncset.done $0x0  }
0x195: {  	s3 =	simm.s32 $0xA00;
	[sflag:s16] =	ssyncadd.s32 $0xFFFFC000  }
0x196: {  	[tilespmem:s18], [sflag:$0x3] =	stream.indirect.gather [spmem:s1], $0x80, s3, s17, $0xb8;
	[tilespmem:$0x1CC00] =	vst v63  }
0x197: {  	_ =	swait.ge [sflag:s16], $0x4000  }
0x198: {  	[sflag:s16] =	ssyncset.done $0x0  }
0x199: {  	s3 =	rddreg [dreg:$0x9];
	[sflag:s16] =	ssyncadd.s32 $0xFFFFC000  }
0x19a: {  	[hbm4b:s3+s12] =	stream.linear.scatter [tilespmem:s18], [sflag:$0x3], $0x4000, $0x38;
	[tilespmem:$0x1CC00] =	vst v63  }
0x19b: {  	_ =	swait.ge [sflag:s16], $0x4000  }
0x19c: {  	s11 =	sadd.s32 $0x1, s11;
	s3 =	rddreg [dreg:$0x4]  }
0x19d: {  	p0 =	sne.s32 s11, s3  }
.Ltmp10:
0x19e: {  	_ = 	snop;
	(pc) =	sbr.rel @p0 .LBB2_1-.Ltmp10, $3  }
0x19f: {  	_ =	sdelay $0x1  }
0x1a0: {  	[sflag:s16] =	ssyncset.done $0x0  }
0x1a1: {  	[sflag:s16] =	ssyncadd.s32 $0xFFFFC000  }
0x1a2: {  	_ =	sfence.sel $0x180000  }
0x1a3: {  	[bflag:$0x0] =	sbarrier.arrive $0xFFFF  }
0x1a4: {  	_ =	strace $0x9000004D  }
0x1a5: {  	s0 =	stileid.u32;
	[bflag:$0x2] =	sbarrier.arrive $0xFFFF  }
0x1a6: {  	p0 =	sne.s32 s0, $0x0;
	s0 =	rddreg [dreg:$0x2]  }
0x1a7: {  	s0 =	sadd.s32 @!p0 $0x100000, s0  }
0x1a8: {  	[sflag:s0] =	ssyncadd.tile.s32 @!p0 $0x1;
	_ =	shalt  }
.Lfunc_end2:
_tile_overlayer_lowered:
.L_overlay_start_2:
0x1a9: {  	(tag) =	ssettag $0x2  }
0x1aa: {  	s0 =	rddreg [dreg:$0x0];
	s2 =	stileid.u32  }
0x1ab: {  	s1 =	rddreg [dreg:$0x1];
	p0 =	sne.s32 s2, $0x0  }
0x1ac: {  	s3 =	rddreg [dreg:$0x2];
	[bflag:$0x3] =	sbarrier.arrive $0xFFFF;
	s2 =	simm.s32 @!p0 $0x1C03  }
0x1ad: {  	[timem:s3], [sflag:s2] =	dma.local @!p0 [hbm:s0], s1  }
0x1ae: {  	s0 =	simm.s32 @!p0 $0x3  }
0x1af: {  	_ =	swait.ge @!p0 [sflag:s0], s1  }
0x1b0: {  	s1 =	ssub.s32 @!p0 $0x0, s1;
	[sflag:s0] =	ssyncset.done @!p0 $0x0  }
0x1b1: {  	[sflag:s0] =	ssyncadd.s32 @!p0 s1  }
0x1b2: {  	[bflag:$0x3] =	sbarrier.arrive $0xFFFF  }
0x1b3: {  	_ =	shalt  }

</sc_bundles>
